<compile_context>
chip_gen: v7x
topology: tpu7x:2x2x1
jax: 0.10.2.dev20260603
libtpu: 0.0.44.dev20260713+nightly
codegen_flags: <defaults>
</compile_context>

<pallas_src>
import functools

import jax
import jax.numpy as jnp
from jax import lax
from jax.experimental import pallas as pl
from jax.experimental.pallas import tpu as pltpu
from jax.experimental.pallas import tpu_sc as plsc

NC = 2
NS = 16
NW = NC * NS
LANES = 16
CHUNK = 128


NBUF = 3


def _sc_agg(x, srcp, dstp, wp, zrows):
    N, D = x.shape
    C = CHUNK
    K = srcp.shape[0] // (NW * C)
    assert D % LANES == 0
    STRIPE = 640
    LAST = N - STRIPE * (NS - 1)
    assert zrows.shape[0] == STRIPE and LAST > 0
    nfeat = D // LANES

    mesh = plsc.VectorSubcoreMesh(core_axis_name="c", subcore_axis_name="s")

    @functools.partial(
        pl.kernel,
        out_type=jax.ShapeDtypeStruct((NC, N, D), jnp.float32),
        mesh=mesh,
        scratch_types=[
            pltpu.VMEM((C,), jnp.int32),
            pltpu.VMEM((C,), jnp.int32),
            pltpu.VMEM((C,), jnp.int32),
            pltpu.VMEM((C,), jnp.float32),
            pltpu.VMEM((C, D), jnp.float32),
            pltpu.VMEM((C, D), jnp.float32),
            pltpu.VMEM_SHARED((N, D), jnp.float32),
            pltpu.SemaphoreType.DMA,
            pltpu.SemaphoreType.DMA,
        ],
        compiler_params=pltpu.CompilerParams(needs_layout_passes=False),
    )
    def k(x_hbm, src_hbm, dst_hbm, w_hbm, z_hbm, out_hbm,
          src0, src1, dst_v, w_v, rows0, rows1, agg_sh, sem0, sem1):
        srcb = (src0, src1)
        rows = (rows0, rows1)
        sems = (sem0, sem1)
        c = lax.axis_index("c")
        s = lax.axis_index("s")
        wid = s * NC + c
        base = pl.multiple_of(s * STRIPE, 8)

        @pl.when(s < NS - 1)
        def _():
            pltpu.sync_copy(z_hbm.at[pl.ds(0, STRIPE)],
                            agg_sh.at[pl.ds(base, STRIPE)])

        @pl.when(s == NS - 1)
        def _():
            pltpu.sync_copy(z_hbm.at[pl.ds(0, LAST)],
                            agg_sh.at[pl.ds(base, LAST)])
        plsc.subcore_barrier()

        def eoff(j):
            return pl.multiple_of((wid * K + j) * C, 128)

        def issue_gather(j, b):
            pltpu.sync_copy(src_hbm.at[pl.ds(eoff(j), C)], srcb[b])
            pltpu.async_copy(x_hbm.at[srcb[b]], rows[b], sems[b])

        def step(j, b, prefetch):
            b1 = 1 - b
            if prefetch:
                issue_gather(j + 1, b1)
            pltpu.sync_copy(dst_hbm.at[pl.ds(eoff(j), C)], dst_v)
            pltpu.sync_copy(w_hbm.at[pl.ds(eoff(j), C)], w_v)
            pltpu.make_async_copy(x_hbm.at[srcb[b]], rows[b], sems[b]).wait()

            def edge(e, _):
                wspl = plsc.load_gather(
                    w_v, [jnp.full((LANES,), e, jnp.int32)])
                for f in range(nfeat):
                    sl = pl.ds(f * LANES, LANES)
                    rows[b][e, sl] = rows[b][e, sl] * wspl
                return 0
            lax.fori_loop(0, C, edge, 0)

            pltpu.sync_copy(rows[b], agg_sh.at[dst_v], add=True)

        tz = s * jnp.int32(0)
        issue_gather(tz, 0)

        def pair(t, _):
            step(t * 2, 0, True)
            step(t * 2 + 1, 1, True)
            return 0
        lax.fori_loop(0, (K - 2) // 2, pair, 0)
        step(tz + (K - 2), 0, True)
        step(tz + (K - 1), 1, False)

        plsc.subcore_barrier()

        @pl.when(s < NS - 1)
        def _():
            pltpu.sync_copy(agg_sh.at[pl.ds(base, STRIPE)],
                            out_hbm.at[c, pl.ds(base, STRIPE)])

        @pl.when(s == NS - 1)
        def _():
            pltpu.sync_copy(agg_sh.at[pl.ds(base, LAST)],
                            out_hbm.at[c, pl.ds(base, LAST)])

    return k(x, srcp, dstp, wp, zrows)


def _tc_layer(partials, x, wrel_t, wroot_t, b2d, relu):
    N, D = x.shape
    BN = 1000
    assert N % BN == 0

    def body(p_ref, x_ref, wr_ref, wt_ref, b_ref, o_ref):
        agg = p_ref[0] + p_ref[1]
        acc = jnp.dot(agg, wr_ref[...], preferred_element_type=jnp.float32)
        acc = acc + jnp.dot(x_ref[...], wt_ref[...],
                            preferred_element_type=jnp.float32)
        acc = acc + b_ref[...]
        if relu:
            acc = jnp.maximum(acc, 0.0)
        o_ref[...] = acc

    return pl.pallas_call(
        body,
        grid=(N // BN,),
        in_specs=[
            pl.BlockSpec((NC, BN, D), lambda i: (0, i, 0)),
            pl.BlockSpec((BN, D), lambda i: (i, 0)),
            pl.BlockSpec((D, D), lambda i: (0, 0)),
            pl.BlockSpec((D, D), lambda i: (0, 0)),
            pl.BlockSpec((1, D), lambda i: (0, 0)),
        ],
        out_specs=pl.BlockSpec((BN, D), lambda i: (i, 0)),
        out_shape=jax.ShapeDtypeStruct((N, D), jnp.float32),
    )(partials, x, wrel_t, wroot_t, b2d)


def kernel(x, edge_index, edge_weight, batch,
           W1_rel, b1_rel, W1_root, W2_rel, b2_rel, W2_root,
           W3_rel, b3_rel, W3_root):
    del batch
    N, D = x.shape
    E = edge_index.shape[1]

    K = -(-E // (NW * CHUNK))
    K = K + (K % 2)
    e_pad = K * CHUNK * NW
    pad = e_pad - E
    srcp = jnp.concatenate([edge_index[0], jnp.zeros((pad,), jnp.int32)])
    dstp = jnp.concatenate([edge_index[1], jnp.zeros((pad,), jnp.int32)])
    wp = jnp.concatenate([edge_weight, jnp.zeros((pad,), jnp.float32)])
    zrows = jnp.zeros((640, D), jnp.float32)

    h = x
    layers = [
        (W1_rel, b1_rel, W1_root, True),
        (W2_rel, b2_rel, W2_root, True),
        (W3_rel, b3_rel, W3_root, False),
    ]
    for W_rel, b_rel, W_root, relu in layers:
        partials = _sc_agg(h, srcp, dstp, wp, zrows)
        h = _tc_layer(partials, h, W_rel.T, W_root.T, b_rel[None, :], relu)
    return h

# --- scband reference (transcript-rebuilt; emitter-appended) ---
"""Pipeline reference for scband-gcnencoder-78709570666587 (READ-ONLY COPY).

The authoritative reference and input builder live on the scoring server;
editing this copy changes nothing except your own understanding.
"""

import jax, jax.numpy as jnp
import numpy as np

N = 10000
E = 320000
D = 128


def setup_inputs(seed: int = 0) -> dict:
    key = jax.random.key(seed)
    ks = jax.random.split(key, 16)
    s = 1.0 / np.sqrt(D)
    inp = {
        'x': jax.random.normal(ks[0], (N, D), dtype=jnp.float32),
        'edge_index': jax.random.randint(ks[1], (2, E), 0, N, dtype=jnp.int32),
        'edge_weight': jax.random.uniform(ks[2], (E,), dtype=jnp.float32),
        'batch': jnp.sort(jax.random.randint(ks[3], (N,), 0, 64, dtype=jnp.int32)),
        'W1_rel': jax.random.uniform(ks[4], (D, D), jnp.float32, -s, s),
        'b1_rel': jax.random.uniform(ks[5], (D,), jnp.float32, -s, s),
        'W1_root': jax.random.uniform(ks[6], (D, D), jnp.float32, -s, s),
        'W2_rel': jax.random.uniform(ks[7], (D, D), jnp.float32, -s, s),
        'b2_rel': jax.random.uniform(ks[8], (D,), jnp.float32, -s, s),
        'W2_root': jax.random.uniform(ks[9], (D, D), jnp.float32, -s, s),
        'W3_rel': jax.random.uniform(ks[10], (D, D), jnp.float32, -s, s),
        'b3_rel': jax.random.uniform(ks[11], (D,), jnp.float32, -s, s),
        'W3_root': jax.random.uniform(ks[12], (D, D), jnp.float32, -s, s),
    }
    return inp


def _graph_conv(x, edge_index, edge_weight, W_rel, b_rel, W_root):
    # PyG GraphConv (aggr='add'): out_i = W_rel @ sum_{j in N(i)} w_ji * x_j + b_rel + W_root @ x_i
    src = edge_index[0]
    dst = edge_index[1]
    msg = jnp.take(x, src, axis=0) * edge_weight[:, None]
    agg = jax.ops.segment_sum(msg, dst, num_segments=x.shape[0])
    return agg @ W_rel.T + b_rel + x @ W_root.T


def reference(x, edge_index, edge_weight, batch, W1_rel, b1_rel, W1_root, W2_rel, b2_rel, W2_root, W3_rel, b3_rel, W3_root):
    h = _graph_conv(x, edge_index, edge_weight, W1_rel, b1_rel, W1_root)
    h = jax.nn.relu(h)
    h = _graph_conv(h, edge_index, edge_weight, W2_rel, b2_rel, W2_root)
    h = jax.nn.relu(h)
    h = _graph_conv(h, edge_index, edge_weight, W3_rel, b3_rel, W3_root)
    return h

if __name__ == "__main__":
    import jax
    _d = setup_inputs()
    print(jax.jit(kernel)(*tuple(_d.values())))

</pallas_src>

<mosaic_0001>
#map = affine_map<(d0, d1) -> (0, 0)>
#map1 = affine_map<(d0, d1) -> (0)>
#map2 = affine_map<(d0, d1) -> (0, 0, 0)>
module attributes {stable_mosaic.version = 14 : i64} {
  func.func @k(%arg0: i32, %arg1: i32, %arg2: memref<10000x128xf32, #tpu.memory_space<hbm>>, %arg3: memref<327680xi32, #tpu.memory_space<hbm>>, %arg4: memref<327680xi32, #tpu.memory_space<hbm>>, %arg5: memref<327680xf32, #tpu.memory_space<hbm>>, %arg6: memref<640x128xf32, #tpu.memory_space<hbm>>, %arg7: memref<2x10000x128xf32, #tpu.memory_space<hbm>>, %arg8: memref<128xi32, #tpu.memory_space<vmem>>, %arg9: memref<128xi32, #tpu.memory_space<vmem>>, %arg10: memref<128xi32, #tpu.memory_space<vmem>>, %arg11: memref<128xf32, #tpu.memory_space<vmem>>, %arg12: memref<128x128xf32, #tpu.memory_space<vmem>>, %arg13: memref<128x128xf32, #tpu.memory_space<vmem>>, %arg14: memref<10000x128xf32, #tpu.memory_space<vmem_shared>>, %arg15: memref<!tpu.dma_semaphore, #tpu.memory_space<semaphore_mem>>, %arg16: memref<!tpu.dma_semaphore, #tpu.memory_space<semaphore_mem>>) attributes {dimension_semantics = [#tpu.dimension_semantics<core_parallel>, #tpu.dimension_semantics<subcore_parallel>], iteration_bounds = array<i64: 2, 16>, scalar_prefetch = 0 : i64, scratch_operands = 9 : i64, tpu.core_type = #tpu.core_type<sc_vector_subcore>, window_params = [{transform_indices = #map}, {transform_indices = #map1}, {transform_indices = #map1}, {transform_indices = #map1}, {transform_indices = #map}, {transform_indices = #map2}]} {
    %mul3A = arith.constant 2 : i32
    %mul3A_0 = arith.muli %arg1, %mul3A : i32
    %add3A = arith.addi %mul3A_0, %arg0 : i32
    %mul3A_1 = arith.constant 640 : i32
    %mul3A_2 = arith.muli %arg1, %mul3A_1 : i32
    %multiple_of3A = tpu.assume_multiple %mul3A_2, 8 : i32
    %lt3A = arith.constant 15 : i32
    %lt3A_3 = arith.cmpi slt, %arg1, %lt3A : i32
    %convert_element_type3A = arith.extui %lt3A_3 : i1 to i32
    %cond3A = arith.constant 0 : i32
    %cond3A_4 = arith.cmpi ne, %convert_element_type3A, %cond3A : i32
    scf.if %cond3A_4 {
      "tpu.region"() ({
        %run_scoped3A = tpu.sem_alloc : memref<!tpu.dma_semaphore, #tpu.memory_space<semaphore_mem>>
        %dma_start3A_94 = arith.constant 0 : i32
        %dma_start3A_95 = tpu.memref_slice %arg14[%multiple_of3A, %dma_start3A_94] : memref<10000x128xf32, #tpu.memory_space<vmem_shared>> -> memref<640x128xf32, #tpu.memory_space<vmem_shared>>
        %dma_start3A_96 = arith.constant 0 : i32
        %dma_start3A_97 = arith.constant 0 : i32
        %dma_start3A_98 = tpu.memref_slice %arg6[%dma_start3A_96, %dma_start3A_97] : memref<640x128xf32, #tpu.memory_space<hbm>> -> memref<640x128xf32, #tpu.memory_space<hbm>>
        tpu.enqueue_dma source(%dma_start3A_98 : memref<640x128xf32, #tpu.memory_space<hbm>>) target(%dma_start3A_95 : memref<640x128xf32, #tpu.memory_space<vmem_shared>>) target_semaphore(%run_scoped3A : memref<!tpu.dma_semaphore, #tpu.memory_space<semaphore_mem>>)
        %dma_wait3A_99 = arith.constant 0 : i32
        %dma_wait3A_100 = tpu.memref_slice %arg14[%multiple_of3A, %dma_wait3A_99] : memref<10000x128xf32, #tpu.memory_space<vmem_shared>> -> memref<640x128xf32, #tpu.memory_space<vmem_shared>>
        %dma_wait3A_101 = arith.constant 0 : i32
        %dma_wait3A_102 = arith.constant 0 : i32
        %dma_wait3A_103 = tpu.memref_slice %arg6[%dma_wait3A_101, %dma_wait3A_102] : memref<640x128xf32, #tpu.memory_space<hbm>> -> memref<640x128xf32, #tpu.memory_space<hbm>>
        tpu.wait_dma2 semaphore(%run_scoped3A : memref<!tpu.dma_semaphore, #tpu.memory_space<semaphore_mem>>) src(%dma_wait3A_103 : memref<640x128xf32, #tpu.memory_space<hbm>>) dst(%dma_wait3A_100 : memref<640x128xf32, #tpu.memory_space<vmem_shared>>)
        tpu.yield
      }) : () -> ()
    } else {
    }
    %eq3A = arith.constant 15 : i32
    %eq3A_5 = arith.cmpi eq, %arg1, %eq3A : i32
    %convert_element_type3A_6 = arith.extui %eq3A_5 : i1 to i32
    %cond3A_7 = arith.constant 0 : i32
    %cond3A_8 = arith.cmpi ne, %convert_element_type3A_6, %cond3A_7 : i32
    scf.if %cond3A_8 {
      "tpu.region"() ({
        %run_scoped3A = tpu.sem_alloc : memref<!tpu.dma_semaphore, #tpu.memory_space<semaphore_mem>>
        %dma_start3A_94 = arith.constant 0 : i32
        %dma_start3A_95 = tpu.memref_slice %arg14[%multiple_of3A, %dma_start3A_94] : memref<10000x128xf32, #tpu.memory_space<vmem_shared>> -> memref<400x128xf32, #tpu.memory_space<vmem_shared>>
        %dma_start3A_96 = arith.constant 0 : i32
        %dma_start3A_97 = arith.constant 0 : i32
        %dma_start3A_98 = tpu.memref_slice %arg6[%dma_start3A_96, %dma_start3A_97] : memref<640x128xf32, #tpu.memory_space<hbm>> -> memref<400x128xf32, #tpu.memory_space<hbm>>
        tpu.enqueue_dma source(%dma_start3A_98 : memref<400x128xf32, #tpu.memory_space<hbm>>) target(%dma_start3A_95 : memref<400x128xf32, #tpu.memory_space<vmem_shared>>) target_semaphore(%run_scoped3A : memref<!tpu.dma_semaphore, #tpu.memory_space<semaphore_mem>>)
        %dma_wait3A_99 = arith.constant 0 : i32
        %dma_wait3A_100 = tpu.memref_slice %arg14[%multiple_of3A, %dma_wait3A_99] : memref<10000x128xf32, #tpu.memory_space<vmem_shared>> -> memref<400x128xf32, #tpu.memory_space<vmem_shared>>
        %dma_wait3A_101 = arith.constant 0 : i32
        %dma_wait3A_102 = arith.constant 0 : i32
        %dma_wait3A_103 = tpu.memref_slice %arg6[%dma_wait3A_101, %dma_wait3A_102] : memref<640x128xf32, #tpu.memory_space<hbm>> -> memref<400x128xf32, #tpu.memory_space<hbm>>
        tpu.wait_dma2 semaphore(%run_scoped3A : memref<!tpu.dma_semaphore, #tpu.memory_space<semaphore_mem>>) src(%dma_wait3A_103 : memref<400x128xf32, #tpu.memory_space<hbm>>) dst(%dma_wait3A_100 : memref<400x128xf32, #tpu.memory_space<vmem_shared>>)
        tpu.yield
      }) : () -> ()
    } else {
    }
    %barrier3A = arith.constant 0 : index
    tpu.barrier barrier_id(%barrier3A)
    %mul3A_9 = arith.constant 0 : i32
    %mul3A_10 = arith.muli %arg1, %mul3A_9 : i32
    %mul3A_11 = arith.constant 80 : i32
    %mul3A_12 = arith.muli %add3A, %mul3A_11 : i32
    %add3A_13 = arith.addi %mul3A_12, %mul3A_10 : i32
    %mul3A_14 = arith.constant 128 : i32
    %mul3A_15 = arith.muli %add3A_13, %mul3A_14 : i32
    %multiple_of3A_16 = tpu.assume_multiple %mul3A_15, 128 : i32
    "tpu.region"() ({
      %run_scoped3A = tpu.sem_alloc : memref<!tpu.dma_semaphore, #tpu.memory_space<semaphore_mem>>
      %dma_start3A_94 = tpu.memref_slice %arg3[%multiple_of3A_16] : memref<327680xi32, #tpu.memory_space<hbm>> -> memref<128xi32, #tpu.memory_space<hbm>>
      %dma_start3A_95 = tpu.memref_slice %arg3[%multiple_of3A_16] : memref<327680xi32, #tpu.memory_space<hbm>> -> memref<128xi32, #tpu.memory_space<hbm>>
      tpu.enqueue_dma source(%dma_start3A_95 : memref<128xi32, #tpu.memory_space<hbm>>) target(%arg8 : memref<128xi32, #tpu.memory_space<vmem>>) target_semaphore(%run_scoped3A : memref<!tpu.dma_semaphore, #tpu.memory_space<semaphore_mem>>)
      %dma_wait3A_96 = tpu.memref_slice %arg3[%multiple_of3A_16] : memref<327680xi32, #tpu.memory_space<hbm>> -> memref<128xi32, #tpu.memory_space<hbm>>
      %dma_wait3A_97 = tpu.memref_slice %arg3[%multiple_of3A_16] : memref<327680xi32, #tpu.memory_space<hbm>> -> memref<128xi32, #tpu.memory_space<hbm>>
      tpu.wait_dma2 semaphore(%run_scoped3A : memref<!tpu.dma_semaphore, #tpu.memory_space<semaphore_mem>>) src(%dma_wait3A_97 : memref<128xi32, #tpu.memory_space<hbm>>) dst(%arg8 : memref<128xi32, #tpu.memory_space<vmem>>)
      tpu.yield
    }) : () -> ()
    %dma_start3A = arith.constant 0 : i32
    %dma_start3A_17 = arith.constant 0 : i32
    %dma_start3A_18 = tpu.memref_slice %arg2[%dma_start3A, %dma_start3A_17] : memref<10000x128xf32, #tpu.memory_space<hbm>> -> memref<10000x128xf32, #tpu.memory_space<hbm>>
    tpu.enqueue_indirect_dma source(%dma_start3A_18 : memref<10000x128xf32, #tpu.memory_space<hbm>>) target(%arg12 : memref<128x128xf32, #tpu.memory_space<vmem>>) offsets(%arg8 : memref<128xi32, #tpu.memory_space<vmem>>) semaphore(%arg15 : memref<!tpu.dma_semaphore, #tpu.memory_space<semaphore_mem>>)
    %scan3A = arith.constant 0 : i32
    %scan3A_19 = arith.constant 0 : i32
    %scan3A_20 = arith.constant 39 : i32
    %scan3A_21 = arith.addi %scan3A_19, %scan3A_20 : i32
    %scan3A_22 = arith.constant 1 : i32
    %scan3A_23 = scf.for %scan3A_94 = %scan3A_19 to %scan3A_21 step %scan3A_22 iter_args(%scan3A_95 = %scan3A) -> (i32)  : i32 {
      %mul3A_96 = arith.constant 2 : i32
      %mul3A_97 = arith.muli %scan3A_94, %mul3A_96 : i32
      %add3A_98 = arith.constant 1 : i32
      %add3A_99 = arith.addi %mul3A_97, %add3A_98 : i32
      %mul3A_100 = arith.constant 80 : i32
      %mul3A_101 = arith.muli %add3A, %mul3A_100 : i32
      %add3A_102 = arith.addi %mul3A_101, %add3A_99 : i32
      %mul3A_103 = arith.constant 128 : i32
      %mul3A_104 = arith.muli %add3A_102, %mul3A_103 : i32
      %multiple_of3A_105 = tpu.assume_multiple %mul3A_104, 128 : i32
      "tpu.region"() ({
        %run_scoped3A = tpu.sem_alloc : memref<!tpu.dma_semaphore, #tpu.memory_space<semaphore_mem>>
        %dma_start3A_169 = tpu.memref_slice %arg3[%multiple_of3A_105] : memref<327680xi32, #tpu.memory_space<hbm>> -> memref<128xi32, #tpu.memory_space<hbm>>
        %dma_start3A_170 = tpu.memref_slice %arg3[%multiple_of3A_105] : memref<327680xi32, #tpu.memory_space<hbm>> -> memref<128xi32, #tpu.memory_space<hbm>>
        tpu.enqueue_dma source(%dma_start3A_170 : memref<128xi32, #tpu.memory_space<hbm>>) target(%arg9 : memref<128xi32, #tpu.memory_space<vmem>>) target_semaphore(%run_scoped3A : memref<!tpu.dma_semaphore, #tpu.memory_space<semaphore_mem>>)
        %dma_wait3A_171 = tpu.memref_slice %arg3[%multiple_of3A_105] : memref<327680xi32, #tpu.memory_space<hbm>> -> memref<128xi32, #tpu.memory_space<hbm>>
        %dma_wait3A_172 = tpu.memref_slice %arg3[%multiple_of3A_105] : memref<327680xi32, #tpu.memory_space<hbm>> -> memref<128xi32, #tpu.memory_space<hbm>>
        tpu.wait_dma2 semaphore(%run_scoped3A : memref<!tpu.dma_semaphore, #tpu.memory_space<semaphore_mem>>) src(%dma_wait3A_172 : memref<128xi32, #tpu.memory_space<hbm>>) dst(%arg9 : memref<128xi32, #tpu.memory_space<vmem>>)
        tpu.yield
      }) : () -> ()
      %dma_start3A_106 = arith.constant 0 : i32
      %dma_start3A_107 = arith.constant 0 : i32
      %dma_start3A_108 = tpu.memref_slice %arg2[%dma_start3A_106, %dma_start3A_107] : memref<10000x128xf32, #tpu.memory_space<hbm>> -> memref<10000x128xf32, #tpu.memory_space<hbm>>
      tpu.enqueue_indirect_dma source(%dma_start3A_108 : memref<10000x128xf32, #tpu.memory_space<hbm>>) target(%arg13 : memref<128x128xf32, #tpu.memory_space<vmem>>) offsets(%arg9 : memref<128xi32, #tpu.memory_space<vmem>>) semaphore(%arg16 : memref<!tpu.dma_semaphore, #tpu.memory_space<semaphore_mem>>)
      %mul3A_109 = arith.constant 80 : i32
      %mul3A_110 = arith.muli %add3A, %mul3A_109 : i32
      %add3A_111 = arith.addi %mul3A_110, %mul3A_97 : i32
      %mul3A_112 = arith.constant 128 : i32
      %mul3A_113 = arith.muli %add3A_111, %mul3A_112 : i32
      %multiple_of3A_114 = tpu.assume_multiple %mul3A_113, 128 : i32
      "tpu.region"() ({
        %run_scoped3A = tpu.sem_alloc : memref<!tpu.dma_semaphore, #tpu.memory_space<semaphore_mem>>
        %dma_start3A_169 = tpu.memref_slice %arg4[%multiple_of3A_114] : memref<327680xi32, #tpu.memory_space<hbm>> -> memref<128xi32, #tpu.memory_space<hbm>>
        %dma_start3A_170 = tpu.memref_slice %arg4[%multiple_of3A_114] : memref<327680xi32, #tpu.memory_space<hbm>> -> memref<128xi32, #tpu.memory_space<hbm>>
        tpu.enqueue_dma source(%dma_start3A_170 : memref<128xi32, #tpu.memory_space<hbm>>) target(%arg10 : memref<128xi32, #tpu.memory_space<vmem>>) target_semaphore(%run_scoped3A : memref<!tpu.dma_semaphore, #tpu.memory_space<semaphore_mem>>)
        %dma_wait3A_171 = tpu.memref_slice %arg4[%multiple_of3A_114] : memref<327680xi32, #tpu.memory_space<hbm>> -> memref<128xi32, #tpu.memory_space<hbm>>
        %dma_wait3A_172 = tpu.memref_slice %arg4[%multiple_of3A_114] : memref<327680xi32, #tpu.memory_space<hbm>> -> memref<128xi32, #tpu.memory_space<hbm>>
        tpu.wait_dma2 semaphore(%run_scoped3A : memref<!tpu.dma_semaphore, #tpu.memory_space<semaphore_mem>>) src(%dma_wait3A_172 : memref<128xi32, #tpu.memory_space<hbm>>) dst(%arg10 : memref<128xi32, #tpu.memory_space<vmem>>)
        tpu.yield
      }) : () -> ()
      %mul3A_115 = arith.constant 80 : i32
      %mul3A_116 = arith.muli %add3A, %mul3A_115 : i32
      %add3A_117 = arith.addi %mul3A_116, %mul3A_97 : i32
      %mul3A_118 = arith.constant 128 : i32
      %mul3A_119 = arith.muli %add3A_117, %mul3A_118 : i32
      %multiple_of3A_120 = tpu.assume_multiple %mul3A_119, 128 : i32
      "tpu.region"() ({
        %run_scoped3A = tpu.sem_alloc : memref<!tpu.dma_semaphore, #tpu.memory_space<semaphore_mem>>
        %dma_start3A_169 = tpu.memref_slice %arg5[%multiple_of3A_120] : memref<327680xf32, #tpu.memory_space<hbm>> -> memref<128xf32, #tpu.memory_space<hbm>>
        %dma_start3A_170 = tpu.memref_slice %arg5[%multiple_of3A_120] : memref<327680xf32, #tpu.memory_space<hbm>> -> memref<128xf32, #tpu.memory_space<hbm>>
        tpu.enqueue_dma source(%dma_start3A_170 : memref<128xf32, #tpu.memory_space<hbm>>) target(%arg11 : memref<128xf32, #tpu.memory_space<vmem>>) target_semaphore(%run_scoped3A : memref<!tpu.dma_semaphore, #tpu.memory_space<semaphore_mem>>)
        %dma_wait3A_171 = tpu.memref_slice %arg5[%multiple_of3A_120] : memref<327680xf32, #tpu.memory_space<hbm>> -> memref<128xf32, #tpu.memory_space<hbm>>
        %dma_wait3A_172 = tpu.memref_slice %arg5[%multiple_of3A_120] : memref<327680xf32, #tpu.memory_space<hbm>> -> memref<128xf32, #tpu.memory_space<hbm>>
        tpu.wait_dma2 semaphore(%run_scoped3A : memref<!tpu.dma_semaphore, #tpu.memory_space<semaphore_mem>>) src(%dma_wait3A_172 : memref<128xf32, #tpu.memory_space<hbm>>) dst(%arg11 : memref<128xf32, #tpu.memory_space<vmem>>)
        tpu.yield
      }) : () -> ()
      %dma_wait3A_121 = arith.constant 0 : i32
      %dma_wait3A_122 = arith.constant 0 : i32
      %dma_wait3A_123 = tpu.memref_slice %arg2[%dma_wait3A_121, %dma_wait3A_122] : memref<10000x128xf32, #tpu.memory_space<hbm>> -> memref<10000x128xf32, #tpu.memory_space<hbm>>
      tpu.wait_indirect_dma semaphore(%arg15 : memref<!tpu.dma_semaphore, #tpu.memory_space<semaphore_mem>>) src(%dma_wait3A_123 : memref<10000x128xf32, #tpu.memory_space<hbm>>) dst(%arg12 : memref<128x128xf32, #tpu.memory_space<vmem>>)
      %scan3A_124 = arith.constant 0 : i32
      %scan3A_125 = arith.constant 0 : i32
      %scan3A_126 = arith.constant 128 : i32
      %scan3A_127 = arith.addi %scan3A_125, %scan3A_126 : i32
      %scan3A_128 = arith.constant 1 : i32
      %scan3A_129 = scf.for %scan3A_169 = %scan3A_125 to %scan3A_127 step %scan3A_128 iter_args(%scan3A_170 = %scan3A_124) -> (i32)  : i32 {
        %broadcast_in_dim3A = vector.broadcast %scan3A_169 : i32 to vector<16xi32>
        %gather3A = tpu.vector_load_idx %arg11[%broadcast_in_dim3A] : memref<128xf32, #tpu.memory_space<vmem>>[vector<16xi32>], vector<16xf32>,
        %get3A = arith.index_cast %scan3A_169 : i32 to index
        %get3A_171 = arith.constant 0 : index
        %get3A_172 = tpu.vector_load %arg12[%get3A, %get3A_171] {strides = array<i32>} : memref<128x128xf32, #tpu.memory_space<vmem>>, vector<16xf32>,
        %mul3A_173 = arith.mulf %get3A_172, %gather3A : vector<16xf32>
        %swap3A = arith.index_cast %scan3A_169 : i32 to index
        %swap3A_174 = arith.constant 0 : index
        %swap3A_175 = tpu.vector_load %arg12[%swap3A, %swap3A_174] {strides = array<i32>} : memref<128x128xf32, #tpu.memory_space<vmem>>, vector<16xf32>,
        tpu.vector_store %arg12[%swap3A, %swap3A_174], %mul3A_173 {strides = array<i32>} : memref<128x128xf32, #tpu.memory_space<vmem>>, vector<16xf32>,
        %get3A_176 = arith.index_cast %scan3A_169 : i32 to index
        %get3A_177 = arith.constant 16 : index
        %get3A_178 = tpu.vector_load %arg12[%get3A_176, %get3A_177] {strides = array<i32>} : memref<128x128xf32, #tpu.memory_space<vmem>>, vector<16xf32>,
        %mul3A_179 = arith.mulf %get3A_178, %gather3A : vector<16xf32>
        %swap3A_180 = arith.index_cast %scan3A_169 : i32 to index
        %swap3A_181 = arith.constant 16 : index
        %swap3A_182 = tpu.vector_load %arg12[%swap3A_180, %swap3A_181] {strides = array<i32>} : memref<128x128xf32, #tpu.memory_space<vmem>>, vector<16xf32>,
        tpu.vector_store %arg12[%swap3A_180, %swap3A_181], %mul3A_179 {strides = array<i32>} : memref<128x128xf32, #tpu.memory_space<vmem>>, vector<16xf32>,
        %get3A_183 = arith.index_cast %scan3A_169 : i32 to index
        %get3A_184 = arith.constant 32 : index
        %get3A_185 = tpu.vector_load %arg12[%get3A_183, %get3A_184] {strides = array<i32>} : memref<128x128xf32, #tpu.memory_space<vmem>>, vector<16xf32>,
        %mul3A_186 = arith.mulf %get3A_185, %gather3A : vector<16xf32>
        %swap3A_187 = arith.index_cast %scan3A_169 : i32 to index
        %swap3A_188 = arith.constant 32 : index
        %swap3A_189 = tpu.vector_load %arg12[%swap3A_187, %swap3A_188] {strides = array<i32>} : memref<128x128xf32, #tpu.memory_space<vmem>>, vector<16xf32>,
        tpu.vector_store %arg12[%swap3A_187, %swap3A_188], %mul3A_186 {strides = array<i32>} : memref<128x128xf32, #tpu.memory_space<vmem>>, vector<16xf32>,
        %get3A_190 = arith.index_cast %scan3A_169 : i32 to index
        %get3A_191 = arith.constant 48 : index
        %get3A_192 = tpu.vector_load %arg12[%get3A_190, %get3A_191] {strides = array<i32>} : memref<128x128xf32, #tpu.memory_space<vmem>>, vector<16xf32>,
        %mul3A_193 = arith.mulf %get3A_192, %gather3A : vector<16xf32>
        %swap3A_194 = arith.index_cast %scan3A_169 : i32 to index
        %swap3A_195 = arith.constant 48 : index
        %swap3A_196 = tpu.vector_load %arg12[%swap3A_194, %swap3A_195] {strides = array<i32>} : memref<128x128xf32, #tpu.memory_space<vmem>>, vector<16xf32>,
        tpu.vector_store %arg12[%swap3A_194, %swap3A_195], %mul3A_193 {strides = array<i32>} : memref<128x128xf32, #tpu.memory_space<vmem>>, vector<16xf32>,
        %get3A_197 = arith.index_cast %scan3A_169 : i32 to index
        %get3A_198 = arith.constant 64 : index
        %get3A_199 = tpu.vector_load %arg12[%get3A_197, %get3A_198] {strides = array<i32>} : memref<128x128xf32, #tpu.memory_space<vmem>>, vector<16xf32>,
        %mul3A_200 = arith.mulf %get3A_199, %gather3A : vector<16xf32>
        %swap3A_201 = arith.index_cast %scan3A_169 : i32 to index
        %swap3A_202 = arith.constant 64 : index
        %swap3A_203 = tpu.vector_load %arg12[%swap3A_201, %swap3A_202] {strides = array<i32>} : memref<128x128xf32, #tpu.memory_space<vmem>>, vector<16xf32>,
        tpu.vector_store %arg12[%swap3A_201, %swap3A_202], %mul3A_200 {strides = array<i32>} : memref<128x128xf32, #tpu.memory_space<vmem>>, vector<16xf32>,
        %get3A_204 = arith.index_cast %scan3A_169 : i32 to index
        %get3A_205 = arith.constant 80 : index
        %get3A_206 = tpu.vector_load %arg12[%get3A_204, %get3A_205] {strides = array<i32>} : memref<128x128xf32, #tpu.memory_space<vmem>>, vector<16xf32>,
        %mul3A_207 = arith.mulf %get3A_206, %gather3A : vector<16xf32>
        %swap3A_208 = arith.index_cast %scan3A_169 : i32 to index
        %swap3A_209 = arith.constant 80 : index
        %swap3A_210 = tpu.vector_load %arg12[%swap3A_208, %swap3A_209] {strides = array<i32>} : memref<128x128xf32, #tpu.memory_space<vmem>>, vector<16xf32>,
        tpu.vector_store %arg12[%swap3A_208, %swap3A_209], %mul3A_207 {strides = array<i32>} : memref<128x128xf32, #tpu.memory_space<vmem>>, vector<16xf32>,
        %get3A_211 = arith.index_cast %scan3A_169 : i32 to index
        %get3A_212 = arith.constant 96 : index
        %get3A_213 = tpu.vector_load %arg12[%get3A_211, %get3A_212] {strides = array<i32>} : memref<128x128xf32, #tpu.memory_space<vmem>>, vector<16xf32>,
        %mul3A_214 = arith.mulf %get3A_213, %gather3A : vector<16xf32>
        %swap3A_215 = arith.index_cast %scan3A_169 : i32 to index
        %swap3A_216 = arith.constant 96 : index
        %swap3A_217 = tpu.vector_load %arg12[%swap3A_215, %swap3A_216] {strides = array<i32>} : memref<128x128xf32, #tpu.memory_space<vmem>>, vector<16xf32>,
        tpu.vector_store %arg12[%swap3A_215, %swap3A_216], %mul3A_214 {strides = array<i32>} : memref<128x128xf32, #tpu.memory_space<vmem>>, vector<16xf32>,
        %get3A_218 = arith.index_cast %scan3A_169 : i32 to index
        %get3A_219 = arith.constant 112 : index
        %get3A_220 = tpu.vector_load %arg12[%get3A_218, %get3A_219] {strides = array<i32>} : memref<128x128xf32, #tpu.memory_space<vmem>>, vector<16xf32>,
        %mul3A_221 = arith.mulf %get3A_220, %gather3A : vector<16xf32>
        %swap3A_222 = arith.index_cast %scan3A_169 : i32 to index
        %swap3A_223 = arith.constant 112 : index
        %swap3A_224 = tpu.vector_load %arg12[%swap3A_222, %swap3A_223] {strides = array<i32>} : memref<128x128xf32, #tpu.memory_space<vmem>>, vector<16xf32>,
        tpu.vector_store %arg12[%swap3A_222, %swap3A_223], %mul3A_221 {strides = array<i32>} : memref<128x128xf32, #tpu.memory_space<vmem>>, vector<16xf32>,
        %scan3A_225 = arith.constant 0 : i32
        scf.yield %scan3A_225 : i32
      }
      %scan3A_130 = arith.constant 128 : i32
      "tpu.region"() ({
        %run_scoped3A = tpu.sem_alloc : memref<!tpu.dma_semaphore, #tpu.memory_space<semaphore_mem>>
        %dma_start3A_169 = arith.constant 0 : i32
        %dma_start3A_170 = arith.constant 0 : i32
        %dma_start3A_171 = tpu.memref_slice %arg14[%dma_start3A_169, %dma_start3A_170] : memref<10000x128xf32, #tpu.memory_space<vmem_shared>> -> memref<10000x128xf32, #tpu.memory_space<vmem_shared>>
        tpu.enqueue_indirect_dma source(%arg12 : memref<128x128xf32, #tpu.memory_space<vmem>>) target(%dma_start3A_171 : memref<10000x128xf32, #tpu.memory_space<vmem_shared>>) offsets(%arg10 : memref<128xi32, #tpu.memory_space<vmem>>) semaphore(%run_scoped3A : memref<!tpu.dma_semaphore, #tpu.memory_space<semaphore_mem>>) {add = true}
        %dma_wait3A_172 = arith.constant 0 : i32
        %dma_wait3A_173 = arith.constant 0 : i32
        %dma_wait3A_174 = tpu.memref_slice %arg14[%dma_wait3A_172, %dma_wait3A_173] : memref<10000x128xf32, #tpu.memory_space<vmem_shared>> -> memref<10000x128xf32, #tpu.memory_space<vmem_shared>>
        tpu.wait_indirect_dma semaphore(%run_scoped3A : memref<!tpu.dma_semaphore, #tpu.memory_space<semaphore_mem>>) src(%arg12 : memref<128x128xf32, #tpu.memory_space<vmem>>) dst(%dma_wait3A_174 : memref<10000x128xf32, #tpu.memory_space<vmem_shared>>)
        tpu.yield
      }) : () -> ()
      %mul3A_131 = arith.constant 2 : i32
      %mul3A_132 = arith.muli %scan3A_94, %mul3A_131 : i32
      %add3A_133 = arith.constant 1 : i32
      %add3A_134 = arith.addi %mul3A_132, %add3A_133 : i32
      %add3A_135 = arith.constant 1 : i32
      %add3A_136 = arith.addi %add3A_134, %add3A_135 : i32
      %mul3A_137 = arith.constant 80 : i32
      %mul3A_138 = arith.muli %add3A, %mul3A_137 : i32
      %add3A_139 = arith.addi %mul3A_138, %add3A_136 : i32
      %mul3A_140 = arith.constant 128 : i32
      %mul3A_141 = arith.muli %add3A_139, %mul3A_140 : i32
      %multiple_of3A_142 = tpu.assume_multiple %mul3A_141, 128 : i32
      "tpu.region"() ({
        %run_scoped3A = tpu.sem_alloc : memref<!tpu.dma_semaphore, #tpu.memory_space<semaphore_mem>>
        %dma_start3A_169 = tpu.memref_slice %arg3[%multiple_of3A_142] : memref<327680xi32, #tpu.memory_space<hbm>> -> memref<128xi32, #tpu.memory_space<hbm>>
        %dma_start3A_170 = tpu.memref_slice %arg3[%multiple_of3A_142] : memref<327680xi32, #tpu.memory_space<hbm>> -> memref<128xi32, #tpu.memory_space<hbm>>
        tpu.enqueue_dma source(%dma_start3A_170 : memref<128xi32, #tpu.memory_space<hbm>>) target(%arg8 : memref<128xi32, #tpu.memory_space<vmem>>) target_semaphore(%run_scoped3A : memref<!tpu.dma_semaphore, #tpu.memory_space<semaphore_mem>>)
        %dma_wait3A_171 = tpu.memref_slice %arg3[%multiple_of3A_142] : memref<327680xi32, #tpu.memory_space<hbm>> -> memref<128xi32, #tpu.memory_space<hbm>>
        %dma_wait3A_172 = tpu.memref_slice %arg3[%multiple_of3A_142] : memref<327680xi32, #tpu.memory_space<hbm>> -> memref<128xi32, #tpu.memory_space<hbm>>
        tpu.wait_dma2 semaphore(%run_scoped3A : memref<!tpu.dma_semaphore, #tpu.memory_space<semaphore_mem>>) src(%dma_wait3A_172 : memref<128xi32, #tpu.memory_space<hbm>>) dst(%arg8 : memref<128xi32, #tpu.memory_space<vmem>>)
        tpu.yield
      }) : () -> ()
      %dma_start3A_143 = arith.constant 0 : i32
      %dma_start3A_144 = arith.constant 0 : i32
      %dma_start3A_145 = tpu.memref_slice %arg2[%dma_start3A_143, %dma_start3A_144] : memref<10000x128xf32, #tpu.memory_space<hbm>> -> memref<10000x128xf32, #tpu.memory_space<hbm>>
      tpu.enqueue_indirect_dma source(%dma_start3A_145 : memref<10000x128xf32, #tpu.memory_space<hbm>>) target(%arg12 : memref<128x128xf32, #tpu.memory_space<vmem>>) offsets(%arg8 : memref<128xi32, #tpu.memory_space<vmem>>) semaphore(%arg15 : memref<!tpu.dma_semaphore, #tpu.memory_space<semaphore_mem>>)
      %mul3A_146 = arith.constant 80 : i32
      %mul3A_147 = arith.muli %add3A, %mul3A_146 : i32
      %add3A_148 = arith.addi %mul3A_147, %add3A_134 : i32
      %mul3A_149 = arith.constant 128 : i32
      %mul3A_150 = arith.muli %add3A_148, %mul3A_149 : i32
      %multiple_of3A_151 = tpu.assume_multiple %mul3A_150, 128 : i32
      "tpu.region"() ({
        %run_scoped3A = tpu.sem_alloc : memref<!tpu.dma_semaphore, #tpu.memory_space<semaphore_mem>>
        %dma_start3A_169 = tpu.memref_slice %arg4[%multiple_of3A_151] : memref<327680xi32, #tpu.memory_space<hbm>> -> memref<128xi32, #tpu.memory_space<hbm>>
        %dma_start3A_170 = tpu.memref_slice %arg4[%multiple_of3A_151] : memref<327680xi32, #tpu.memory_space<hbm>> -> memref<128xi32, #tpu.memory_space<hbm>>
        tpu.enqueue_dma source(%dma_start3A_170 : memref<128xi32, #tpu.memory_space<hbm>>) target(%arg10 : memref<128xi32, #tpu.memory_space<vmem>>) target_semaphore(%run_scoped3A : memref<!tpu.dma_semaphore, #tpu.memory_space<semaphore_mem>>)
        %dma_wait3A_171 = tpu.memref_slice %arg4[%multiple_of3A_151] : memref<327680xi32, #tpu.memory_space<hbm>> -> memref<128xi32, #tpu.memory_space<hbm>>
        %dma_wait3A_172 = tpu.memref_slice %arg4[%multiple_of3A_151] : memref<327680xi32, #tpu.memory_space<hbm>> -> memref<128xi32, #tpu.memory_space<hbm>>
        tpu.wait_dma2 semaphore(%run_scoped3A : memref<!tpu.dma_semaphore, #tpu.memory_space<semaphore_mem>>) src(%dma_wait3A_172 : memref<128xi32, #tpu.memory_space<hbm>>) dst(%arg10 : memref<128xi32, #tpu.memory_space<vmem>>)
        tpu.yield
      }) : () -> ()
      %mul3A_152 = arith.constant 80 : i32
      %mul3A_153 = arith.muli %add3A, %mul3A_152 : i32
      %add3A_154 = arith.addi %mul3A_153, %add3A_134 : i32
      %mul3A_155 = arith.constant 128 : i32
      %mul3A_156 = arith.muli %add3A_154, %mul3A_155 : i32
      %multiple_of3A_157 = tpu.assume_multiple %mul3A_156, 128 : i32
      "tpu.region"() ({
        %run_scoped3A = tpu.sem_alloc : memref<!tpu.dma_semaphore, #tpu.memory_space<semaphore_mem>>
        %dma_start3A_169 = tpu.memref_slice %arg5[%multiple_of3A_157] : memref<327680xf32, #tpu.memory_space<hbm>> -> memref<128xf32, #tpu.memory_space<hbm>>
        %dma_start3A_170 = tpu.memref_slice %arg5[%multiple_of3A_157] : memref<327680xf32, #tpu.memory_space<hbm>> -> memref<128xf32, #tpu.memory_space<hbm>>
        tpu.enqueue_dma source(%dma_start3A_170 : memref<128xf32, #tpu.memory_space<hbm>>) target(%arg11 : memref<128xf32, #tpu.memory_space<vmem>>) target_semaphore(%run_scoped3A : memref<!tpu.dma_semaphore, #tpu.memory_space<semaphore_mem>>)
        %dma_wait3A_171 = tpu.memref_slice %arg5[%multiple_of3A_157] : memref<327680xf32, #tpu.memory_space<hbm>> -> memref<128xf32, #tpu.memory_space<hbm>>
        %dma_wait3A_172 = tpu.memref_slice %arg5[%multiple_of3A_157] : memref<327680xf32, #tpu.memory_space<hbm>> -> memref<128xf32, #tpu.memory_space<hbm>>
        tpu.wait_dma2 semaphore(%run_scoped3A : memref<!tpu.dma_semaphore, #tpu.memory_space<semaphore_mem>>) src(%dma_wait3A_172 : memref<128xf32, #tpu.memory_space<hbm>>) dst(%arg11 : memref<128xf32, #tpu.memory_space<vmem>>)
        tpu.yield
      }) : () -> ()
      %dma_wait3A_158 = arith.constant 0 : i32
      %dma_wait3A_159 = arith.constant 0 : i32
      %dma_wait3A_160 = tpu.memref_slice %arg2[%dma_wait3A_158, %dma_wait3A_159] : memref<10000x128xf32, #tpu.memory_space<hbm>> -> memref<10000x128xf32, #tpu.memory_space<hbm>>
      tpu.wait_indirect_dma semaphore(%arg16 : memref<!tpu.dma_semaphore, #tpu.memory_space<semaphore_mem>>) src(%dma_wait3A_160 : memref<10000x128xf32, #tpu.memory_space<hbm>>) dst(%arg13 : memref<128x128xf32, #tpu.memory_space<vmem>>)
      %scan3A_161 = arith.constant 0 : i32
      %scan3A_162 = arith.constant 0 : i32
      %scan3A_163 = arith.constant 128 : i32
      %scan3A_164 = arith.addi %scan3A_162, %scan3A_163 : i32
      %scan3A_165 = arith.constant 1 : i32
      %scan3A_166 = scf.for %scan3A_169 = %scan3A_162 to %scan3A_164 step %scan3A_165 iter_args(%scan3A_170 = %scan3A_161) -> (i32)  : i32 {
        %broadcast_in_dim3A = vector.broadcast %scan3A_169 : i32 to vector<16xi32>
        %gather3A = tpu.vector_load_idx %arg11[%broadcast_in_dim3A] : memref<128xf32, #tpu.memory_space<vmem>>[vector<16xi32>], vector<16xf32>,
        %get3A = arith.index_cast %scan3A_169 : i32 to index
        %get3A_171 = arith.constant 0 : index
        %get3A_172 = tpu.vector_load %arg13[%get3A, %get3A_171] {strides = array<i32>} : memref<128x128xf32, #tpu.memory_space<vmem>>, vector<16xf32>,
        %mul3A_173 = arith.mulf %get3A_172, %gather3A : vector<16xf32>
        %swap3A = arith.index_cast %scan3A_169 : i32 to index
        %swap3A_174 = arith.constant 0 : index
        %swap3A_175 = tpu.vector_load %arg13[%swap3A, %swap3A_174] {strides = array<i32>} : memref<128x128xf32, #tpu.memory_space<vmem>>, vector<16xf32>,
        tpu.vector_store %arg13[%swap3A, %swap3A_174], %mul3A_173 {strides = array<i32>} : memref<128x128xf32, #tpu.memory_space<vmem>>, vector<16xf32>,
        %get3A_176 = arith.index_cast %scan3A_169 : i32 to index
        %get3A_177 = arith.constant 16 : index
        %get3A_178 = tpu.vector_load %arg13[%get3A_176, %get3A_177] {strides = array<i32>} : memref<128x128xf32, #tpu.memory_space<vmem>>, vector<16xf32>,
        %mul3A_179 = arith.mulf %get3A_178, %gather3A : vector<16xf32>
        %swap3A_180 = arith.index_cast %scan3A_169 : i32 to index
        %swap3A_181 = arith.constant 16 : index
        %swap3A_182 = tpu.vector_load %arg13[%swap3A_180, %swap3A_181] {strides = array<i32>} : memref<128x128xf32, #tpu.memory_space<vmem>>, vector<16xf32>,
        tpu.vector_store %arg13[%swap3A_180, %swap3A_181], %mul3A_179 {strides = array<i32>} : memref<128x128xf32, #tpu.memory_space<vmem>>, vector<16xf32>,
        %get3A_183 = arith.index_cast %scan3A_169 : i32 to index
        %get3A_184 = arith.constant 32 : index
        %get3A_185 = tpu.vector_load %arg13[%get3A_183, %get3A_184] {strides = array<i32>} : memref<128x128xf32, #tpu.memory_space<vmem>>, vector<16xf32>,
        %mul3A_186 = arith.mulf %get3A_185, %gather3A : vector<16xf32>
        %swap3A_187 = arith.index_cast %scan3A_169 : i32 to index
        %swap3A_188 = arith.constant 32 : index
        %swap3A_189 = tpu.vector_load %arg13[%swap3A_187, %swap3A_188] {strides = array<i32>} : memref<128x128xf32, #tpu.memory_space<vmem>>, vector<16xf32>,
        tpu.vector_store %arg13[%swap3A_187, %swap3A_188], %mul3A_186 {strides = array<i32>} : memref<128x128xf32, #tpu.memory_space<vmem>>, vector<16xf32>,
        %get3A_190 = arith.index_cast %scan3A_169 : i32 to index
        %get3A_191 = arith.constant 48 : index
        %get3A_192 = tpu.vector_load %arg13[%get3A_190, %get3A_191] {strides = array<i32>} : memref<128x128xf32, #tpu.memory_space<vmem>>, vector<16xf32>,
        %mul3A_193 = arith.mulf %get3A_192, %gather3A : vector<16xf32>
        %swap3A_194 = arith.index_cast %scan3A_169 : i32 to index
        %swap3A_195 = arith.constant 48 : index
        %swap3A_196 = tpu.vector_load %arg13[%swap3A_194, %swap3A_195] {strides = array<i32>} : memref<128x128xf32, #tpu.memory_space<vmem>>, vector<16xf32>,
        tpu.vector_store %arg13[%swap3A_194, %swap3A_195], %mul3A_193 {strides = array<i32>} : memref<128x128xf32, #tpu.memory_space<vmem>>, vector<16xf32>,
        %get3A_197 = arith.index_cast %scan3A_169 : i32 to index
        %get3A_198 = arith.constant 64 : index
        %get3A_199 = tpu.vector_load %arg13[%get3A_197, %get3A_198] {strides = array<i32>} : memref<128x128xf32, #tpu.memory_space<vmem>>, vector<16xf32>,
        %mul3A_200 = arith.mulf %get3A_199, %gather3A : vector<16xf32>
        %swap3A_201 = arith.index_cast %scan3A_169 : i32 to index
        %swap3A_202 = arith.constant 64 : index
        %swap3A_203 = tpu.vector_load %arg13[%swap3A_201, %swap3A_202] {strides = array<i32>} : memref<128x128xf32, #tpu.memory_space<vmem>>, vector<16xf32>,
        tpu.vector_store %arg13[%swap3A_201, %swap3A_202], %mul3A_200 {strides = array<i32>} : memref<128x128xf32, #tpu.memory_space<vmem>>, vector<16xf32>,
        %get3A_204 = arith.index_cast %scan3A_169 : i32 to index
        %get3A_205 = arith.constant 80 : index
        %get3A_206 = tpu.vector_load %arg13[%get3A_204, %get3A_205] {strides = array<i32>} : memref<128x128xf32, #tpu.memory_space<vmem>>, vector<16xf32>,
        %mul3A_207 = arith.mulf %get3A_206, %gather3A : vector<16xf32>
        %swap3A_208 = arith.index_cast %scan3A_169 : i32 to index
        %swap3A_209 = arith.constant 80 : index
        %swap3A_210 = tpu.vector_load %arg13[%swap3A_208, %swap3A_209] {strides = array<i32>} : memref<128x128xf32, #tpu.memory_space<vmem>>, vector<16xf32>,
        tpu.vector_store %arg13[%swap3A_208, %swap3A_209], %mul3A_207 {strides = array<i32>} : memref<128x128xf32, #tpu.memory_space<vmem>>, vector<16xf32>,
        %get3A_211 = arith.index_cast %scan3A_169 : i32 to index
        %get3A_212 = arith.constant 96 : index
        %get3A_213 = tpu.vector_load %arg13[%get3A_211, %get3A_212] {strides = array<i32>} : memref<128x128xf32, #tpu.memory_space<vmem>>, vector<16xf32>,
        %mul3A_214 = arith.mulf %get3A_213, %gather3A : vector<16xf32>
        %swap3A_215 = arith.index_cast %scan3A_169 : i32 to index
        %swap3A_216 = arith.constant 96 : index
        %swap3A_217 = tpu.vector_load %arg13[%swap3A_215, %swap3A_216] {strides = array<i32>} : memref<128x128xf32, #tpu.memory_space<vmem>>, vector<16xf32>,
        tpu.vector_store %arg13[%swap3A_215, %swap3A_216], %mul3A_214 {strides = array<i32>} : memref<128x128xf32, #tpu.memory_space<vmem>>, vector<16xf32>,
        %get3A_218 = arith.index_cast %scan3A_169 : i32 to index
        %get3A_219 = arith.constant 112 : index
        %get3A_220 = tpu.vector_load %arg13[%get3A_218, %get3A_219] {strides = array<i32>} : memref<128x128xf32, #tpu.memory_space<vmem>>, vector<16xf32>,
        %mul3A_221 = arith.mulf %get3A_220, %gather3A : vector<16xf32>
        %swap3A_222 = arith.index_cast %scan3A_169 : i32 to index
        %swap3A_223 = arith.constant 112 : index
        %swap3A_224 = tpu.vector_load %arg13[%swap3A_222, %swap3A_223] {strides = array<i32>} : memref<128x128xf32, #tpu.memory_space<vmem>>, vector<16xf32>,
        tpu.vector_store %arg13[%swap3A_222, %swap3A_223], %mul3A_221 {strides = array<i32>} : memref<128x128xf32, #tpu.memory_space<vmem>>, vector<16xf32>,
        %scan3A_225 = arith.constant 0 : i32
        scf.yield %scan3A_225 : i32
      }
      %scan3A_167 = arith.constant 128 : i32
      "tpu.region"() ({
        %run_scoped3A = tpu.sem_alloc : memref<!tpu.dma_semaphore, #tpu.memory_space<semaphore_mem>>
        %dma_start3A_169 = arith.constant 0 : i32
        %dma_start3A_170 = arith.constant 0 : i32
        %dma_start3A_171 = tpu.memref_slice %arg14[%dma_start3A_169, %dma_start3A_170] : memref<10000x128xf32, #tpu.memory_space<vmem_shared>> -> memref<10000x128xf32, #tpu.memory_space<vmem_shared>>
        tpu.enqueue_indirect_dma source(%arg13 : memref<128x128xf32, #tpu.memory_space<vmem>>) target(%dma_start3A_171 : memref<10000x128xf32, #tpu.memory_space<vmem_shared>>) offsets(%arg10 : memref<128xi32, #tpu.memory_space<vmem>>) semaphore(%run_scoped3A : memref<!tpu.dma_semaphore, #tpu.memory_space<semaphore_mem>>) {add = true}
        %dma_wait3A_172 = arith.constant 0 : i32
        %dma_wait3A_173 = arith.constant 0 : i32
        %dma_wait3A_174 = tpu.memref_slice %arg14[%dma_wait3A_172, %dma_wait3A_173] : memref<10000x128xf32, #tpu.memory_space<vmem_shared>> -> memref<10000x128xf32, #tpu.memory_space<vmem_shared>>
        tpu.wait_indirect_dma semaphore(%run_scoped3A : memref<!tpu.dma_semaphore, #tpu.memory_space<semaphore_mem>>) src(%arg13 : memref<128x128xf32, #tpu.memory_space<vmem>>) dst(%dma_wait3A_174 : memref<10000x128xf32, #tpu.memory_space<vmem_shared>>)
        tpu.yield
      }) : () -> ()
      %scan3A_168 = arith.constant 0 : i32
      scf.yield %scan3A_168 : i32
    }
    %scan3A_24 = arith.constant 39 : i32
    %add3A_25 = arith.constant 78 : i32
    %add3A_26 = arith.addi %mul3A_10, %add3A_25 : i32
    %add3A_27 = arith.constant 1 : i32
    %add3A_28 = arith.addi %add3A_26, %add3A_27 : i32
    %mul3A_29 = arith.constant 80 : i32
    %mul3A_30 = arith.muli %add3A, %mul3A_29 : i32
    %add3A_31 = arith.addi %mul3A_30, %add3A_28 : i32
    %mul3A_32 = arith.constant 128 : i32
    %mul3A_33 = arith.muli %add3A_31, %mul3A_32 : i32
    %multiple_of3A_34 = tpu.assume_multiple %mul3A_33, 128 : i32
    "tpu.region"() ({
      %run_scoped3A = tpu.sem_alloc : memref<!tpu.dma_semaphore, #tpu.memory_space<semaphore_mem>>
      %dma_start3A_94 = tpu.memref_slice %arg3[%multiple_of3A_34] : memref<327680xi32, #tpu.memory_space<hbm>> -> memref<128xi32, #tpu.memory_space<hbm>>
      %dma_start3A_95 = tpu.memref_slice %arg3[%multiple_of3A_34] : memref<327680xi32, #tpu.memory_space<hbm>> -> memref<128xi32, #tpu.memory_space<hbm>>
      tpu.enqueue_dma source(%dma_start3A_95 : memref<128xi32, #tpu.memory_space<hbm>>) target(%arg9 : memref<128xi32, #tpu.memory_space<vmem>>) target_semaphore(%run_scoped3A : memref<!tpu.dma_semaphore, #tpu.memory_space<semaphore_mem>>)
      %dma_wait3A_96 = tpu.memref_slice %arg3[%multiple_of3A_34] : memref<327680xi32, #tpu.memory_space<hbm>> -> memref<128xi32, #tpu.memory_space<hbm>>
      %dma_wait3A_97 = tpu.memref_slice %arg3[%multiple_of3A_34] : memref<327680xi32, #tpu.memory_space<hbm>> -> memref<128xi32, #tpu.memory_space<hbm>>
      tpu.wait_dma2 semaphore(%run_scoped3A : memref<!tpu.dma_semaphore, #tpu.memory_space<semaphore_mem>>) src(%dma_wait3A_97 : memref<128xi32, #tpu.memory_space<hbm>>) dst(%arg9 : memref<128xi32, #tpu.memory_space<vmem>>)
      tpu.yield
    }) : () -> ()
    %dma_start3A_35 = arith.constant 0 : i32
    %dma_start3A_36 = arith.constant 0 : i32
    %dma_start3A_37 = tpu.memref_slice %arg2[%dma_start3A_35, %dma_start3A_36] : memref<10000x128xf32, #tpu.memory_space<hbm>> -> memref<10000x128xf32, #tpu.memory_space<hbm>>
    tpu.enqueue_indirect_dma source(%dma_start3A_37 : memref<10000x128xf32, #tpu.memory_space<hbm>>) target(%arg13 : memref<128x128xf32, #tpu.memory_space<vmem>>) offsets(%arg9 : memref<128xi32, #tpu.memory_space<vmem>>) semaphore(%arg16 : memref<!tpu.dma_semaphore, #tpu.memory_space<semaphore_mem>>)
    %mul3A_38 = arith.constant 80 : i32
    %mul3A_39 = arith.muli %add3A, %mul3A_38 : i32
    %add3A_40 = arith.addi %mul3A_39, %add3A_26 : i32
    %mul3A_41 = arith.constant 128 : i32
    %mul3A_42 = arith.muli %add3A_40, %mul3A_41 : i32
    %multiple_of3A_43 = tpu.assume_multiple %mul3A_42, 128 : i32
    "tpu.region"() ({
      %run_scoped3A = tpu.sem_alloc : memref<!tpu.dma_semaphore, #tpu.memory_space<semaphore_mem>>
      %dma_start3A_94 = tpu.memref_slice %arg4[%multiple_of3A_43] : memref<327680xi32, #tpu.memory_space<hbm>> -> memref<128xi32, #tpu.memory_space<hbm>>
      %dma_start3A_95 = tpu.memref_slice %arg4[%multiple_of3A_43] : memref<327680xi32, #tpu.memory_space<hbm>> -> memref<128xi32, #tpu.memory_space<hbm>>
      tpu.enqueue_dma source(%dma_start3A_95 : memref<128xi32, #tpu.memory_space<hbm>>) target(%arg10 : memref<128xi32, #tpu.memory_space<vmem>>) target_semaphore(%run_scoped3A : memref<!tpu.dma_semaphore, #tpu.memory_space<semaphore_mem>>)
      %dma_wait3A_96 = tpu.memref_slice %arg4[%multiple_of3A_43] : memref<327680xi32, #tpu.memory_space<hbm>> -> memref<128xi32, #tpu.memory_space<hbm>>
      %dma_wait3A_97 = tpu.memref_slice %arg4[%multiple_of3A_43] : memref<327680xi32, #tpu.memory_space<hbm>> -> memref<128xi32, #tpu.memory_space<hbm>>
      tpu.wait_dma2 semaphore(%run_scoped3A : memref<!tpu.dma_semaphore, #tpu.memory_space<semaphore_mem>>) src(%dma_wait3A_97 : memref<128xi32, #tpu.memory_space<hbm>>) dst(%arg10 : memref<128xi32, #tpu.memory_space<vmem>>)
      tpu.yield
    }) : () -> ()
    %mul3A_44 = arith.constant 80 : i32
    %mul3A_45 = arith.muli %add3A, %mul3A_44 : i32
    %add3A_46 = arith.addi %mul3A_45, %add3A_26 : i32
    %mul3A_47 = arith.constant 128 : i32
    %mul3A_48 = arith.muli %add3A_46, %mul3A_47 : i32
    %multiple_of3A_49 = tpu.assume_multiple %mul3A_48, 128 : i32
    "tpu.region"() ({
      %run_scoped3A = tpu.sem_alloc : memref<!tpu.dma_semaphore, #tpu.memory_space<semaphore_mem>>
      %dma_start3A_94 = tpu.memref_slice %arg5[%multiple_of3A_49] : memref<327680xf32, #tpu.memory_space<hbm>> -> memref<128xf32, #tpu.memory_space<hbm>>
      %dma_start3A_95 = tpu.memref_slice %arg5[%multiple_of3A_49] : memref<327680xf32, #tpu.memory_space<hbm>> -> memref<128xf32, #tpu.memory_space<hbm>>
      tpu.enqueue_dma source(%dma_start3A_95 : memref<128xf32, #tpu.memory_space<hbm>>) target(%arg11 : memref<128xf32, #tpu.memory_space<vmem>>) target_semaphore(%run_scoped3A : memref<!tpu.dma_semaphore, #tpu.memory_space<semaphore_mem>>)
      %dma_wait3A_96 = tpu.memref_slice %arg5[%multiple_of3A_49] : memref<327680xf32, #tpu.memory_space<hbm>> -> memref<128xf32, #tpu.memory_space<hbm>>
      %dma_wait3A_97 = tpu.memref_slice %arg5[%multiple_of3A_49] : memref<327680xf32, #tpu.memory_space<hbm>> -> memref<128xf32, #tpu.memory_space<hbm>>
      tpu.wait_dma2 semaphore(%run_scoped3A : memref<!tpu.dma_semaphore, #tpu.memory_space<semaphore_mem>>) src(%dma_wait3A_97 : memref<128xf32, #tpu.memory_space<hbm>>) dst(%arg11 : memref<128xf32, #tpu.memory_space<vmem>>)
      tpu.yield
    }) : () -> ()
    %dma_wait3A = arith.constant 0 : i32
    %dma_wait3A_50 = arith.constant 0 : i32
    %dma_wait3A_51 = tpu.memref_slice %arg2[%dma_wait3A, %dma_wait3A_50] : memref<10000x128xf32, #tpu.memory_space<hbm>> -> memref<10000x128xf32, #tpu.memory_space<hbm>>
    tpu.wait_indirect_dma semaphore(%arg15 : memref<!tpu.dma_semaphore, #tpu.memory_space<semaphore_mem>>) src(%dma_wait3A_51 : memref<10000x128xf32, #tpu.memory_space<hbm>>) dst(%arg12 : memref<128x128xf32, #tpu.memory_space<vmem>>)
    %scan3A_52 = arith.constant 0 : i32
    %scan3A_53 = arith.constant 0 : i32
    %scan3A_54 = arith.constant 128 : i32
    %scan3A_55 = arith.addi %scan3A_53, %scan3A_54 : i32
    %scan3A_56 = arith.constant 1 : i32
    %scan3A_57 = scf.for %scan3A_94 = %scan3A_53 to %scan3A_55 step %scan3A_56 iter_args(%scan3A_95 = %scan3A_52) -> (i32)  : i32 {
      %broadcast_in_dim3A = vector.broadcast %scan3A_94 : i32 to vector<16xi32>
      %gather3A = tpu.vector_load_idx %arg11[%broadcast_in_dim3A] : memref<128xf32, #tpu.memory_space<vmem>>[vector<16xi32>], vector<16xf32>,
      %get3A = arith.index_cast %scan3A_94 : i32 to index
      %get3A_96 = arith.constant 0 : index
      %get3A_97 = tpu.vector_load %arg12[%get3A, %get3A_96] {strides = array<i32>} : memref<128x128xf32, #tpu.memory_space<vmem>>, vector<16xf32>,
      %mul3A_98 = arith.mulf %get3A_97, %gather3A : vector<16xf32>
      %swap3A = arith.index_cast %scan3A_94 : i32 to index
      %swap3A_99 = arith.constant 0 : index
      %swap3A_100 = tpu.vector_load %arg12[%swap3A, %swap3A_99] {strides = array<i32>} : memref<128x128xf32, #tpu.memory_space<vmem>>, vector<16xf32>,
      tpu.vector_store %arg12[%swap3A, %swap3A_99], %mul3A_98 {strides = array<i32>} : memref<128x128xf32, #tpu.memory_space<vmem>>, vector<16xf32>,
      %get3A_101 = arith.index_cast %scan3A_94 : i32 to index
      %get3A_102 = arith.constant 16 : index
      %get3A_103 = tpu.vector_load %arg12[%get3A_101, %get3A_102] {strides = array<i32>} : memref<128x128xf32, #tpu.memory_space<vmem>>, vector<16xf32>,
      %mul3A_104 = arith.mulf %get3A_103, %gather3A : vector<16xf32>
      %swap3A_105 = arith.index_cast %scan3A_94 : i32 to index
      %swap3A_106 = arith.constant 16 : index
      %swap3A_107 = tpu.vector_load %arg12[%swap3A_105, %swap3A_106] {strides = array<i32>} : memref<128x128xf32, #tpu.memory_space<vmem>>, vector<16xf32>,
      tpu.vector_store %arg12[%swap3A_105, %swap3A_106], %mul3A_104 {strides = array<i32>} : memref<128x128xf32, #tpu.memory_space<vmem>>, vector<16xf32>,
      %get3A_108 = arith.index_cast %scan3A_94 : i32 to index
      %get3A_109 = arith.constant 32 : index
      %get3A_110 = tpu.vector_load %arg12[%get3A_108, %get3A_109] {strides = array<i32>} : memref<128x128xf32, #tpu.memory_space<vmem>>, vector<16xf32>,
      %mul3A_111 = arith.mulf %get3A_110, %gather3A : vector<16xf32>
      %swap3A_112 = arith.index_cast %scan3A_94 : i32 to index
      %swap3A_113 = arith.constant 32 : index
      %swap3A_114 = tpu.vector_load %arg12[%swap3A_112, %swap3A_113] {strides = array<i32>} : memref<128x128xf32, #tpu.memory_space<vmem>>, vector<16xf32>,
      tpu.vector_store %arg12[%swap3A_112, %swap3A_113], %mul3A_111 {strides = array<i32>} : memref<128x128xf32, #tpu.memory_space<vmem>>, vector<16xf32>,
      %get3A_115 = arith.index_cast %scan3A_94 : i32 to index
      %get3A_116 = arith.constant 48 : index
      %get3A_117 = tpu.vector_load %arg12[%get3A_115, %get3A_116] {strides = array<i32>} : memref<128x128xf32, #tpu.memory_space<vmem>>, vector<16xf32>,
      %mul3A_118 = arith.mulf %get3A_117, %gather3A : vector<16xf32>
      %swap3A_119 = arith.index_cast %scan3A_94 : i32 to index
      %swap3A_120 = arith.constant 48 : index
      %swap3A_121 = tpu.vector_load %arg12[%swap3A_119, %swap3A_120] {strides = array<i32>} : memref<128x128xf32, #tpu.memory_space<vmem>>, vector<16xf32>,
      tpu.vector_store %arg12[%swap3A_119, %swap3A_120], %mul3A_118 {strides = array<i32>} : memref<128x128xf32, #tpu.memory_space<vmem>>, vector<16xf32>,
      %get3A_122 = arith.index_cast %scan3A_94 : i32 to index
      %get3A_123 = arith.constant 64 : index
      %get3A_124 = tpu.vector_load %arg12[%get3A_122, %get3A_123] {strides = array<i32>} : memref<128x128xf32, #tpu.memory_space<vmem>>, vector<16xf32>,
      %mul3A_125 = arith.mulf %get3A_124, %gather3A : vector<16xf32>
      %swap3A_126 = arith.index_cast %scan3A_94 : i32 to index
      %swap3A_127 = arith.constant 64 : index
      %swap3A_128 = tpu.vector_load %arg12[%swap3A_126, %swap3A_127] {strides = array<i32>} : memref<128x128xf32, #tpu.memory_space<vmem>>, vector<16xf32>,
      tpu.vector_store %arg12[%swap3A_126, %swap3A_127], %mul3A_125 {strides = array<i32>} : memref<128x128xf32, #tpu.memory_space<vmem>>, vector<16xf32>,
      %get3A_129 = arith.index_cast %scan3A_94 : i32 to index
      %get3A_130 = arith.constant 80 : index
      %get3A_131 = tpu.vector_load %arg12[%get3A_129, %get3A_130] {strides = array<i32>} : memref<128x128xf32, #tpu.memory_space<vmem>>, vector<16xf32>,
      %mul3A_132 = arith.mulf %get3A_131, %gather3A : vector<16xf32>
      %swap3A_133 = arith.index_cast %scan3A_94 : i32 to index
      %swap3A_134 = arith.constant 80 : index
      %swap3A_135 = tpu.vector_load %arg12[%swap3A_133, %swap3A_134] {strides = array<i32>} : memref<128x128xf32, #tpu.memory_space<vmem>>, vector<16xf32>,
      tpu.vector_store %arg12[%swap3A_133, %swap3A_134], %mul3A_132 {strides = array<i32>} : memref<128x128xf32, #tpu.memory_space<vmem>>, vector<16xf32>,
      %get3A_136 = arith.index_cast %scan3A_94 : i32 to index
      %get3A_137 = arith.constant 96 : index
      %get3A_138 = tpu.vector_load %arg12[%get3A_136, %get3A_137] {strides = array<i32>} : memref<128x128xf32, #tpu.memory_space<vmem>>, vector<16xf32>,
      %mul3A_139 = arith.mulf %get3A_138, %gather3A : vector<16xf32>
      %swap3A_140 = arith.index_cast %scan3A_94 : i32 to index
      %swap3A_141 = arith.constant 96 : index
      %swap3A_142 = tpu.vector_load %arg12[%swap3A_140, %swap3A_141] {strides = array<i32>} : memref<128x128xf32, #tpu.memory_space<vmem>>, vector<16xf32>,
      tpu.vector_store %arg12[%swap3A_140, %swap3A_141], %mul3A_139 {strides = array<i32>} : memref<128x128xf32, #tpu.memory_space<vmem>>, vector<16xf32>,
      %get3A_143 = arith.index_cast %scan3A_94 : i32 to index
      %get3A_144 = arith.constant 112 : index
      %get3A_145 = tpu.vector_load %arg12[%get3A_143, %get3A_144] {strides = array<i32>} : memref<128x128xf32, #tpu.memory_space<vmem>>, vector<16xf32>,
      %mul3A_146 = arith.mulf %get3A_145, %gather3A : vector<16xf32>
      %swap3A_147 = arith.index_cast %scan3A_94 : i32 to index
      %swap3A_148 = arith.constant 112 : index
      %swap3A_149 = tpu.vector_load %arg12[%swap3A_147, %swap3A_148] {strides = array<i32>} : memref<128x128xf32, #tpu.memory_space<vmem>>, vector<16xf32>,
      tpu.vector_store %arg12[%swap3A_147, %swap3A_148], %mul3A_146 {strides = array<i32>} : memref<128x128xf32, #tpu.memory_space<vmem>>, vector<16xf32>,
      %scan3A_150 = arith.constant 0 : i32
      scf.yield %scan3A_150 : i32
    }
    %scan3A_58 = arith.constant 128 : i32
    "tpu.region"() ({
      %run_scoped3A = tpu.sem_alloc : memref<!tpu.dma_semaphore, #tpu.memory_space<semaphore_mem>>
      %dma_start3A_94 = arith.constant 0 : i32
      %dma_start3A_95 = arith.constant 0 : i32
      %dma_start3A_96 = tpu.memref_slice %arg14[%dma_start3A_94, %dma_start3A_95] : memref<10000x128xf32, #tpu.memory_space<vmem_shared>> -> memref<10000x128xf32, #tpu.memory_space<vmem_shared>>
      tpu.enqueue_indirect_dma source(%arg12 : memref<128x128xf32, #tpu.memory_space<vmem>>) target(%dma_start3A_96 : memref<10000x128xf32, #tpu.memory_space<vmem_shared>>) offsets(%arg10 : memref<128xi32, #tpu.memory_space<vmem>>) semaphore(%run_scoped3A : memref<!tpu.dma_semaphore, #tpu.memory_space<semaphore_mem>>) {add = true}
      %dma_wait3A_97 = arith.constant 0 : i32
      %dma_wait3A_98 = arith.constant 0 : i32
      %dma_wait3A_99 = tpu.memref_slice %arg14[%dma_wait3A_97, %dma_wait3A_98] : memref<10000x128xf32, #tpu.memory_space<vmem_shared>> -> memref<10000x128xf32, #tpu.memory_space<vmem_shared>>
      tpu.wait_indirect_dma semaphore(%run_scoped3A : memref<!tpu.dma_semaphore, #tpu.memory_space<semaphore_mem>>) src(%arg12 : memref<128x128xf32, #tpu.memory_space<vmem>>) dst(%dma_wait3A_99 : memref<10000x128xf32, #tpu.memory_space<vmem_shared>>)
      tpu.yield
    }) : () -> ()
    %add3A_59 = arith.constant 79 : i32
    %add3A_60 = arith.addi %mul3A_10, %add3A_59 : i32
    %mul3A_61 = arith.constant 80 : i32
    %mul3A_62 = arith.muli %add3A, %mul3A_61 : i32
    %add3A_63 = arith.addi %mul3A_62, %add3A_60 : i32
    %mul3A_64 = arith.constant 128 : i32
    %mul3A_65 = arith.muli %add3A_63, %mul3A_64 : i32
    %multiple_of3A_66 = tpu.assume_multiple %mul3A_65, 128 : i32
    "tpu.region"() ({
      %run_scoped3A = tpu.sem_alloc : memref<!tpu.dma_semaphore, #tpu.memory_space<semaphore_mem>>
      %dma_start3A_94 = tpu.memref_slice %arg4[%multiple_of3A_66] : memref<327680xi32, #tpu.memory_space<hbm>> -> memref<128xi32, #tpu.memory_space<hbm>>
      %dma_start3A_95 = tpu.memref_slice %arg4[%multiple_of3A_66] : memref<327680xi32, #tpu.memory_space<hbm>> -> memref<128xi32, #tpu.memory_space<hbm>>
      tpu.enqueue_dma source(%dma_start3A_95 : memref<128xi32, #tpu.memory_space<hbm>>) target(%arg10 : memref<128xi32, #tpu.memory_space<vmem>>) target_semaphore(%run_scoped3A : memref<!tpu.dma_semaphore, #tpu.memory_space<semaphore_mem>>)
      %dma_wait3A_96 = tpu.memref_slice %arg4[%multiple_of3A_66] : memref<327680xi32, #tpu.memory_space<hbm>> -> memref<128xi32, #tpu.memory_space<hbm>>
      %dma_wait3A_97 = tpu.memref_slice %arg4[%multiple_of3A_66] : memref<327680xi32, #tpu.memory_space<hbm>> -> memref<128xi32, #tpu.memory_space<hbm>>
      tpu.wait_dma2 semaphore(%run_scoped3A : memref<!tpu.dma_semaphore, #tpu.memory_space<semaphore_mem>>) src(%dma_wait3A_97 : memref<128xi32, #tpu.memory_space<hbm>>) dst(%arg10 : memref<128xi32, #tpu.memory_space<vmem>>)
      tpu.yield
    }) : () -> ()
    %mul3A_67 = arith.constant 80 : i32
    %mul3A_68 = arith.muli %add3A, %mul3A_67 : i32
    %add3A_69 = arith.addi %mul3A_68, %add3A_60 : i32
    %mul3A_70 = arith.constant 128 : i32
    %mul3A_71 = arith.muli %add3A_69, %mul3A_70 : i32
    %multiple_of3A_72 = tpu.assume_multiple %mul3A_71, 128 : i32
    "tpu.region"() ({
      %run_scoped3A = tpu.sem_alloc : memref<!tpu.dma_semaphore, #tpu.memory_space<semaphore_mem>>
      %dma_start3A_94 = tpu.memref_slice %arg5[%multiple_of3A_72] : memref<327680xf32, #tpu.memory_space<hbm>> -> memref<128xf32, #tpu.memory_space<hbm>>
      %dma_start3A_95 = tpu.memref_slice %arg5[%multiple_of3A_72] : memref<327680xf32, #tpu.memory_space<hbm>> -> memref<128xf32, #tpu.memory_space<hbm>>
      tpu.enqueue_dma source(%dma_start3A_95 : memref<128xf32, #tpu.memory_space<hbm>>) target(%arg11 : memref<128xf32, #tpu.memory_space<vmem>>) target_semaphore(%run_scoped3A : memref<!tpu.dma_semaphore, #tpu.memory_space<semaphore_mem>>)
      %dma_wait3A_96 = tpu.memref_slice %arg5[%multiple_of3A_72] : memref<327680xf32, #tpu.memory_space<hbm>> -> memref<128xf32, #tpu.memory_space<hbm>>
      %dma_wait3A_97 = tpu.memref_slice %arg5[%multiple_of3A_72] : memref<327680xf32, #tpu.memory_space<hbm>> -> memref<128xf32, #tpu.memory_space<hbm>>
      tpu.wait_dma2 semaphore(%run_scoped3A : memref<!tpu.dma_semaphore, #tpu.memory_space<semaphore_mem>>) src(%dma_wait3A_97 : memref<128xf32, #tpu.memory_space<hbm>>) dst(%arg11 : memref<128xf32, #tpu.memory_space<vmem>>)
      tpu.yield
    }) : () -> ()
    %dma_wait3A_73 = arith.constant 0 : i32
    %dma_wait3A_74 = arith.constant 0 : i32
    %dma_wait3A_75 = tpu.memref_slice %arg2[%dma_wait3A_73, %dma_wait3A_74] : memref<10000x128xf32, #tpu.memory_space<hbm>> -> memref<10000x128xf32, #tpu.memory_space<hbm>>
    tpu.wait_indirect_dma semaphore(%arg16 : memref<!tpu.dma_semaphore, #tpu.memory_space<semaphore_mem>>) src(%dma_wait3A_75 : memref<10000x128xf32, #tpu.memory_space<hbm>>) dst(%arg13 : memref<128x128xf32, #tpu.memory_space<vmem>>)
    %scan3A_76 = arith.constant 0 : i32
    %scan3A_77 = arith.constant 0 : i32
    %scan3A_78 = arith.constant 128 : i32
    %scan3A_79 = arith.addi %scan3A_77, %scan3A_78 : i32
    %scan3A_80 = arith.constant 1 : i32
    %scan3A_81 = scf.for %scan3A_94 = %scan3A_77 to %scan3A_79 step %scan3A_80 iter_args(%scan3A_95 = %scan3A_76) -> (i32)  : i32 {
      %broadcast_in_dim3A = vector.broadcast %scan3A_94 : i32 to vector<16xi32>
      %gather3A = tpu.vector_load_idx %arg11[%broadcast_in_dim3A] : memref<128xf32, #tpu.memory_space<vmem>>[vector<16xi32>], vector<16xf32>,
      %get3A = arith.index_cast %scan3A_94 : i32 to index
      %get3A_96 = arith.constant 0 : index
      %get3A_97 = tpu.vector_load %arg13[%get3A, %get3A_96] {strides = array<i32>} : memref<128x128xf32, #tpu.memory_space<vmem>>, vector<16xf32>,
      %mul3A_98 = arith.mulf %get3A_97, %gather3A : vector<16xf32>
      %swap3A = arith.index_cast %scan3A_94 : i32 to index
      %swap3A_99 = arith.constant 0 : index
      %swap3A_100 = tpu.vector_load %arg13[%swap3A, %swap3A_99] {strides = array<i32>} : memref<128x128xf32, #tpu.memory_space<vmem>>, vector<16xf32>,
      tpu.vector_store %arg13[%swap3A, %swap3A_99], %mul3A_98 {strides = array<i32>} : memref<128x128xf32, #tpu.memory_space<vmem>>, vector<16xf32>,
      %get3A_101 = arith.index_cast %scan3A_94 : i32 to index
      %get3A_102 = arith.constant 16 : index
      %get3A_103 = tpu.vector_load %arg13[%get3A_101, %get3A_102] {strides = array<i32>} : memref<128x128xf32, #tpu.memory_space<vmem>>, vector<16xf32>,
      %mul3A_104 = arith.mulf %get3A_103, %gather3A : vector<16xf32>
      %swap3A_105 = arith.index_cast %scan3A_94 : i32 to index
      %swap3A_106 = arith.constant 16 : index
      %swap3A_107 = tpu.vector_load %arg13[%swap3A_105, %swap3A_106] {strides = array<i32>} : memref<128x128xf32, #tpu.memory_space<vmem>>, vector<16xf32>,
      tpu.vector_store %arg13[%swap3A_105, %swap3A_106], %mul3A_104 {strides = array<i32>} : memref<128x128xf32, #tpu.memory_space<vmem>>, vector<16xf32>,
      %get3A_108 = arith.index_cast %scan3A_94 : i32 to index
      %get3A_109 = arith.constant 32 : index
      %get3A_110 = tpu.vector_load %arg13[%get3A_108, %get3A_109] {strides = array<i32>} : memref<128x128xf32, #tpu.memory_space<vmem>>, vector<16xf32>,
      %mul3A_111 = arith.mulf %get3A_110, %gather3A : vector<16xf32>
      %swap3A_112 = arith.index_cast %scan3A_94 : i32 to index
      %swap3A_113 = arith.constant 32 : index
      %swap3A_114 = tpu.vector_load %arg13[%swap3A_112, %swap3A_113] {strides = array<i32>} : memref<128x128xf32, #tpu.memory_space<vmem>>, vector<16xf32>,
      tpu.vector_store %arg13[%swap3A_112, %swap3A_113], %mul3A_111 {strides = array<i32>} : memref<128x128xf32, #tpu.memory_space<vmem>>, vector<16xf32>,
      %get3A_115 = arith.index_cast %scan3A_94 : i32 to index
      %get3A_116 = arith.constant 48 : index
      %get3A_117 = tpu.vector_load %arg13[%get3A_115, %get3A_116] {strides = array<i32>} : memref<128x128xf32, #tpu.memory_space<vmem>>, vector<16xf32>,
      %mul3A_118 = arith.mulf %get3A_117, %gather3A : vector<16xf32>
      %swap3A_119 = arith.index_cast %scan3A_94 : i32 to index
      %swap3A_120 = arith.constant 48 : index
      %swap3A_121 = tpu.vector_load %arg13[%swap3A_119, %swap3A_120] {strides = array<i32>} : memref<128x128xf32, #tpu.memory_space<vmem>>, vector<16xf32>,
      tpu.vector_store %arg13[%swap3A_119, %swap3A_120], %mul3A_118 {strides = array<i32>} : memref<128x128xf32, #tpu.memory_space<vmem>>, vector<16xf32>,
      %get3A_122 = arith.index_cast %scan3A_94 : i32 to index
      %get3A_123 = arith.constant 64 : index
      %get3A_124 = tpu.vector_load %arg13[%get3A_122, %get3A_123] {strides = array<i32>} : memref<128x128xf32, #tpu.memory_space<vmem>>, vector<16xf32>,
      %mul3A_125 = arith.mulf %get3A_124, %gather3A : vector<16xf32>
      %swap3A_126 = arith.index_cast %scan3A_94 : i32 to index
      %swap3A_127 = arith.constant 64 : index
      %swap3A_128 = tpu.vector_load %arg13[%swap3A_126, %swap3A_127] {strides = array<i32>} : memref<128x128xf32, #tpu.memory_space<vmem>>, vector<16xf32>,
      tpu.vector_store %arg13[%swap3A_126, %swap3A_127], %mul3A_125 {strides = array<i32>} : memref<128x128xf32, #tpu.memory_space<vmem>>, vector<16xf32>,
      %get3A_129 = arith.index_cast %scan3A_94 : i32 to index
      %get3A_130 = arith.constant 80 : index
      %get3A_131 = tpu.vector_load %arg13[%get3A_129, %get3A_130] {strides = array<i32>} : memref<128x128xf32, #tpu.memory_space<vmem>>, vector<16xf32>,
      %mul3A_132 = arith.mulf %get3A_131, %gather3A : vector<16xf32>
      %swap3A_133 = arith.index_cast %scan3A_94 : i32 to index
      %swap3A_134 = arith.constant 80 : index
      %swap3A_135 = tpu.vector_load %arg13[%swap3A_133, %swap3A_134] {strides = array<i32>} : memref<128x128xf32, #tpu.memory_space<vmem>>, vector<16xf32>,
      tpu.vector_store %arg13[%swap3A_133, %swap3A_134], %mul3A_132 {strides = array<i32>} : memref<128x128xf32, #tpu.memory_space<vmem>>, vector<16xf32>,
      %get3A_136 = arith.index_cast %scan3A_94 : i32 to index
      %get3A_137 = arith.constant 96 : index
      %get3A_138 = tpu.vector_load %arg13[%get3A_136, %get3A_137] {strides = array<i32>} : memref<128x128xf32, #tpu.memory_space<vmem>>, vector<16xf32>,
      %mul3A_139 = arith.mulf %get3A_138, %gather3A : vector<16xf32>
      %swap3A_140 = arith.index_cast %scan3A_94 : i32 to index
      %swap3A_141 = arith.constant 96 : index
      %swap3A_142 = tpu.vector_load %arg13[%swap3A_140, %swap3A_141] {strides = array<i32>} : memref<128x128xf32, #tpu.memory_space<vmem>>, vector<16xf32>,
      tpu.vector_store %arg13[%swap3A_140, %swap3A_141], %mul3A_139 {strides = array<i32>} : memref<128x128xf32, #tpu.memory_space<vmem>>, vector<16xf32>,
      %get3A_143 = arith.index_cast %scan3A_94 : i32 to index
      %get3A_144 = arith.constant 112 : index
      %get3A_145 = tpu.vector_load %arg13[%get3A_143, %get3A_144] {strides = array<i32>} : memref<128x128xf32, #tpu.memory_space<vmem>>, vector<16xf32>,
      %mul3A_146 = arith.mulf %get3A_145, %gather3A : vector<16xf32>
      %swap3A_147 = arith.index_cast %scan3A_94 : i32 to index
      %swap3A_148 = arith.constant 112 : index
      %swap3A_149 = tpu.vector_load %arg13[%swap3A_147, %swap3A_148] {strides = array<i32>} : memref<128x128xf32, #tpu.memory_space<vmem>>, vector<16xf32>,
      tpu.vector_store %arg13[%swap3A_147, %swap3A_148], %mul3A_146 {strides = array<i32>} : memref<128x128xf32, #tpu.memory_space<vmem>>, vector<16xf32>,
      %scan3A_150 = arith.constant 0 : i32
      scf.yield %scan3A_150 : i32
    }
    %scan3A_82 = arith.constant 128 : i32
    "tpu.region"() ({
      %run_scoped3A = tpu.sem_alloc : memref<!tpu.dma_semaphore, #tpu.memory_space<semaphore_mem>>
      %dma_start3A_94 = arith.constant 0 : i32
      %dma_start3A_95 = arith.constant 0 : i32
      %dma_start3A_96 = tpu.memref_slice %arg14[%dma_start3A_94, %dma_start3A_95] : memref<10000x128xf32, #tpu.memory_space<vmem_shared>> -> memref<10000x128xf32, #tpu.memory_space<vmem_shared>>
      tpu.enqueue_indirect_dma source(%arg13 : memref<128x128xf32, #tpu.memory_space<vmem>>) target(%dma_start3A_96 : memref<10000x128xf32, #tpu.memory_space<vmem_shared>>) offsets(%arg10 : memref<128xi32, #tpu.memory_space<vmem>>) semaphore(%run_scoped3A : memref<!tpu.dma_semaphore, #tpu.memory_space<semaphore_mem>>) {add = true}
      %dma_wait3A_97 = arith.constant 0 : i32
      %dma_wait3A_98 = arith.constant 0 : i32
      %dma_wait3A_99 = tpu.memref_slice %arg14[%dma_wait3A_97, %dma_wait3A_98] : memref<10000x128xf32, #tpu.memory_space<vmem_shared>> -> memref<10000x128xf32, #tpu.memory_space<vmem_shared>>
      tpu.wait_indirect_dma semaphore(%run_scoped3A : memref<!tpu.dma_semaphore, #tpu.memory_space<semaphore_mem>>) src(%arg13 : memref<128x128xf32, #tpu.memory_space<vmem>>) dst(%dma_wait3A_99 : memref<10000x128xf32, #tpu.memory_space<vmem_shared>>)
      tpu.yield
    }) : () -> ()
    %barrier3A_83 = arith.constant 0 : index
    tpu.barrier barrier_id(%barrier3A_83)
    %lt3A_84 = arith.constant 15 : i32
    %lt3A_85 = arith.cmpi slt, %arg1, %lt3A_84 : i32
    %convert_element_type3A_86 = arith.extui %lt3A_85 : i1 to i32
    %cond3A_87 = arith.constant 0 : i32
    %cond3A_88 = arith.cmpi ne, %convert_element_type3A_86, %cond3A_87 : i32
    scf.if %cond3A_88 {
      "tpu.region"() ({
        %run_scoped3A = tpu.sem_alloc : memref<!tpu.dma_semaphore, #tpu.memory_space<semaphore_mem>>
        %dma_start3A_94 = arith.constant 0 : i32
        %dma_start3A_95 = tpu.memref_slice %arg7[%arg0, %multiple_of3A, %dma_start3A_94] : memref<2x10000x128xf32, #tpu.memory_space<hbm>> -> memref<1x640x128xf32, #tpu.memory_space<hbm>>
        %dma_start3A_96 = tpu.memref_squeeze %dma_start3A_95 : memref<1x640x128xf32, #tpu.memory_space<hbm>> -> memref<640x128xf32, #tpu.memory_space<hbm>>
        %dma_start3A_97 = arith.constant 0 : i32
        %dma_start3A_98 = tpu.memref_slice %arg14[%multiple_of3A, %dma_start3A_97] : memref<10000x128xf32, #tpu.memory_space<vmem_shared>> -> memref<640x128xf32, #tpu.memory_space<vmem_shared>>
        tpu.enqueue_dma source(%dma_start3A_98 : memref<640x128xf32, #tpu.memory_space<vmem_shared>>) target(%dma_start3A_96 : memref<640x128xf32, #tpu.memory_space<hbm>>) target_semaphore(%run_scoped3A : memref<!tpu.dma_semaphore, #tpu.memory_space<semaphore_mem>>)
        %dma_wait3A_99 = arith.constant 0 : i32
        %dma_wait3A_100 = tpu.memref_slice %arg7[%arg0, %multiple_of3A, %dma_wait3A_99] : memref<2x10000x128xf32, #tpu.memory_space<hbm>> -> memref<1x640x128xf32, #tpu.memory_space<hbm>>
        %dma_wait3A_101 = tpu.memref_squeeze %dma_wait3A_100 : memref<1x640x128xf32, #tpu.memory_space<hbm>> -> memref<640x128xf32, #tpu.memory_space<hbm>>
        %dma_wait3A_102 = arith.constant 0 : i32
        %dma_wait3A_103 = tpu.memref_slice %arg14[%multiple_of3A, %dma_wait3A_102] : memref<10000x128xf32, #tpu.memory_space<vmem_shared>> -> memref<640x128xf32, #tpu.memory_space<vmem_shared>>
        tpu.wait_dma2 semaphore(%run_scoped3A : memref<!tpu.dma_semaphore, #tpu.memory_space<semaphore_mem>>) src(%dma_wait3A_103 : memref<640x128xf32, #tpu.memory_space<vmem_shared>>) dst(%dma_wait3A_101 : memref<640x128xf32, #tpu.memory_space<hbm>>)
        tpu.yield
      }) : () -> ()
    } else {
    }
    %eq3A_89 = arith.constant 15 : i32
    %eq3A_90 = arith.cmpi eq, %arg1, %eq3A_89 : i32
    %convert_element_type3A_91 = arith.extui %eq3A_90 : i1 to i32
    %cond3A_92 = arith.constant 0 : i32
    %cond3A_93 = arith.cmpi ne, %convert_element_type3A_91, %cond3A_92 : i32
    scf.if %cond3A_93 {
      "tpu.region"() ({
        %run_scoped3A = tpu.sem_alloc : memref<!tpu.dma_semaphore, #tpu.memory_space<semaphore_mem>>
        %dma_start3A_94 = arith.constant 0 : i32
        %dma_start3A_95 = tpu.memref_slice %arg7[%arg0, %multiple_of3A, %dma_start3A_94] : memref<2x10000x128xf32, #tpu.memory_space<hbm>> -> memref<1x400x128xf32, #tpu.memory_space<hbm>>
        %dma_start3A_96 = tpu.memref_squeeze %dma_start3A_95 : memref<1x400x128xf32, #tpu.memory_space<hbm>> -> memref<400x128xf32, #tpu.memory_space<hbm>>
        %dma_start3A_97 = arith.constant 0 : i32
        %dma_start3A_98 = tpu.memref_slice %arg14[%multiple_of3A, %dma_start3A_97] : memref<10000x128xf32, #tpu.memory_space<vmem_shared>> -> memref<400x128xf32, #tpu.memory_space<vmem_shared>>
        tpu.enqueue_dma source(%dma_start3A_98 : memref<400x128xf32, #tpu.memory_space<vmem_shared>>) target(%dma_start3A_96 : memref<400x128xf32, #tpu.memory_space<hbm>>) target_semaphore(%run_scoped3A : memref<!tpu.dma_semaphore, #tpu.memory_space<semaphore_mem>>)
        %dma_wait3A_99 = arith.constant 0 : i32
        %dma_wait3A_100 = tpu.memref_slice %arg7[%arg0, %multiple_of3A, %dma_wait3A_99] : memref<2x10000x128xf32, #tpu.memory_space<hbm>> -> memref<1x400x128xf32, #tpu.memory_space<hbm>>
        %dma_wait3A_101 = tpu.memref_squeeze %dma_wait3A_100 : memref<1x400x128xf32, #tpu.memory_space<hbm>> -> memref<400x128xf32, #tpu.memory_space<hbm>>
        %dma_wait3A_102 = arith.constant 0 : i32
        %dma_wait3A_103 = tpu.memref_slice %arg14[%multiple_of3A, %dma_wait3A_102] : memref<10000x128xf32, #tpu.memory_space<vmem_shared>> -> memref<400x128xf32, #tpu.memory_space<vmem_shared>>
        tpu.wait_dma2 semaphore(%run_scoped3A : memref<!tpu.dma_semaphore, #tpu.memory_space<semaphore_mem>>) src(%dma_wait3A_103 : memref<400x128xf32, #tpu.memory_space<vmem_shared>>) dst(%dma_wait3A_101 : memref<400x128xf32, #tpu.memory_space<hbm>>)
        tpu.yield
      }) : () -> ()
    } else {
    }
    return
  }
}

#map = affine_map<(d0, d1) -> (0, 0)>
#map1 = affine_map<(d0, d1) -> (0)>
#map2 = affine_map<(d0, d1) -> (0, 0, 0)>
module attributes {stable_mosaic.version = 14 : i64} {
  func.func @k(%arg0: i32, %arg1: i32, %arg2: memref<10000x128xf32, #tpu.memory_space<hbm>>, %arg3: memref<327680xi32, #tpu.memory_space<hbm>>, %arg4: memref<327680xi32, #tpu.memory_space<hbm>>, %arg5: memref<327680xf32, #tpu.memory_space<hbm>>, %arg6: memref<640x128xf32, #tpu.memory_space<hbm>>, %arg7: memref<2x10000x128xf32, #tpu.memory_space<hbm>>, %arg8: memref<128xi32, #tpu.memory_space<vmem>>, %arg9: memref<128xi32, #tpu.memory_space<vmem>>, %arg10: memref<128xi32, #tpu.memory_space<vmem>>, %arg11: memref<128xf32, #tpu.memory_space<vmem>>, %arg12: memref<128x128xf32, #tpu.memory_space<vmem>>, %arg13: memref<128x128xf32, #tpu.memory_space<vmem>>, %arg14: memref<10000x128xf32, #tpu.memory_space<vmem_shared>>, %arg15: memref<!tpu.dma_semaphore, #tpu.memory_space<semaphore_mem>>, %arg16: memref<!tpu.dma_semaphore, #tpu.memory_space<semaphore_mem>>) attributes {dimension_semantics = [#tpu.dimension_semantics<core_parallel>, #tpu.dimension_semantics<subcore_parallel>], iteration_bounds = array<i64: 2, 16>, scalar_prefetch = 0 : i64, scratch_operands = 9 : i64, tpu.core_type = #tpu.core_type<sc_vector_subcore>, window_params = [{transform_indices = #map}, {transform_indices = #map1}, {transform_indices = #map1}, {transform_indices = #map1}, {transform_indices = #map}, {transform_indices = #map2}]} {
    %mul3A = arith.constant 2 : i32
    %mul3A_0 = arith.muli %arg1, %mul3A : i32
    %add3A = arith.addi %mul3A_0, %arg0 : i32
    %mul3A_1 = arith.constant 640 : i32
    %mul3A_2 = arith.muli %arg1, %mul3A_1 : i32
    %multiple_of3A = tpu.assume_multiple %mul3A_2, 8 : i32
    %lt3A = arith.constant 15 : i32
    %lt3A_3 = arith.cmpi slt, %arg1, %lt3A : i32
    %convert_element_type3A = arith.extui %lt3A_3 : i1 to i32
    %cond3A = arith.constant 0 : i32
    %cond3A_4 = arith.cmpi ne, %convert_element_type3A, %cond3A : i32
    scf.if %cond3A_4 {
      "tpu.region"() ({
        %run_scoped3A = tpu.sem_alloc : memref<!tpu.dma_semaphore, #tpu.memory_space<semaphore_mem>>
        %dma_start3A_94 = arith.constant 0 : i32
        %dma_start3A_95 = tpu.memref_slice %arg14[%multiple_of3A, %dma_start3A_94] : memref<10000x128xf32, #tpu.memory_space<vmem_shared>> -> memref<640x128xf32, #tpu.memory_space<vmem_shared>>
        %dma_start3A_96 = arith.constant 0 : i32
        %dma_start3A_97 = arith.constant 0 : i32
        %dma_start3A_98 = tpu.memref_slice %arg6[%dma_start3A_96, %dma_start3A_97] : memref<640x128xf32, #tpu.memory_space<hbm>> -> memref<640x128xf32, #tpu.memory_space<hbm>>
        tpu.enqueue_dma source(%dma_start3A_98 : memref<640x128xf32, #tpu.memory_space<hbm>>) target(%dma_start3A_95 : memref<640x128xf32, #tpu.memory_space<vmem_shared>>) target_semaphore(%run_scoped3A : memref<!tpu.dma_semaphore, #tpu.memory_space<semaphore_mem>>)
        %dma_wait3A_99 = arith.constant 0 : i32
        %dma_wait3A_100 = tpu.memref_slice %arg14[%multiple_of3A, %dma_wait3A_99] : memref<10000x128xf32, #tpu.memory_space<vmem_shared>> -> memref<640x128xf32, #tpu.memory_space<vmem_shared>>
        %dma_wait3A_101 = arith.constant 0 : i32
        %dma_wait3A_102 = arith.constant 0 : i32
        %dma_wait3A_103 = tpu.memref_slice %arg6[%dma_wait3A_101, %dma_wait3A_102] : memref<640x128xf32, #tpu.memory_space<hbm>> -> memref<640x128xf32, #tpu.memory_space<hbm>>
        tpu.wait_dma2 semaphore(%run_scoped3A : memref<!tpu.dma_semaphore, #tpu.memory_space<semaphore_mem>>) src(%dma_wait3A_103 : memref<640x128xf32, #tpu.memory_space<hbm>>) dst(%dma_wait3A_100 : memref<640x128xf32, #tpu.memory_space<vmem_shared>>)
        tpu.yield
      }) : () -> ()
    } else {
    }
    %eq3A = arith.constant 15 : i32
    %eq3A_5 = arith.cmpi eq, %arg1, %eq3A : i32
    %convert_element_type3A_6 = arith.extui %eq3A_5 : i1 to i32
    %cond3A_7 = arith.constant 0 : i32
    %cond3A_8 = arith.cmpi ne, %convert_element_type3A_6, %cond3A_7 : i32
    scf.if %cond3A_8 {
      "tpu.region"() ({
        %run_scoped3A = tpu.sem_alloc : memref<!tpu.dma_semaphore, #tpu.memory_space<semaphore_mem>>
        %dma_start3A_94 = arith.constant 0 : i32
        %dma_start3A_95 = tpu.memref_slice %arg14[%multiple_of3A, %dma_start3A_94] : memref<10000x128xf32, #tpu.memory_space<vmem_shared>> -> memref<400x128xf32, #tpu.memory_space<vmem_shared>>
        %dma_start3A_96 = arith.constant 0 : i32
        %dma_start3A_97 = arith.constant 0 : i32
        %dma_start3A_98 = tpu.memref_slice %arg6[%dma_start3A_96, %dma_start3A_97] : memref<640x128xf32, #tpu.memory_space<hbm>> -> memref<400x128xf32, #tpu.memory_space<hbm>>
        tpu.enqueue_dma source(%dma_start3A_98 : memref<400x128xf32, #tpu.memory_space<hbm>>) target(%dma_start3A_95 : memref<400x128xf32, #tpu.memory_space<vmem_shared>>) target_semaphore(%run_scoped3A : memref<!tpu.dma_semaphore, #tpu.memory_space<semaphore_mem>>)
        %dma_wait3A_99 = arith.constant 0 : i32
        %dma_wait3A_100 = tpu.memref_slice %arg14[%multiple_of3A, %dma_wait3A_99] : memref<10000x128xf32, #tpu.memory_space<vmem_shared>> -> memref<400x128xf32, #tpu.memory_space<vmem_shared>>
        %dma_wait3A_101 = arith.constant 0 : i32
        %dma_wait3A_102 = arith.constant 0 : i32
        %dma_wait3A_103 = tpu.memref_slice %arg6[%dma_wait3A_101, %dma_wait3A_102] : memref<640x128xf32, #tpu.memory_space<hbm>> -> memref<400x128xf32, #tpu.memory_space<hbm>>
        tpu.wait_dma2 semaphore(%run_scoped3A : memref<!tpu.dma_semaphore, #tpu.memory_space<semaphore_mem>>) src(%dma_wait3A_103 : memref<400x128xf32, #tpu.memory_space<hbm>>) dst(%dma_wait3A_100 : memref<400x128xf32, #tpu.memory_space<vmem_shared>>)
        tpu.yield
      }) : () -> ()
    } else {
    }
    %barrier3A = arith.constant 0 : index
    tpu.barrier barrier_id(%barrier3A)
    %mul3A_9 = arith.constant 0 : i32
    %mul3A_10 = arith.muli %arg1, %mul3A_9 : i32
    %mul3A_11 = arith.constant 80 : i32
    %mul3A_12 = arith.muli %add3A, %mul3A_11 : i32
    %add3A_13 = arith.addi %mul3A_12, %mul3A_10 : i32
    %mul3A_14 = arith.constant 128 : i32
    %mul3A_15 = arith.muli %add3A_13, %mul3A_14 : i32
    %multiple_of3A_16 = tpu.assume_multiple %mul3A_15, 128 : i32
    "tpu.region"() ({
      %run_scoped3A = tpu.sem_alloc : memref<!tpu.dma_semaphore, #tpu.memory_space<semaphore_mem>>
      %dma_start3A_94 = tpu.memref_slice %arg3[%multiple_of3A_16] : memref<327680xi32, #tpu.memory_space<hbm>> -> memref<128xi32, #tpu.memory_space<hbm>>
      %dma_start3A_95 = tpu.memref_slice %arg3[%multiple_of3A_16] : memref<327680xi32, #tpu.memory_space<hbm>> -> memref<128xi32, #tpu.memory_space<hbm>>
      tpu.enqueue_dma source(%dma_start3A_95 : memref<128xi32, #tpu.memory_space<hbm>>) target(%arg8 : memref<128xi32, #tpu.memory_space<vmem>>) target_semaphore(%run_scoped3A : memref<!tpu.dma_semaphore, #tpu.memory_space<semaphore_mem>>)
      %dma_wait3A_96 = tpu.memref_slice %arg3[%multiple_of3A_16] : memref<327680xi32, #tpu.memory_space<hbm>> -> memref<128xi32, #tpu.memory_space<hbm>>
      %dma_wait3A_97 = tpu.memref_slice %arg3[%multiple_of3A_16] : memref<327680xi32, #tpu.memory_space<hbm>> -> memref<128xi32, #tpu.memory_space<hbm>>
      tpu.wait_dma2 semaphore(%run_scoped3A : memref<!tpu.dma_semaphore, #tpu.memory_space<semaphore_mem>>) src(%dma_wait3A_97 : memref<128xi32, #tpu.memory_space<hbm>>) dst(%arg8 : memref<128xi32, #tpu.memory_space<vmem>>)
      tpu.yield
    }) : () -> ()
    %dma_start3A = arith.constant 0 : i32
    %dma_start3A_17 = arith.constant 0 : i32
    %dma_start3A_18 = tpu.memref_slice %arg2[%dma_start3A, %dma_start3A_17] : memref<10000x128xf32, #tpu.memory_space<hbm>> -> memref<10000x128xf32, #tpu.memory_space<hbm>>
    tpu.enqueue_indirect_dma source(%dma_start3A_18 : memref<10000x128xf32, #tpu.memory_space<hbm>>) target(%arg12 : memref<128x128xf32, #tpu.memory_space<vmem>>) offsets(%arg8 : memref<128xi32, #tpu.memory_space<vmem>>) semaphore(%arg15 : memref<!tpu.dma_semaphore, #tpu.memory_space<semaphore_mem>>)
    %scan3A = arith.constant 0 : i32
    %scan3A_19 = arith.constant 0 : i32
    %scan3A_20 = arith.constant 39 : i32
    %scan3A_21 = arith.addi %scan3A_19, %scan3A_20 : i32
    %scan3A_22 = arith.constant 1 : i32
    %scan3A_23 = scf.for %scan3A_94 = %scan3A_19 to %scan3A_21 step %scan3A_22 iter_args(%scan3A_95 = %scan3A) -> (i32)  : i32 {
      %mul3A_96 = arith.constant 2 : i32
      %mul3A_97 = arith.muli %scan3A_94, %mul3A_96 : i32
      %add3A_98 = arith.constant 1 : i32
      %add3A_99 = arith.addi %mul3A_97, %add3A_98 : i32
      %mul3A_100 = arith.constant 80 : i32
      %mul3A_101 = arith.muli %add3A, %mul3A_100 : i32
      %add3A_102 = arith.addi %mul3A_101, %add3A_99 : i32
      %mul3A_103 = arith.constant 128 : i32
      %mul3A_104 = arith.muli %add3A_102, %mul3A_103 : i32
      %multiple_of3A_105 = tpu.assume_multiple %mul3A_104, 128 : i32
      "tpu.region"() ({
        %run_scoped3A = tpu.sem_alloc : memref<!tpu.dma_semaphore, #tpu.memory_space<semaphore_mem>>
        %dma_start3A_169 = tpu.memref_slice %arg3[%multiple_of3A_105] : memref<327680xi32, #tpu.memory_space<hbm>> -> memref<128xi32, #tpu.memory_space<hbm>>
        %dma_start3A_170 = tpu.memref_slice %arg3[%multiple_of3A_105] : memref<327680xi32, #tpu.memory_space<hbm>> -> memref<128xi32, #tpu.memory_space<hbm>>
        tpu.enqueue_dma source(%dma_start3A_170 : memref<128xi32, #tpu.memory_space<hbm>>) target(%arg9 : memref<128xi32, #tpu.memory_space<vmem>>) target_semaphore(%run_scoped3A : memref<!tpu.dma_semaphore, #tpu.memory_space<semaphore_mem>>)
        %dma_wait3A_171 = tpu.memref_slice %arg3[%multiple_of3A_105] : memref<327680xi32, #tpu.memory_space<hbm>> -> memref<128xi32, #tpu.memory_space<hbm>>
        %dma_wait3A_172 = tpu.memref_slice %arg3[%multiple_of3A_105] : memref<327680xi32, #tpu.memory_space<hbm>> -> memref<128xi32, #tpu.memory_space<hbm>>
        tpu.wait_dma2 semaphore(%run_scoped3A : memref<!tpu.dma_semaphore, #tpu.memory_space<semaphore_mem>>) src(%dma_wait3A_172 : memref<128xi32, #tpu.memory_space<hbm>>) dst(%arg9 : memref<128xi32, #tpu.memory_space<vmem>>)
        tpu.yield
      }) : () -> ()
      %dma_start3A_106 = arith.constant 0 : i32
      %dma_start3A_107 = arith.constant 0 : i32
      %dma_start3A_108 = tpu.memref_slice %arg2[%dma_start3A_106, %dma_start3A_107] : memref<10000x128xf32, #tpu.memory_space<hbm>> -> memref<10000x128xf32, #tpu.memory_space<hbm>>
      tpu.enqueue_indirect_dma source(%dma_start3A_108 : memref<10000x128xf32, #tpu.memory_space<hbm>>) target(%arg13 : memref<128x128xf32, #tpu.memory_space<vmem>>) offsets(%arg9 : memref<128xi32, #tpu.memory_space<vmem>>) semaphore(%arg16 : memref<!tpu.dma_semaphore, #tpu.memory_space<semaphore_mem>>)
      %mul3A_109 = arith.constant 80 : i32
      %mul3A_110 = arith.muli %add3A, %mul3A_109 : i32
      %add3A_111 = arith.addi %mul3A_110, %mul3A_97 : i32
      %mul3A_112 = arith.constant 128 : i32
      %mul3A_113 = arith.muli %add3A_111, %mul3A_112 : i32
      %multiple_of3A_114 = tpu.assume_multiple %mul3A_113, 128 : i32
      "tpu.region"() ({
        %run_scoped3A = tpu.sem_alloc : memref<!tpu.dma_semaphore, #tpu.memory_space<semaphore_mem>>
        %dma_start3A_169 = tpu.memref_slice %arg4[%multiple_of3A_114] : memref<327680xi32, #tpu.memory_space<hbm>> -> memref<128xi32, #tpu.memory_space<hbm>>
        %dma_start3A_170 = tpu.memref_slice %arg4[%multiple_of3A_114] : memref<327680xi32, #tpu.memory_space<hbm>> -> memref<128xi32, #tpu.memory_space<hbm>>
        tpu.enqueue_dma source(%dma_start3A_170 : memref<128xi32, #tpu.memory_space<hbm>>) target(%arg10 : memref<128xi32, #tpu.memory_space<vmem>>) target_semaphore(%run_scoped3A : memref<!tpu.dma_semaphore, #tpu.memory_space<semaphore_mem>>)
        %dma_wait3A_171 = tpu.memref_slice %arg4[%multiple_of3A_114] : memref<327680xi32, #tpu.memory_space<hbm>> -> memref<128xi32, #tpu.memory_space<hbm>>
        %dma_wait3A_172 = tpu.memref_slice %arg4[%multiple_of3A_114] : memref<327680xi32, #tpu.memory_space<hbm>> -> memref<128xi32, #tpu.memory_space<hbm>>
        tpu.wait_dma2 semaphore(%run_scoped3A : memref<!tpu.dma_semaphore, #tpu.memory_space<semaphore_mem>>) src(%dma_wait3A_172 : memref<128xi32, #tpu.memory_space<hbm>>) dst(%arg10 : memref<128xi32, #tpu.memory_space<vmem>>)
        tpu.yield
      }) : () -> ()
      %mul3A_115 = arith.constant 80 : i32
      %mul3A_116 = arith.muli %add3A, %mul3A_115 : i32
      %add3A_117 = arith.addi %mul3A_116, %mul3A_97 : i32
      %mul3A_118 = arith.constant 128 : i32
      %mul3A_119 = arith.muli %add3A_117, %mul3A_118 : i32
      %multiple_of3A_120 = tpu.assume_multiple %mul3A_119, 128 : i32
      "tpu.region"() ({
        %run_scoped3A = tpu.sem_alloc : memref<!tpu.dma_semaphore, #tpu.memory_space<semaphore_mem>>
        %dma_start3A_169 = tpu.memref_slice %arg5[%multiple_of3A_120] : memref<327680xf32, #tpu.memory_space<hbm>> -> memref<128xf32, #tpu.memory_space<hbm>>
        %dma_start3A_170 = tpu.memref_slice %arg5[%multiple_of3A_120] : memref<327680xf32, #tpu.memory_space<hbm>> -> memref<128xf32, #tpu.memory_space<hbm>>
        tpu.enqueue_dma source(%dma_start3A_170 : memref<128xf32, #tpu.memory_space<hbm>>) target(%arg11 : memref<128xf32, #tpu.memory_space<vmem>>) target_semaphore(%run_scoped3A : memref<!tpu.dma_semaphore, #tpu.memory_space<semaphore_mem>>)
        %dma_wait3A_171 = tpu.memref_slice %arg5[%multiple_of3A_120] : memref<327680xf32, #tpu.memory_space<hbm>> -> memref<128xf32, #tpu.memory_space<hbm>>
        %dma_wait3A_172 = tpu.memref_slice %arg5[%multiple_of3A_120] : memref<327680xf32, #tpu.memory_space<hbm>> -> memref<128xf32, #tpu.memory_space<hbm>>
        tpu.wait_dma2 semaphore(%run_scoped3A : memref<!tpu.dma_semaphore, #tpu.memory_space<semaphore_mem>>) src(%dma_wait3A_172 : memref<128xf32, #tpu.memory_space<hbm>>) dst(%arg11 : memref<128xf32, #tpu.memory_space<vmem>>)
        tpu.yield
      }) : () -> ()
      %dma_wait3A_121 = arith.constant 0 : i32
      %dma_wait3A_122 = arith.constant 0 : i32
      %dma_wait3A_123 = tpu.memref_slice %arg2[%dma_wait3A_121, %dma_wait3A_122] : memref<10000x128xf32, #tpu.memory_space<hbm>> -> memref<10000x128xf32, #tpu.memory_space<hbm>>
      tpu.wait_indirect_dma semaphore(%arg15 : memref<!tpu.dma_semaphore, #tpu.memory_space<semaphore_mem>>) src(%dma_wait3A_123 : memref<10000x128xf32, #tpu.memory_space<hbm>>) dst(%arg12 : memref<128x128xf32, #tpu.memory_space<vmem>>)
      %scan3A_124 = arith.constant 0 : i32
      %scan3A_125 = arith.constant 0 : i32
      %scan3A_126 = arith.constant 128 : i32
      %scan3A_127 = arith.addi %scan3A_125, %scan3A_126 : i32
      %scan3A_128 = arith.constant 1 : i32
      %scan3A_129 = scf.for %scan3A_169 = %scan3A_125 to %scan3A_127 step %scan3A_128 iter_args(%scan3A_170 = %scan3A_124) -> (i32)  : i32 {
        %broadcast_in_dim3A = vector.broadcast %scan3A_169 : i32 to vector<16xi32>
        %gather3A = tpu.vector_load_idx %arg11[%broadcast_in_dim3A] : memref<128xf32, #tpu.memory_space<vmem>>[vector<16xi32>], vector<16xf32>,
        %get3A = arith.index_cast %scan3A_169 : i32 to index
        %get3A_171 = arith.constant 0 : index
        %get3A_172 = tpu.vector_load %arg12[%get3A, %get3A_171] {strides = array<i32>} : memref<128x128xf32, #tpu.memory_space<vmem>>, vector<16xf32>,
        %mul3A_173 = arith.mulf %get3A_172, %gather3A : vector<16xf32>
        %swap3A = arith.index_cast %scan3A_169 : i32 to index
        %swap3A_174 = arith.constant 0 : index
        %swap3A_175 = tpu.vector_load %arg12[%swap3A, %swap3A_174] {strides = array<i32>} : memref<128x128xf32, #tpu.memory_space<vmem>>, vector<16xf32>,
        tpu.vector_store %arg12[%swap3A, %swap3A_174], %mul3A_173 {strides = array<i32>} : memref<128x128xf32, #tpu.memory_space<vmem>>, vector<16xf32>,
        %get3A_176 = arith.index_cast %scan3A_169 : i32 to index
        %get3A_177 = arith.constant 16 : index
        %get3A_178 = tpu.vector_load %arg12[%get3A_176, %get3A_177] {strides = array<i32>} : memref<128x128xf32, #tpu.memory_space<vmem>>, vector<16xf32>,
        %mul3A_179 = arith.mulf %get3A_178, %gather3A : vector<16xf32>
        %swap3A_180 = arith.index_cast %scan3A_169 : i32 to index
        %swap3A_181 = arith.constant 16 : index
        %swap3A_182 = tpu.vector_load %arg12[%swap3A_180, %swap3A_181] {strides = array<i32>} : memref<128x128xf32, #tpu.memory_space<vmem>>, vector<16xf32>,
        tpu.vector_store %arg12[%swap3A_180, %swap3A_181], %mul3A_179 {strides = array<i32>} : memref<128x128xf32, #tpu.memory_space<vmem>>, vector<16xf32>,
        %get3A_183 = arith.index_cast %scan3A_169 : i32 to index
        %get3A_184 = arith.constant 32 : index
        %get3A_185 = tpu.vector_load %arg12[%get3A_183, %get3A_184] {strides = array<i32>} : memref<128x128xf32, #tpu.memory_space<vmem>>, vector<16xf32>,
        %mul3A_186 = arith.mulf %get3A_185, %gather3A : vector<16xf32>
        %swap3A_187 = arith.index_cast %scan3A_169 : i32 to index
        %swap3A_188 = arith.constant 32 : index
        %swap3A_189 = tpu.vector_load %arg12[%swap3A_187, %swap3A_188] {strides = array<i32>} : memref<128x128xf32, #tpu.memory_space<vmem>>, vector<16xf32>,
        tpu.vector_store %arg12[%swap3A_187, %swap3A_188], %mul3A_186 {strides = array<i32>} : memref<128x128xf32, #tpu.memory_space<vmem>>, vector<16xf32>,
        %get3A_190 = arith.index_cast %scan3A_169 : i32 to index
        %get3A_191 = arith.constant 48 : index
        %get3A_192 = tpu.vector_load %arg12[%get3A_190, %get3A_191] {strides = array<i32>} : memref<128x128xf32, #tpu.memory_space<vmem>>, vector<16xf32>,
        %mul3A_193 = arith.mulf %get3A_192, %gather3A : vector<16xf32>
        %swap3A_194 = arith.index_cast %scan3A_169 : i32 to index
        %swap3A_195 = arith.constant 48 : index
        %swap3A_196 = tpu.vector_load %arg12[%swap3A_194, %swap3A_195] {strides = array<i32>} : memref<128x128xf32, #tpu.memory_space<vmem>>, vector<16xf32>,
        tpu.vector_store %arg12[%swap3A_194, %swap3A_195], %mul3A_193 {strides = array<i32>} : memref<128x128xf32, #tpu.memory_space<vmem>>, vector<16xf32>,
        %get3A_197 = arith.index_cast %scan3A_169 : i32 to index
        %get3A_198 = arith.constant 64 : index
        %get3A_199 = tpu.vector_load %arg12[%get3A_197, %get3A_198] {strides = array<i32>} : memref<128x128xf32, #tpu.memory_space<vmem>>, vector<16xf32>,
        %mul3A_200 = arith.mulf %get3A_199, %gather3A : vector<16xf32>
        %swap3A_201 = arith.index_cast %scan3A_169 : i32 to index
        %swap3A_202 = arith.constant 64 : index
        %swap3A_203 = tpu.vector_load %arg12[%swap3A_201, %swap3A_202] {strides = array<i32>} : memref<128x128xf32, #tpu.memory_space<vmem>>, vector<16xf32>,
        tpu.vector_store %arg12[%swap3A_201, %swap3A_202], %mul3A_200 {strides = array<i32>} : memref<128x128xf32, #tpu.memory_space<vmem>>, vector<16xf32>,
        %get3A_204 = arith.index_cast %scan3A_169 : i32 to index
        %get3A_205 = arith.constant 80 : index
        %get3A_206 = tpu.vector_load %arg12[%get3A_204, %get3A_205] {strides = array<i32>} : memref<128x128xf32, #tpu.memory_space<vmem>>, vector<16xf32>,
        %mul3A_207 = arith.mulf %get3A_206, %gather3A : vector<16xf32>
        %swap3A_208 = arith.index_cast %scan3A_169 : i32 to index
        %swap3A_209 = arith.constant 80 : index
        %swap3A_210 = tpu.vector_load %arg12[%swap3A_208, %swap3A_209] {strides = array<i32>} : memref<128x128xf32, #tpu.memory_space<vmem>>, vector<16xf32>,
        tpu.vector_store %arg12[%swap3A_208, %swap3A_209], %mul3A_207 {strides = array<i32>} : memref<128x128xf32, #tpu.memory_space<vmem>>, vector<16xf32>,
        %get3A_211 = arith.index_cast %scan3A_169 : i32 to index
        %get3A_212 = arith.constant 96 : index
        %get3A_213 = tpu.vector_load %arg12[%get3A_211, %get3A_212] {strides = array<i32>} : memref<128x128xf32, #tpu.memory_space<vmem>>, vector<16xf32>,
        %mul3A_214 = arith.mulf %get3A_213, %gather3A : vector<16xf32>
        %swap3A_215 = arith.index_cast %scan3A_169 : i32 to index
        %swap3A_216 = arith.constant 96 : index
        %swap3A_217 = tpu.vector_load %arg12[%swap3A_215, %swap3A_216] {strides = array<i32>} : memref<128x128xf32, #tpu.memory_space<vmem>>, vector<16xf32>,
        tpu.vector_store %arg12[%swap3A_215, %swap3A_216], %mul3A_214 {strides = array<i32>} : memref<128x128xf32, #tpu.memory_space<vmem>>, vector<16xf32>,
        %get3A_218 = arith.index_cast %scan3A_169 : i32 to index
        %get3A_219 = arith.constant 112 : index
        %get3A_220 = tpu.vector_load %arg12[%get3A_218, %get3A_219] {strides = array<i32>} : memref<128x128xf32, #tpu.memory_space<vmem>>, vector<16xf32>,
        %mul3A_221 = arith.mulf %get3A_220, %gather3A : vector<16xf32>
        %swap3A_222 = arith.index_cast %scan3A_169 : i32 to index
        %swap3A_223 = arith.constant 112 : index
        %swap3A_224 = tpu.vector_load %arg12[%swap3A_222, %swap3A_223] {strides = array<i32>} : memref<128x128xf32, #tpu.memory_space<vmem>>, vector<16xf32>,
        tpu.vector_store %arg12[%swap3A_222, %swap3A_223], %mul3A_221 {strides = array<i32>} : memref<128x128xf32, #tpu.memory_space<vmem>>, vector<16xf32>,
        %scan3A_225 = arith.constant 0 : i32
        scf.yield %scan3A_225 : i32
      }
      %scan3A_130 = arith.constant 128 : i32
      "tpu.region"() ({
        %run_scoped3A = tpu.sem_alloc : memref<!tpu.dma_semaphore, #tpu.memory_space<semaphore_mem>>
        %dma_start3A_169 = arith.constant 0 : i32
        %dma_start3A_170 = arith.constant 0 : i32
        %dma_start3A_171 = tpu.memref_slice %arg14[%dma_start3A_169, %dma_start3A_170] : memref<10000x128xf32, #tpu.memory_space<vmem_shared>> -> memref<10000x128xf32, #tpu.memory_space<vmem_shared>>
        tpu.enqueue_indirect_dma source(%arg12 : memref<128x128xf32, #tpu.memory_space<vmem>>) target(%dma_start3A_171 : memref<10000x128xf32, #tpu.memory_space<vmem_shared>>) offsets(%arg10 : memref<128xi32, #tpu.memory_space<vmem>>) semaphore(%run_scoped3A : memref<!tpu.dma_semaphore, #tpu.memory_space<semaphore_mem>>) {add = true}
        %dma_wait3A_172 = arith.constant 0 : i32
        %dma_wait3A_173 = arith.constant 0 : i32
        %dma_wait3A_174 = tpu.memref_slice %arg14[%dma_wait3A_172, %dma_wait3A_173] : memref<10000x128xf32, #tpu.memory_space<vmem_shared>> -> memref<10000x128xf32, #tpu.memory_space<vmem_shared>>
        tpu.wait_indirect_dma semaphore(%run_scoped3A : memref<!tpu.dma_semaphore, #tpu.memory_space<semaphore_mem>>) src(%arg12 : memref<128x128xf32, #tpu.memory_space<vmem>>) dst(%dma_wait3A_174 : memref<10000x128xf32, #tpu.memory_space<vmem_shared>>)
        tpu.yield
      }) : () -> ()
      %mul3A_131 = arith.constant 2 : i32
      %mul3A_132 = arith.muli %scan3A_94, %mul3A_131 : i32
      %add3A_133 = arith.constant 1 : i32
      %add3A_134 = arith.addi %mul3A_132, %add3A_133 : i32
      %add3A_135 = arith.constant 1 : i32
      %add3A_136 = arith.addi %add3A_134, %add3A_135 : i32
      %mul3A_137 = arith.constant 80 : i32
      %mul3A_138 = arith.muli %add3A, %mul3A_137 : i32
      %add3A_139 = arith.addi %mul3A_138, %add3A_136 : i32
      %mul3A_140 = arith.constant 128 : i32
      %mul3A_141 = arith.muli %add3A_139, %mul3A_140 : i32
      %multiple_of3A_142 = tpu.assume_multiple %mul3A_141, 128 : i32
      "tpu.region"() ({
        %run_scoped3A = tpu.sem_alloc : memref<!tpu.dma_semaphore, #tpu.memory_space<semaphore_mem>>
        %dma_start3A_169 = tpu.memref_slice %arg3[%multiple_of3A_142] : memref<327680xi32, #tpu.memory_space<hbm>> -> memref<128xi32, #tpu.memory_space<hbm>>
        %dma_start3A_170 = tpu.memref_slice %arg3[%multiple_of3A_142] : memref<327680xi32, #tpu.memory_space<hbm>> -> memref<128xi32, #tpu.memory_space<hbm>>
        tpu.enqueue_dma source(%dma_start3A_170 : memref<128xi32, #tpu.memory_space<hbm>>) target(%arg8 : memref<128xi32, #tpu.memory_space<vmem>>) target_semaphore(%run_scoped3A : memref<!tpu.dma_semaphore, #tpu.memory_space<semaphore_mem>>)
        %dma_wait3A_171 = tpu.memref_slice %arg3[%multiple_of3A_142] : memref<327680xi32, #tpu.memory_space<hbm>> -> memref<128xi32, #tpu.memory_space<hbm>>
        %dma_wait3A_172 = tpu.memref_slice %arg3[%multiple_of3A_142] : memref<327680xi32, #tpu.memory_space<hbm>> -> memref<128xi32, #tpu.memory_space<hbm>>
        tpu.wait_dma2 semaphore(%run_scoped3A : memref<!tpu.dma_semaphore, #tpu.memory_space<semaphore_mem>>) src(%dma_wait3A_172 : memref<128xi32, #tpu.memory_space<hbm>>) dst(%arg8 : memref<128xi32, #tpu.memory_space<vmem>>)
        tpu.yield
      }) : () -> ()
      %dma_start3A_143 = arith.constant 0 : i32
      %dma_start3A_144 = arith.constant 0 : i32
      %dma_start3A_145 = tpu.memref_slice %arg2[%dma_start3A_143, %dma_start3A_144] : memref<10000x128xf32, #tpu.memory_space<hbm>> -> memref<10000x128xf32, #tpu.memory_space<hbm>>
      tpu.enqueue_indirect_dma source(%dma_start3A_145 : memref<10000x128xf32, #tpu.memory_space<hbm>>) target(%arg12 : memref<128x128xf32, #tpu.memory_space<vmem>>) offsets(%arg8 : memref<128xi32, #tpu.memory_space<vmem>>) semaphore(%arg15 : memref<!tpu.dma_semaphore, #tpu.memory_space<semaphore_mem>>)
      %mul3A_146 = arith.constant 80 : i32
      %mul3A_147 = arith.muli %add3A, %mul3A_146 : i32
      %add3A_148 = arith.addi %mul3A_147, %add3A_134 : i32
      %mul3A_149 = arith.constant 128 : i32
      %mul3A_150 = arith.muli %add3A_148, %mul3A_149 : i32
      %multiple_of3A_151 = tpu.assume_multiple %mul3A_150, 128 : i32
      "tpu.region"() ({
        %run_scoped3A = tpu.sem_alloc : memref<!tpu.dma_semaphore, #tpu.memory_space<semaphore_mem>>
        %dma_start3A_169 = tpu.memref_slice %arg4[%multiple_of3A_151] : memref<327680xi32, #tpu.memory_space<hbm>> -> memref<128xi32, #tpu.memory_space<hbm>>
        %dma_start3A_170 = tpu.memref_slice %arg4[%multiple_of3A_151] : memref<327680xi32, #tpu.memory_space<hbm>> -> memref<128xi32, #tpu.memory_space<hbm>>
        tpu.enqueue_dma source(%dma_start3A_170 : memref<128xi32, #tpu.memory_space<hbm>>) target(%arg10 : memref<128xi32, #tpu.memory_space<vmem>>) target_semaphore(%run_scoped3A : memref<!tpu.dma_semaphore, #tpu.memory_space<semaphore_mem>>)
        %dma_wait3A_171 = tpu.memref_slice %arg4[%multiple_of3A_151] : memref<327680xi32, #tpu.memory_space<hbm>> -> memref<128xi32, #tpu.memory_space<hbm>>
        %dma_wait3A_172 = tpu.memref_slice %arg4[%multiple_of3A_151] : memref<327680xi32, #tpu.memory_space<hbm>> -> memref<128xi32, #tpu.memory_space<hbm>>
        tpu.wait_dma2 semaphore(%run_scoped3A : memref<!tpu.dma_semaphore, #tpu.memory_space<semaphore_mem>>) src(%dma_wait3A_172 : memref<128xi32, #tpu.memory_space<hbm>>) dst(%arg10 : memref<128xi32, #tpu.memory_space<vmem>>)
        tpu.yield
      }) : () -> ()
      %mul3A_152 = arith.constant 80 : i32
      %mul3A_153 = arith.muli %add3A, %mul3A_152 : i32
      %add3A_154 = arith.addi %mul3A_153, %add3A_134 : i32
      %mul3A_155 = arith.constant 128 : i32
      %mul3A_156 = arith.muli %add3A_154, %mul3A_155 : i32
      %multiple_of3A_157 = tpu.assume_multiple %mul3A_156, 128 : i32
      "tpu.region"() ({
        %run_scoped3A = tpu.sem_alloc : memref<!tpu.dma_semaphore, #tpu.memory_space<semaphore_mem>>
        %dma_start3A_169 = tpu.memref_slice %arg5[%multiple_of3A_157] : memref<327680xf32, #tpu.memory_space<hbm>> -> memref<128xf32, #tpu.memory_space<hbm>>
        %dma_start3A_170 = tpu.memref_slice %arg5[%multiple_of3A_157] : memref<327680xf32, #tpu.memory_space<hbm>> -> memref<128xf32, #tpu.memory_space<hbm>>
        tpu.enqueue_dma source(%dma_start3A_170 : memref<128xf32, #tpu.memory_space<hbm>>) target(%arg11 : memref<128xf32, #tpu.memory_space<vmem>>) target_semaphore(%run_scoped3A : memref<!tpu.dma_semaphore, #tpu.memory_space<semaphore_mem>>)
        %dma_wait3A_171 = tpu.memref_slice %arg5[%multiple_of3A_157] : memref<327680xf32, #tpu.memory_space<hbm>> -> memref<128xf32, #tpu.memory_space<hbm>>
        %dma_wait3A_172 = tpu.memref_slice %arg5[%multiple_of3A_157] : memref<327680xf32, #tpu.memory_space<hbm>> -> memref<128xf32, #tpu.memory_space<hbm>>
        tpu.wait_dma2 semaphore(%run_scoped3A : memref<!tpu.dma_semaphore, #tpu.memory_space<semaphore_mem>>) src(%dma_wait3A_172 : memref<128xf32, #tpu.memory_space<hbm>>) dst(%arg11 : memref<128xf32, #tpu.memory_space<vmem>>)
        tpu.yield
      }) : () -> ()
      %dma_wait3A_158 = arith.constant 0 : i32
      %dma_wait3A_159 = arith.constant 0 : i32
      %dma_wait3A_160 = tpu.memref_slice %arg2[%dma_wait3A_158, %dma_wait3A_159] : memref<10000x128xf32, #tpu.memory_space<hbm>> -> memref<10000x128xf32, #tpu.memory_space<hbm>>
      tpu.wait_indirect_dma semaphore(%arg16 : memref<!tpu.dma_semaphore, #tpu.memory_space<semaphore_mem>>) src(%dma_wait3A_160 : memref<10000x128xf32, #tpu.memory_space<hbm>>) dst(%arg13 : memref<128x128xf32, #tpu.memory_space<vmem>>)
      %scan3A_161 = arith.constant 0 : i32
      %scan3A_162 = arith.constant 0 : i32
      %scan3A_163 = arith.constant 128 : i32
      %scan3A_164 = arith.addi %scan3A_162, %scan3A_163 : i32
      %scan3A_165 = arith.constant 1 : i32
      %scan3A_166 = scf.for %scan3A_169 = %scan3A_162 to %scan3A_164 step %scan3A_165 iter_args(%scan3A_170 = %scan3A_161) -> (i32)  : i32 {
        %broadcast_in_dim3A = vector.broadcast %scan3A_169 : i32 to vector<16xi32>
        %gather3A = tpu.vector_load_idx %arg11[%broadcast_in_dim3A] : memref<128xf32, #tpu.memory_space<vmem>>[vector<16xi32>], vector<16xf32>,
        %get3A = arith.index_cast %scan3A_169 : i32 to index
        %get3A_171 = arith.constant 0 : index
        %get3A_172 = tpu.vector_load %arg13[%get3A, %get3A_171] {strides = array<i32>} : memref<128x128xf32, #tpu.memory_space<vmem>>, vector<16xf32>,
        %mul3A_173 = arith.mulf %get3A_172, %gather3A : vector<16xf32>
        %swap3A = arith.index_cast %scan3A_169 : i32 to index
        %swap3A_174 = arith.constant 0 : index
        %swap3A_175 = tpu.vector_load %arg13[%swap3A, %swap3A_174] {strides = array<i32>} : memref<128x128xf32, #tpu.memory_space<vmem>>, vector<16xf32>,
        tpu.vector_store %arg13[%swap3A, %swap3A_174], %mul3A_173 {strides = array<i32>} : memref<128x128xf32, #tpu.memory_space<vmem>>, vector<16xf32>,
        %get3A_176 = arith.index_cast %scan3A_169 : i32 to index
        %get3A_177 = arith.constant 16 : index
        %get3A_178 = tpu.vector_load %arg13[%get3A_176, %get3A_177] {strides = array<i32>} : memref<128x128xf32, #tpu.memory_space<vmem>>, vector<16xf32>,
        %mul3A_179 = arith.mulf %get3A_178, %gather3A : vector<16xf32>
        %swap3A_180 = arith.index_cast %scan3A_169 : i32 to index
        %swap3A_181 = arith.constant 16 : index
        %swap3A_182 = tpu.vector_load %arg13[%swap3A_180, %swap3A_181] {strides = array<i32>} : memref<128x128xf32, #tpu.memory_space<vmem>>, vector<16xf32>,
        tpu.vector_store %arg13[%swap3A_180, %swap3A_181], %mul3A_179 {strides = array<i32>} : memref<128x128xf32, #tpu.memory_space<vmem>>, vector<16xf32>,
        %get3A_183 = arith.index_cast %scan3A_169 : i32 to index
        %get3A_184 = arith.constant 32 : index
        %get3A_185 = tpu.vector_load %arg13[%get3A_183, %get3A_184] {strides = array<i32>} : memref<128x128xf32, #tpu.memory_space<vmem>>, vector<16xf32>,
        %mul3A_186 = arith.mulf %get3A_185, %gather3A : vector<16xf32>
        %swap3A_187 = arith.index_cast %scan3A_169 : i32 to index
        %swap3A_188 = arith.constant 32 : index
        %swap3A_189 = tpu.vector_load %arg13[%swap3A_187, %swap3A_188] {strides = array<i32>} : memref<128x128xf32, #tpu.memory_space<vmem>>, vector<16xf32>,
        tpu.vector_store %arg13[%swap3A_187, %swap3A_188], %mul3A_186 {strides = array<i32>} : memref<128x128xf32, #tpu.memory_space<vmem>>, vector<16xf32>,
        %get3A_190 = arith.index_cast %scan3A_169 : i32 to index
        %get3A_191 = arith.constant 48 : index
        %get3A_192 = tpu.vector_load %arg13[%get3A_190, %get3A_191] {strides = array<i32>} : memref<128x128xf32, #tpu.memory_space<vmem>>, vector<16xf32>,
        %mul3A_193 = arith.mulf %get3A_192, %gather3A : vector<16xf32>
        %swap3A_194 = arith.index_cast %scan3A_169 : i32 to index
        %swap3A_195 = arith.constant 48 : index
        %swap3A_196 = tpu.vector_load %arg13[%swap3A_194, %swap3A_195] {strides = array<i32>} : memref<128x128xf32, #tpu.memory_space<vmem>>, vector<16xf32>,
        tpu.vector_store %arg13[%swap3A_194, %swap3A_195], %mul3A_193 {strides = array<i32>} : memref<128x128xf32, #tpu.memory_space<vmem>>, vector<16xf32>,
        %get3A_197 = arith.index_cast %scan3A_169 : i32 to index
        %get3A_198 = arith.constant 64 : index
        %get3A_199 = tpu.vector_load %arg13[%get3A_197, %get3A_198] {strides = array<i32>} : memref<128x128xf32, #tpu.memory_space<vmem>>, vector<16xf32>,
        %mul3A_200 = arith.mulf %get3A_199, %gather3A : vector<16xf32>
        %swap3A_201 = arith.index_cast %scan3A_169 : i32 to index
        %swap3A_202 = arith.constant 64 : index
        %swap3A_203 = tpu.vector_load %arg13[%swap3A_201, %swap3A_202] {strides = array<i32>} : memref<128x128xf32, #tpu.memory_space<vmem>>, vector<16xf32>,
        tpu.vector_store %arg13[%swap3A_201, %swap3A_202], %mul3A_200 {strides = array<i32>} : memref<128x128xf32, #tpu.memory_space<vmem>>, vector<16xf32>,
        %get3A_204 = arith.index_cast %scan3A_169 : i32 to index
        %get3A_205 = arith.constant 80 : index
        %get3A_206 = tpu.vector_load %arg13[%get3A_204, %get3A_205] {strides = array<i32>} : memref<128x128xf32, #tpu.memory_space<vmem>>, vector<16xf32>,
        %mul3A_207 = arith.mulf %get3A_206, %gather3A : vector<16xf32>
        %swap3A_208 = arith.index_cast %scan3A_169 : i32 to index
        %swap3A_209 = arith.constant 80 : index
        %swap3A_210 = tpu.vector_load %arg13[%swap3A_208, %swap3A_209] {strides = array<i32>} : memref<128x128xf32, #tpu.memory_space<vmem>>, vector<16xf32>,
        tpu.vector_store %arg13[%swap3A_208, %swap3A_209], %mul3A_207 {strides = array<i32>} : memref<128x128xf32, #tpu.memory_space<vmem>>, vector<16xf32>,
        %get3A_211 = arith.index_cast %scan3A_169 : i32 to index
        %get3A_212 = arith.constant 96 : index
        %get3A_213 = tpu.vector_load %arg13[%get3A_211, %get3A_212] {strides = array<i32>} : memref<128x128xf32, #tpu.memory_space<vmem>>, vector<16xf32>,
        %mul3A_214 = arith.mulf %get3A_213, %gather3A : vector<16xf32>
        %swap3A_215 = arith.index_cast %scan3A_169 : i32 to index
        %swap3A_216 = arith.constant 96 : index
        %swap3A_217 = tpu.vector_load %arg13[%swap3A_215, %swap3A_216] {strides = array<i32>} : memref<128x128xf32, #tpu.memory_space<vmem>>, vector<16xf32>,
        tpu.vector_store %arg13[%swap3A_215, %swap3A_216], %mul3A_214 {strides = array<i32>} : memref<128x128xf32, #tpu.memory_space<vmem>>, vector<16xf32>,
        %get3A_218 = arith.index_cast %scan3A_169 : i32 to index
        %get3A_219 = arith.constant 112 : index
        %get3A_220 = tpu.vector_load %arg13[%get3A_218, %get3A_219] {strides = array<i32>} : memref<128x128xf32, #tpu.memory_space<vmem>>, vector<16xf32>,
        %mul3A_221 = arith.mulf %get3A_220, %gather3A : vector<16xf32>
        %swap3A_222 = arith.index_cast %scan3A_169 : i32 to index
        %swap3A_223 = arith.constant 112 : index
        %swap3A_224 = tpu.vector_load %arg13[%swap3A_222, %swap3A_223] {strides = array<i32>} : memref<128x128xf32, #tpu.memory_space<vmem>>, vector<16xf32>,
        tpu.vector_store %arg13[%swap3A_222, %swap3A_223], %mul3A_221 {strides = array<i32>} : memref<128x128xf32, #tpu.memory_space<vmem>>, vector<16xf32>,
        %scan3A_225 = arith.constant 0 : i32
        scf.yield %scan3A_225 : i32
      }
      %scan3A_167 = arith.constant 128 : i32
      "tpu.region"() ({
        %run_scoped3A = tpu.sem_alloc : memref<!tpu.dma_semaphore, #tpu.memory_space<semaphore_mem>>
        %dma_start3A_169 = arith.constant 0 : i32
        %dma_start3A_170 = arith.constant 0 : i32
        %dma_start3A_171 = tpu.memref_slice %arg14[%dma_start3A_169, %dma_start3A_170] : memref<10000x128xf32, #tpu.memory_space<vmem_shared>> -> memref<10000x128xf32, #tpu.memory_space<vmem_shared>>
        tpu.enqueue_indirect_dma source(%arg13 : memref<128x128xf32, #tpu.memory_space<vmem>>) target(%dma_start3A_171 : memref<10000x128xf32, #tpu.memory_space<vmem_shared>>) offsets(%arg10 : memref<128xi32, #tpu.memory_space<vmem>>) semaphore(%run_scoped3A : memref<!tpu.dma_semaphore, #tpu.memory_space<semaphore_mem>>) {add = true}
        %dma_wait3A_172 = arith.constant 0 : i32
        %dma_wait3A_173 = arith.constant 0 : i32
        %dma_wait3A_174 = tpu.memref_slice %arg14[%dma_wait3A_172, %dma_wait3A_173] : memref<10000x128xf32, #tpu.memory_space<vmem_shared>> -> memref<10000x128xf32, #tpu.memory_space<vmem_shared>>
        tpu.wait_indirect_dma semaphore(%run_scoped3A : memref<!tpu.dma_semaphore, #tpu.memory_space<semaphore_mem>>) src(%arg13 : memref<128x128xf32, #tpu.memory_space<vmem>>) dst(%dma_wait3A_174 : memref<10000x128xf32, #tpu.memory_space<vmem_shared>>)
        tpu.yield
      }) : () -> ()
      %scan3A_168 = arith.constant 0 : i32
      scf.yield %scan3A_168 : i32
    }
    %scan3A_24 = arith.constant 39 : i32
    %add3A_25 = arith.constant 78 : i32
    %add3A_26 = arith.addi %mul3A_10, %add3A_25 : i32
    %add3A_27 = arith.constant 1 : i32
    %add3A_28 = arith.addi %add3A_26, %add3A_27 : i32
    %mul3A_29 = arith.constant 80 : i32
    %mul3A_30 = arith.muli %add3A, %mul3A_29 : i32
    %add3A_31 = arith.addi %mul3A_30, %add3A_28 : i32
    %mul3A_32 = arith.constant 128 : i32
    %mul3A_33 = arith.muli %add3A_31, %mul3A_32 : i32
    %multiple_of3A_34 = tpu.assume_multiple %mul3A_33, 128 : i32
    "tpu.region"() ({
      %run_scoped3A = tpu.sem_alloc : memref<!tpu.dma_semaphore, #tpu.memory_space<semaphore_mem>>
      %dma_start3A_94 = tpu.memref_slice %arg3[%multiple_of3A_34] : memref<327680xi32, #tpu.memory_space<hbm>> -> memref<128xi32, #tpu.memory_space<hbm>>
      %dma_start3A_95 = tpu.memref_slice %arg3[%multiple_of3A_34] : memref<327680xi32, #tpu.memory_space<hbm>> -> memref<128xi32, #tpu.memory_space<hbm>>
      tpu.enqueue_dma source(%dma_start3A_95 : memref<128xi32, #tpu.memory_space<hbm>>) target(%arg9 : memref<128xi32, #tpu.memory_space<vmem>>) target_semaphore(%run_scoped3A : memref<!tpu.dma_semaphore, #tpu.memory_space<semaphore_mem>>)
      %dma_wait3A_96 = tpu.memref_slice %arg3[%multiple_of3A_34] : memref<327680xi32, #tpu.memory_space<hbm>> -> memref<128xi32, #tpu.memory_space<hbm>>
      %dma_wait3A_97 = tpu.memref_slice %arg3[%multiple_of3A_34] : memref<327680xi32, #tpu.memory_space<hbm>> -> memref<128xi32, #tpu.memory_space<hbm>>
      tpu.wait_dma2 semaphore(%run_scoped3A : memref<!tpu.dma_semaphore, #tpu.memory_space<semaphore_mem>>) src(%dma_wait3A_97 : memref<128xi32, #tpu.memory_space<hbm>>) dst(%arg9 : memref<128xi32, #tpu.memory_space<vmem>>)
      tpu.yield
    }) : () -> ()
    %dma_start3A_35 = arith.constant 0 : i32
    %dma_start3A_36 = arith.constant 0 : i32
    %dma_start3A_37 = tpu.memref_slice %arg2[%dma_start3A_35, %dma_start3A_36] : memref<10000x128xf32, #tpu.memory_space<hbm>> -> memref<10000x128xf32, #tpu.memory_space<hbm>>
    tpu.enqueue_indirect_dma source(%dma_start3A_37 : memref<10000x128xf32, #tpu.memory_space<hbm>>) target(%arg13 : memref<128x128xf32, #tpu.memory_space<vmem>>) offsets(%arg9 : memref<128xi32, #tpu.memory_space<vmem>>) semaphore(%arg16 : memref<!tpu.dma_semaphore, #tpu.memory_space<semaphore_mem>>)
    %mul3A_38 = arith.constant 80 : i32
    %mul3A_39 = arith.muli %add3A, %mul3A_38 : i32
    %add3A_40 = arith.addi %mul3A_39, %add3A_26 : i32
    %mul3A_41 = arith.constant 128 : i32
    %mul3A_42 = arith.muli %add3A_40, %mul3A_41 : i32
    %multiple_of3A_43 = tpu.assume_multiple %mul3A_42, 128 : i32
    "tpu.region"() ({
      %run_scoped3A = tpu.sem_alloc : memref<!tpu.dma_semaphore, #tpu.memory_space<semaphore_mem>>
      %dma_start3A_94 = tpu.memref_slice %arg4[%multiple_of3A_43] : memref<327680xi32, #tpu.memory_space<hbm>> -> memref<128xi32, #tpu.memory_space<hbm>>
      %dma_start3A_95 = tpu.memref_slice %arg4[%multiple_of3A_43] : memref<327680xi32, #tpu.memory_space<hbm>> -> memref<128xi32, #tpu.memory_space<hbm>>
      tpu.enqueue_dma source(%dma_start3A_95 : memref<128xi32, #tpu.memory_space<hbm>>) target(%arg10 : memref<128xi32, #tpu.memory_space<vmem>>) target_semaphore(%run_scoped3A : memref<!tpu.dma_semaphore, #tpu.memory_space<semaphore_mem>>)
      %dma_wait3A_96 = tpu.memref_slice %arg4[%multiple_of3A_43] : memref<327680xi32, #tpu.memory_space<hbm>> -> memref<128xi32, #tpu.memory_space<hbm>>
      %dma_wait3A_97 = tpu.memref_slice %arg4[%multiple_of3A_43] : memref<327680xi32, #tpu.memory_space<hbm>> -> memref<128xi32, #tpu.memory_space<hbm>>
      tpu.wait_dma2 semaphore(%run_scoped3A : memref<!tpu.dma_semaphore, #tpu.memory_space<semaphore_mem>>) src(%dma_wait3A_97 : memref<128xi32, #tpu.memory_space<hbm>>) dst(%arg10 : memref<128xi32, #tpu.memory_space<vmem>>)
      tpu.yield
    }) : () -> ()
    %mul3A_44 = arith.constant 80 : i32
    %mul3A_45 = arith.muli %add3A, %mul3A_44 : i32
    %add3A_46 = arith.addi %mul3A_45, %add3A_26 : i32
    %mul3A_47 = arith.constant 128 : i32
    %mul3A_48 = arith.muli %add3A_46, %mul3A_47 : i32
    %multiple_of3A_49 = tpu.assume_multiple %mul3A_48, 128 : i32
    "tpu.region"() ({
      %run_scoped3A = tpu.sem_alloc : memref<!tpu.dma_semaphore, #tpu.memory_space<semaphore_mem>>
      %dma_start3A_94 = tpu.memref_slice %arg5[%multiple_of3A_49] : memref<327680xf32, #tpu.memory_space<hbm>> -> memref<128xf32, #tpu.memory_space<hbm>>
      %dma_start3A_95 = tpu.memref_slice %arg5[%multiple_of3A_49] : memref<327680xf32, #tpu.memory_space<hbm>> -> memref<128xf32, #tpu.memory_space<hbm>>
      tpu.enqueue_dma source(%dma_start3A_95 : memref<128xf32, #tpu.memory_space<hbm>>) target(%arg11 : memref<128xf32, #tpu.memory_space<vmem>>) target_semaphore(%run_scoped3A : memref<!tpu.dma_semaphore, #tpu.memory_space<semaphore_mem>>)
      %dma_wait3A_96 = tpu.memref_slice %arg5[%multiple_of3A_49] : memref<327680xf32, #tpu.memory_space<hbm>> -> memref<128xf32, #tpu.memory_space<hbm>>
      %dma_wait3A_97 = tpu.memref_slice %arg5[%multiple_of3A_49] : memref<327680xf32, #tpu.memory_space<hbm>> -> memref<128xf32, #tpu.memory_space<hbm>>
      tpu.wait_dma2 semaphore(%run_scoped3A : memref<!tpu.dma_semaphore, #tpu.memory_space<semaphore_mem>>) src(%dma_wait3A_97 : memref<128xf32, #tpu.memory_space<hbm>>) dst(%arg11 : memref<128xf32, #tpu.memory_space<vmem>>)
      tpu.yield
    }) : () -> ()
    %dma_wait3A = arith.constant 0 : i32
    %dma_wait3A_50 = arith.constant 0 : i32
    %dma_wait3A_51 = tpu.memref_slice %arg2[%dma_wait3A, %dma_wait3A_50] : memref<10000x128xf32, #tpu.memory_space<hbm>> -> memref<10000x128xf32, #tpu.memory_space<hbm>>
    tpu.wait_indirect_dma semaphore(%arg15 : memref<!tpu.dma_semaphore, #tpu.memory_space<semaphore_mem>>) src(%dma_wait3A_51 : memref<10000x128xf32, #tpu.memory_space<hbm>>) dst(%arg12 : memref<128x128xf32, #tpu.memory_space<vmem>>)
    %scan3A_52 = arith.constant 0 : i32
    %scan3A_53 = arith.constant 0 : i32
    %scan3A_54 = arith.constant 128 : i32
    %scan3A_55 = arith.addi %scan3A_53, %scan3A_54 : i32
    %scan3A_56 = arith.constant 1 : i32
    %scan3A_57 = scf.for %scan3A_94 = %scan3A_53 to %scan3A_55 step %scan3A_56 iter_args(%scan3A_95 = %scan3A_52) -> (i32)  : i32 {
      %broadcast_in_dim3A = vector.broadcast %scan3A_94 : i32 to vector<16xi32>
      %gather3A = tpu.vector_load_idx %arg11[%broadcast_in_dim3A] : memref<128xf32, #tpu.memory_space<vmem>>[vector<16xi32>], vector<16xf32>,
      %get3A = arith.index_cast %scan3A_94 : i32 to index
      %get3A_96 = arith.constant 0 : index
      %get3A_97 = tpu.vector_load %arg12[%get3A, %get3A_96] {strides = array<i32>} : memref<128x128xf32, #tpu.memory_space<vmem>>, vector<16xf32>,
      %mul3A_98 = arith.mulf %get3A_97, %gather3A : vector<16xf32>
      %swap3A = arith.index_cast %scan3A_94 : i32 to index
      %swap3A_99 = arith.constant 0 : index
      %swap3A_100 = tpu.vector_load %arg12[%swap3A, %swap3A_99] {strides = array<i32>} : memref<128x128xf32, #tpu.memory_space<vmem>>, vector<16xf32>,
      tpu.vector_store %arg12[%swap3A, %swap3A_99], %mul3A_98 {strides = array<i32>} : memref<128x128xf32, #tpu.memory_space<vmem>>, vector<16xf32>,
      %get3A_101 = arith.index_cast %scan3A_94 : i32 to index
      %get3A_102 = arith.constant 16 : index
      %get3A_103 = tpu.vector_load %arg12[%get3A_101, %get3A_102] {strides = array<i32>} : memref<128x128xf32, #tpu.memory_space<vmem>>, vector<16xf32>,
      %mul3A_104 = arith.mulf %get3A_103, %gather3A : vector<16xf32>
      %swap3A_105 = arith.index_cast %scan3A_94 : i32 to index
      %swap3A_106 = arith.constant 16 : index
      %swap3A_107 = tpu.vector_load %arg12[%swap3A_105, %swap3A_106] {strides = array<i32>} : memref<128x128xf32, #tpu.memory_space<vmem>>, vector<16xf32>,
      tpu.vector_store %arg12[%swap3A_105, %swap3A_106], %mul3A_104 {strides = array<i32>} : memref<128x128xf32, #tpu.memory_space<vmem>>, vector<16xf32>,
      %get3A_108 = arith.index_cast %scan3A_94 : i32 to index
      %get3A_109 = arith.constant 32 : index
      %get3A_110 = tpu.vector_load %arg12[%get3A_108, %get3A_109] {strides = array<i32>} : memref<128x128xf32, #tpu.memory_space<vmem>>, vector<16xf32>,
      %mul3A_111 = arith.mulf %get3A_110, %gather3A : vector<16xf32>
      %swap3A_112 = arith.index_cast %scan3A_94 : i32 to index
      %swap3A_113 = arith.constant 32 : index
      %swap3A_114 = tpu.vector_load %arg12[%swap3A_112, %swap3A_113] {strides = array<i32>} : memref<128x128xf32, #tpu.memory_space<vmem>>, vector<16xf32>,
      tpu.vector_store %arg12[%swap3A_112, %swap3A_113], %mul3A_111 {strides = array<i32>} : memref<128x128xf32, #tpu.memory_space<vmem>>, vector<16xf32>,
      %get3A_115 = arith.index_cast %scan3A_94 : i32 to index
      %get3A_116 = arith.constant 48 : index
      %get3A_117 = tpu.vector_load %arg12[%get3A_115, %get3A_116] {strides = array<i32>} : memref<128x128xf32, #tpu.memory_space<vmem>>, vector<16xf32>,
      %mul3A_118 = arith.mulf %get3A_117, %gather3A : vector<16xf32>
      %swap3A_119 = arith.index_cast %scan3A_94 : i32 to index
      %swap3A_120 = arith.constant 48 : index
      %swap3A_121 = tpu.vector_load %arg12[%swap3A_119, %swap3A_120] {strides = array<i32>} : memref<128x128xf32, #tpu.memory_space<vmem>>, vector<16xf32>,
      tpu.vector_store %arg12[%swap3A_119, %swap3A_120], %mul3A_118 {strides = array<i32>} : memref<128x128xf32, #tpu.memory_space<vmem>>, vector<16xf32>,
      %get3A_122 = arith.index_cast %scan3A_94 : i32 to index
      %get3A_123 = arith.constant 64 : index
      %get3A_124 = tpu.vector_load %arg12[%get3A_122, %get3A_123] {strides = array<i32>} : memref<128x128xf32, #tpu.memory_space<vmem>>, vector<16xf32>,
      %mul3A_125 = arith.mulf %get3A_124, %gather3A : vector<16xf32>
      %swap3A_126 = arith.index_cast %scan3A_94 : i32 to index
      %swap3A_127 = arith.constant 64 : index
      %swap3A_128 = tpu.vector_load %arg12[%swap3A_126, %swap3A_127] {strides = array<i32>} : memref<128x128xf32, #tpu.memory_space<vmem>>, vector<16xf32>,
      tpu.vector_store %arg12[%swap3A_126, %swap3A_127], %mul3A_125 {strides = array<i32>} : memref<128x128xf32, #tpu.memory_space<vmem>>, vector<16xf32>,
      %get3A_129 = arith.index_cast %scan3A_94 : i32 to index
      %get3A_130 = arith.constant 80 : index
      %get3A_131 = tpu.vector_load %arg12[%get3A_129, %get3A_130] {strides = array<i32>} : memref<128x128xf32, #tpu.memory_space<vmem>>, vector<16xf32>,
      %mul3A_132 = arith.mulf %get3A_131, %gather3A : vector<16xf32>
      %swap3A_133 = arith.index_cast %scan3A_94 : i32 to index
      %swap3A_134 = arith.constant 80 : index
      %swap3A_135 = tpu.vector_load %arg12[%swap3A_133, %swap3A_134] {strides = array<i32>} : memref<128x128xf32, #tpu.memory_space<vmem>>, vector<16xf32>,
      tpu.vector_store %arg12[%swap3A_133, %swap3A_134], %mul3A_132 {strides = array<i32>} : memref<128x128xf32, #tpu.memory_space<vmem>>, vector<16xf32>,
      %get3A_136 = arith.index_cast %scan3A_94 : i32 to index
      %get3A_137 = arith.constant 96 : index
      %get3A_138 = tpu.vector_load %arg12[%get3A_136, %get3A_137] {strides = array<i32>} : memref<128x128xf32, #tpu.memory_space<vmem>>, vector<16xf32>,
      %mul3A_139 = arith.mulf %get3A_138, %gather3A : vector<16xf32>
      %swap3A_140 = arith.index_cast %scan3A_94 : i32 to index
      %swap3A_141 = arith.constant 96 : index
      %swap3A_142 = tpu.vector_load %arg12[%swap3A_140, %swap3A_141] {strides = array<i32>} : memref<128x128xf32, #tpu.memory_space<vmem>>, vector<16xf32>,
      tpu.vector_store %arg12[%swap3A_140, %swap3A_141], %mul3A_139 {strides = array<i32>} : memref<128x128xf32, #tpu.memory_space<vmem>>, vector<16xf32>,
      %get3A_143 = arith.index_cast %scan3A_94 : i32 to index
      %get3A_144 = arith.constant 112 : index
      %get3A_145 = tpu.vector_load %arg12[%get3A_143, %get3A_144] {strides = array<i32>} : memref<128x128xf32, #tpu.memory_space<vmem>>, vector<16xf32>,
      %mul3A_146 = arith.mulf %get3A_145, %gather3A : vector<16xf32>
      %swap3A_147 = arith.index_cast %scan3A_94 : i32 to index
      %swap3A_148 = arith.constant 112 : index
      %swap3A_149 = tpu.vector_load %arg12[%swap3A_147, %swap3A_148] {strides = array<i32>} : memref<128x128xf32, #tpu.memory_space<vmem>>, vector<16xf32>,
      tpu.vector_store %arg12[%swap3A_147, %swap3A_148], %mul3A_146 {strides = array<i32>} : memref<128x128xf32, #tpu.memory_space<vmem>>, vector<16xf32>,
      %scan3A_150 = arith.constant 0 : i32
      scf.yield %scan3A_150 : i32
    }
    %scan3A_58 = arith.constant 128 : i32
    "tpu.region"() ({
      %run_scoped3A = tpu.sem_alloc : memref<!tpu.dma_semaphore, #tpu.memory_space<semaphore_mem>>
      %dma_start3A_94 = arith.constant 0 : i32
      %dma_start3A_95 = arith.constant 0 : i32
      %dma_start3A_96 = tpu.memref_slice %arg14[%dma_start3A_94, %dma_start3A_95] : memref<10000x128xf32, #tpu.memory_space<vmem_shared>> -> memref<10000x128xf32, #tpu.memory_space<vmem_shared>>
      tpu.enqueue_indirect_dma source(%arg12 : memref<128x128xf32, #tpu.memory_space<vmem>>) target(%dma_start3A_96 : memref<10000x128xf32, #tpu.memory_space<vmem_shared>>) offsets(%arg10 : memref<128xi32, #tpu.memory_space<vmem>>) semaphore(%run_scoped3A : memref<!tpu.dma_semaphore, #tpu.memory_space<semaphore_mem>>) {add = true}
      %dma_wait3A_97 = arith.constant 0 : i32
      %dma_wait3A_98 = arith.constant 0 : i32
      %dma_wait3A_99 = tpu.memref_slice %arg14[%dma_wait3A_97, %dma_wait3A_98] : memref<10000x128xf32, #tpu.memory_space<vmem_shared>> -> memref<10000x128xf32, #tpu.memory_space<vmem_shared>>
      tpu.wait_indirect_dma semaphore(%run_scoped3A : memref<!tpu.dma_semaphore, #tpu.memory_space<semaphore_mem>>) src(%arg12 : memref<128x128xf32, #tpu.memory_space<vmem>>) dst(%dma_wait3A_99 : memref<10000x128xf32, #tpu.memory_space<vmem_shared>>)
      tpu.yield
    }) : () -> ()
    %add3A_59 = arith.constant 79 : i32
    %add3A_60 = arith.addi %mul3A_10, %add3A_59 : i32
    %mul3A_61 = arith.constant 80 : i32
    %mul3A_62 = arith.muli %add3A, %mul3A_61 : i32
    %add3A_63 = arith.addi %mul3A_62, %add3A_60 : i32
    %mul3A_64 = arith.constant 128 : i32
    %mul3A_65 = arith.muli %add3A_63, %mul3A_64 : i32
    %multiple_of3A_66 = tpu.assume_multiple %mul3A_65, 128 : i32
    "tpu.region"() ({
      %run_scoped3A = tpu.sem_alloc : memref<!tpu.dma_semaphore, #tpu.memory_space<semaphore_mem>>
      %dma_start3A_94 = tpu.memref_slice %arg4[%multiple_of3A_66] : memref<327680xi32, #tpu.memory_space<hbm>> -> memref<128xi32, #tpu.memory_space<hbm>>
      %dma_start3A_95 = tpu.memref_slice %arg4[%multiple_of3A_66] : memref<327680xi32, #tpu.memory_space<hbm>> -> memref<128xi32, #tpu.memory_space<hbm>>
      tpu.enqueue_dma source(%dma_start3A_95 : memref<128xi32, #tpu.memory_space<hbm>>) target(%arg10 : memref<128xi32, #tpu.memory_space<vmem>>) target_semaphore(%run_scoped3A : memref<!tpu.dma_semaphore, #tpu.memory_space<semaphore_mem>>)
      %dma_wait3A_96 = tpu.memref_slice %arg4[%multiple_of3A_66] : memref<327680xi32, #tpu.memory_space<hbm>> -> memref<128xi32, #tpu.memory_space<hbm>>
      %dma_wait3A_97 = tpu.memref_slice %arg4[%multiple_of3A_66] : memref<327680xi32, #tpu.memory_space<hbm>> -> memref<128xi32, #tpu.memory_space<hbm>>
      tpu.wait_dma2 semaphore(%run_scoped3A : memref<!tpu.dma_semaphore, #tpu.memory_space<semaphore_mem>>) src(%dma_wait3A_97 : memref<128xi32, #tpu.memory_space<hbm>>) dst(%arg10 : memref<128xi32, #tpu.memory_space<vmem>>)
      tpu.yield
    }) : () -> ()
    %mul3A_67 = arith.constant 80 : i32
    %mul3A_68 = arith.muli %add3A, %mul3A_67 : i32
    %add3A_69 = arith.addi %mul3A_68, %add3A_60 : i32
    %mul3A_70 = arith.constant 128 : i32
    %mul3A_71 = arith.muli %add3A_69, %mul3A_70 : i32
    %multiple_of3A_72 = tpu.assume_multiple %mul3A_71, 128 : i32
    "tpu.region"() ({
      %run_scoped3A = tpu.sem_alloc : memref<!tpu.dma_semaphore, #tpu.memory_space<semaphore_mem>>
      %dma_start3A_94 = tpu.memref_slice %arg5[%multiple_of3A_72] : memref<327680xf32, #tpu.memory_space<hbm>> -> memref<128xf32, #tpu.memory_space<hbm>>
      %dma_start3A_95 = tpu.memref_slice %arg5[%multiple_of3A_72] : memref<327680xf32, #tpu.memory_space<hbm>> -> memref<128xf32, #tpu.memory_space<hbm>>
      tpu.enqueue_dma source(%dma_start3A_95 : memref<128xf32, #tpu.memory_space<hbm>>) target(%arg11 : memref<128xf32, #tpu.memory_space<vmem>>) target_semaphore(%run_scoped3A : memref<!tpu.dma_semaphore, #tpu.memory_space<semaphore_mem>>)
      %dma_wait3A_96 = tpu.memref_slice %arg5[%multiple_of3A_72] : memref<327680xf32, #tpu.memory_space<hbm>> -> memref<128xf32, #tpu.memory_space<hbm>>
      %dma_wait3A_97 = tpu.memref_slice %arg5[%multiple_of3A_72] : memref<327680xf32, #tpu.memory_space<hbm>> -> memref<128xf32, #tpu.memory_space<hbm>>
      tpu.wait_dma2 semaphore(%run_scoped3A : memref<!tpu.dma_semaphore, #tpu.memory_space<semaphore_mem>>) src(%dma_wait3A_97 : memref<128xf32, #tpu.memory_space<hbm>>) dst(%arg11 : memref<128xf32, #tpu.memory_space<vmem>>)
      tpu.yield
    }) : () -> ()
    %dma_wait3A_73 = arith.constant 0 : i32
    %dma_wait3A_74 = arith.constant 0 : i32
    %dma_wait3A_75 = tpu.memref_slice %arg2[%dma_wait3A_73, %dma_wait3A_74] : memref<10000x128xf32, #tpu.memory_space<hbm>> -> memref<10000x128xf32, #tpu.memory_space<hbm>>
    tpu.wait_indirect_dma semaphore(%arg16 : memref<!tpu.dma_semaphore, #tpu.memory_space<semaphore_mem>>) src(%dma_wait3A_75 : memref<10000x128xf32, #tpu.memory_space<hbm>>) dst(%arg13 : memref<128x128xf32, #tpu.memory_space<vmem>>)
    %scan3A_76 = arith.constant 0 : i32
    %scan3A_77 = arith.constant 0 : i32
    %scan3A_78 = arith.constant 128 : i32
    %scan3A_79 = arith.addi %scan3A_77, %scan3A_78 : i32
    %scan3A_80 = arith.constant 1 : i32
    %scan3A_81 = scf.for %scan3A_94 = %scan3A_77 to %scan3A_79 step %scan3A_80 iter_args(%scan3A_95 = %scan3A_76) -> (i32)  : i32 {
      %broadcast_in_dim3A = vector.broadcast %scan3A_94 : i32 to vector<16xi32>
      %gather3A = tpu.vector_load_idx %arg11[%broadcast_in_dim3A] : memref<128xf32, #tpu.memory_space<vmem>>[vector<16xi32>], vector<16xf32>,
      %get3A = arith.index_cast %scan3A_94 : i32 to index
      %get3A_96 = arith.constant 0 : index
      %get3A_97 = tpu.vector_load %arg13[%get3A, %get3A_96] {strides = array<i32>} : memref<128x128xf32, #tpu.memory_space<vmem>>, vector<16xf32>,
      %mul3A_98 = arith.mulf %get3A_97, %gather3A : vector<16xf32>
      %swap3A = arith.index_cast %scan3A_94 : i32 to index
      %swap3A_99 = arith.constant 0 : index
      %swap3A_100 = tpu.vector_load %arg13[%swap3A, %swap3A_99] {strides = array<i32>} : memref<128x128xf32, #tpu.memory_space<vmem>>, vector<16xf32>,
      tpu.vector_store %arg13[%swap3A, %swap3A_99], %mul3A_98 {strides = array<i32>} : memref<128x128xf32, #tpu.memory_space<vmem>>, vector<16xf32>,
      %get3A_101 = arith.index_cast %scan3A_94 : i32 to index
      %get3A_102 = arith.constant 16 : index
      %get3A_103 = tpu.vector_load %arg13[%get3A_101, %get3A_102] {strides = array<i32>} : memref<128x128xf32, #tpu.memory_space<vmem>>, vector<16xf32>,
      %mul3A_104 = arith.mulf %get3A_103, %gather3A : vector<16xf32>
      %swap3A_105 = arith.index_cast %scan3A_94 : i32 to index
      %swap3A_106 = arith.constant 16 : index
      %swap3A_107 = tpu.vector_load %arg13[%swap3A_105, %swap3A_106] {strides = array<i32>} : memref<128x128xf32, #tpu.memory_space<vmem>>, vector<16xf32>,
      tpu.vector_store %arg13[%swap3A_105, %swap3A_106], %mul3A_104 {strides = array<i32>} : memref<128x128xf32, #tpu.memory_space<vmem>>, vector<16xf32>,
      %get3A_108 = arith.index_cast %scan3A_94 : i32 to index
      %get3A_109 = arith.constant 32 : index
      %get3A_110 = tpu.vector_load %arg13[%get3A_108, %get3A_109] {strides = array<i32>} : memref<128x128xf32, #tpu.memory_space<vmem>>, vector<16xf32>,
      %mul3A_111 = arith.mulf %get3A_110, %gather3A : vector<16xf32>
      %swap3A_112 = arith.index_cast %scan3A_94 : i32 to index
      %swap3A_113 = arith.constant 32 : index
      %swap3A_114 = tpu.vector_load %arg13[%swap3A_112, %swap3A_113] {strides = array<i32>} : memref<128x128xf32, #tpu.memory_space<vmem>>, vector<16xf32>,
      tpu.vector_store %arg13[%swap3A_112, %swap3A_113], %mul3A_111 {strides = array<i32>} : memref<128x128xf32, #tpu.memory_space<vmem>>, vector<16xf32>,
      %get3A_115 = arith.index_cast %scan3A_94 : i32 to index
      %get3A_116 = arith.constant 48 : index
      %get3A_117 = tpu.vector_load %arg13[%get3A_115, %get3A_116] {strides = array<i32>} : memref<128x128xf32, #tpu.memory_space<vmem>>, vector<16xf32>,
      %mul3A_118 = arith.mulf %get3A_117, %gather3A : vector<16xf32>
      %swap3A_119 = arith.index_cast %scan3A_94 : i32 to index
      %swap3A_120 = arith.constant 48 : index
      %swap3A_121 = tpu.vector_load %arg13[%swap3A_119, %swap3A_120] {strides = array<i32>} : memref<128x128xf32, #tpu.memory_space<vmem>>, vector<16xf32>,
      tpu.vector_store %arg13[%swap3A_119, %swap3A_120], %mul3A_118 {strides = array<i32>} : memref<128x128xf32, #tpu.memory_space<vmem>>, vector<16xf32>,
      %get3A_122 = arith.index_cast %scan3A_94 : i32 to index
      %get3A_123 = arith.constant 64 : index
      %get3A_124 = tpu.vector_load %arg13[%get3A_122, %get3A_123] {strides = array<i32>} : memref<128x128xf32, #tpu.memory_space<vmem>>, vector<16xf32>,
      %mul3A_125 = arith.mulf %get3A_124, %gather3A : vector<16xf32>
      %swap3A_126 = arith.index_cast %scan3A_94 : i32 to index
      %swap3A_127 = arith.constant 64 : index
      %swap3A_128 = tpu.vector_load %arg13[%swap3A_126, %swap3A_127] {strides = array<i32>} : memref<128x128xf32, #tpu.memory_space<vmem>>, vector<16xf32>,
      tpu.vector_store %arg13[%swap3A_126, %swap3A_127], %mul3A_125 {strides = array<i32>} : memref<128x128xf32, #tpu.memory_space<vmem>>, vector<16xf32>,
      %get3A_129 = arith.index_cast %scan3A_94 : i32 to index
      %get3A_130 = arith.constant 80 : index
      %get3A_131 = tpu.vector_load %arg13[%get3A_129, %get3A_130] {strides = array<i32>} : memref<128x128xf32, #tpu.memory_space<vmem>>, vector<16xf32>,
      %mul3A_132 = arith.mulf %get3A_131, %gather3A : vector<16xf32>
      %swap3A_133 = arith.index_cast %scan3A_94 : i32 to index
      %swap3A_134 = arith.constant 80 : index
      %swap3A_135 = tpu.vector_load %arg13[%swap3A_133, %swap3A_134] {strides = array<i32>} : memref<128x128xf32, #tpu.memory_space<vmem>>, vector<16xf32>,
      tpu.vector_store %arg13[%swap3A_133, %swap3A_134], %mul3A_132 {strides = array<i32>} : memref<128x128xf32, #tpu.memory_space<vmem>>, vector<16xf32>,
      %get3A_136 = arith.index_cast %scan3A_94 : i32 to index
      %get3A_137 = arith.constant 96 : index
      %get3A_138 = tpu.vector_load %arg13[%get3A_136, %get3A_137] {strides = array<i32>} : memref<128x128xf32, #tpu.memory_space<vmem>>, vector<16xf32>,
      %mul3A_139 = arith.mulf %get3A_138, %gather3A : vector<16xf32>
      %swap3A_140 = arith.index_cast %scan3A_94 : i32 to index
      %swap3A_141 = arith.constant 96 : index
      %swap3A_142 = tpu.vector_load %arg13[%swap3A_140, %swap3A_141] {strides = array<i32>} : memref<128x128xf32, #tpu.memory_space<vmem>>, vector<16xf32>,
      tpu.vector_store %arg13[%swap3A_140, %swap3A_141], %mul3A_139 {strides = array<i32>} : memref<128x128xf32, #tpu.memory_space<vmem>>, vector<16xf32>,
      %get3A_143 = arith.index_cast %scan3A_94 : i32 to index
      %get3A_144 = arith.constant 112 : index
      %get3A_145 = tpu.vector_load %arg13[%get3A_143, %get3A_144] {strides = array<i32>} : memref<128x128xf32, #tpu.memory_space<vmem>>, vector<16xf32>,
      %mul3A_146 = arith.mulf %get3A_145, %gather3A : vector<16xf32>
      %swap3A_147 = arith.index_cast %scan3A_94 : i32 to index
      %swap3A_148 = arith.constant 112 : index
      %swap3A_149 = tpu.vector_load %arg13[%swap3A_147, %swap3A_148] {strides = array<i32>} : memref<128x128xf32, #tpu.memory_space<vmem>>, vector<16xf32>,
      tpu.vector_store %arg13[%swap3A_147, %swap3A_148], %mul3A_146 {strides = array<i32>} : memref<128x128xf32, #tpu.memory_space<vmem>>, vector<16xf32>,
      %scan3A_150 = arith.constant 0 : i32
      scf.yield %scan3A_150 : i32
    }
    %scan3A_82 = arith.constant 128 : i32
    "tpu.region"() ({
      %run_scoped3A = tpu.sem_alloc : memref<!tpu.dma_semaphore, #tpu.memory_space<semaphore_mem>>
      %dma_start3A_94 = arith.constant 0 : i32
      %dma_start3A_95 = arith.constant 0 : i32
      %dma_start3A_96 = tpu.memref_slice %arg14[%dma_start3A_94, %dma_start3A_95] : memref<10000x128xf32, #tpu.memory_space<vmem_shared>> -> memref<10000x128xf32, #tpu.memory_space<vmem_shared>>
      tpu.enqueue_indirect_dma source(%arg13 : memref<128x128xf32, #tpu.memory_space<vmem>>) target(%dma_start3A_96 : memref<10000x128xf32, #tpu.memory_space<vmem_shared>>) offsets(%arg10 : memref<128xi32, #tpu.memory_space<vmem>>) semaphore(%run_scoped3A : memref<!tpu.dma_semaphore, #tpu.memory_space<semaphore_mem>>) {add = true}
      %dma_wait3A_97 = arith.constant 0 : i32
      %dma_wait3A_98 = arith.constant 0 : i32
      %dma_wait3A_99 = tpu.memref_slice %arg14[%dma_wait3A_97, %dma_wait3A_98] : memref<10000x128xf32, #tpu.memory_space<vmem_shared>> -> memref<10000x128xf32, #tpu.memory_space<vmem_shared>>
      tpu.wait_indirect_dma semaphore(%run_scoped3A : memref<!tpu.dma_semaphore, #tpu.memory_space<semaphore_mem>>) src(%arg13 : memref<128x128xf32, #tpu.memory_space<vmem>>) dst(%dma_wait3A_99 : memref<10000x128xf32, #tpu.memory_space<vmem_shared>>)
      tpu.yield
    }) : () -> ()
    %barrier3A_83 = arith.constant 0 : index
    tpu.barrier barrier_id(%barrier3A_83)
    %lt3A_84 = arith.constant 15 : i32
    %lt3A_85 = arith.cmpi slt, %arg1, %lt3A_84 : i32
    %convert_element_type3A_86 = arith.extui %lt3A_85 : i1 to i32
    %cond3A_87 = arith.constant 0 : i32
    %cond3A_88 = arith.cmpi ne, %convert_element_type3A_86, %cond3A_87 : i32
    scf.if %cond3A_88 {
      "tpu.region"() ({
        %run_scoped3A = tpu.sem_alloc : memref<!tpu.dma_semaphore, #tpu.memory_space<semaphore_mem>>
        %dma_start3A_94 = arith.constant 0 : i32
        %dma_start3A_95 = tpu.memref_slice %arg7[%arg0, %multiple_of3A, %dma_start3A_94] : memref<2x10000x128xf32, #tpu.memory_space<hbm>> -> memref<1x640x128xf32, #tpu.memory_space<hbm>>
        %dma_start3A_96 = tpu.memref_squeeze %dma_start3A_95 : memref<1x640x128xf32, #tpu.memory_space<hbm>> -> memref<640x128xf32, #tpu.memory_space<hbm>>
        %dma_start3A_97 = arith.constant 0 : i32
        %dma_start3A_98 = tpu.memref_slice %arg14[%multiple_of3A, %dma_start3A_97] : memref<10000x128xf32, #tpu.memory_space<vmem_shared>> -> memref<640x128xf32, #tpu.memory_space<vmem_shared>>
        tpu.enqueue_dma source(%dma_start3A_98 : memref<640x128xf32, #tpu.memory_space<vmem_shared>>) target(%dma_start3A_96 : memref<640x128xf32, #tpu.memory_space<hbm>>) target_semaphore(%run_scoped3A : memref<!tpu.dma_semaphore, #tpu.memory_space<semaphore_mem>>)
        %dma_wait3A_99 = arith.constant 0 : i32
        %dma_wait3A_100 = tpu.memref_slice %arg7[%arg0, %multiple_of3A, %dma_wait3A_99] : memref<2x10000x128xf32, #tpu.memory_space<hbm>> -> memref<1x640x128xf32, #tpu.memory_space<hbm>>
        %dma_wait3A_101 = tpu.memref_squeeze %dma_wait3A_100 : memref<1x640x128xf32, #tpu.memory_space<hbm>> -> memref<640x128xf32, #tpu.memory_space<hbm>>
        %dma_wait3A_102 = arith.constant 0 : i32
        %dma_wait3A_103 = tpu.memref_slice %arg14[%multiple_of3A, %dma_wait3A_102] : memref<10000x128xf32, #tpu.memory_space<vmem_shared>> -> memref<640x128xf32, #tpu.memory_space<vmem_shared>>
        tpu.wait_dma2 semaphore(%run_scoped3A : memref<!tpu.dma_semaphore, #tpu.memory_space<semaphore_mem>>) src(%dma_wait3A_103 : memref<640x128xf32, #tpu.memory_space<vmem_shared>>) dst(%dma_wait3A_101 : memref<640x128xf32, #tpu.memory_space<hbm>>)
        tpu.yield
      }) : () -> ()
    } else {
    }
    %eq3A_89 = arith.constant 15 : i32
    %eq3A_90 = arith.cmpi eq, %arg1, %eq3A_89 : i32
    %convert_element_type3A_91 = arith.extui %eq3A_90 : i1 to i32
    %cond3A_92 = arith.constant 0 : i32
    %cond3A_93 = arith.cmpi ne, %convert_element_type3A_91, %cond3A_92 : i32
    scf.if %cond3A_93 {
      "tpu.region"() ({
        %run_scoped3A = tpu.sem_alloc : memref<!tpu.dma_semaphore, #tpu.memory_space<semaphore_mem>>
        %dma_start3A_94 = arith.constant 0 : i32
        %dma_start3A_95 = tpu.memref_slice %arg7[%arg0, %multiple_of3A, %dma_start3A_94] : memref<2x10000x128xf32, #tpu.memory_space<hbm>> -> memref<1x400x128xf32, #tpu.memory_space<hbm>>
        %dma_start3A_96 = tpu.memref_squeeze %dma_start3A_95 : memref<1x400x128xf32, #tpu.memory_space<hbm>> -> memref<400x128xf32, #tpu.memory_space<hbm>>
        %dma_start3A_97 = arith.constant 0 : i32
        %dma_start3A_98 = tpu.memref_slice %arg14[%multiple_of3A, %dma_start3A_97] : memref<10000x128xf32, #tpu.memory_space<vmem_shared>> -> memref<400x128xf32, #tpu.memory_space<vmem_shared>>
        tpu.enqueue_dma source(%dma_start3A_98 : memref<400x128xf32, #tpu.memory_space<vmem_shared>>) target(%dma_start3A_96 : memref<400x128xf32, #tpu.memory_space<hbm>>) target_semaphore(%run_scoped3A : memref<!tpu.dma_semaphore, #tpu.memory_space<semaphore_mem>>)
        %dma_wait3A_99 = arith.constant 0 : i32
        %dma_wait3A_100 = tpu.memref_slice %arg7[%arg0, %multiple_of3A, %dma_wait3A_99] : memref<2x10000x128xf32, #tpu.memory_space<hbm>> -> memref<1x400x128xf32, #tpu.memory_space<hbm>>
        %dma_wait3A_101 = tpu.memref_squeeze %dma_wait3A_100 : memref<1x400x128xf32, #tpu.memory_space<hbm>> -> memref<400x128xf32, #tpu.memory_space<hbm>>
        %dma_wait3A_102 = arith.constant 0 : i32
        %dma_wait3A_103 = tpu.memref_slice %arg14[%multiple_of3A, %dma_wait3A_102] : memref<10000x128xf32, #tpu.memory_space<vmem_shared>> -> memref<400x128xf32, #tpu.memory_space<vmem_shared>>
        tpu.wait_dma2 semaphore(%run_scoped3A : memref<!tpu.dma_semaphore, #tpu.memory_space<semaphore_mem>>) src(%dma_wait3A_103 : memref<400x128xf32, #tpu.memory_space<vmem_shared>>) dst(%dma_wait3A_101 : memref<400x128xf32, #tpu.memory_space<hbm>>)
        tpu.yield
      }) : () -> ()
    } else {
    }
    return
  }
}

#map = affine_map<(d0, d1) -> (0, 0)>
#map1 = affine_map<(d0, d1) -> (0)>
#map2 = affine_map<(d0, d1) -> (0, 0, 0)>
module attributes {stable_mosaic.version = 14 : i64} {
  func.func @k(%arg0: i32, %arg1: i32, %arg2: memref<10000x128xf32, #tpu.memory_space<hbm>>, %arg3: memref<327680xi32, #tpu.memory_space<hbm>>, %arg4: memref<327680xi32, #tpu.memory_space<hbm>>, %arg5: memref<327680xf32, #tpu.memory_space<hbm>>, %arg6: memref<640x128xf32, #tpu.memory_space<hbm>>, %arg7: memref<2x10000x128xf32, #tpu.memory_space<hbm>>, %arg8: memref<128xi32, #tpu.memory_space<vmem>>, %arg9: memref<128xi32, #tpu.memory_space<vmem>>, %arg10: memref<128xi32, #tpu.memory_space<vmem>>, %arg11: memref<128xf32, #tpu.memory_space<vmem>>, %arg12: memref<128x128xf32, #tpu.memory_space<vmem>>, %arg13: memref<128x128xf32, #tpu.memory_space<vmem>>, %arg14: memref<10000x128xf32, #tpu.memory_space<vmem_shared>>, %arg15: memref<!tpu.dma_semaphore, #tpu.memory_space<semaphore_mem>>, %arg16: memref<!tpu.dma_semaphore, #tpu.memory_space<semaphore_mem>>) attributes {dimension_semantics = [#tpu.dimension_semantics<core_parallel>, #tpu.dimension_semantics<subcore_parallel>], iteration_bounds = array<i64: 2, 16>, scalar_prefetch = 0 : i64, scratch_operands = 9 : i64, tpu.core_type = #tpu.core_type<sc_vector_subcore>, window_params = [{transform_indices = #map}, {transform_indices = #map1}, {transform_indices = #map1}, {transform_indices = #map1}, {transform_indices = #map}, {transform_indices = #map2}]} {
    %mul3A = arith.constant 2 : i32
    %mul3A_0 = arith.muli %arg1, %mul3A : i32
    %add3A = arith.addi %mul3A_0, %arg0 : i32
    %mul3A_1 = arith.constant 640 : i32
    %mul3A_2 = arith.muli %arg1, %mul3A_1 : i32
    %multiple_of3A = tpu.assume_multiple %mul3A_2, 8 : i32
    %lt3A = arith.constant 15 : i32
    %lt3A_3 = arith.cmpi slt, %arg1, %lt3A : i32
    %convert_element_type3A = arith.extui %lt3A_3 : i1 to i32
    %cond3A = arith.constant 0 : i32
    %cond3A_4 = arith.cmpi ne, %convert_element_type3A, %cond3A : i32
    scf.if %cond3A_4 {
      "tpu.region"() ({
        %run_scoped3A = tpu.sem_alloc : memref<!tpu.dma_semaphore, #tpu.memory_space<semaphore_mem>>
        %dma_start3A_94 = arith.constant 0 : i32
        %dma_start3A_95 = tpu.memref_slice %arg14[%multiple_of3A, %dma_start3A_94] : memref<10000x128xf32, #tpu.memory_space<vmem_shared>> -> memref<640x128xf32, #tpu.memory_space<vmem_shared>>
        %dma_start3A_96 = arith.constant 0 : i32
        %dma_start3A_97 = arith.constant 0 : i32
        %dma_start3A_98 = tpu.memref_slice %arg6[%dma_start3A_96, %dma_start3A_97] : memref<640x128xf32, #tpu.memory_space<hbm>> -> memref<640x128xf32, #tpu.memory_space<hbm>>
        tpu.enqueue_dma source(%dma_start3A_98 : memref<640x128xf32, #tpu.memory_space<hbm>>) target(%dma_start3A_95 : memref<640x128xf32, #tpu.memory_space<vmem_shared>>) target_semaphore(%run_scoped3A : memref<!tpu.dma_semaphore, #tpu.memory_space<semaphore_mem>>)
        %dma_wait3A_99 = arith.constant 0 : i32
        %dma_wait3A_100 = tpu.memref_slice %arg14[%multiple_of3A, %dma_wait3A_99] : memref<10000x128xf32, #tpu.memory_space<vmem_shared>> -> memref<640x128xf32, #tpu.memory_space<vmem_shared>>
        %dma_wait3A_101 = arith.constant 0 : i32
        %dma_wait3A_102 = arith.constant 0 : i32
        %dma_wait3A_103 = tpu.memref_slice %arg6[%dma_wait3A_101, %dma_wait3A_102] : memref<640x128xf32, #tpu.memory_space<hbm>> -> memref<640x128xf32, #tpu.memory_space<hbm>>
        tpu.wait_dma2 semaphore(%run_scoped3A : memref<!tpu.dma_semaphore, #tpu.memory_space<semaphore_mem>>) src(%dma_wait3A_103 : memref<640x128xf32, #tpu.memory_space<hbm>>) dst(%dma_wait3A_100 : memref<640x128xf32, #tpu.memory_space<vmem_shared>>)
        tpu.yield
      }) : () -> ()
    } else {
    }
    %eq3A = arith.constant 15 : i32
    %eq3A_5 = arith.cmpi eq, %arg1, %eq3A : i32
    %convert_element_type3A_6 = arith.extui %eq3A_5 : i1 to i32
    %cond3A_7 = arith.constant 0 : i32
    %cond3A_8 = arith.cmpi ne, %convert_element_type3A_6, %cond3A_7 : i32
    scf.if %cond3A_8 {
      "tpu.region"() ({
        %run_scoped3A = tpu.sem_alloc : memref<!tpu.dma_semaphore, #tpu.memory_space<semaphore_mem>>
        %dma_start3A_94 = arith.constant 0 : i32
        %dma_start3A_95 = tpu.memref_slice %arg14[%multiple_of3A, %dma_start3A_94] : memref<10000x128xf32, #tpu.memory_space<vmem_shared>> -> memref<400x128xf32, #tpu.memory_space<vmem_shared>>
        %dma_start3A_96 = arith.constant 0 : i32
        %dma_start3A_97 = arith.constant 0 : i32
        %dma_start3A_98 = tpu.memref_slice %arg6[%dma_start3A_96, %dma_start3A_97] : memref<640x128xf32, #tpu.memory_space<hbm>> -> memref<400x128xf32, #tpu.memory_space<hbm>>
        tpu.enqueue_dma source(%dma_start3A_98 : memref<400x128xf32, #tpu.memory_space<hbm>>) target(%dma_start3A_95 : memref<400x128xf32, #tpu.memory_space<vmem_shared>>) target_semaphore(%run_scoped3A : memref<!tpu.dma_semaphore, #tpu.memory_space<semaphore_mem>>)
        %dma_wait3A_99 = arith.constant 0 : i32
        %dma_wait3A_100 = tpu.memref_slice %arg14[%multiple_of3A, %dma_wait3A_99] : memref<10000x128xf32, #tpu.memory_space<vmem_shared>> -> memref<400x128xf32, #tpu.memory_space<vmem_shared>>
        %dma_wait3A_101 = arith.constant 0 : i32
        %dma_wait3A_102 = arith.constant 0 : i32
        %dma_wait3A_103 = tpu.memref_slice %arg6[%dma_wait3A_101, %dma_wait3A_102] : memref<640x128xf32, #tpu.memory_space<hbm>> -> memref<400x128xf32, #tpu.memory_space<hbm>>
        tpu.wait_dma2 semaphore(%run_scoped3A : memref<!tpu.dma_semaphore, #tpu.memory_space<semaphore_mem>>) src(%dma_wait3A_103 : memref<400x128xf32, #tpu.memory_space<hbm>>) dst(%dma_wait3A_100 : memref<400x128xf32, #tpu.memory_space<vmem_shared>>)
        tpu.yield
      }) : () -> ()
    } else {
    }
    %barrier3A = arith.constant 0 : index
    tpu.barrier barrier_id(%barrier3A)
    %mul3A_9 = arith.constant 0 : i32
    %mul3A_10 = arith.muli %arg1, %mul3A_9 : i32
    %mul3A_11 = arith.constant 80 : i32
    %mul3A_12 = arith.muli %add3A, %mul3A_11 : i32
    %add3A_13 = arith.addi %mul3A_12, %mul3A_10 : i32
    %mul3A_14 = arith.constant 128 : i32
    %mul3A_15 = arith.muli %add3A_13, %mul3A_14 : i32
    %multiple_of3A_16 = tpu.assume_multiple %mul3A_15, 128 : i32
    "tpu.region"() ({
      %run_scoped3A = tpu.sem_alloc : memref<!tpu.dma_semaphore, #tpu.memory_space<semaphore_mem>>
      %dma_start3A_94 = tpu.memref_slice %arg3[%multiple_of3A_16] : memref<327680xi32, #tpu.memory_space<hbm>> -> memref<128xi32, #tpu.memory_space<hbm>>
      %dma_start3A_95 = tpu.memref_slice %arg3[%multiple_of3A_16] : memref<327680xi32, #tpu.memory_space<hbm>> -> memref<128xi32, #tpu.memory_space<hbm>>
      tpu.enqueue_dma source(%dma_start3A_95 : memref<128xi32, #tpu.memory_space<hbm>>) target(%arg8 : memref<128xi32, #tpu.memory_space<vmem>>) target_semaphore(%run_scoped3A : memref<!tpu.dma_semaphore, #tpu.memory_space<semaphore_mem>>)
      %dma_wait3A_96 = tpu.memref_slice %arg3[%multiple_of3A_16] : memref<327680xi32, #tpu.memory_space<hbm>> -> memref<128xi32, #tpu.memory_space<hbm>>
      %dma_wait3A_97 = tpu.memref_slice %arg3[%multiple_of3A_16] : memref<327680xi32, #tpu.memory_space<hbm>> -> memref<128xi32, #tpu.memory_space<hbm>>
      tpu.wait_dma2 semaphore(%run_scoped3A : memref<!tpu.dma_semaphore, #tpu.memory_space<semaphore_mem>>) src(%dma_wait3A_97 : memref<128xi32, #tpu.memory_space<hbm>>) dst(%arg8 : memref<128xi32, #tpu.memory_space<vmem>>)
      tpu.yield
    }) : () -> ()
    %dma_start3A = arith.constant 0 : i32
    %dma_start3A_17 = arith.constant 0 : i32
    %dma_start3A_18 = tpu.memref_slice %arg2[%dma_start3A, %dma_start3A_17] : memref<10000x128xf32, #tpu.memory_space<hbm>> -> memref<10000x128xf32, #tpu.memory_space<hbm>>
    tpu.enqueue_indirect_dma source(%dma_start3A_18 : memref<10000x128xf32, #tpu.memory_space<hbm>>) target(%arg12 : memref<128x128xf32, #tpu.memory_space<vmem>>) offsets(%arg8 : memref<128xi32, #tpu.memory_space<vmem>>) semaphore(%arg15 : memref<!tpu.dma_semaphore, #tpu.memory_space<semaphore_mem>>)
    %scan3A = arith.constant 0 : i32
    %scan3A_19 = arith.constant 0 : i32
    %scan3A_20 = arith.constant 39 : i32
    %scan3A_21 = arith.addi %scan3A_19, %scan3A_20 : i32
    %scan3A_22 = arith.constant 1 : i32
    %scan3A_23 = scf.for %scan3A_94 = %scan3A_19 to %scan3A_21 step %scan3A_22 iter_args(%scan3A_95 = %scan3A) -> (i32)  : i32 {
      %mul3A_96 = arith.constant 2 : i32
      %mul3A_97 = arith.muli %scan3A_94, %mul3A_96 : i32
      %add3A_98 = arith.constant 1 : i32
      %add3A_99 = arith.addi %mul3A_97, %add3A_98 : i32
      %mul3A_100 = arith.constant 80 : i32
      %mul3A_101 = arith.muli %add3A, %mul3A_100 : i32
      %add3A_102 = arith.addi %mul3A_101, %add3A_99 : i32
      %mul3A_103 = arith.constant 128 : i32
      %mul3A_104 = arith.muli %add3A_102, %mul3A_103 : i32
      %multiple_of3A_105 = tpu.assume_multiple %mul3A_104, 128 : i32
      "tpu.region"() ({
        %run_scoped3A = tpu.sem_alloc : memref<!tpu.dma_semaphore, #tpu.memory_space<semaphore_mem>>
        %dma_start3A_169 = tpu.memref_slice %arg3[%multiple_of3A_105] : memref<327680xi32, #tpu.memory_space<hbm>> -> memref<128xi32, #tpu.memory_space<hbm>>
        %dma_start3A_170 = tpu.memref_slice %arg3[%multiple_of3A_105] : memref<327680xi32, #tpu.memory_space<hbm>> -> memref<128xi32, #tpu.memory_space<hbm>>
        tpu.enqueue_dma source(%dma_start3A_170 : memref<128xi32, #tpu.memory_space<hbm>>) target(%arg9 : memref<128xi32, #tpu.memory_space<vmem>>) target_semaphore(%run_scoped3A : memref<!tpu.dma_semaphore, #tpu.memory_space<semaphore_mem>>)
        %dma_wait3A_171 = tpu.memref_slice %arg3[%multiple_of3A_105] : memref<327680xi32, #tpu.memory_space<hbm>> -> memref<128xi32, #tpu.memory_space<hbm>>
        %dma_wait3A_172 = tpu.memref_slice %arg3[%multiple_of3A_105] : memref<327680xi32, #tpu.memory_space<hbm>> -> memref<128xi32, #tpu.memory_space<hbm>>
        tpu.wait_dma2 semaphore(%run_scoped3A : memref<!tpu.dma_semaphore, #tpu.memory_space<semaphore_mem>>) src(%dma_wait3A_172 : memref<128xi32, #tpu.memory_space<hbm>>) dst(%arg9 : memref<128xi32, #tpu.memory_space<vmem>>)
        tpu.yield
      }) : () -> ()
      %dma_start3A_106 = arith.constant 0 : i32
      %dma_start3A_107 = arith.constant 0 : i32
      %dma_start3A_108 = tpu.memref_slice %arg2[%dma_start3A_106, %dma_start3A_107] : memref<10000x128xf32, #tpu.memory_space<hbm>> -> memref<10000x128xf32, #tpu.memory_space<hbm>>
      tpu.enqueue_indirect_dma source(%dma_start3A_108 : memref<10000x128xf32, #tpu.memory_space<hbm>>) target(%arg13 : memref<128x128xf32, #tpu.memory_space<vmem>>) offsets(%arg9 : memref<128xi32, #tpu.memory_space<vmem>>) semaphore(%arg16 : memref<!tpu.dma_semaphore, #tpu.memory_space<semaphore_mem>>)
      %mul3A_109 = arith.constant 80 : i32
      %mul3A_110 = arith.muli %add3A, %mul3A_109 : i32
      %add3A_111 = arith.addi %mul3A_110, %mul3A_97 : i32
      %mul3A_112 = arith.constant 128 : i32
      %mul3A_113 = arith.muli %add3A_111, %mul3A_112 : i32
      %multiple_of3A_114 = tpu.assume_multiple %mul3A_113, 128 : i32
      "tpu.region"() ({
        %run_scoped3A = tpu.sem_alloc : memref<!tpu.dma_semaphore, #tpu.memory_space<semaphore_mem>>
        %dma_start3A_169 = tpu.memref_slice %arg4[%multiple_of3A_114] : memref<327680xi32, #tpu.memory_space<hbm>> -> memref<128xi32, #tpu.memory_space<hbm>>
        %dma_start3A_170 = tpu.memref_slice %arg4[%multiple_of3A_114] : memref<327680xi32, #tpu.memory_space<hbm>> -> memref<128xi32, #tpu.memory_space<hbm>>
        tpu.enqueue_dma source(%dma_start3A_170 : memref<128xi32, #tpu.memory_space<hbm>>) target(%arg10 : memref<128xi32, #tpu.memory_space<vmem>>) target_semaphore(%run_scoped3A : memref<!tpu.dma_semaphore, #tpu.memory_space<semaphore_mem>>)
        %dma_wait3A_171 = tpu.memref_slice %arg4[%multiple_of3A_114] : memref<327680xi32, #tpu.memory_space<hbm>> -> memref<128xi32, #tpu.memory_space<hbm>>
        %dma_wait3A_172 = tpu.memref_slice %arg4[%multiple_of3A_114] : memref<327680xi32, #tpu.memory_space<hbm>> -> memref<128xi32, #tpu.memory_space<hbm>>
        tpu.wait_dma2 semaphore(%run_scoped3A : memref<!tpu.dma_semaphore, #tpu.memory_space<semaphore_mem>>) src(%dma_wait3A_172 : memref<128xi32, #tpu.memory_space<hbm>>) dst(%arg10 : memref<128xi32, #tpu.memory_space<vmem>>)
        tpu.yield
      }) : () -> ()
      %mul3A_115 = arith.constant 80 : i32
      %mul3A_116 = arith.muli %add3A, %mul3A_115 : i32
      %add3A_117 = arith.addi %mul3A_116, %mul3A_97 : i32
      %mul3A_118 = arith.constant 128 : i32
      %mul3A_119 = arith.muli %add3A_117, %mul3A_118 : i32
      %multiple_of3A_120 = tpu.assume_multiple %mul3A_119, 128 : i32
      "tpu.region"() ({
        %run_scoped3A = tpu.sem_alloc : memref<!tpu.dma_semaphore, #tpu.memory_space<semaphore_mem>>
        %dma_start3A_169 = tpu.memref_slice %arg5[%multiple_of3A_120] : memref<327680xf32, #tpu.memory_space<hbm>> -> memref<128xf32, #tpu.memory_space<hbm>>
        %dma_start3A_170 = tpu.memref_slice %arg5[%multiple_of3A_120] : memref<327680xf32, #tpu.memory_space<hbm>> -> memref<128xf32, #tpu.memory_space<hbm>>
        tpu.enqueue_dma source(%dma_start3A_170 : memref<128xf32, #tpu.memory_space<hbm>>) target(%arg11 : memref<128xf32, #tpu.memory_space<vmem>>) target_semaphore(%run_scoped3A : memref<!tpu.dma_semaphore, #tpu.memory_space<semaphore_mem>>)
        %dma_wait3A_171 = tpu.memref_slice %arg5[%multiple_of3A_120] : memref<327680xf32, #tpu.memory_space<hbm>> -> memref<128xf32, #tpu.memory_space<hbm>>
        %dma_wait3A_172 = tpu.memref_slice %arg5[%multiple_of3A_120] : memref<327680xf32, #tpu.memory_space<hbm>> -> memref<128xf32, #tpu.memory_space<hbm>>
        tpu.wait_dma2 semaphore(%run_scoped3A : memref<!tpu.dma_semaphore, #tpu.memory_space<semaphore_mem>>) src(%dma_wait3A_172 : memref<128xf32, #tpu.memory_space<hbm>>) dst(%arg11 : memref<128xf32, #tpu.memory_space<vmem>>)
        tpu.yield
      }) : () -> ()
      %dma_wait3A_121 = arith.constant 0 : i32
      %dma_wait3A_122 = arith.constant 0 : i32
      %dma_wait3A_123 = tpu.memref_slice %arg2[%dma_wait3A_121, %dma_wait3A_122] : memref<10000x128xf32, #tpu.memory_space<hbm>> -> memref<10000x128xf32, #tpu.memory_space<hbm>>
      tpu.wait_indirect_dma semaphore(%arg15 : memref<!tpu.dma_semaphore, #tpu.memory_space<semaphore_mem>>) src(%dma_wait3A_123 : memref<10000x128xf32, #tpu.memory_space<hbm>>) dst(%arg12 : memref<128x128xf32, #tpu.memory_space<vmem>>)
      %scan3A_124 = arith.constant 0 : i32
      %scan3A_125 = arith.constant 0 : i32
      %scan3A_126 = arith.constant 128 : i32
      %scan3A_127 = arith.addi %scan3A_125, %scan3A_126 : i32
      %scan3A_128 = arith.constant 1 : i32
      %scan3A_129 = scf.for %scan3A_169 = %scan3A_125 to %scan3A_127 step %scan3A_128 iter_args(%scan3A_170 = %scan3A_124) -> (i32)  : i32 {
        %broadcast_in_dim3A = vector.broadcast %scan3A_169 : i32 to vector<16xi32>
        %gather3A = tpu.vector_load_idx %arg11[%broadcast_in_dim3A] : memref<128xf32, #tpu.memory_space<vmem>>[vector<16xi32>], vector<16xf32>,
        %get3A = arith.index_cast %scan3A_169 : i32 to index
        %get3A_171 = arith.constant 0 : index
        %get3A_172 = tpu.vector_load %arg12[%get3A, %get3A_171] {strides = array<i32>} : memref<128x128xf32, #tpu.memory_space<vmem>>, vector<16xf32>,
        %mul3A_173 = arith.mulf %get3A_172, %gather3A : vector<16xf32>
        %swap3A = arith.index_cast %scan3A_169 : i32 to index
        %swap3A_174 = arith.constant 0 : index
        %swap3A_175 = tpu.vector_load %arg12[%swap3A, %swap3A_174] {strides = array<i32>} : memref<128x128xf32, #tpu.memory_space<vmem>>, vector<16xf32>,
        tpu.vector_store %arg12[%swap3A, %swap3A_174], %mul3A_173 {strides = array<i32>} : memref<128x128xf32, #tpu.memory_space<vmem>>, vector<16xf32>,
        %get3A_176 = arith.index_cast %scan3A_169 : i32 to index
        %get3A_177 = arith.constant 16 : index
        %get3A_178 = tpu.vector_load %arg12[%get3A_176, %get3A_177] {strides = array<i32>} : memref<128x128xf32, #tpu.memory_space<vmem>>, vector<16xf32>,
        %mul3A_179 = arith.mulf %get3A_178, %gather3A : vector<16xf32>
        %swap3A_180 = arith.index_cast %scan3A_169 : i32 to index
        %swap3A_181 = arith.constant 16 : index
        %swap3A_182 = tpu.vector_load %arg12[%swap3A_180, %swap3A_181] {strides = array<i32>} : memref<128x128xf32, #tpu.memory_space<vmem>>, vector<16xf32>,
        tpu.vector_store %arg12[%swap3A_180, %swap3A_181], %mul3A_179 {strides = array<i32>} : memref<128x128xf32, #tpu.memory_space<vmem>>, vector<16xf32>,
        %get3A_183 = arith.index_cast %scan3A_169 : i32 to index
        %get3A_184 = arith.constant 32 : index
        %get3A_185 = tpu.vector_load %arg12[%get3A_183, %get3A_184] {strides = array<i32>} : memref<128x128xf32, #tpu.memory_space<vmem>>, vector<16xf32>,
        %mul3A_186 = arith.mulf %get3A_185, %gather3A : vector<16xf32>
        %swap3A_187 = arith.index_cast %scan3A_169 : i32 to index
        %swap3A_188 = arith.constant 32 : index
        %swap3A_189 = tpu.vector_load %arg12[%swap3A_187, %swap3A_188] {strides = array<i32>} : memref<128x128xf32, #tpu.memory_space<vmem>>, vector<16xf32>,
        tpu.vector_store %arg12[%swap3A_187, %swap3A_188], %mul3A_186 {strides = array<i32>} : memref<128x128xf32, #tpu.memory_space<vmem>>, vector<16xf32>,
        %get3A_190 = arith.index_cast %scan3A_169 : i32 to index
        %get3A_191 = arith.constant 48 : index
        %get3A_192 = tpu.vector_load %arg12[%get3A_190, %get3A_191] {strides = array<i32>} : memref<128x128xf32, #tpu.memory_space<vmem>>, vector<16xf32>,
        %mul3A_193 = arith.mulf %get3A_192, %gather3A : vector<16xf32>
        %swap3A_194 = arith.index_cast %scan3A_169 : i32 to index
        %swap3A_195 = arith.constant 48 : index
        %swap3A_196 = tpu.vector_load %arg12[%swap3A_194, %swap3A_195] {strides = array<i32>} : memref<128x128xf32, #tpu.memory_space<vmem>>, vector<16xf32>,
        tpu.vector_store %arg12[%swap3A_194, %swap3A_195], %mul3A_193 {strides = array<i32>} : memref<128x128xf32, #tpu.memory_space<vmem>>, vector<16xf32>,
        %get3A_197 = arith.index_cast %scan3A_169 : i32 to index
        %get3A_198 = arith.constant 64 : index
        %get3A_199 = tpu.vector_load %arg12[%get3A_197, %get3A_198] {strides = array<i32>} : memref<128x128xf32, #tpu.memory_space<vmem>>, vector<16xf32>,
        %mul3A_200 = arith.mulf %get3A_199, %gather3A : vector<16xf32>
        %swap3A_201 = arith.index_cast %scan3A_169 : i32 to index
        %swap3A_202 = arith.constant 64 : index
        %swap3A_203 = tpu.vector_load %arg12[%swap3A_201, %swap3A_202] {strides = array<i32>} : memref<128x128xf32, #tpu.memory_space<vmem>>, vector<16xf32>,
        tpu.vector_store %arg12[%swap3A_201, %swap3A_202], %mul3A_200 {strides = array<i32>} : memref<128x128xf32, #tpu.memory_space<vmem>>, vector<16xf32>,
        %get3A_204 = arith.index_cast %scan3A_169 : i32 to index
        %get3A_205 = arith.constant 80 : index
        %get3A_206 = tpu.vector_load %arg12[%get3A_204, %get3A_205] {strides = array<i32>} : memref<128x128xf32, #tpu.memory_space<vmem>>, vector<16xf32>,
        %mul3A_207 = arith.mulf %get3A_206, %gather3A : vector<16xf32>
        %swap3A_208 = arith.index_cast %scan3A_169 : i32 to index
        %swap3A_209 = arith.constant 80 : index
        %swap3A_210 = tpu.vector_load %arg12[%swap3A_208, %swap3A_209] {strides = array<i32>} : memref<128x128xf32, #tpu.memory_space<vmem>>, vector<16xf32>,
        tpu.vector_store %arg12[%swap3A_208, %swap3A_209], %mul3A_207 {strides = array<i32>} : memref<128x128xf32, #tpu.memory_space<vmem>>, vector<16xf32>,
        %get3A_211 = arith.index_cast %scan3A_169 : i32 to index
        %get3A_212 = arith.constant 96 : index
        %get3A_213 = tpu.vector_load %arg12[%get3A_211, %get3A_212] {strides = array<i32>} : memref<128x128xf32, #tpu.memory_space<vmem>>, vector<16xf32>,
        %mul3A_214 = arith.mulf %get3A_213, %gather3A : vector<16xf32>
        %swap3A_215 = arith.index_cast %scan3A_169 : i32 to index
        %swap3A_216 = arith.constant 96 : index
        %swap3A_217 = tpu.vector_load %arg12[%swap3A_215, %swap3A_216] {strides = array<i32>} : memref<128x128xf32, #tpu.memory_space<vmem>>, vector<16xf32>,
        tpu.vector_store %arg12[%swap3A_215, %swap3A_216], %mul3A_214 {strides = array<i32>} : memref<128x128xf32, #tpu.memory_space<vmem>>, vector<16xf32>,
        %get3A_218 = arith.index_cast %scan3A_169 : i32 to index
        %get3A_219 = arith.constant 112 : index
        %get3A_220 = tpu.vector_load %arg12[%get3A_218, %get3A_219] {strides = array<i32>} : memref<128x128xf32, #tpu.memory_space<vmem>>, vector<16xf32>,
        %mul3A_221 = arith.mulf %get3A_220, %gather3A : vector<16xf32>
        %swap3A_222 = arith.index_cast %scan3A_169 : i32 to index
        %swap3A_223 = arith.constant 112 : index
        %swap3A_224 = tpu.vector_load %arg12[%swap3A_222, %swap3A_223] {strides = array<i32>} : memref<128x128xf32, #tpu.memory_space<vmem>>, vector<16xf32>,
        tpu.vector_store %arg12[%swap3A_222, %swap3A_223], %mul3A_221 {strides = array<i32>} : memref<128x128xf32, #tpu.memory_space<vmem>>, vector<16xf32>,
        %scan3A_225 = arith.constant 0 : i32
        scf.yield %scan3A_225 : i32
      }
      %scan3A_130 = arith.constant 128 : i32
      "tpu.region"() ({
        %run_scoped3A = tpu.sem_alloc : memref<!tpu.dma_semaphore, #tpu.memory_space<semaphore_mem>>
        %dma_start3A_169 = arith.constant 0 : i32
        %dma_start3A_170 = arith.constant 0 : i32
        %dma_start3A_171 = tpu.memref_slice %arg14[%dma_start3A_169, %dma_start3A_170] : memref<10000x128xf32, #tpu.memory_space<vmem_shared>> -> memref<10000x128xf32, #tpu.memory_space<vmem_shared>>
        tpu.enqueue_indirect_dma source(%arg12 : memref<128x128xf32, #tpu.memory_space<vmem>>) target(%dma_start3A_171 : memref<10000x128xf32, #tpu.memory_space<vmem_shared>>) offsets(%arg10 : memref<128xi32, #tpu.memory_space<vmem>>) semaphore(%run_scoped3A : memref<!tpu.dma_semaphore, #tpu.memory_space<semaphore_mem>>) {add = true}
        %dma_wait3A_172 = arith.constant 0 : i32
        %dma_wait3A_173 = arith.constant 0 : i32
        %dma_wait3A_174 = tpu.memref_slice %arg14[%dma_wait3A_172, %dma_wait3A_173] : memref<10000x128xf32, #tpu.memory_space<vmem_shared>> -> memref<10000x128xf32, #tpu.memory_space<vmem_shared>>
        tpu.wait_indirect_dma semaphore(%run_scoped3A : memref<!tpu.dma_semaphore, #tpu.memory_space<semaphore_mem>>) src(%arg12 : memref<128x128xf32, #tpu.memory_space<vmem>>) dst(%dma_wait3A_174 : memref<10000x128xf32, #tpu.memory_space<vmem_shared>>)
        tpu.yield
      }) : () -> ()
      %mul3A_131 = arith.constant 2 : i32
      %mul3A_132 = arith.muli %scan3A_94, %mul3A_131 : i32
      %add3A_133 = arith.constant 1 : i32
      %add3A_134 = arith.addi %mul3A_132, %add3A_133 : i32
      %add3A_135 = arith.constant 1 : i32
      %add3A_136 = arith.addi %add3A_134, %add3A_135 : i32
      %mul3A_137 = arith.constant 80 : i32
      %mul3A_138 = arith.muli %add3A, %mul3A_137 : i32
      %add3A_139 = arith.addi %mul3A_138, %add3A_136 : i32
      %mul3A_140 = arith.constant 128 : i32
      %mul3A_141 = arith.muli %add3A_139, %mul3A_140 : i32
      %multiple_of3A_142 = tpu.assume_multiple %mul3A_141, 128 : i32
      "tpu.region"() ({
        %run_scoped3A = tpu.sem_alloc : memref<!tpu.dma_semaphore, #tpu.memory_space<semaphore_mem>>
        %dma_start3A_169 = tpu.memref_slice %arg3[%multiple_of3A_142] : memref<327680xi32, #tpu.memory_space<hbm>> -> memref<128xi32, #tpu.memory_space<hbm>>
        %dma_start3A_170 = tpu.memref_slice %arg3[%multiple_of3A_142] : memref<327680xi32, #tpu.memory_space<hbm>> -> memref<128xi32, #tpu.memory_space<hbm>>
        tpu.enqueue_dma source(%dma_start3A_170 : memref<128xi32, #tpu.memory_space<hbm>>) target(%arg8 : memref<128xi32, #tpu.memory_space<vmem>>) target_semaphore(%run_scoped3A : memref<!tpu.dma_semaphore, #tpu.memory_space<semaphore_mem>>)
        %dma_wait3A_171 = tpu.memref_slice %arg3[%multiple_of3A_142] : memref<327680xi32, #tpu.memory_space<hbm>> -> memref<128xi32, #tpu.memory_space<hbm>>
        %dma_wait3A_172 = tpu.memref_slice %arg3[%multiple_of3A_142] : memref<327680xi32, #tpu.memory_space<hbm>> -> memref<128xi32, #tpu.memory_space<hbm>>
        tpu.wait_dma2 semaphore(%run_scoped3A : memref<!tpu.dma_semaphore, #tpu.memory_space<semaphore_mem>>) src(%dma_wait3A_172 : memref<128xi32, #tpu.memory_space<hbm>>) dst(%arg8 : memref<128xi32, #tpu.memory_space<vmem>>)
        tpu.yield
      }) : () -> ()
      %dma_start3A_143 = arith.constant 0 : i32
      %dma_start3A_144 = arith.constant 0 : i32
      %dma_start3A_145 = tpu.memref_slice %arg2[%dma_start3A_143, %dma_start3A_144] : memref<10000x128xf32, #tpu.memory_space<hbm>> -> memref<10000x128xf32, #tpu.memory_space<hbm>>
      tpu.enqueue_indirect_dma source(%dma_start3A_145 : memref<10000x128xf32, #tpu.memory_space<hbm>>) target(%arg12 : memref<128x128xf32, #tpu.memory_space<vmem>>) offsets(%arg8 : memref<128xi32, #tpu.memory_space<vmem>>) semaphore(%arg15 : memref<!tpu.dma_semaphore, #tpu.memory_space<semaphore_mem>>)
      %mul3A_146 = arith.constant 80 : i32
      %mul3A_147 = arith.muli %add3A, %mul3A_146 : i32
      %add3A_148 = arith.addi %mul3A_147, %add3A_134 : i32
      %mul3A_149 = arith.constant 128 : i32
      %mul3A_150 = arith.muli %add3A_148, %mul3A_149 : i32
      %multiple_of3A_151 = tpu.assume_multiple %mul3A_150, 128 : i32
      "tpu.region"() ({
        %run_scoped3A = tpu.sem_alloc : memref<!tpu.dma_semaphore, #tpu.memory_space<semaphore_mem>>
        %dma_start3A_169 = tpu.memref_slice %arg4[%multiple_of3A_151] : memref<327680xi32, #tpu.memory_space<hbm>> -> memref<128xi32, #tpu.memory_space<hbm>>
        %dma_start3A_170 = tpu.memref_slice %arg4[%multiple_of3A_151] : memref<327680xi32, #tpu.memory_space<hbm>> -> memref<128xi32, #tpu.memory_space<hbm>>
        tpu.enqueue_dma source(%dma_start3A_170 : memref<128xi32, #tpu.memory_space<hbm>>) target(%arg10 : memref<128xi32, #tpu.memory_space<vmem>>) target_semaphore(%run_scoped3A : memref<!tpu.dma_semaphore, #tpu.memory_space<semaphore_mem>>)
        %dma_wait3A_171 = tpu.memref_slice %arg4[%multiple_of3A_151] : memref<327680xi32, #tpu.memory_space<hbm>> -> memref<128xi32, #tpu.memory_space<hbm>>
        %dma_wait3A_172 = tpu.memref_slice %arg4[%multiple_of3A_151] : memref<327680xi32, #tpu.memory_space<hbm>> -> memref<128xi32, #tpu.memory_space<hbm>>
        tpu.wait_dma2 semaphore(%run_scoped3A : memref<!tpu.dma_semaphore, #tpu.memory_space<semaphore_mem>>) src(%dma_wait3A_172 : memref<128xi32, #tpu.memory_space<hbm>>) dst(%arg10 : memref<128xi32, #tpu.memory_space<vmem>>)
        tpu.yield
      }) : () -> ()
      %mul3A_152 = arith.constant 80 : i32
      %mul3A_153 = arith.muli %add3A, %mul3A_152 : i32
      %add3A_154 = arith.addi %mul3A_153, %add3A_134 : i32
      %mul3A_155 = arith.constant 128 : i32
      %mul3A_156 = arith.muli %add3A_154, %mul3A_155 : i32
      %multiple_of3A_157 = tpu.assume_multiple %mul3A_156, 128 : i32
      "tpu.region"() ({
        %run_scoped3A = tpu.sem_alloc : memref<!tpu.dma_semaphore, #tpu.memory_space<semaphore_mem>>
        %dma_start3A_169 = tpu.memref_slice %arg5[%multiple_of3A_157] : memref<327680xf32, #tpu.memory_space<hbm>> -> memref<128xf32, #tpu.memory_space<hbm>>
        %dma_start3A_170 = tpu.memref_slice %arg5[%multiple_of3A_157] : memref<327680xf32, #tpu.memory_space<hbm>> -> memref<128xf32, #tpu.memory_space<hbm>>
        tpu.enqueue_dma source(%dma_start3A_170 : memref<128xf32, #tpu.memory_space<hbm>>) target(%arg11 : memref<128xf32, #tpu.memory_space<vmem>>) target_semaphore(%run_scoped3A : memref<!tpu.dma_semaphore, #tpu.memory_space<semaphore_mem>>)
        %dma_wait3A_171 = tpu.memref_slice %arg5[%multiple_of3A_157] : memref<327680xf32, #tpu.memory_space<hbm>> -> memref<128xf32, #tpu.memory_space<hbm>>
        %dma_wait3A_172 = tpu.memref_slice %arg5[%multiple_of3A_157] : memref<327680xf32, #tpu.memory_space<hbm>> -> memref<128xf32, #tpu.memory_space<hbm>>
        tpu.wait_dma2 semaphore(%run_scoped3A : memref<!tpu.dma_semaphore, #tpu.memory_space<semaphore_mem>>) src(%dma_wait3A_172 : memref<128xf32, #tpu.memory_space<hbm>>) dst(%arg11 : memref<128xf32, #tpu.memory_space<vmem>>)
        tpu.yield
      }) : () -> ()
      %dma_wait3A_158 = arith.constant 0 : i32
      %dma_wait3A_159 = arith.constant 0 : i32
      %dma_wait3A_160 = tpu.memref_slice %arg2[%dma_wait3A_158, %dma_wait3A_159] : memref<10000x128xf32, #tpu.memory_space<hbm>> -> memref<10000x128xf32, #tpu.memory_space<hbm>>
      tpu.wait_indirect_dma semaphore(%arg16 : memref<!tpu.dma_semaphore, #tpu.memory_space<semaphore_mem>>) src(%dma_wait3A_160 : memref<10000x128xf32, #tpu.memory_space<hbm>>) dst(%arg13 : memref<128x128xf32, #tpu.memory_space<vmem>>)
      %scan3A_161 = arith.constant 0 : i32
      %scan3A_162 = arith.constant 0 : i32
      %scan3A_163 = arith.constant 128 : i32
      %scan3A_164 = arith.addi %scan3A_162, %scan3A_163 : i32
      %scan3A_165 = arith.constant 1 : i32
      %scan3A_166 = scf.for %scan3A_169 = %scan3A_162 to %scan3A_164 step %scan3A_165 iter_args(%scan3A_170 = %scan3A_161) -> (i32)  : i32 {
        %broadcast_in_dim3A = vector.broadcast %scan3A_169 : i32 to vector<16xi32>
        %gather3A = tpu.vector_load_idx %arg11[%broadcast_in_dim3A] : memref<128xf32, #tpu.memory_space<vmem>>[vector<16xi32>], vector<16xf32>,
        %get3A = arith.index_cast %scan3A_169 : i32 to index
        %get3A_171 = arith.constant 0 : index
        %get3A_172 = tpu.vector_load %arg13[%get3A, %get3A_171] {strides = array<i32>} : memref<128x128xf32, #tpu.memory_space<vmem>>, vector<16xf32>,
        %mul3A_173 = arith.mulf %get3A_172, %gather3A : vector<16xf32>
        %swap3A = arith.index_cast %scan3A_169 : i32 to index
        %swap3A_174 = arith.constant 0 : index
        %swap3A_175 = tpu.vector_load %arg13[%swap3A, %swap3A_174] {strides = array<i32>} : memref<128x128xf32, #tpu.memory_space<vmem>>, vector<16xf32>,
        tpu.vector_store %arg13[%swap3A, %swap3A_174], %mul3A_173 {strides = array<i32>} : memref<128x128xf32, #tpu.memory_space<vmem>>, vector<16xf32>,
        %get3A_176 = arith.index_cast %scan3A_169 : i32 to index
        %get3A_177 = arith.constant 16 : index
        %get3A_178 = tpu.vector_load %arg13[%get3A_176, %get3A_177] {strides = array<i32>} : memref<128x128xf32, #tpu.memory_space<vmem>>, vector<16xf32>,
        %mul3A_179 = arith.mulf %get3A_178, %gather3A : vector<16xf32>
        %swap3A_180 = arith.index_cast %scan3A_169 : i32 to index
        %swap3A_181 = arith.constant 16 : index
        %swap3A_182 = tpu.vector_load %arg13[%swap3A_180, %swap3A_181] {strides = array<i32>} : memref<128x128xf32, #tpu.memory_space<vmem>>, vector<16xf32>,
        tpu.vector_store %arg13[%swap3A_180, %swap3A_181], %mul3A_179 {strides = array<i32>} : memref<128x128xf32, #tpu.memory_space<vmem>>, vector<16xf32>,
        %get3A_183 = arith.index_cast %scan3A_169 : i32 to index
        %get3A_184 = arith.constant 32 : index
        %get3A_185 = tpu.vector_load %arg13[%get3A_183, %get3A_184] {strides = array<i32>} : memref<128x128xf32, #tpu.memory_space<vmem>>, vector<16xf32>,
        %mul3A_186 = arith.mulf %get3A_185, %gather3A : vector<16xf32>
        %swap3A_187 = arith.index_cast %scan3A_169 : i32 to index
        %swap3A_188 = arith.constant 32 : index
        %swap3A_189 = tpu.vector_load %arg13[%swap3A_187, %swap3A_188] {strides = array<i32>} : memref<128x128xf32, #tpu.memory_space<vmem>>, vector<16xf32>,
        tpu.vector_store %arg13[%swap3A_187, %swap3A_188], %mul3A_186 {strides = array<i32>} : memref<128x128xf32, #tpu.memory_space<vmem>>, vector<16xf32>,
        %get3A_190 = arith.index_cast %scan3A_169 : i32 to index
        %get3A_191 = arith.constant 48 : index
        %get3A_192 = tpu.vector_load %arg13[%get3A_190, %get3A_191] {strides = array<i32>} : memref<128x128xf32, #tpu.memory_space<vmem>>, vector<16xf32>,
        %mul3A_193 = arith.mulf %get3A_192, %gather3A : vector<16xf32>
        %swap3A_194 = arith.index_cast %scan3A_169 : i32 to index
        %swap3A_195 = arith.constant 48 : index
        %swap3A_196 = tpu.vector_load %arg13[%swap3A_194, %swap3A_195] {strides = array<i32>} : memref<128x128xf32, #tpu.memory_space<vmem>>, vector<16xf32>,
        tpu.vector_store %arg13[%swap3A_194, %swap3A_195], %mul3A_193 {strides = array<i32>} : memref<128x128xf32, #tpu.memory_space<vmem>>, vector<16xf32>,
        %get3A_197 = arith.index_cast %scan3A_169 : i32 to index
        %get3A_198 = arith.constant 64 : index
        %get3A_199 = tpu.vector_load %arg13[%get3A_197, %get3A_198] {strides = array<i32>} : memref<128x128xf32, #tpu.memory_space<vmem>>, vector<16xf32>,
        %mul3A_200 = arith.mulf %get3A_199, %gather3A : vector<16xf32>
        %swap3A_201 = arith.index_cast %scan3A_169 : i32 to index
        %swap3A_202 = arith.constant 64 : index
        %swap3A_203 = tpu.vector_load %arg13[%swap3A_201, %swap3A_202] {strides = array<i32>} : memref<128x128xf32, #tpu.memory_space<vmem>>, vector<16xf32>,
        tpu.vector_store %arg13[%swap3A_201, %swap3A_202], %mul3A_200 {strides = array<i32>} : memref<128x128xf32, #tpu.memory_space<vmem>>, vector<16xf32>,
        %get3A_204 = arith.index_cast %scan3A_169 : i32 to index
        %get3A_205 = arith.constant 80 : index
        %get3A_206 = tpu.vector_load %arg13[%get3A_204, %get3A_205] {strides = array<i32>} : memref<128x128xf32, #tpu.memory_space<vmem>>, vector<16xf32>,
        %mul3A_207 = arith.mulf %get3A_206, %gather3A : vector<16xf32>
        %swap3A_208 = arith.index_cast %scan3A_169 : i32 to index
        %swap3A_209 = arith.constant 80 : index
        %swap3A_210 = tpu.vector_load %arg13[%swap3A_208, %swap3A_209] {strides = array<i32>} : memref<128x128xf32, #tpu.memory_space<vmem>>, vector<16xf32>,
        tpu.vector_store %arg13[%swap3A_208, %swap3A_209], %mul3A_207 {strides = array<i32>} : memref<128x128xf32, #tpu.memory_space<vmem>>, vector<16xf32>,
        %get3A_211 = arith.index_cast %scan3A_169 : i32 to index
        %get3A_212 = arith.constant 96 : index
        %get3A_213 = tpu.vector_load %arg13[%get3A_211, %get3A_212] {strides = array<i32>} : memref<128x128xf32, #tpu.memory_space<vmem>>, vector<16xf32>,
        %mul3A_214 = arith.mulf %get3A_213, %gather3A : vector<16xf32>
        %swap3A_215 = arith.index_cast %scan3A_169 : i32 to index
        %swap3A_216 = arith.constant 96 : index
        %swap3A_217 = tpu.vector_load %arg13[%swap3A_215, %swap3A_216] {strides = array<i32>} : memref<128x128xf32, #tpu.memory_space<vmem>>, vector<16xf32>,
        tpu.vector_store %arg13[%swap3A_215, %swap3A_216], %mul3A_214 {strides = array<i32>} : memref<128x128xf32, #tpu.memory_space<vmem>>, vector<16xf32>,
        %get3A_218 = arith.index_cast %scan3A_169 : i32 to index
        %get3A_219 = arith.constant 112 : index
        %get3A_220 = tpu.vector_load %arg13[%get3A_218, %get3A_219] {strides = array<i32>} : memref<128x128xf32, #tpu.memory_space<vmem>>, vector<16xf32>,
        %mul3A_221 = arith.mulf %get3A_220, %gather3A : vector<16xf32>
        %swap3A_222 = arith.index_cast %scan3A_169 : i32 to index
        %swap3A_223 = arith.constant 112 : index
        %swap3A_224 = tpu.vector_load %arg13[%swap3A_222, %swap3A_223] {strides = array<i32>} : memref<128x128xf32, #tpu.memory_space<vmem>>, vector<16xf32>,
        tpu.vector_store %arg13[%swap3A_222, %swap3A_223], %mul3A_221 {strides = array<i32>} : memref<128x128xf32, #tpu.memory_space<vmem>>, vector<16xf32>,
        %scan3A_225 = arith.constant 0 : i32
        scf.yield %scan3A_225 : i32
      }
      %scan3A_167 = arith.constant 128 : i32
      "tpu.region"() ({
        %run_scoped3A = tpu.sem_alloc : memref<!tpu.dma_semaphore, #tpu.memory_space<semaphore_mem>>
        %dma_start3A_169 = arith.constant 0 : i32
        %dma_start3A_170 = arith.constant 0 : i32
        %dma_start3A_171 = tpu.memref_slice %arg14[%dma_start3A_169, %dma_start3A_170] : memref<10000x128xf32, #tpu.memory_space<vmem_shared>> -> memref<10000x128xf32, #tpu.memory_space<vmem_shared>>
        tpu.enqueue_indirect_dma source(%arg13 : memref<128x128xf32, #tpu.memory_space<vmem>>) target(%dma_start3A_171 : memref<10000x128xf32, #tpu.memory_space<vmem_shared>>) offsets(%arg10 : memref<128xi32, #tpu.memory_space<vmem>>) semaphore(%run_scoped3A : memref<!tpu.dma_semaphore, #tpu.memory_space<semaphore_mem>>) {add = true}
        %dma_wait3A_172 = arith.constant 0 : i32
        %dma_wait3A_173 = arith.constant 0 : i32
        %dma_wait3A_174 = tpu.memref_slice %arg14[%dma_wait3A_172, %dma_wait3A_173] : memref<10000x128xf32, #tpu.memory_space<vmem_shared>> -> memref<10000x128xf32, #tpu.memory_space<vmem_shared>>
        tpu.wait_indirect_dma semaphore(%run_scoped3A : memref<!tpu.dma_semaphore, #tpu.memory_space<semaphore_mem>>) src(%arg13 : memref<128x128xf32, #tpu.memory_space<vmem>>) dst(%dma_wait3A_174 : memref<10000x128xf32, #tpu.memory_space<vmem_shared>>)
        tpu.yield
      }) : () -> ()
      %scan3A_168 = arith.constant 0 : i32
      scf.yield %scan3A_168 : i32
    }
    %scan3A_24 = arith.constant 39 : i32
    %add3A_25 = arith.constant 78 : i32
    %add3A_26 = arith.addi %mul3A_10, %add3A_25 : i32
    %add3A_27 = arith.constant 1 : i32
    %add3A_28 = arith.addi %add3A_26, %add3A_27 : i32
    %mul3A_29 = arith.constant 80 : i32
    %mul3A_30 = arith.muli %add3A, %mul3A_29 : i32
    %add3A_31 = arith.addi %mul3A_30, %add3A_28 : i32
    %mul3A_32 = arith.constant 128 : i32
    %mul3A_33 = arith.muli %add3A_31, %mul3A_32 : i32
    %multiple_of3A_34 = tpu.assume_multiple %mul3A_33, 128 : i32
    "tpu.region"() ({
      %run_scoped3A = tpu.sem_alloc : memref<!tpu.dma_semaphore, #tpu.memory_space<semaphore_mem>>
      %dma_start3A_94 = tpu.memref_slice %arg3[%multiple_of3A_34] : memref<327680xi32, #tpu.memory_space<hbm>> -> memref<128xi32, #tpu.memory_space<hbm>>
      %dma_start3A_95 = tpu.memref_slice %arg3[%multiple_of3A_34] : memref<327680xi32, #tpu.memory_space<hbm>> -> memref<128xi32, #tpu.memory_space<hbm>>
      tpu.enqueue_dma source(%dma_start3A_95 : memref<128xi32, #tpu.memory_space<hbm>>) target(%arg9 : memref<128xi32, #tpu.memory_space<vmem>>) target_semaphore(%run_scoped3A : memref<!tpu.dma_semaphore, #tpu.memory_space<semaphore_mem>>)
      %dma_wait3A_96 = tpu.memref_slice %arg3[%multiple_of3A_34] : memref<327680xi32, #tpu.memory_space<hbm>> -> memref<128xi32, #tpu.memory_space<hbm>>
      %dma_wait3A_97 = tpu.memref_slice %arg3[%multiple_of3A_34] : memref<327680xi32, #tpu.memory_space<hbm>> -> memref<128xi32, #tpu.memory_space<hbm>>
      tpu.wait_dma2 semaphore(%run_scoped3A : memref<!tpu.dma_semaphore, #tpu.memory_space<semaphore_mem>>) src(%dma_wait3A_97 : memref<128xi32, #tpu.memory_space<hbm>>) dst(%arg9 : memref<128xi32, #tpu.memory_space<vmem>>)
      tpu.yield
    }) : () -> ()
    %dma_start3A_35 = arith.constant 0 : i32
    %dma_start3A_36 = arith.constant 0 : i32
    %dma_start3A_37 = tpu.memref_slice %arg2[%dma_start3A_35, %dma_start3A_36] : memref<10000x128xf32, #tpu.memory_space<hbm>> -> memref<10000x128xf32, #tpu.memory_space<hbm>>
    tpu.enqueue_indirect_dma source(%dma_start3A_37 : memref<10000x128xf32, #tpu.memory_space<hbm>>) target(%arg13 : memref<128x128xf32, #tpu.memory_space<vmem>>) offsets(%arg9 : memref<128xi32, #tpu.memory_space<vmem>>) semaphore(%arg16 : memref<!tpu.dma_semaphore, #tpu.memory_space<semaphore_mem>>)
    %mul3A_38 = arith.constant 80 : i32
    %mul3A_39 = arith.muli %add3A, %mul3A_38 : i32
    %add3A_40 = arith.addi %mul3A_39, %add3A_26 : i32
    %mul3A_41 = arith.constant 128 : i32
    %mul3A_42 = arith.muli %add3A_40, %mul3A_41 : i32
    %multiple_of3A_43 = tpu.assume_multiple %mul3A_42, 128 : i32
    "tpu.region"() ({
      %run_scoped3A = tpu.sem_alloc : memref<!tpu.dma_semaphore, #tpu.memory_space<semaphore_mem>>
      %dma_start3A_94 = tpu.memref_slice %arg4[%multiple_of3A_43] : memref<327680xi32, #tpu.memory_space<hbm>> -> memref<128xi32, #tpu.memory_space<hbm>>
      %dma_start3A_95 = tpu.memref_slice %arg4[%multiple_of3A_43] : memref<327680xi32, #tpu.memory_space<hbm>> -> memref<128xi32, #tpu.memory_space<hbm>>
      tpu.enqueue_dma source(%dma_start3A_95 : memref<128xi32, #tpu.memory_space<hbm>>) target(%arg10 : memref<128xi32, #tpu.memory_space<vmem>>) target_semaphore(%run_scoped3A : memref<!tpu.dma_semaphore, #tpu.memory_space<semaphore_mem>>)
      %dma_wait3A_96 = tpu.memref_slice %arg4[%multiple_of3A_43] : memref<327680xi32, #tpu.memory_space<hbm>> -> memref<128xi32, #tpu.memory_space<hbm>>
      %dma_wait3A_97 = tpu.memref_slice %arg4[%multiple_of3A_43] : memref<327680xi32, #tpu.memory_space<hbm>> -> memref<128xi32, #tpu.memory_space<hbm>>
      tpu.wait_dma2 semaphore(%run_scoped3A : memref<!tpu.dma_semaphore, #tpu.memory_space<semaphore_mem>>) src(%dma_wait3A_97 : memref<128xi32, #tpu.memory_space<hbm>>) dst(%arg10 : memref<128xi32, #tpu.memory_space<vmem>>)
      tpu.yield
    }) : () -> ()
    %mul3A_44 = arith.constant 80 : i32
    %mul3A_45 = arith.muli %add3A, %mul3A_44 : i32
    %add3A_46 = arith.addi %mul3A_45, %add3A_26 : i32
    %mul3A_47 = arith.constant 128 : i32
    %mul3A_48 = arith.muli %add3A_46, %mul3A_47 : i32
    %multiple_of3A_49 = tpu.assume_multiple %mul3A_48, 128 : i32
    "tpu.region"() ({
      %run_scoped3A = tpu.sem_alloc : memref<!tpu.dma_semaphore, #tpu.memory_space<semaphore_mem>>
      %dma_start3A_94 = tpu.memref_slice %arg5[%multiple_of3A_49] : memref<327680xf32, #tpu.memory_space<hbm>> -> memref<128xf32, #tpu.memory_space<hbm>>
      %dma_start3A_95 = tpu.memref_slice %arg5[%multiple_of3A_49] : memref<327680xf32, #tpu.memory_space<hbm>> -> memref<128xf32, #tpu.memory_space<hbm>>
      tpu.enqueue_dma source(%dma_start3A_95 : memref<128xf32, #tpu.memory_space<hbm>>) target(%arg11 : memref<128xf32, #tpu.memory_space<vmem>>) target_semaphore(%run_scoped3A : memref<!tpu.dma_semaphore, #tpu.memory_space<semaphore_mem>>)
      %dma_wait3A_96 = tpu.memref_slice %arg5[%multiple_of3A_49] : memref<327680xf32, #tpu.memory_space<hbm>> -> memref<128xf32, #tpu.memory_space<hbm>>
      %dma_wait3A_97 = tpu.memref_slice %arg5[%multiple_of3A_49] : memref<327680xf32, #tpu.memory_space<hbm>> -> memref<128xf32, #tpu.memory_space<hbm>>
      tpu.wait_dma2 semaphore(%run_scoped3A : memref<!tpu.dma_semaphore, #tpu.memory_space<semaphore_mem>>) src(%dma_wait3A_97 : memref<128xf32, #tpu.memory_space<hbm>>) dst(%arg11 : memref<128xf32, #tpu.memory_space<vmem>>)
      tpu.yield
    }) : () -> ()
    %dma_wait3A = arith.constant 0 : i32
    %dma_wait3A_50 = arith.constant 0 : i32
    %dma_wait3A_51 = tpu.memref_slice %arg2[%dma_wait3A, %dma_wait3A_50] : memref<10000x128xf32, #tpu.memory_space<hbm>> -> memref<10000x128xf32, #tpu.memory_space<hbm>>
    tpu.wait_indirect_dma semaphore(%arg15 : memref<!tpu.dma_semaphore, #tpu.memory_space<semaphore_mem>>) src(%dma_wait3A_51 : memref<10000x128xf32, #tpu.memory_space<hbm>>) dst(%arg12 : memref<128x128xf32, #tpu.memory_space<vmem>>)
    %scan3A_52 = arith.constant 0 : i32
    %scan3A_53 = arith.constant 0 : i32
    %scan3A_54 = arith.constant 128 : i32
    %scan3A_55 = arith.addi %scan3A_53, %scan3A_54 : i32
    %scan3A_56 = arith.constant 1 : i32
    %scan3A_57 = scf.for %scan3A_94 = %scan3A_53 to %scan3A_55 step %scan3A_56 iter_args(%scan3A_95 = %scan3A_52) -> (i32)  : i32 {
      %broadcast_in_dim3A = vector.broadcast %scan3A_94 : i32 to vector<16xi32>
      %gather3A = tpu.vector_load_idx %arg11[%broadcast_in_dim3A] : memref<128xf32, #tpu.memory_space<vmem>>[vector<16xi32>], vector<16xf32>,
      %get3A = arith.index_cast %scan3A_94 : i32 to index
      %get3A_96 = arith.constant 0 : index
      %get3A_97 = tpu.vector_load %arg12[%get3A, %get3A_96] {strides = array<i32>} : memref<128x128xf32, #tpu.memory_space<vmem>>, vector<16xf32>,
      %mul3A_98 = arith.mulf %get3A_97, %gather3A : vector<16xf32>
      %swap3A = arith.index_cast %scan3A_94 : i32 to index
      %swap3A_99 = arith.constant 0 : index
      %swap3A_100 = tpu.vector_load %arg12[%swap3A, %swap3A_99] {strides = array<i32>} : memref<128x128xf32, #tpu.memory_space<vmem>>, vector<16xf32>,
      tpu.vector_store %arg12[%swap3A, %swap3A_99], %mul3A_98 {strides = array<i32>} : memref<128x128xf32, #tpu.memory_space<vmem>>, vector<16xf32>,
      %get3A_101 = arith.index_cast %scan3A_94 : i32 to index
      %get3A_102 = arith.constant 16 : index
      %get3A_103 = tpu.vector_load %arg12[%get3A_101, %get3A_102] {strides = array<i32>} : memref<128x128xf32, #tpu.memory_space<vmem>>, vector<16xf32>,
      %mul3A_104 = arith.mulf %get3A_103, %gather3A : vector<16xf32>
      %swap3A_105 = arith.index_cast %scan3A_94 : i32 to index
      %swap3A_106 = arith.constant 16 : index
      %swap3A_107 = tpu.vector_load %arg12[%swap3A_105, %swap3A_106] {strides = array<i32>} : memref<128x128xf32, #tpu.memory_space<vmem>>, vector<16xf32>,
      tpu.vector_store %arg12[%swap3A_105, %swap3A_106], %mul3A_104 {strides = array<i32>} : memref<128x128xf32, #tpu.memory_space<vmem>>, vector<16xf32>,
      %get3A_108 = arith.index_cast %scan3A_94 : i32 to index
      %get3A_109 = arith.constant 32 : index
      %get3A_110 = tpu.vector_load %arg12[%get3A_108, %get3A_109] {strides = array<i32>} : memref<128x128xf32, #tpu.memory_space<vmem>>, vector<16xf32>,
      %mul3A_111 = arith.mulf %get3A_110, %gather3A : vector<16xf32>
      %swap3A_112 = arith.index_cast %scan3A_94 : i32 to index
      %swap3A_113 = arith.constant 32 : index
      %swap3A_114 = tpu.vector_load %arg12[%swap3A_112, %swap3A_113] {strides = array<i32>} : memref<128x128xf32, #tpu.memory_space<vmem>>, vector<16xf32>,
      tpu.vector_store %arg12[%swap3A_112, %swap3A_113], %mul3A_111 {strides = array<i32>} : memref<128x128xf32, #tpu.memory_space<vmem>>, vector<16xf32>,
      %get3A_115 = arith.index_cast %scan3A_94 : i32 to index
      %get3A_116 = arith.constant 48 : index
      %get3A_117 = tpu.vector_load %arg12[%get3A_115, %get3A_116] {strides = array<i32>} : memref<128x128xf32, #tpu.memory_space<vmem>>, vector<16xf32>,
      %mul3A_118 = arith.mulf %get3A_117, %gather3A : vector<16xf32>
      %swap3A_119 = arith.index_cast %scan3A_94 : i32 to index
      %swap3A_120 = arith.constant 48 : index
      %swap3A_121 = tpu.vector_load %arg12[%swap3A_119, %swap3A_120] {strides = array<i32>} : memref<128x128xf32, #tpu.memory_space<vmem>>, vector<16xf32>,
      tpu.vector_store %arg12[%swap3A_119, %swap3A_120], %mul3A_118 {strides = array<i32>} : memref<128x128xf32, #tpu.memory_space<vmem>>, vector<16xf32>,
      %get3A_122 = arith.index_cast %scan3A_94 : i32 to index
      %get3A_123 = arith.constant 64 : index
      %get3A_124 = tpu.vector_load %arg12[%get3A_122, %get3A_123] {strides = array<i32>} : memref<128x128xf32, #tpu.memory_space<vmem>>, vector<16xf32>,
      %mul3A_125 = arith.mulf %get3A_124, %gather3A : vector<16xf32>
      %swap3A_126 = arith.index_cast %scan3A_94 : i32 to index
      %swap3A_127 = arith.constant 64 : index
      %swap3A_128 = tpu.vector_load %arg12[%swap3A_126, %swap3A_127] {strides = array<i32>} : memref<128x128xf32, #tpu.memory_space<vmem>>, vector<16xf32>,
      tpu.vector_store %arg12[%swap3A_126, %swap3A_127], %mul3A_125 {strides = array<i32>} : memref<128x128xf32, #tpu.memory_space<vmem>>, vector<16xf32>,
      %get3A_129 = arith.index_cast %scan3A_94 : i32 to index
      %get3A_130 = arith.constant 80 : index
      %get3A_131 = tpu.vector_load %arg12[%get3A_129, %get3A_130] {strides = array<i32>} : memref<128x128xf32, #tpu.memory_space<vmem>>, vector<16xf32>,
      %mul3A_132 = arith.mulf %get3A_131, %gather3A : vector<16xf32>
      %swap3A_133 = arith.index_cast %scan3A_94 : i32 to index
      %swap3A_134 = arith.constant 80 : index
      %swap3A_135 = tpu.vector_load %arg12[%swap3A_133, %swap3A_134] {strides = array<i32>} : memref<128x128xf32, #tpu.memory_space<vmem>>, vector<16xf32>,
      tpu.vector_store %arg12[%swap3A_133, %swap3A_134], %mul3A_132 {strides = array<i32>} : memref<128x128xf32, #tpu.memory_space<vmem>>, vector<16xf32>,
      %get3A_136 = arith.index_cast %scan3A_94 : i32 to index
      %get3A_137 = arith.constant 96 : index
      %get3A_138 = tpu.vector_load %arg12[%get3A_136, %get3A_137] {strides = array<i32>} : memref<128x128xf32, #tpu.memory_space<vmem>>, vector<16xf32>,
      %mul3A_139 = arith.mulf %get3A_138, %gather3A : vector<16xf32>
      %swap3A_140 = arith.index_cast %scan3A_94 : i32 to index
      %swap3A_141 = arith.constant 96 : index
      %swap3A_142 = tpu.vector_load %arg12[%swap3A_140, %swap3A_141] {strides = array<i32>} : memref<128x128xf32, #tpu.memory_space<vmem>>, vector<16xf32>,
      tpu.vector_store %arg12[%swap3A_140, %swap3A_141], %mul3A_139 {strides = array<i32>} : memref<128x128xf32, #tpu.memory_space<vmem>>, vector<16xf32>,
      %get3A_143 = arith.index_cast %scan3A_94 : i32 to index
      %get3A_144 = arith.constant 112 : index
      %get3A_145 = tpu.vector_load %arg12[%get3A_143, %get3A_144] {strides = array<i32>} : memref<128x128xf32, #tpu.memory_space<vmem>>, vector<16xf32>,
      %mul3A_146 = arith.mulf %get3A_145, %gather3A : vector<16xf32>
      %swap3A_147 = arith.index_cast %scan3A_94 : i32 to index
      %swap3A_148 = arith.constant 112 : index
      %swap3A_149 = tpu.vector_load %arg12[%swap3A_147, %swap3A_148] {strides = array<i32>} : memref<128x128xf32, #tpu.memory_space<vmem>>, vector<16xf32>,
      tpu.vector_store %arg12[%swap3A_147, %swap3A_148], %mul3A_146 {strides = array<i32>} : memref<128x128xf32, #tpu.memory_space<vmem>>, vector<16xf32>,
      %scan3A_150 = arith.constant 0 : i32
      scf.yield %scan3A_150 : i32
    }
    %scan3A_58 = arith.constant 128 : i32
    "tpu.region"() ({
      %run_scoped3A = tpu.sem_alloc : memref<!tpu.dma_semaphore, #tpu.memory_space<semaphore_mem>>
      %dma_start3A_94 = arith.constant 0 : i32
      %dma_start3A_95 = arith.constant 0 : i32
      %dma_start3A_96 = tpu.memref_slice %arg14[%dma_start3A_94, %dma_start3A_95] : memref<10000x128xf32, #tpu.memory_space<vmem_shared>> -> memref<10000x128xf32, #tpu.memory_space<vmem_shared>>
      tpu.enqueue_indirect_dma source(%arg12 : memref<128x128xf32, #tpu.memory_space<vmem>>) target(%dma_start3A_96 : memref<10000x128xf32, #tpu.memory_space<vmem_shared>>) offsets(%arg10 : memref<128xi32, #tpu.memory_space<vmem>>) semaphore(%run_scoped3A : memref<!tpu.dma_semaphore, #tpu.memory_space<semaphore_mem>>) {add = true}
      %dma_wait3A_97 = arith.constant 0 : i32
      %dma_wait3A_98 = arith.constant 0 : i32
      %dma_wait3A_99 = tpu.memref_slice %arg14[%dma_wait3A_97, %dma_wait3A_98] : memref<10000x128xf32, #tpu.memory_space<vmem_shared>> -> memref<10000x128xf32, #tpu.memory_space<vmem_shared>>
      tpu.wait_indirect_dma semaphore(%run_scoped3A : memref<!tpu.dma_semaphore, #tpu.memory_space<semaphore_mem>>) src(%arg12 : memref<128x128xf32, #tpu.memory_space<vmem>>) dst(%dma_wait3A_99 : memref<10000x128xf32, #tpu.memory_space<vmem_shared>>)
      tpu.yield
    }) : () -> ()
    %add3A_59 = arith.constant 79 : i32
    %add3A_60 = arith.addi %mul3A_10, %add3A_59 : i32
    %mul3A_61 = arith.constant 80 : i32
    %mul3A_62 = arith.muli %add3A, %mul3A_61 : i32
    %add3A_63 = arith.addi %mul3A_62, %add3A_60 : i32
    %mul3A_64 = arith.constant 128 : i32
    %mul3A_65 = arith.muli %add3A_63, %mul3A_64 : i32
    %multiple_of3A_66 = tpu.assume_multiple %mul3A_65, 128 : i32
    "tpu.region"() ({
      %run_scoped3A = tpu.sem_alloc : memref<!tpu.dma_semaphore, #tpu.memory_space<semaphore_mem>>
      %dma_start3A_94 = tpu.memref_slice %arg4[%multiple_of3A_66] : memref<327680xi32, #tpu.memory_space<hbm>> -> memref<128xi32, #tpu.memory_space<hbm>>
      %dma_start3A_95 = tpu.memref_slice %arg4[%multiple_of3A_66] : memref<327680xi32, #tpu.memory_space<hbm>> -> memref<128xi32, #tpu.memory_space<hbm>>
      tpu.enqueue_dma source(%dma_start3A_95 : memref<128xi32, #tpu.memory_space<hbm>>) target(%arg10 : memref<128xi32, #tpu.memory_space<vmem>>) target_semaphore(%run_scoped3A : memref<!tpu.dma_semaphore, #tpu.memory_space<semaphore_mem>>)
      %dma_wait3A_96 = tpu.memref_slice %arg4[%multiple_of3A_66] : memref<327680xi32, #tpu.memory_space<hbm>> -> memref<128xi32, #tpu.memory_space<hbm>>
      %dma_wait3A_97 = tpu.memref_slice %arg4[%multiple_of3A_66] : memref<327680xi32, #tpu.memory_space<hbm>> -> memref<128xi32, #tpu.memory_space<hbm>>
      tpu.wait_dma2 semaphore(%run_scoped3A : memref<!tpu.dma_semaphore, #tpu.memory_space<semaphore_mem>>) src(%dma_wait3A_97 : memref<128xi32, #tpu.memory_space<hbm>>) dst(%arg10 : memref<128xi32, #tpu.memory_space<vmem>>)
      tpu.yield
    }) : () -> ()
    %mul3A_67 = arith.constant 80 : i32
    %mul3A_68 = arith.muli %add3A, %mul3A_67 : i32
    %add3A_69 = arith.addi %mul3A_68, %add3A_60 : i32
    %mul3A_70 = arith.constant 128 : i32
    %mul3A_71 = arith.muli %add3A_69, %mul3A_70 : i32
    %multiple_of3A_72 = tpu.assume_multiple %mul3A_71, 128 : i32
    "tpu.region"() ({
      %run_scoped3A = tpu.sem_alloc : memref<!tpu.dma_semaphore, #tpu.memory_space<semaphore_mem>>
      %dma_start3A_94 = tpu.memref_slice %arg5[%multiple_of3A_72] : memref<327680xf32, #tpu.memory_space<hbm>> -> memref<128xf32, #tpu.memory_space<hbm>>
      %dma_start3A_95 = tpu.memref_slice %arg5[%multiple_of3A_72] : memref<327680xf32, #tpu.memory_space<hbm>> -> memref<128xf32, #tpu.memory_space<hbm>>
      tpu.enqueue_dma source(%dma_start3A_95 : memref<128xf32, #tpu.memory_space<hbm>>) target(%arg11 : memref<128xf32, #tpu.memory_space<vmem>>) target_semaphore(%run_scoped3A : memref<!tpu.dma_semaphore, #tpu.memory_space<semaphore_mem>>)
      %dma_wait3A_96 = tpu.memref_slice %arg5[%multiple_of3A_72] : memref<327680xf32, #tpu.memory_space<hbm>> -> memref<128xf32, #tpu.memory_space<hbm>>
      %dma_wait3A_97 = tpu.memref_slice %arg5[%multiple_of3A_72] : memref<327680xf32, #tpu.memory_space<hbm>> -> memref<128xf32, #tpu.memory_space<hbm>>
      tpu.wait_dma2 semaphore(%run_scoped3A : memref<!tpu.dma_semaphore, #tpu.memory_space<semaphore_mem>>) src(%dma_wait3A_97 : memref<128xf32, #tpu.memory_space<hbm>>) dst(%arg11 : memref<128xf32, #tpu.memory_space<vmem>>)
      tpu.yield
    }) : () -> ()
    %dma_wait3A_73 = arith.constant 0 : i32
    %dma_wait3A_74 = arith.constant 0 : i32
    %dma_wait3A_75 = tpu.memref_slice %arg2[%dma_wait3A_73, %dma_wait3A_74] : memref<10000x128xf32, #tpu.memory_space<hbm>> -> memref<10000x128xf32, #tpu.memory_space<hbm>>
    tpu.wait_indirect_dma semaphore(%arg16 : memref<!tpu.dma_semaphore, #tpu.memory_space<semaphore_mem>>) src(%dma_wait3A_75 : memref<10000x128xf32, #tpu.memory_space<hbm>>) dst(%arg13 : memref<128x128xf32, #tpu.memory_space<vmem>>)
    %scan3A_76 = arith.constant 0 : i32
    %scan3A_77 = arith.constant 0 : i32
    %scan3A_78 = arith.constant 128 : i32
    %scan3A_79 = arith.addi %scan3A_77, %scan3A_78 : i32
    %scan3A_80 = arith.constant 1 : i32
    %scan3A_81 = scf.for %scan3A_94 = %scan3A_77 to %scan3A_79 step %scan3A_80 iter_args(%scan3A_95 = %scan3A_76) -> (i32)  : i32 {
      %broadcast_in_dim3A = vector.broadcast %scan3A_94 : i32 to vector<16xi32>
      %gather3A = tpu.vector_load_idx %arg11[%broadcast_in_dim3A] : memref<128xf32, #tpu.memory_space<vmem>>[vector<16xi32>], vector<16xf32>,
      %get3A = arith.index_cast %scan3A_94 : i32 to index
      %get3A_96 = arith.constant 0 : index
      %get3A_97 = tpu.vector_load %arg13[%get3A, %get3A_96] {strides = array<i32>} : memref<128x128xf32, #tpu.memory_space<vmem>>, vector<16xf32>,
      %mul3A_98 = arith.mulf %get3A_97, %gather3A : vector<16xf32>
      %swap3A = arith.index_cast %scan3A_94 : i32 to index
      %swap3A_99 = arith.constant 0 : index
      %swap3A_100 = tpu.vector_load %arg13[%swap3A, %swap3A_99] {strides = array<i32>} : memref<128x128xf32, #tpu.memory_space<vmem>>, vector<16xf32>,
      tpu.vector_store %arg13[%swap3A, %swap3A_99], %mul3A_98 {strides = array<i32>} : memref<128x128xf32, #tpu.memory_space<vmem>>, vector<16xf32>,
      %get3A_101 = arith.index_cast %scan3A_94 : i32 to index
      %get3A_102 = arith.constant 16 : index
      %get3A_103 = tpu.vector_load %arg13[%get3A_101, %get3A_102] {strides = array<i32>} : memref<128x128xf32, #tpu.memory_space<vmem>>, vector<16xf32>,
      %mul3A_104 = arith.mulf %get3A_103, %gather3A : vector<16xf32>
      %swap3A_105 = arith.index_cast %scan3A_94 : i32 to index
      %swap3A_106 = arith.constant 16 : index
      %swap3A_107 = tpu.vector_load %arg13[%swap3A_105, %swap3A_106] {strides = array<i32>} : memref<128x128xf32, #tpu.memory_space<vmem>>, vector<16xf32>,
      tpu.vector_store %arg13[%swap3A_105, %swap3A_106], %mul3A_104 {strides = array<i32>} : memref<128x128xf32, #tpu.memory_space<vmem>>, vector<16xf32>,
      %get3A_108 = arith.index_cast %scan3A_94 : i32 to index
      %get3A_109 = arith.constant 32 : index
      %get3A_110 = tpu.vector_load %arg13[%get3A_108, %get3A_109] {strides = array<i32>} : memref<128x128xf32, #tpu.memory_space<vmem>>, vector<16xf32>,
      %mul3A_111 = arith.mulf %get3A_110, %gather3A : vector<16xf32>
      %swap3A_112 = arith.index_cast %scan3A_94 : i32 to index
      %swap3A_113 = arith.constant 32 : index
      %swap3A_114 = tpu.vector_load %arg13[%swap3A_112, %swap3A_113] {strides = array<i32>} : memref<128x128xf32, #tpu.memory_space<vmem>>, vector<16xf32>,
      tpu.vector_store %arg13[%swap3A_112, %swap3A_113], %mul3A_111 {strides = array<i32>} : memref<128x128xf32, #tpu.memory_space<vmem>>, vector<16xf32>,
      %get3A_115 = arith.index_cast %scan3A_94 : i32 to index
      %get3A_116 = arith.constant 48 : index
      %get3A_117 = tpu.vector_load %arg13[%get3A_115, %get3A_116] {strides = array<i32>} : memref<128x128xf32, #tpu.memory_space<vmem>>, vector<16xf32>,
      %mul3A_118 = arith.mulf %get3A_117, %gather3A : vector<16xf32>
      %swap3A_119 = arith.index_cast %scan3A_94 : i32 to index
      %swap3A_120 = arith.constant 48 : index
      %swap3A_121 = tpu.vector_load %arg13[%swap3A_119, %swap3A_120] {strides = array<i32>} : memref<128x128xf32, #tpu.memory_space<vmem>>, vector<16xf32>,
      tpu.vector_store %arg13[%swap3A_119, %swap3A_120], %mul3A_118 {strides = array<i32>} : memref<128x128xf32, #tpu.memory_space<vmem>>, vector<16xf32>,
      %get3A_122 = arith.index_cast %scan3A_94 : i32 to index
      %get3A_123 = arith.constant 64 : index
      %get3A_124 = tpu.vector_load %arg13[%get3A_122, %get3A_123] {strides = array<i32>} : memref<128x128xf32, #tpu.memory_space<vmem>>, vector<16xf32>,
      %mul3A_125 = arith.mulf %get3A_124, %gather3A : vector<16xf32>
      %swap3A_126 = arith.index_cast %scan3A_94 : i32 to index
      %swap3A_127 = arith.constant 64 : index
      %swap3A_128 = tpu.vector_load %arg13[%swap3A_126, %swap3A_127] {strides = array<i32>} : memref<128x128xf32, #tpu.memory_space<vmem>>, vector<16xf32>,
      tpu.vector_store %arg13[%swap3A_126, %swap3A_127], %mul3A_125 {strides = array<i32>} : memref<128x128xf32, #tpu.memory_space<vmem>>, vector<16xf32>,
      %get3A_129 = arith.index_cast %scan3A_94 : i32 to index
      %get3A_130 = arith.constant 80 : index
      %get3A_131 = tpu.vector_load %arg13[%get3A_129, %get3A_130] {strides = array<i32>} : memref<128x128xf32, #tpu.memory_space<vmem>>, vector<16xf32>,
      %mul3A_132 = arith.mulf %get3A_131, %gather3A : vector<16xf32>
      %swap3A_133 = arith.index_cast %scan3A_94 : i32 to index
      %swap3A_134 = arith.constant 80 : index
      %swap3A_135 = tpu.vector_load %arg13[%swap3A_133, %swap3A_134] {strides = array<i32>} : memref<128x128xf32, #tpu.memory_space<vmem>>, vector<16xf32>,
      tpu.vector_store %arg13[%swap3A_133, %swap3A_134], %mul3A_132 {strides = array<i32>} : memref<128x128xf32, #tpu.memory_space<vmem>>, vector<16xf32>,
      %get3A_136 = arith.index_cast %scan3A_94 : i32 to index
      %get3A_137 = arith.constant 96 : index
      %get3A_138 = tpu.vector_load %arg13[%get3A_136, %get3A_137] {strides = array<i32>} : memref<128x128xf32, #tpu.memory_space<vmem>>, vector<16xf32>,
      %mul3A_139 = arith.mulf %get3A_138, %gather3A : vector<16xf32>
      %swap3A_140 = arith.index_cast %scan3A_94 : i32 to index
      %swap3A_141 = arith.constant 96 : index
      %swap3A_142 = tpu.vector_load %arg13[%swap3A_140, %swap3A_141] {strides = array<i32>} : memref<128x128xf32, #tpu.memory_space<vmem>>, vector<16xf32>,
      tpu.vector_store %arg13[%swap3A_140, %swap3A_141], %mul3A_139 {strides = array<i32>} : memref<128x128xf32, #tpu.memory_space<vmem>>, vector<16xf32>,
      %get3A_143 = arith.index_cast %scan3A_94 : i32 to index
      %get3A_144 = arith.constant 112 : index
      %get3A_145 = tpu.vector_load %arg13[%get3A_143, %get3A_144] {strides = array<i32>} : memref<128x128xf32, #tpu.memory_space<vmem>>, vector<16xf32>,
      %mul3A_146 = arith.mulf %get3A_145, %gather3A : vector<16xf32>
      %swap3A_147 = arith.index_cast %scan3A_94 : i32 to index
      %swap3A_148 = arith.constant 112 : index
      %swap3A_149 = tpu.vector_load %arg13[%swap3A_147, %swap3A_148] {strides = array<i32>} : memref<128x128xf32, #tpu.memory_space<vmem>>, vector<16xf32>,
      tpu.vector_store %arg13[%swap3A_147, %swap3A_148], %mul3A_146 {strides = array<i32>} : memref<128x128xf32, #tpu.memory_space<vmem>>, vector<16xf32>,
      %scan3A_150 = arith.constant 0 : i32
      scf.yield %scan3A_150 : i32
    }
    %scan3A_82 = arith.constant 128 : i32
    "tpu.region"() ({
      %run_scoped3A = tpu.sem_alloc : memref<!tpu.dma_semaphore, #tpu.memory_space<semaphore_mem>>
      %dma_start3A_94 = arith.constant 0 : i32
      %dma_start3A_95 = arith.constant 0 : i32
      %dma_start3A_96 = tpu.memref_slice %arg14[%dma_start3A_94, %dma_start3A_95] : memref<10000x128xf32, #tpu.memory_space<vmem_shared>> -> memref<10000x128xf32, #tpu.memory_space<vmem_shared>>
      tpu.enqueue_indirect_dma source(%arg13 : memref<128x128xf32, #tpu.memory_space<vmem>>) target(%dma_start3A_96 : memref<10000x128xf32, #tpu.memory_space<vmem_shared>>) offsets(%arg10 : memref<128xi32, #tpu.memory_space<vmem>>) semaphore(%run_scoped3A : memref<!tpu.dma_semaphore, #tpu.memory_space<semaphore_mem>>) {add = true}
      %dma_wait3A_97 = arith.constant 0 : i32
      %dma_wait3A_98 = arith.constant 0 : i32
      %dma_wait3A_99 = tpu.memref_slice %arg14[%dma_wait3A_97, %dma_wait3A_98] : memref<10000x128xf32, #tpu.memory_space<vmem_shared>> -> memref<10000x128xf32, #tpu.memory_space<vmem_shared>>
      tpu.wait_indirect_dma semaphore(%run_scoped3A : memref<!tpu.dma_semaphore, #tpu.memory_space<semaphore_mem>>) src(%arg13 : memref<128x128xf32, #tpu.memory_space<vmem>>) dst(%dma_wait3A_99 : memref<10000x128xf32, #tpu.memory_space<vmem_shared>>)
      tpu.yield
    }) : () -> ()
    %barrier3A_83 = arith.constant 0 : index
    tpu.barrier barrier_id(%barrier3A_83)
    %lt3A_84 = arith.constant 15 : i32
    %lt3A_85 = arith.cmpi slt, %arg1, %lt3A_84 : i32
    %convert_element_type3A_86 = arith.extui %lt3A_85 : i1 to i32
    %cond3A_87 = arith.constant 0 : i32
    %cond3A_88 = arith.cmpi ne, %convert_element_type3A_86, %cond3A_87 : i32
    scf.if %cond3A_88 {
      "tpu.region"() ({
        %run_scoped3A = tpu.sem_alloc : memref<!tpu.dma_semaphore, #tpu.memory_space<semaphore_mem>>
        %dma_start3A_94 = arith.constant 0 : i32
        %dma_start3A_95 = tpu.memref_slice %arg7[%arg0, %multiple_of3A, %dma_start3A_94] : memref<2x10000x128xf32, #tpu.memory_space<hbm>> -> memref<1x640x128xf32, #tpu.memory_space<hbm>>
        %dma_start3A_96 = tpu.memref_squeeze %dma_start3A_95 : memref<1x640x128xf32, #tpu.memory_space<hbm>> -> memref<640x128xf32, #tpu.memory_space<hbm>>
        %dma_start3A_97 = arith.constant 0 : i32
        %dma_start3A_98 = tpu.memref_slice %arg14[%multiple_of3A, %dma_start3A_97] : memref<10000x128xf32, #tpu.memory_space<vmem_shared>> -> memref<640x128xf32, #tpu.memory_space<vmem_shared>>
        tpu.enqueue_dma source(%dma_start3A_98 : memref<640x128xf32, #tpu.memory_space<vmem_shared>>) target(%dma_start3A_96 : memref<640x128xf32, #tpu.memory_space<hbm>>) target_semaphore(%run_scoped3A : memref<!tpu.dma_semaphore, #tpu.memory_space<semaphore_mem>>)
        %dma_wait3A_99 = arith.constant 0 : i32
        %dma_wait3A_100 = tpu.memref_slice %arg7[%arg0, %multiple_of3A, %dma_wait3A_99] : memref<2x10000x128xf32, #tpu.memory_space<hbm>> -> memref<1x640x128xf32, #tpu.memory_space<hbm>>
        %dma_wait3A_101 = tpu.memref_squeeze %dma_wait3A_100 : memref<1x640x128xf32, #tpu.memory_space<hbm>> -> memref<640x128xf32, #tpu.memory_space<hbm>>
        %dma_wait3A_102 = arith.constant 0 : i32
        %dma_wait3A_103 = tpu.memref_slice %arg14[%multiple_of3A, %dma_wait3A_102] : memref<10000x128xf32, #tpu.memory_space<vmem_shared>> -> memref<640x128xf32, #tpu.memory_space<vmem_shared>>
        tpu.wait_dma2 semaphore(%run_scoped3A : memref<!tpu.dma_semaphore, #tpu.memory_space<semaphore_mem>>) src(%dma_wait3A_103 : memref<640x128xf32, #tpu.memory_space<vmem_shared>>) dst(%dma_wait3A_101 : memref<640x128xf32, #tpu.memory_space<hbm>>)
        tpu.yield
      }) : () -> ()
    } else {
    }
    %eq3A_89 = arith.constant 15 : i32
    %eq3A_90 = arith.cmpi eq, %arg1, %eq3A_89 : i32
    %convert_element_type3A_91 = arith.extui %eq3A_90 : i1 to i32
    %cond3A_92 = arith.constant 0 : i32
    %cond3A_93 = arith.cmpi ne, %convert_element_type3A_91, %cond3A_92 : i32
    scf.if %cond3A_93 {
      "tpu.region"() ({
        %run_scoped3A = tpu.sem_alloc : memref<!tpu.dma_semaphore, #tpu.memory_space<semaphore_mem>>
        %dma_start3A_94 = arith.constant 0 : i32
        %dma_start3A_95 = tpu.memref_slice %arg7[%arg0, %multiple_of3A, %dma_start3A_94] : memref<2x10000x128xf32, #tpu.memory_space<hbm>> -> memref<1x400x128xf32, #tpu.memory_space<hbm>>
        %dma_start3A_96 = tpu.memref_squeeze %dma_start3A_95 : memref<1x400x128xf32, #tpu.memory_space<hbm>> -> memref<400x128xf32, #tpu.memory_space<hbm>>
        %dma_start3A_97 = arith.constant 0 : i32
        %dma_start3A_98 = tpu.memref_slice %arg14[%multiple_of3A, %dma_start3A_97] : memref<10000x128xf32, #tpu.memory_space<vmem_shared>> -> memref<400x128xf32, #tpu.memory_space<vmem_shared>>
        tpu.enqueue_dma source(%dma_start3A_98 : memref<400x128xf32, #tpu.memory_space<vmem_shared>>) target(%dma_start3A_96 : memref<400x128xf32, #tpu.memory_space<hbm>>) target_semaphore(%run_scoped3A : memref<!tpu.dma_semaphore, #tpu.memory_space<semaphore_mem>>)
        %dma_wait3A_99 = arith.constant 0 : i32
        %dma_wait3A_100 = tpu.memref_slice %arg7[%arg0, %multiple_of3A, %dma_wait3A_99] : memref<2x10000x128xf32, #tpu.memory_space<hbm>> -> memref<1x400x128xf32, #tpu.memory_space<hbm>>
        %dma_wait3A_101 = tpu.memref_squeeze %dma_wait3A_100 : memref<1x400x128xf32, #tpu.memory_space<hbm>> -> memref<400x128xf32, #tpu.memory_space<hbm>>
        %dma_wait3A_102 = arith.constant 0 : i32
        %dma_wait3A_103 = tpu.memref_slice %arg14[%multiple_of3A, %dma_wait3A_102] : memref<10000x128xf32, #tpu.memory_space<vmem_shared>> -> memref<400x128xf32, #tpu.memory_space<vmem_shared>>
        tpu.wait_dma2 semaphore(%run_scoped3A : memref<!tpu.dma_semaphore, #tpu.memory_space<semaphore_mem>>) src(%dma_wait3A_103 : memref<400x128xf32, #tpu.memory_space<vmem_shared>>) dst(%dma_wait3A_101 : memref<400x128xf32, #tpu.memory_space<hbm>>)
        tpu.yield
      }) : () -> ()
    } else {
    }
    return
  }
}

module attributes {stable_mosaic.version = 14 : i64} {
  func.func @body(%arg0: i32, %arg1: memref<2x1000x128xf32, #tpu.memory_space<vmem>>, %arg2: memref<1000x128xf32, #tpu.memory_space<vmem>>, %arg3: memref<128x128xf32, #tpu.memory_space<vmem>>, %arg4: memref<128x128xf32, #tpu.memory_space<vmem>>, %arg5: memref<1x128xf32, #tpu.memory_space<vmem>>, %arg6: memref<1000x128xf32, #tpu.memory_space<vmem>>) attributes {dimension_semantics = [#tpu.dimension_semantics<arbitrary>], iteration_bounds = array<i64: 10>, scalar_prefetch = 0 : i64, scratch_operands = 0 : i64, tpu.core_type = #tpu.core_type<tc>, window_params = [{transform_indices = @transform_0, window_bounds = array<i64: 2, 1000, 128>}, {transform_indices = @transform_1, window_bounds = array<i64: 1000, 128>}, {pipeline_mode = #tpu.pipeline_mode<synchronous>, transform_indices = @transform_2, window_bounds = array<i64: 128, 128>}, {pipeline_mode = #tpu.pipeline_mode<synchronous>, transform_indices = @transform_3, window_bounds = array<i64: 128, 128>}, {pipeline_mode = #tpu.pipeline_mode<synchronous>, transform_indices = @transform_4, window_bounds = array<i64: 1, 128>}, {transform_indices = @transform_5, window_bounds = array<i64: 1000, 128>}]} {
    %get3A = arith.constant 0 : index
    %get3A_0 = arith.constant 0 : index
    %get3A_1 = arith.constant 0 : index
    %get3A_2 = vector.load %arg1[%get3A, %get3A_0, %get3A_1] : memref<2x1000x128xf32, #tpu.memory_space<vmem>>, vector<1x1000x128xf32>
    %get3A_3 = vector.shape_cast %get3A_2 : vector<1x1000x128xf32> to vector<1000x128xf32>
    %get3A_4 = arith.constant 1 : index
    %get3A_5 = arith.constant 0 : index
    %get3A_6 = arith.constant 0 : index
    %get3A_7 = vector.load %arg1[%get3A_4, %get3A_5, %get3A_6] : memref<2x1000x128xf32, #tpu.memory_space<vmem>>, vector<1x1000x128xf32>
    %get3A_8 = vector.shape_cast %get3A_7 : vector<1x1000x128xf32> to vector<1000x128xf32>
    %add3A = arith.addf %get3A_3, %get3A_8 : vector<1000x128xf32>
    %get3A_9 = arith.constant 0 : index
    %get3A_10 = arith.constant 0 : index
    %get3A_11 = vector.load %arg3[%get3A_9, %get3A_10] : memref<128x128xf32, #tpu.memory_space<vmem>>, vector<128x128xf32>
    %dot_general3A = arith.constant dense<0.000000e+00> : vector<1000x128xf32>
    %dot_general3A_12 = tpu.matmul %add3A, %get3A_11, %dot_general3A {dimension_numbers = #tpu.dot_dimension_numbers<[1], [0], [0], [1], [0, 0, 1, 1], [], []>, transpose_lhs_hint = false} : vector<1000x128xf32>, vector<128x128xf32>, vector<1000x128xf32> -> vector<1000x128xf32>
    %get3A_13 = arith.constant 0 : index
    %get3A_14 = arith.constant 0 : index
    %get3A_15 = vector.load %arg2[%get3A_13, %get3A_14] : memref<1000x128xf32, #tpu.memory_space<vmem>>, vector<1000x128xf32>
    %get3A_16 = arith.constant 0 : index
    %get3A_17 = arith.constant 0 : index
    %get3A_18 = vector.load %arg4[%get3A_16, %get3A_17] : memref<128x128xf32, #tpu.memory_space<vmem>>, vector<128x128xf32>
    %dot_general3A_19 = arith.constant dense<0.000000e+00> : vector<1000x128xf32>
    %dot_general3A_20 = tpu.matmul %get3A_15, %get3A_18, %dot_general3A_19 {dimension_numbers = #tpu.dot_dimension_numbers<[1], [0], [0], [1], [0, 0, 1, 1], [], []>, transpose_lhs_hint = false} : vector<1000x128xf32>, vector<128x128xf32>, vector<1000x128xf32> -> vector<1000x128xf32>
    %add3A_21 = arith.addf %dot_general3A_12, %dot_general3A_20 : vector<1000x128xf32>
    %get3A_22 = arith.constant 0 : index
    %get3A_23 = arith.constant 0 : index
    %get3A_24 = vector.load %arg5[%get3A_22, %get3A_23] : memref<1x128xf32, #tpu.memory_space<vmem>>, vector<1x128xf32>
    %add3A_25 = vector.broadcast %get3A_24 : vector<1x128xf32> to vector<1000x128xf32>
    %add3A_26 = arith.addf %add3A_21, %add3A_25 : vector<1000x128xf32>
    %max3A = arith.constant 0.000000e+00 : f32
    %max3A_27 = vector.broadcast %max3A : f32 to vector<1000x128xf32>
    %max3A_28 = arith.maximumf %add3A_26, %max3A_27 : vector<1000x128xf32>
    %swap3A = arith.constant 0 : index
    %swap3A_29 = arith.constant 0 : index
    %swap3A_30 = vector.load %arg6[%swap3A, %swap3A_29] : memref<1000x128xf32, #tpu.memory_space<vmem>>, vector<1000x128xf32>
    tpu.vector_store %arg6[%swap3A, %swap3A_29], %max3A_28 {strides = array<i32>} : memref<1000x128xf32, #tpu.memory_space<vmem>>, vector<1000x128xf32>,
    return
  }
  func.func @transform_0(%arg0: i32) -> (i32, i32, i32) {
    %c0_i32 = arith.constant 0 : i32
    %c0_i32_0 = arith.constant 0 : i32
    %c0_i32_1 = arith.constant 0 : i32
    return %c0_i32, %arg0, %c0_i32_0 : i32, i32, i32
  }
  func.func @transform_1(%arg0: i32) -> (i32, i32) {
    %c0_i32 = arith.constant 0 : i32
    %c0_i32_0 = arith.constant 0 : i32
    return %arg0, %c0_i32 : i32, i32
  }
  func.func @transform_2(%arg0: i32) -> (i32, i32) {
    %c0_i32 = arith.constant 0 : i32
    %c0_i32_0 = arith.constant 0 : i32
    %c0_i32_1 = arith.constant 0 : i32
    return %c0_i32, %c0_i32_0 : i32, i32
  }
  func.func @transform_3(%arg0: i32) -> (i32, i32) {
    %c0_i32 = arith.constant 0 : i32
    %c0_i32_0 = arith.constant 0 : i32
    %c0_i32_1 = arith.constant 0 : i32
    return %c0_i32, %c0_i32_0 : i32, i32
  }
  func.func @transform_4(%arg0: i32) -> (i32, i32) {
    %c0_i32 = arith.constant 0 : i32
    %c0_i32_0 = arith.constant 0 : i32
    %c0_i32_1 = arith.constant 0 : i32
    return %c0_i32, %c0_i32_0 : i32, i32
  }
  func.func @transform_5(%arg0: i32) -> (i32, i32) {
    %c0_i32 = arith.constant 0 : i32
    %c0_i32_0 = arith.constant 0 : i32
    return %arg0, %c0_i32 : i32, i32
  }
}

module attributes {stable_mosaic.version = 14 : i64} {
  func.func @body(%arg0: i32, %arg1: memref<2x1000x128xf32, #tpu.memory_space<vmem>>, %arg2: memref<1000x128xf32, #tpu.memory_space<vmem>>, %arg3: memref<128x128xf32, #tpu.memory_space<vmem>>, %arg4: memref<128x128xf32, #tpu.memory_space<vmem>>, %arg5: memref<1x128xf32, #tpu.memory_space<vmem>>, %arg6: memref<1000x128xf32, #tpu.memory_space<vmem>>) attributes {dimension_semantics = [#tpu.dimension_semantics<arbitrary>], iteration_bounds = array<i64: 10>, scalar_prefetch = 0 : i64, scratch_operands = 0 : i64, tpu.core_type = #tpu.core_type<tc>, window_params = [{transform_indices = @transform_0, window_bounds = array<i64: 2, 1000, 128>}, {transform_indices = @transform_1, window_bounds = array<i64: 1000, 128>}, {pipeline_mode = #tpu.pipeline_mode<synchronous>, transform_indices = @transform_2, window_bounds = array<i64: 128, 128>}, {pipeline_mode = #tpu.pipeline_mode<synchronous>, transform_indices = @transform_3, window_bounds = array<i64: 128, 128>}, {pipeline_mode = #tpu.pipeline_mode<synchronous>, transform_indices = @transform_4, window_bounds = array<i64: 1, 128>}, {transform_indices = @transform_5, window_bounds = array<i64: 1000, 128>}]} {
    %get3A = arith.constant 0 : index
    %get3A_0 = arith.constant 0 : index
    %get3A_1 = arith.constant 0 : index
    %get3A_2 = vector.load %arg1[%get3A, %get3A_0, %get3A_1] : memref<2x1000x128xf32, #tpu.memory_space<vmem>>, vector<1x1000x128xf32>
    %get3A_3 = vector.shape_cast %get3A_2 : vector<1x1000x128xf32> to vector<1000x128xf32>
    %get3A_4 = arith.constant 1 : index
    %get3A_5 = arith.constant 0 : index
    %get3A_6 = arith.constant 0 : index
    %get3A_7 = vector.load %arg1[%get3A_4, %get3A_5, %get3A_6] : memref<2x1000x128xf32, #tpu.memory_space<vmem>>, vector<1x1000x128xf32>
    %get3A_8 = vector.shape_cast %get3A_7 : vector<1x1000x128xf32> to vector<1000x128xf32>
    %add3A = arith.addf %get3A_3, %get3A_8 : vector<1000x128xf32>
    %get3A_9 = arith.constant 0 : index
    %get3A_10 = arith.constant 0 : index
    %get3A_11 = vector.load %arg3[%get3A_9, %get3A_10] : memref<128x128xf32, #tpu.memory_space<vmem>>, vector<128x128xf32>
    %dot_general3A = arith.constant dense<0.000000e+00> : vector<1000x128xf32>
    %dot_general3A_12 = tpu.matmul %add3A, %get3A_11, %dot_general3A {dimension_numbers = #tpu.dot_dimension_numbers<[1], [0], [0], [1], [0, 0, 1, 1], [], []>, transpose_lhs_hint = false} : vector<1000x128xf32>, vector<128x128xf32>, vector<1000x128xf32> -> vector<1000x128xf32>
    %get3A_13 = arith.constant 0 : index
    %get3A_14 = arith.constant 0 : index
    %get3A_15 = vector.load %arg2[%get3A_13, %get3A_14] : memref<1000x128xf32, #tpu.memory_space<vmem>>, vector<1000x128xf32>
    %get3A_16 = arith.constant 0 : index
    %get3A_17 = arith.constant 0 : index
    %get3A_18 = vector.load %arg4[%get3A_16, %get3A_17] : memref<128x128xf32, #tpu.memory_space<vmem>>, vector<128x128xf32>
    %dot_general3A_19 = arith.constant dense<0.000000e+00> : vector<1000x128xf32>
    %dot_general3A_20 = tpu.matmul %get3A_15, %get3A_18, %dot_general3A_19 {dimension_numbers = #tpu.dot_dimension_numbers<[1], [0], [0], [1], [0, 0, 1, 1], [], []>, transpose_lhs_hint = false} : vector<1000x128xf32>, vector<128x128xf32>, vector<1000x128xf32> -> vector<1000x128xf32>
    %add3A_21 = arith.addf %dot_general3A_12, %dot_general3A_20 : vector<1000x128xf32>
    %get3A_22 = arith.constant 0 : index
    %get3A_23 = arith.constant 0 : index
    %get3A_24 = vector.load %arg5[%get3A_22, %get3A_23] : memref<1x128xf32, #tpu.memory_space<vmem>>, vector<1x128xf32>
    %add3A_25 = vector.broadcast %get3A_24 : vector<1x128xf32> to vector<1000x128xf32>
    %add3A_26 = arith.addf %add3A_21, %add3A_25 : vector<1000x128xf32>
    %swap3A = arith.constant 0 : index
    %swap3A_27 = arith.constant 0 : index
    %swap3A_28 = vector.load %arg6[%swap3A, %swap3A_27] : memref<1000x128xf32, #tpu.memory_space<vmem>>, vector<1000x128xf32>
    tpu.vector_store %arg6[%swap3A, %swap3A_27], %add3A_26 {strides = array<i32>} : memref<1000x128xf32, #tpu.memory_space<vmem>>, vector<1000x128xf32>,
    return
  }
  func.func @transform_0(%arg0: i32) -> (i32, i32, i32) {
    %c0_i32 = arith.constant 0 : i32
    %c0_i32_0 = arith.constant 0 : i32
    %c0_i32_1 = arith.constant 0 : i32
    return %c0_i32, %arg0, %c0_i32_0 : i32, i32, i32
  }
  func.func @transform_1(%arg0: i32) -> (i32, i32) {
    %c0_i32 = arith.constant 0 : i32
    %c0_i32_0 = arith.constant 0 : i32
    return %arg0, %c0_i32 : i32, i32
  }
  func.func @transform_2(%arg0: i32) -> (i32, i32) {
    %c0_i32 = arith.constant 0 : i32
    %c0_i32_0 = arith.constant 0 : i32
    %c0_i32_1 = arith.constant 0 : i32
    return %c0_i32, %c0_i32_0 : i32, i32
  }
  func.func @transform_3(%arg0: i32) -> (i32, i32) {
    %c0_i32 = arith.constant 0 : i32
    %c0_i32_0 = arith.constant 0 : i32
    %c0_i32_1 = arith.constant 0 : i32
    return %c0_i32, %c0_i32_0 : i32, i32
  }
  func.func @transform_4(%arg0: i32) -> (i32, i32) {
    %c0_i32 = arith.constant 0 : i32
    %c0_i32_0 = arith.constant 0 : i32
    %c0_i32_1 = arith.constant 0 : i32
    return %c0_i32, %c0_i32_0 : i32, i32
  }
  func.func @transform_5(%arg0: i32) -> (i32, i32) {
    %c0_i32 = arith.constant 0 : i32
    %c0_i32_0 = arith.constant 0 : i32
    return %arg0, %c0_i32 : i32, i32
  }
}

</mosaic_0001>

<sc_bundles>
// kernel: kernel.11.cloned.1.call-start
scs
__scs_entry_jumppad:
0x0: {  	(pc) =	sbr.rel $0x88, $3  }
0x1: {  	(tag) =	ssettag $0x0;
	lr =	simm.s32 $0x1  }
0x2: {  	[smem:$0x3F95] =	sst lr;
	_ =	strace $0xD0000000  }
0x3: {  	_ = 	snop  }
0x4: {  	_ = 	snop  }
0x5: {  	_ = 	snop  }
0x6: {  	_ = 	snop  }
0x7: {  	_ = 	snop  }
__scs_overlays_trampoline_lowered:
0x8: {  	[smem:$0x3FA4] =	sst s0  }
0x9: {  	[smem:$0x3FA5] =	sst s1  }
0xa: {  	[smem:$0x3FA6] =	sst s2  }
0xb: {  	[smem:$0x3FA7] =	sst s3  }
0xc: {  	[smem:$0x3FA8] =	sst s4  }
0xd: {  	[smem:$0x3FA9] =	sst s5  }
0xe: {  	[smem:$0x3FAA] =	sst s6  }
0xf: {  	[smem:$0x3FAB] =	sst s7  }
0x10: {  	[smem:$0x3FAC] =	sst s8  }
0x11: {  	[smem:$0x3FAD] =	sst s9;
	s0 =	simm.s32 @!p0 $0x0  }
0x12: {  	s1 =	sld [smem:$0x3F93];
	s0 =	simm.s32 @p0 $0x1  }
0x13: {  	[smem:$0x3FAE] =	sst s0;
	s0 =	simm.s32 @!p1 $0x0  }
0x14: {  	s2 =	sld [smem:$0x3F92];
	s0 =	simm.s32 @p1 $0x1  }
0x15: {  	[smem:$0x3FAF] =	sst s0;
	s0 =	simm.s32 @!p2 $0x0  }
0x16: {  	s3 =	sld [smem:$0x3FDB];
	s0 =	simm.s32 @p2 $0x1  }
0x17: {  	s4 =	simm.s32 $0x1BF5;
	[smem:$0x3FB1] =	sst s0  }
0x18: {  	s0 =	sld [smem:$0x3F94];
	_ =	swait.ge [sflag:s4], $0x0  }
0x19: {  	s7 =	sld [smem:$0x3F95]  }
0x1a: {  	s8 =	sadd.s32 $0xFFFFE003, lr  }
0x1b: {  	s9 =	sadd.s32 $0xFFFFFEF7, lr;
	s5 =	simm.s32 $0xFFFFFFFF;
	p2 =	slt.u32 s8, $0xFFFFF086  }
0x1c: {  	p1 =	slt.u32 s9, $0xF7A;
	s5 =	simm.s32 @!p2 $0x0  }
0x1d: {  	s5 =	simm.s32 @p1 $0x1;
	p0 =	seq.s32 s7, s2  }
0x1e: {  	s7 =	smul.u32 @!p0 $0xF7A, s2;
	p2 =	seq.s32 @!p0 s5, $0x0  }
0x1f: {  	s9 =	smul.u32 $0xF7A, s1;
	s8 =	simm.s32 @!p0 $0x1BF5;
	p2 =	por !p2, p0  }
0x20: {  	[sflag:s8] =	ssyncset.s32 @!p0 $0xFFFFF086;
	s6 =	sadd.s32 @!p0 s3, s7;
	s7 =	simm.s32 @!p0 $0x108  }
0x21: {  	s3 =	sadd.s32 s3, s9;
	s6 =	sadd.s32 @!p0 $0x88, s6;
	s7 =	simm.s32 @p2 $0x1082  }
0x22: {  	[simem:s7], [sflag:s8] =	dma.local @!p0 [hbm:s6], $0xF7A  }
0x23: {  	s9 =	sor.u32 $0xD0000000, s2;
	s6 =	simm.s32 $0x108;
	_ =	swait.ge @!p0 [sflag:s8], $0x0  }
0x24: {  	s3 =	sadd.s32 $0x88, s3;
	s6 =	simm.s32 @!p1 $0x1082;
	[sflag:s4] =	ssyncset.s32 $0xFFFFF086  }
0x25: {  	[simem:s6], [sflag:s4] =	dma.local [hbm:s3], $0xF7A  }
0x26: {  	[smem:$0x3F95] =	sst s1;
	(tag) =	ssettag s2;
	_ =	strace s9  }
0x27: {  	s1 =	sld [smem:$0x3FA5]  }
0x28: {  	s2 =	sld [smem:$0x3FA6]  }
0x29: {  	s4 =	sld [smem:$0x3FA8]  }
0x2a: {  	p0 =	seq.s32 s5, $0x0;
	s5 =	sld [smem:$0x3FA9]  }
0x2b: {  	s6 =	sld [smem:$0x3FAA]  }
0x2c: {  	s7 =	sld [smem:$0x3FAB]  }
0x2d: {  	s3 =	simm.s32 $0x108;
	s8 =	sld [smem:$0x3FAC]  }
0x2e: {  	s3 =	simm.s32 @!p0 $0x1082;
	s9 =	sld [smem:$0x3FAD]  }
0x2f: {  	lr =	sadd.s32 s0, s3;
	s0 =	sld [smem:$0x3FA4]  }
0x30: {  	s3 =	sld [smem:$0x3FA7]  }
0x31: {  	[smem:$0x3FB0] =	sst s10  }
0x32: {  	s10 =	sld [smem:$0x3FAE];
	_ =	sdelay $0x3  }
0x33: {  	p0 =	seq.s32 s10, $0x1;
	s10 =	sld [smem:$0x3FB0];
	_ =	sdelay $0x3  }
0x34: {  	[smem:$0x3FB0] =	sst s10  }
0x35: {  	s10 =	sld [smem:$0x3FAF];
	_ =	sdelay $0x3  }
0x36: {  	p1 =	seq.s32 s10, $0x1;
	s10 =	sld [smem:$0x3FB0];
	_ =	sdelay $0x3  }
0x37: {  	[smem:$0x3FB0] =	sst s10  }
0x38: {  	s10 =	sld [smem:$0x3FB1]  }
0x39: {  	_ = 	snop;
	(pc) =	sbr.ind lr, $3  }
0x3a: {  	_ = 	snop  }
0x3b: {  	_ = 	snop  }
0x3c: {  	p2 =	seq.s32 s10, $0x1;
	s10 =	sld [smem:$0x3FB0]  }
0x3d: {  	_ =	shalt  }
0x3e: {  	_ =	shalt  }
0x3f: {  	_ =	shalt  }
0x40: {  	_ =	shalt  }
0x41: {  	_ =	shalt  }
0x42: {  	_ =	shalt  }
0x43: {  	_ =	shalt  }
0x44: {  	_ =	shalt  }
0x45: {  	_ =	shalt  }
0x46: {  	_ =	shalt  }
0x47: {  	_ =	shalt  }
0x48: {  	_ =	shalt  }
0x49: {  	_ =	shalt  }
0x4a: {  	_ =	shalt  }
0x4b: {  	_ =	shalt  }
0x4c: {  	_ =	shalt  }
0x4d: {  	_ =	shalt  }
0x4e: {  	_ =	shalt  }
0x4f: {  	_ =	shalt  }
0x50: {  	_ =	shalt  }
0x51: {  	_ =	shalt  }
0x52: {  	_ =	shalt  }
0x53: {  	_ =	shalt  }
0x54: {  	_ =	shalt  }
0x55: {  	_ =	shalt  }
0x56: {  	_ =	shalt  }
0x57: {  	_ =	shalt  }
0x58: {  	_ =	shalt  }
0x59: {  	_ =	shalt  }
0x5a: {  	_ =	shalt  }
0x5b: {  	_ =	shalt  }
0x5c: {  	_ =	shalt  }
0x5d: {  	_ =	shalt  }
0x5e: {  	_ =	shalt  }
0x5f: {  	_ =	shalt  }
0x60: {  	_ =	shalt  }
0x61: {  	_ =	shalt  }
0x62: {  	_ =	shalt  }
0x63: {  	_ =	shalt  }
0x64: {  	_ =	shalt  }
0x65: {  	_ =	shalt  }
0x66: {  	_ =	shalt  }
0x67: {  	_ =	shalt  }
0x68: {  	_ =	shalt  }
0x69: {  	_ =	shalt  }
0x6a: {  	_ =	shalt  }
0x6b: {  	_ =	shalt  }
0x6c: {  	_ =	shalt  }
0x6d: {  	_ =	shalt  }
0x6e: {  	_ =	shalt  }
0x6f: {  	_ =	shalt  }
0x70: {  	_ =	shalt  }
0x71: {  	_ =	shalt  }
0x72: {  	_ =	shalt  }
0x73: {  	_ =	shalt  }
0x74: {  	_ =	shalt  }
0x75: {  	_ =	shalt  }
0x76: {  	_ =	shalt  }
0x77: {  	_ =	shalt  }
0x78: {  	_ =	shalt  }
0x79: {  	_ =	shalt  }
0x7a: {  	_ =	shalt  }
0x7b: {  	_ =	shalt  }
0x7c: {  	_ =	shalt  }
0x7d: {  	_ =	shalt  }
0x7e: {  	_ =	shalt  }
0x7f: {  	_ =	shalt  }
0x80: {  	_ =	shalt  }
0x81: {  	_ =	shalt  }
0x82: {  	_ =	shalt  }
0x83: {  	_ =	shalt  }
0x84: {  	_ =	shalt  }
0x85: {  	_ =	shalt  }
0x86: {  	_ =	shalt  }
0x87: {  	_ =	shalt  }
.Lfunc_end0:
.L_simem_size_0:
called_computation.1_lowered:
.L_overlay_start_0:
0x88: {  	s2 =	sld [smem:$0x3FD9]  }
0x89: {  	s3 =	sld [smem:$0x3FFE];
	_ =	sdelay $0x1  }
0x8a: {  	s1 =	srdreg.scid  }
0x8b: {  	s0 =	sand.u32 $0x1, s1  }
0x8c: {  	s17 =	sshll.u32 s0, $0xA;
	s2 =	sadd.s32 s3, s2  }
0x8d: {  	s2 =	sadd.s32 s2, s17  }
0x8e: {  	[smem:$0x3FBC] =	sst s2  }
0x8f: {  	_ = 	snop  }
0x90: {  	s2 =	sld [smem:$0x3FD0];
	(tm) =	ssettm $0x1  }
0x91: {  	s18 =	sld [smem:$0x3FFB];
	_ =	sdelay $0x3  }
0x92: {  	_ =	strace s18  }
0x93: {  	s3 =	sld [smem:$0x3FFC];
	_ =	sdelay $0x3  }
0x94: {  	_ =	strace s3  }
0x95: {  	s3 =	sld [smem:$0x3FFD];
	_ =	sdelay $0x3  }
0x96: {  	_ =	strace s3  }
0x97: {  	_ =	strace $0x8FFFFFFF  }
0x98: {  	s19 =	sld [smem:$0x3FDB];
	_ =	sdelay $0x1  }
0x99: {  	s4 =	simm.s32 $_scs_section_size  }
0x9a: {  	s5 =	simm.s32 $_size__tile_overlayer_lowered;
	s6 =	simm.s32 $_tile_overlayer_lowered  }
0x9b: {  	s22 =	simm.s32 $0x1BFF;
	s21 =	sshll.u32 s6, $0x1;
	s3 =	sadd.s32 s4, s19  }
0x9c: {  	s7 =	simm.s32 $0x0;
	s20 =	sshll.u32 s5, $0x1;
	s5 =	sadd.s32 s21, s3  }
0x9d: {  	[timem:s7], [sflag:s22] =	dma.local [hbm:s5], s20  }
0x9e: {  	_ =	swait.ge [sflag:s22], s20  }
0x9f: {  	s4 =	ssub.s32 $0x0, s20;
	[sflag:s22] =	ssyncset.done $0x0  }
0xa0: {  	[sflag:s22] =	ssyncadd.s32 s4;
	_ =	sdelay $0x1  }
0xa1: {  	s23 =	simm.s32 $0x1B8B  }
0xa2: {  	_ =	swait.ge [sflag:s23], $0x1  }
0xa3: {  	[sflag:s23] =	ssyncset.done $0x0  }
0xa4: {  	s25 =	simm.s32 $0x1B8E;
	s24 =	sld [smem:$0x3FFE];
	[sflag:s23] =	ssyncadd.s32 $0xFFFFFFFF  }
0xa5: {  	s26 =	simm.s32 $execute0_lowered;
	[smem:$0x3FD2] =	sst s25  }
0xa6: {  	s5 =	sshll.u32 s26, $0x1;
	_ =	strace $0x80000049;
	[dreg:$0x1] =	wrdreg $0xFFFFFFFF  }
0xa7: {  	s28 =	simm.s32 $_size_execute0_lowered;
	s3 =	sadd.s32 s3, s5;
	[dreg:$0x0] =	wrdreg $0x0  }
0xa8: {  	s5 =	sshll.u32 s28, $0x1;
	[dreg:$0x2] =	wrdreg s3  }
0xa9: {  	[dreg:$0x3] =	wrdreg s5  }
0xaa: {  	[dreg:$0x4] =	wrdreg $0xC0  }
0xab: {  	_ =	task [dreg:s7], $0x5FFFF  }
0xac: {  	[dreg:$0x1] =	wrdreg $0xFFFFFFFF  }
0xad: {  	[dreg:$0x0] =	wrdreg $0x60  }
0xae: {  	[dreg:$0x2] =	wrdreg s2  }
0xaf: {  	[dreg:$0x3] =	wrdreg s24  }
0xb0: {  	[dreg:$0x4] =	wrdreg $0x82000  }
0xb1: {  	[dreg:$0x5] =	wrdreg $0x9  }
0xb2: {  	_ =	task.clear_ibuf [dreg:s7], $0x6FFFF;
	_ =	strace $0x90000049  }
0xb3: {  	s29 =	simm.s32 $0x9;
	_ =	strace $0x8000004B  }
0xb4: {  	_ =	swait.ge [sflag:s29], $0x1  }
0xb5: {  	[sflag:s29] =	ssyncadd.s32 $0xFFFFFFFF  }
0xb6: {  	_ =	strace $0x9000004B  }
0xb7: {  	_ =	sfence  }
0xb8: {  	s30 =	sld [smem:$0x0];
	_ =	sdelay $0x2  }
0xb9: {  	s31 =	sshll.u32 s1, $0xD;
	s1 =	sshrl.u32 s1, $0x2  }
0xba: {  	s3 =	sand.u32 $0x4000, s31;
	s1 =	sadd.s32 s1, s30  }
0xbb: {  	s0 =	sor.u32 s3, s0;
	s1 =	sshll.u32 s1, $0x11  }
0xbc: {  	s0 =	sor.u32 s1, s0  }
0xbd: {  	s0 =	sadd.s32 $0x8F2B, s0  }
0xbe: {  	[sflag:s0] =	ssyncadd.remote.s32 $0x1  }
0xbf: {  	_ =	sfence.sel $0xFFFF  }
0xc0: {  	[dreg:$0x0] =	wrdreg $0xFFFFFFFF;
	(pc) =	sbr.abs _section_cstart, $3  }
0xc1: {  	[dreg:$0x1] =	wrdreg $0xFFFFFFFF  }
0xc2: {  	_ =	task.clear_ibuf [dreg:s7], $0x2FFFF;
	_ =	strace $0x9FFFFFFF  }
0xc3: {  	(tm) =	ssettm $0x7FFFFFFF  }
tec
execute0_lowered:
.L_overlay_start_1:
0x0: {  	(tag) =	ssettag $0x1  }
0x1: {  	s1 =	rddreg [dreg:$0x0]  }
0x2: {  	s0 =	rddreg [dreg:$0x1]  }
0x3: {  	s2 =	rddreg [dreg:$0x2];
	s3 =	simm.s32 $0x0  }
0x4: {  	s18 =	srdreg.scid;
	s15 =	stileid.u32;
	s28 =	simm.s32 $0x100  }
0x5: {  	s29 =	simm.s32 $0x180;
	s30 =	simm.s32 $0x1;
	s31 =	simm.s32 $0x2  }
0x6: {  	[smem:$0x7FF] =	sst s3;
	s5 =	sadd.s32 $0x2E00, s0;
	s6 =	sadd.s32 $0xCE00, s0  }
0x7: {  	s7 =	sadd.s32 $0x16E00, s0;
	s8 =	sadd.s32 $0x20E00, s0;
	s3 =	sand.u32 $0x1, s18  }
0x8: {  	s4 =	sshll.u32 s15, $0x1;
	s10 =	smul.u32 $0x50000, s15;
	s0 =	sadd.s32 $0x23600, s0  }
0x9: {  	s19 =	sadd.s32 $0x12C000, s2;
	s23 =	smul.u32 $0x14000, s15;
	p0 =	seq.s32 s15, $0xF  }
0xa: {  	s9 =	ssub.s32 $0x2, s3;
	s4 =	sor.u32 s3, s4;
	s3 =	smul.u32 $0x138800, s3  }
0xb: {  	_ =	strace $0x8000004A;
	[dreg:$0x5] =	wrdreg s19;
	s12 =	smul.u32 $0x500, s4  }
0xc: {  	s11 =	sshrl.u32 s9, $0x1;
	s10 =	sshrl.u32 s10, $0x2;
	s13 =	smul.u32 $0x2800, s4  }
0xd: {  	s9 =	ssub.s32 s9, s11;
	s10 =	sadd.s32 s10, s2;
	s11 =	smul.u32 $0x50, s4  }
0xe: {  	s25 =	sadd.s32 s23, s3;
	s3 =	sshrl.u32 s3, $0x3;
	s21 =	sshrl.u32 s13, $0x3  }
0xf: {  	[dreg:$0x4] =	wrdreg s10;
	s20 =	sadd.s32 s5, s12;
	s22 =	sadd.s32 $0x4F0, s21  }
0x10: {  	[dreg:$0x6] =	wrdreg s20;
	s4 =	sadd.s32 $0x4E0, s21;
	s16 =	sadd.s32 s5, s22  }
0x11: {  	s23 =	simm.s32 $0x3;
	s24 =	sadd.s32 s6, s4;
	[dreg:$0x7] =	wrdreg s16  }
0x12: {  	s13 =	sor.u32 $0x1, s11;
	s4 =	sadd.s32 s7, s4;
	[dreg:$0x8] =	wrdreg s24  }
0x13: {  	s14 =	sor.u32 $0x2, s11;
	s26 =	sadd.s32 s6, s22;
	[dreg:$0x9] =	wrdreg s4  }
0x14: {  	s10 =	sadd.s32 s7, s22;
	s22 =	smax.u32 s9, $0x1;
	[dreg:$0xa] =	wrdreg s26  }
0x15: {  	s4 =	sshrl.u32 s25, $0x3;
	[dreg:$0xb] =	wrdreg s10;
	s24 =	simm.s32 $0x80  }
0x16: {  	s25 =	simm.s32 $0x200;
	s20 =	sadd.s32 s0, s4;
	s0 =	sadd.s32 s0, s3  }
0x17: {  	s26 =	simm.s32 $0x4200;
	s21 =	sadd.s32 $0x25800, s0;
	s0 =	simm.s32 $0x0  }
.LBB2_1:
0x18: {  	s3 =	rddreg [dreg:$0x5]  }
0x19: {  	s4 =	sshrl.u32 @p0 s3, $0x3;
	s3 =	simm.s32 @p0 $0x1FC3  }
0x1a: {  	[spmem:s4], [sflag:s3] =	dma.local @p0 [hbm:s8], $0x1900  }
0x1b: {  	s3 =	simm.s32 @p0 $0x3  }
0x1c: {  	s9 =	stileid.u32;
	_ =	swait.ge @p0 [sflag:s3], $0x1900  }
0x1d: {  	s9 =	sshll.u32 @!p0 s9, $0x6;
	[sflag:s3] =	ssyncset.done @p0 $0x0  }
0x1e: {  	[sflag:s3] =	ssyncadd.s32 @p0 $0xFFFFE700;
	s3 =	sor.u32 @!p0 $0x1C03, s9;
	s9 =	rddreg [dreg:$0x4]  }
0x1f: {  	s10 =	simm.s32 @!p0 $0x3;
	s9 =	sshrl.u32 @!p0 s9, $0x3  }
0x20: {  	[spmem:s9], [sflag:s3] =	dma.local @!p0 [hbm:s8], $0x2800  }
0x21: {  	_ =	swait.ge @!p0 [sflag:s10], $0x2800  }
0x22: {  	[sflag:s10] =	ssyncset.done @!p0 $0x0  }
0x23: {  	[sflag:s10] =	ssyncadd.s32 @!p0 $0xFFFFD800  }
0x24: {  	[bflag:$0x0] =	sbarrier.arrive $0xFFFF  }
0x25: {  	s19 =	simm.s32 $0x0;
	s12 =	rddreg [dreg:$0x6]  }
0x26: {  	[tilespmem:s19], [sflag:$0x3] =	stream.linear.gather [hbm4b:s12+s19], $0x80, $0x38;
	[tilespmem:$0x1BA80] =	vst v63  }
0x27: {  	_ =	swait.ge [sflag:s23], $0x80  }
0x28: {  	[sflag:s23] =	ssyncset.done $0x0  }
0x29: {  	s10 =	simm.s32 $0x0;
	[sflag:s23] =	ssyncadd.s32 $0xFFFFFF80  }
0x2a: {  	[tilespmem:s25], [sflag:$0x1] =	stream.indirect.gather [hbm4b:s1+s24], $0x80, s19, s24, $0xb8;
	[tilespmem:$0x1BA80] =	vst v63  }
.LBB2_2:
0x2b: {  	s15 =	sshll.u32 s10, $0x1  }
0x2c: {  	s12 =	sadd.s32 s13, s15  }
0x2d: {  	s12 =	sshll.u32 s12, $0x4  }
0x2e: {  	s12 =	sand.u32 $0x1FFFFFF0, s12  }
0x2f: {  	s17 =	simm.s32 $0x0;
	s16 =	sadd.s32 s5, s12  }
0x30: {  	[tilespmem:s24], [sflag:$0x3] =	stream.linear.gather [hbm4b:s16+s17], $0x80, $0x38;
	[tilespmem:$0x1BA80] =	vst v63  }
0x31: {  	_ =	swait.ge [sflag:s23], $0x80  }
0x32: {  	s19 =	sadd.s32 s11, s15;
	[sflag:s23] =	ssyncset.done $0x0  }
0x33: {  	s16 =	sshll.u32 s19, $0x4;
	[sflag:s23] =	ssyncadd.s32 $0xFFFFFF80  }
0x34: {  	[tilespmem:s26], [sflag:$0x2] =	stream.indirect.gather [hbm4b:s1+s24], $0x80, s24, s24, $0xb8;
	[tilespmem:$0x1BA80] =	vst v63  }
0x35: {  	s18 =	sadd.s32 s6, s16  }
0x36: {  	[tilespmem:s28], [sflag:$0x3] =	stream.linear.gather [hbm4b:s18+s17], $0x80, $0x38;
	[tilespmem:$0x1BA80] =	vst v63  }
0x37: {  	_ =	swait.ge [sflag:s23], $0x80  }
0x38: {  	[sflag:s23] =	ssyncset.done $0x0  }
0x39: {  	s16 =	sadd.s32 s7, s16;
	[sflag:s23] =	ssyncadd.s32 $0xFFFFFF80  }
0x3a: {  	[tilespmem:s29], [sflag:$0x3] =	stream.linear.gather [hbm4b:s16+s17], $0x80, $0x38;
	[tilespmem:$0x1BA80] =	vst v63  }
0x3b: {  	_ =	swait.ge [sflag:s23], $0x80  }
0x3c: {  	[sflag:s23] =	ssyncset.done $0x0  }
0x3d: {  	[sflag:s23] =	ssyncadd.s32 $0xFFFFFF80  }
0x3e: {  	_ =	swait.ge [sflag:s30], $0x4000  }
0x3f: {  	v0 =	vmov s17;
	[sflag:s30] =	ssyncset.done $0x0  }
0x40: {  	s16 =	simm.s32 $0x240;
	[sflag:s30] =	ssyncadd.s32 $0xFFFFC000  }
0x41: {  	v4 =	vld [tilespmem:s16+$0x30]  }
0x42: {  	v7 =	vld [tilespmem:s16+$0x10]  }
0x43: {  	v5 =	vld [tilespmem:s16+$0xFFFFFFC0]  }
0x44: {  	v1 =	vld.idx.msk [tilespmem:v0+s29+$0x0], $0xffff  }
0x45: {  	v9 =	vld [tilespmem:s16+$0xFFFFFFE0]  }
0x46: {  	v0 =	vld [tilespmem:s16+$0xFFFFFFF0]  }
0x47: {  	v2 =	vld [tilespmem:s16+$0x20]  }
0x48: {  	v3 =	vld [tilespmem:s16+$0xFFFFFFD0]  }
0x49: {  	v8 =	vmul.f32 v4, v1;
	v4 =	vld [tilespmem:s16+$0x0]  }
0x4a: {  	v6 =	vmul.f32 v5, v1  }
0x4b: {  	s18 =	simm.s32 $0x240;
	s17 =	simm.s32 $0x1;
	v5 =	vmul.f32 v9, v1;
	v7 =	vmul.f32 v7, v1  }
.LBB2_3:
0x4c: {  	p1 =	sne.s32 s17, $0x7F  }
0x4d: {  	v3 =	vmul.f32 v3, v1;
	v2 =	vmul.f32 v2, v1;
	[tilespmem:s16+$0x30] =	vst v8;
	s18 =	sadd.s32 $0x80, s18;
	s19 =	smov.u32 s17;
	s17 =	sadd.s32 $0x1, s17  }
0x4e: {  	[tilespmem:s16+$0xFFFFFFC0] =	vst v6;
	v6 =	vmul.f32 v0, v1;
	v1 =	vmul.f32 v4, v1  }
0x4f: {  	[tilespmem:s16+$0x10] =	vst v7  }
0x50: {  	v4 =	vmov s19;
	[tilespmem:s16+$0xFFFFFFE0] =	vst v5  }
0x51: {  	v0 =	vld [tilespmem:s18+$0xFFFFFFF0];
	[tilespmem:s16+$0xFFFFFFF0] =	vst v6  }
0x52: {  	v5 =	vld [tilespmem:s18+$0x30];
	[tilespmem:s16+$0x0] =	vst v1  }
0x53: {  	v7 =	vld [tilespmem:s18+$0x10];
	[tilespmem:s16+$0x20] =	vst v2  }
0x54: {  	v6 =	vld [tilespmem:s18+$0xFFFFFFC0];
	[tilespmem:s16+$0xFFFFFFD0] =	vst v3;
	s16 =	smov.u32 s18  }
0x55: {  	v1 =	vld.idx.msk [tilespmem:v4+s29+$0x0], $0xffff  }
0x56: {  	v9 =	vld [tilespmem:s18+$0xFFFFFFE0]  }
0x57: {  	v2 =	vld [tilespmem:s18+$0x20]  }
.Ltmp0:
0x58: {  	v3 =	vld [tilespmem:s18+$0xFFFFFFD0];
	(pc) =	sbr.rel @p1 .LBB2_3-.Ltmp0, $3  }
0x59: {  	v4 =	vld [tilespmem:s18+$0x0];
	_ =	sdelay $0x1  }
0x5a: {  	v6 =	vmul.f32 v6, v1;
	v8 =	vmul.f32 v5, v1  }
0x5b: {  	v7 =	vmul.f32 v7, v1;
	v5 =	vmul.f32 v9, v1  }
0x5c: {  	[tilespmem:s16+$0x30] =	vst v8  }
0x5d: {  	[tilespmem:s16+$0xFFFFFFC0] =	vst v6  }
0x5e: {  	v0 =	vmul.f32 v0, v1;
	[tilespmem:s16+$0x10] =	vst v7  }
0x5f: {  	v2 =	vmul.f32 v2, v1;
	[tilespmem:s16+$0xFFFFFFE0] =	vst v5  }
0x60: {  	v4 =	vmul.f32 v4, v1;
	[tilespmem:s16+$0xFFFFFFF0] =	vst v0  }
0x61: {  	v0 =	vmul.f32 v3, v1;
	[tilespmem:s16+$0x20] =	vst v2  }
0x62: {  	[tilespmem:s16+$0x0] =	vst v4  }
0x63: {  	s15 =	sadd.s32 s14, s15;
	[tilespmem:s16+$0xFFFFFFD0] =	vst v0  }
0x64: {  	[spmem:s2] =	stream.indirect.scatter.add.f32 [tilespmem:s25], [sflag:$0x3], $0x80, s28, s24, $0xb8;
	[tilespmem:$0x1BA80] =	vst v63  }
0x65: {  	s15 =	sshll.u32 s15, $0x4;
	_ =	swait.ge [sflag:s23], $0x4000  }
0x66: {  	s15 =	sand.u32 $0x1FFFFFE0, s15;
	[sflag:s23] =	ssyncset.done $0x0  }
0x67: {  	s17 =	simm.s32 $0x0;
	s15 =	sadd.s32 s5, s15;
	[sflag:s23] =	ssyncadd.s32 $0xFFFFC000  }
0x68: {  	[tilespmem:s17], [sflag:$0x3] =	stream.linear.gather [hbm4b:s15+s17], $0x80, $0x38;
	[tilespmem:$0x1BA80] =	vst v63  }
0x69: {  	_ =	swait.ge [sflag:s23], $0x80  }
0x6a: {  	[sflag:s23] =	ssyncset.done $0x0  }
0x6b: {  	[sflag:s23] =	ssyncadd.s32 $0xFFFFFF80  }
0x6c: {  	[tilespmem:s25], [sflag:$0x1] =	stream.indirect.gather [hbm4b:s1+s24], $0x80, s17, s24, $0xb8;
	[tilespmem:$0x1BA80] =	vst v63  }
0x6d: {  	s18 =	sadd.s32 s6, s12  }
0x6e: {  	[tilespmem:s28], [sflag:$0x3] =	stream.linear.gather [hbm4b:s18+s17], $0x80, $0x38;
	[tilespmem:$0x1BA80] =	vst v63  }
0x6f: {  	_ =	swait.ge [sflag:s23], $0x80  }
0x70: {  	[sflag:s23] =	ssyncset.done $0x0  }
0x71: {  	s19 =	sadd.s32 s7, s12;
	[sflag:s23] =	ssyncadd.s32 $0xFFFFFF80  }
0x72: {  	[tilespmem:s29], [sflag:$0x3] =	stream.linear.gather [hbm4b:s19+s17], $0x80, $0x38;
	[tilespmem:$0x1BA80] =	vst v63  }
0x73: {  	_ =	swait.ge [sflag:s23], $0x80  }
0x74: {  	[sflag:s23] =	ssyncset.done $0x0  }
0x75: {  	[sflag:s23] =	ssyncadd.s32 $0xFFFFFF80  }
0x76: {  	_ =	swait.ge [sflag:s31], $0x4000  }
0x77: {  	v0 =	vmov s17;
	[sflag:s31] =	ssyncset.done $0x0  }
0x78: {  	s12 =	simm.s32 $0x4240;
	[sflag:s31] =	ssyncadd.s32 $0xFFFFC000  }
0x79: {  	v4 =	vld [tilespmem:s12+$0x30]  }
0x7a: {  	v7 =	vld [tilespmem:s12+$0x10]  }
0x7b: {  	v5 =	vld [tilespmem:s12+$0xFFFFFFC0]  }
0x7c: {  	v1 =	vld.idx.msk [tilespmem:v0+s29+$0x0], $0xffff  }
0x7d: {  	v9 =	vld [tilespmem:s12+$0xFFFFFFE0]  }
0x7e: {  	v0 =	vld [tilespmem:s12+$0xFFFFFFF0]  }
0x7f: {  	v2 =	vld [tilespmem:s12+$0x20]  }
0x80: {  	v3 =	vld [tilespmem:s12+$0xFFFFFFD0]  }
0x81: {  	v8 =	vmul.f32 v4, v1;
	v4 =	vld [tilespmem:s12+$0x0]  }
0x82: {  	v6 =	vmul.f32 v5, v1  }
0x83: {  	s16 =	simm.s32 $0x4240;
	s15 =	simm.s32 $0x1;
	v5 =	vmul.f32 v9, v1;
	v7 =	vmul.f32 v7, v1  }
.LBB2_5:
0x84: {  	p1 =	sne.s32 s15, $0x7F  }
0x85: {  	v3 =	vmul.f32 v3, v1;
	v2 =	vmul.f32 v2, v1;
	[tilespmem:s12+$0x30] =	vst v8;
	s16 =	sadd.s32 $0x80, s16;
	s17 =	smov.u32 s15;
	s15 =	sadd.s32 $0x1, s15  }
0x86: {  	[tilespmem:s12+$0xFFFFFFC0] =	vst v6;
	v6 =	vmul.f32 v0, v1;
	v1 =	vmul.f32 v4, v1  }
0x87: {  	[tilespmem:s12+$0x10] =	vst v7  }
0x88: {  	v4 =	vmov s17;
	[tilespmem:s12+$0xFFFFFFE0] =	vst v5  }
0x89: {  	v0 =	vld [tilespmem:s16+$0xFFFFFFF0];
	[tilespmem:s12+$0xFFFFFFF0] =	vst v6  }
0x8a: {  	v5 =	vld [tilespmem:s16+$0x30];
	[tilespmem:s12+$0x0] =	vst v1  }
0x8b: {  	v7 =	vld [tilespmem:s16+$0x10];
	[tilespmem:s12+$0x20] =	vst v2  }
0x8c: {  	v6 =	vld [tilespmem:s16+$0xFFFFFFC0];
	[tilespmem:s12+$0xFFFFFFD0] =	vst v3;
	s12 =	smov.u32 s16  }
0x8d: {  	v1 =	vld.idx.msk [tilespmem:v4+s29+$0x0], $0xffff  }
0x8e: {  	v9 =	vld [tilespmem:s16+$0xFFFFFFE0]  }
0x8f: {  	v2 =	vld [tilespmem:s16+$0x20]  }
.Ltmp1:
0x90: {  	v3 =	vld [tilespmem:s16+$0xFFFFFFD0];
	(pc) =	sbr.rel @p1 .LBB2_5-.Ltmp1, $3  }
0x91: {  	v4 =	vld [tilespmem:s16+$0x0];
	_ =	sdelay $0x1  }
0x92: {  	v6 =	vmul.f32 v6, v1;
	v8 =	vmul.f32 v5, v1  }
0x93: {  	v7 =	vmul.f32 v7, v1;
	v5 =	vmul.f32 v9, v1  }
0x94: {  	[tilespmem:s12+$0x30] =	vst v8  }
0x95: {  	[tilespmem:s12+$0xFFFFFFC0] =	vst v6  }
0x96: {  	v0 =	vmul.f32 v0, v1;
	[tilespmem:s12+$0x10] =	vst v7  }
0x97: {  	v2 =	vmul.f32 v2, v1;
	[tilespmem:s12+$0xFFFFFFE0] =	vst v5  }
0x98: {  	v63 =	vmul.f32 v3, v1;
	[tilespmem:s12+$0xFFFFFFF0] =	vst v0  }
0x99: {  	s10 =	sadd.s32 $0x1, s10;
	v4 =	vmul.f32 v4, v1;
	[tilespmem:s12+$0x20] =	vst v2  }
0x9a: {  	p1 =	sne.s32 s10, $0x27;
	[tilespmem:s12+$0xFFFFFFD0] =	vst v63  }
.Ltmp2:
0x9b: {  	[tilespmem:s12+$0x0] =	vst v4;
	(pc) =	sbr.rel @p1 .LBB2_2-.Ltmp2, $4  }
0x9c: {  	[spmem:s2] =	stream.indirect.scatter.add.f32 [tilespmem:s26], [sflag:$0x3], $0x80, s28, s24, $0xb8;
	[tilespmem:$0x1BA80] =	vst v63  }
0x9d: {  	_ =	swait.ge [sflag:s23], $0x4000  }
0x9e: {  	[sflag:s23] =	ssyncset.done $0x0  }
0x9f: {  	[sflag:s23] =	ssyncadd.s32 $0xFFFFC000  }
0xa0: {  	s10 =	simm.s32 $0x0;
	s12 =	rddreg [dreg:$0x7]  }
0xa1: {  	[tilespmem:s24], [sflag:$0x3] =	stream.linear.gather [hbm4b:s12+s10], $0x80, $0x38;
	[tilespmem:$0x1BA80] =	vst v63  }
0xa2: {  	_ =	swait.ge [sflag:s23], $0x80  }
0xa3: {  	[sflag:s23] =	ssyncset.done $0x0  }
0xa4: {  	[sflag:s23] =	ssyncadd.s32 $0xFFFFFF80  }
0xa5: {  	[tilespmem:s26], [sflag:$0x2] =	stream.indirect.gather [hbm4b:s1+s24], $0x80, s24, s24, $0xb8;
	[tilespmem:$0x1BA80] =	vst v63  }
0xa6: {  	s18 =	rddreg [dreg:$0x8]  }
0xa7: {  	[tilespmem:s28], [sflag:$0x3] =	stream.linear.gather [hbm4b:s18+s10], $0x80, $0x38;
	[tilespmem:$0x1BA80] =	vst v63  }
0xa8: {  	_ =	swait.ge [sflag:s23], $0x80  }
0xa9: {  	[sflag:s23] =	ssyncset.done $0x0  }
0xaa: {  	s19 =	rddreg [dreg:$0x9];
	[sflag:s23] =	ssyncadd.s32 $0xFFFFFF80  }
0xab: {  	[tilespmem:s29], [sflag:$0x3] =	stream.linear.gather [hbm4b:s19+s10], $0x80, $0x38;
	[tilespmem:$0x1BA80] =	vst v63  }
0xac: {  	_ =	swait.ge [sflag:s23], $0x80  }
0xad: {  	[sflag:s23] =	ssyncset.done $0x0  }
0xae: {  	[sflag:s23] =	ssyncadd.s32 $0xFFFFFF80  }
0xaf: {  	_ =	swait.ge [sflag:s30], $0x4000  }
0xb0: {  	v0 =	vmov s10;
	[sflag:s30] =	ssyncset.done $0x0  }
0xb1: {  	s10 =	simm.s32 $0x240;
	[sflag:s30] =	ssyncadd.s32 $0xFFFFC000  }
0xb2: {  	v4 =	vld [tilespmem:s10+$0x30]  }
0xb3: {  	v7 =	vld [tilespmem:s10+$0x10]  }
0xb4: {  	v5 =	vld [tilespmem:s10+$0xFFFFFFC0]  }
0xb5: {  	v1 =	vld.idx.msk [tilespmem:v0+s29+$0x0], $0xffff  }
0xb6: {  	v9 =	vld [tilespmem:s10+$0xFFFFFFE0]  }
0xb7: {  	v0 =	vld [tilespmem:s10+$0xFFFFFFF0]  }
0xb8: {  	v2 =	vld [tilespmem:s10+$0x20]  }
0xb9: {  	v3 =	vld [tilespmem:s10+$0xFFFFFFD0]  }
0xba: {  	v8 =	vmul.f32 v4, v1;
	v4 =	vld [tilespmem:s10+$0x0]  }
0xbb: {  	v6 =	vmul.f32 v5, v1  }
0xbc: {  	s15 =	simm.s32 $0x240;
	s12 =	simm.s32 $0x1;
	v5 =	vmul.f32 v9, v1;
	v7 =	vmul.f32 v7, v1  }
.LBB2_8:
0xbd: {  	p1 =	sne.s32 s12, $0x7F  }
0xbe: {  	v3 =	vmul.f32 v3, v1;
	v2 =	vmul.f32 v2, v1;
	[tilespmem:s10+$0x30] =	vst v8;
	s15 =	sadd.s32 $0x80, s15;
	s16 =	smov.u32 s12;
	s12 =	sadd.s32 $0x1, s12  }
0xbf: {  	[tilespmem:s10+$0xFFFFFFC0] =	vst v6;
	v6 =	vmul.f32 v0, v1;
	v1 =	vmul.f32 v4, v1  }
0xc0: {  	[tilespmem:s10+$0x10] =	vst v7  }
0xc1: {  	v4 =	vmov s16;
	[tilespmem:s10+$0xFFFFFFE0] =	vst v5  }
0xc2: {  	v0 =	vld [tilespmem:s15+$0xFFFFFFF0];
	[tilespmem:s10+$0xFFFFFFF0] =	vst v6  }
0xc3: {  	v5 =	vld [tilespmem:s15+$0x30];
	[tilespmem:s10+$0x0] =	vst v1  }
0xc4: {  	v7 =	vld [tilespmem:s15+$0x10];
	[tilespmem:s10+$0x20] =	vst v2  }
0xc5: {  	v6 =	vld [tilespmem:s15+$0xFFFFFFC0];
	[tilespmem:s10+$0xFFFFFFD0] =	vst v3;
	s10 =	smov.u32 s15  }
0xc6: {  	v1 =	vld.idx.msk [tilespmem:v4+s29+$0x0], $0xffff  }
0xc7: {  	v9 =	vld [tilespmem:s15+$0xFFFFFFE0]  }
0xc8: {  	v2 =	vld [tilespmem:s15+$0x20]  }
.Ltmp3:
0xc9: {  	v3 =	vld [tilespmem:s15+$0xFFFFFFD0];
	(pc) =	sbr.rel @p1 .LBB2_8-.Ltmp3, $3  }
0xca: {  	v4 =	vld [tilespmem:s15+$0x0];
	_ =	sdelay $0x1  }
0xcb: {  	v6 =	vmul.f32 v6, v1;
	v8 =	vmul.f32 v5, v1  }
0xcc: {  	v7 =	vmul.f32 v7, v1;
	v5 =	vmul.f32 v9, v1  }
0xcd: {  	[tilespmem:s10+$0x30] =	vst v8  }
0xce: {  	[tilespmem:s10+$0xFFFFFFC0] =	vst v6  }
0xcf: {  	v0 =	vmul.f32 v0, v1;
	[tilespmem:s10+$0x10] =	vst v7  }
0xd0: {  	v2 =	vmul.f32 v2, v1;
	[tilespmem:s10+$0xFFFFFFE0] =	vst v5  }
0xd1: {  	v4 =	vmul.f32 v4, v1;
	[tilespmem:s10+$0xFFFFFFF0] =	vst v0  }
0xd2: {  	v0 =	vmul.f32 v3, v1;
	[tilespmem:s10+$0x20] =	vst v2  }
0xd3: {  	[tilespmem:s10+$0x0] =	vst v4  }
0xd4: {  	[tilespmem:s10+$0xFFFFFFD0] =	vst v0  }
0xd5: {  	[spmem:s2] =	stream.indirect.scatter.add.f32 [tilespmem:s25], [sflag:$0x3], $0x80, s28, s24, $0xb8;
	[tilespmem:$0x1BA80] =	vst v63  }
0xd6: {  	_ =	swait.ge [sflag:s23], $0x4000  }
0xd7: {  	[sflag:s23] =	ssyncset.done $0x0  }
0xd8: {  	s18 =	simm.s32 $0x0;
	s12 =	rddreg [dreg:$0xa];
	[sflag:s23] =	ssyncadd.s32 $0xFFFFC000  }
0xd9: {  	[tilespmem:s28], [sflag:$0x3] =	stream.linear.gather [hbm4b:s12+s18], $0x80, $0x38;
	[tilespmem:$0x1BA80] =	vst v63  }
0xda: {  	_ =	swait.ge [sflag:s23], $0x80  }
0xdb: {  	[sflag:s23] =	ssyncset.done $0x0  }
0xdc: {  	s19 =	rddreg [dreg:$0xb];
	[sflag:s23] =	ssyncadd.s32 $0xFFFFFF80  }
0xdd: {  	[tilespmem:s29], [sflag:$0x3] =	stream.linear.gather [hbm4b:s19+s18], $0x80, $0x38;
	[tilespmem:$0x1BA80] =	vst v63  }
0xde: {  	_ =	swait.ge [sflag:s23], $0x80  }
0xdf: {  	[sflag:s23] =	ssyncset.done $0x0  }
0xe0: {  	[sflag:s23] =	ssyncadd.s32 $0xFFFFFF80  }
0xe1: {  	_ =	swait.ge [sflag:s31], $0x4000  }
0xe2: {  	v0 =	vmov s18;
	[sflag:s31] =	ssyncset.done $0x0  }
0xe3: {  	s10 =	simm.s32 $0x4240;
	[sflag:s31] =	ssyncadd.s32 $0xFFFFC000  }
0xe4: {  	v4 =	vld [tilespmem:s10+$0x30]  }
0xe5: {  	v7 =	vld [tilespmem:s10+$0x10]  }
0xe6: {  	v5 =	vld [tilespmem:s10+$0xFFFFFFC0]  }
0xe7: {  	v1 =	vld.idx.msk [tilespmem:v0+s29+$0x0], $0xffff  }
0xe8: {  	v9 =	vld [tilespmem:s10+$0xFFFFFFE0]  }
0xe9: {  	v0 =	vld [tilespmem:s10+$0xFFFFFFF0]  }
0xea: {  	v2 =	vld [tilespmem:s10+$0x20]  }
0xeb: {  	v3 =	vld [tilespmem:s10+$0xFFFFFFD0]  }
0xec: {  	v8 =	vmul.f32 v4, v1;
	v4 =	vld [tilespmem:s10+$0x0]  }
0xed: {  	v6 =	vmul.f32 v5, v1  }
0xee: {  	s15 =	simm.s32 $0x4240;
	s12 =	simm.s32 $0x1;
	v5 =	vmul.f32 v9, v1;
	v7 =	vmul.f32 v7, v1  }
.LBB2_10:
0xef: {  	p1 =	sne.s32 s12, $0x7F  }
0xf0: {  	v3 =	vmul.f32 v3, v1;
	v2 =	vmul.f32 v2, v1;
	[tilespmem:s10+$0x30] =	vst v8;
	s15 =	sadd.s32 $0x80, s15;
	s16 =	smov.u32 s12;
	s12 =	sadd.s32 $0x1, s12  }
0xf1: {  	[tilespmem:s10+$0xFFFFFFC0] =	vst v6;
	v6 =	vmul.f32 v0, v1;
	v1 =	vmul.f32 v4, v1  }
0xf2: {  	[tilespmem:s10+$0x10] =	vst v7  }
0xf3: {  	v4 =	vmov s16;
	[tilespmem:s10+$0xFFFFFFE0] =	vst v5  }
0xf4: {  	v0 =	vld [tilespmem:s15+$0xFFFFFFF0];
	[tilespmem:s10+$0xFFFFFFF0] =	vst v6  }
0xf5: {  	v5 =	vld [tilespmem:s15+$0x30];
	[tilespmem:s10+$0x0] =	vst v1  }
0xf6: {  	v7 =	vld [tilespmem:s15+$0x10];
	[tilespmem:s10+$0x20] =	vst v2  }
0xf7: {  	v6 =	vld [tilespmem:s15+$0xFFFFFFC0];
	[tilespmem:s10+$0xFFFFFFD0] =	vst v3;
	s10 =	smov.u32 s15  }
0xf8: {  	v1 =	vld.idx.msk [tilespmem:v4+s29+$0x0], $0xffff  }
0xf9: {  	v9 =	vld [tilespmem:s15+$0xFFFFFFE0]  }
0xfa: {  	v2 =	vld [tilespmem:s15+$0x20]  }
.Ltmp4:
0xfb: {  	v3 =	vld [tilespmem:s15+$0xFFFFFFD0];
	(pc) =	sbr.rel @p1 .LBB2_10-.Ltmp4, $3  }
0xfc: {  	v4 =	vld [tilespmem:s15+$0x0];
	_ =	sdelay $0x1  }
0xfd: {  	v6 =	vmul.f32 v6, v1;
	v8 =	vmul.f32 v5, v1  }
0xfe: {  	v7 =	vmul.f32 v7, v1;
	v5 =	vmul.f32 v9, v1  }
0xff: {  	[tilespmem:s10+$0x30] =	vst v8  }
0x100: {  	[tilespmem:s10+$0xFFFFFFC0] =	vst v6  }
0x101: {  	v0 =	vmul.f32 v0, v1;
	[tilespmem:s10+$0x10] =	vst v7  }
0x102: {  	v2 =	vmul.f32 v2, v1;
	[tilespmem:s10+$0xFFFFFFE0] =	vst v5  }
0x103: {  	v63 =	vmul.f32 v3, v1;
	[tilespmem:s10+$0xFFFFFFF0] =	vst v0  }
0x104: {  	v4 =	vmul.f32 v4, v1;
	[tilespmem:s10+$0x20] =	vst v2  }
0x105: {  	[tilespmem:s10+$0xFFFFFFD0] =	vst v63  }
0x106: {  	[tilespmem:s10+$0x0] =	vst v4  }
0x107: {  	[spmem:s2] =	stream.indirect.scatter.add.f32 [tilespmem:s26], [sflag:$0x3], $0x80, s28, s24, $0xb8;
	[tilespmem:$0x1BA80] =	vst v63  }
0x108: {  	_ =	swait.ge [sflag:s23], $0x4000  }
0x109: {  	[sflag:s23] =	ssyncset.done $0x0  }
0x10a: {  	[sflag:s23] =	ssyncadd.s32 $0xFFFFC000  }
0x10b: {  	s10 =	simm.s32 @p0 $0x1FC3;
	[bflag:$0x0] =	sbarrier.arrive $0xFFFF  }
0x10c: {  	[hbm:s21], [sflag:s10] =	dma.local @p0 [spmem:s4], $0x1900  }
0x10d: {  	s4 =	simm.s32 @p0 $0x3  }
0x10e: {  	_ =	swait.ge @p0 [sflag:s4], $0x1900  }
0x10f: {  	s0 =	sadd.s32 $0x1, s0;
	[sflag:s4] =	ssyncset.done @p0 $0x0  }
0x110: {  	p1 =	sne.s32 s0, s22;
	[sflag:s4] =	ssyncadd.s32 @p0 $0xFFFFE700  }
0x111: {  	[hbm:s20], [sflag:s3] =	dma.local @!p0 [spmem:s9], $0x2800  }
.Ltmp5:
0x112: {  	_ = 	snop;
	(pc) =	sbr.rel @p1 .LBB2_1-.Ltmp5, $4  }
0x113: {  	s3 =	simm.s32 @!p0 $0x3  }
0x114: {  	_ =	swait.ge @!p0 [sflag:s3], $0x2800  }
0x115: {  	[sflag:s3] =	ssyncset.done @!p0 $0x0  }
0x116: {  	[sflag:s3] =	ssyncadd.s32 @!p0 $0xFFFFD800  }
0x117: {  	_ =	sfence.sel $0x180000  }
0x118: {  	[bflag:$0x0] =	sbarrier.arrive $0xFFFF  }
0x119: {  	_ =	strace $0x9000004A  }
0x11a: {  	s0 =	stileid.u32;
	[bflag:$0x2] =	sbarrier.arrive $0xFFFF  }
0x11b: {  	p0 =	sne.s32 s0, $0x0;
	s0 =	rddreg [dreg:$0x3]  }
0x11c: {  	s0 =	sadd.s32 @!p0 $0x100000, s0  }
0x11d: {  	[sflag:s0] =	ssyncadd.tile.s32 @!p0 $0x1;
	_ =	shalt  }
.Lfunc_end2:
_tile_overlayer_lowered:
.L_overlay_start_2:
0x11e: {  	(tag) =	ssettag $0x2  }
0x11f: {  	s0 =	rddreg [dreg:$0x0];
	s2 =	stileid.u32  }
0x120: {  	s1 =	rddreg [dreg:$0x1];
	p0 =	sne.s32 s2, $0x0  }
0x121: {  	s3 =	rddreg [dreg:$0x2];
	[bflag:$0x3] =	sbarrier.arrive $0xFFFF;
	s2 =	simm.s32 @!p0 $0x1C03  }
0x122: {  	[timem:s3], [sflag:s2] =	dma.local @!p0 [hbm:s0], s1  }
0x123: {  	s0 =	simm.s32 @!p0 $0x3  }
0x124: {  	_ =	swait.ge @!p0 [sflag:s0], s1  }
0x125: {  	s1 =	ssub.s32 @!p0 $0x0, s1;
	[sflag:s0] =	ssyncset.done @!p0 $0x0  }
0x126: {  	[sflag:s0] =	ssyncadd.s32 @!p0 s1  }
0x127: {  	[bflag:$0x3] =	sbarrier.arrive $0xFFFF  }
0x128: {  	_ =	shalt  }

// kernel: kernel.14.cloned.1.call-start
scs
__scs_entry_jumppad:
0x0: {  	(pc) =	sbr.rel $0x88, $3  }
0x1: {  	(tag) =	ssettag $0x0;
	lr =	simm.s32 $0x1  }
0x2: {  	[smem:$0x3F95] =	sst lr;
	_ =	strace $0xD0000000  }
0x3: {  	_ = 	snop  }
0x4: {  	_ = 	snop  }
0x5: {  	_ = 	snop  }
0x6: {  	_ = 	snop  }
0x7: {  	_ = 	snop  }
__scs_overlays_trampoline_lowered:
0x8: {  	[smem:$0x3FA4] =	sst s0  }
0x9: {  	[smem:$0x3FA5] =	sst s1  }
0xa: {  	[smem:$0x3FA6] =	sst s2  }
0xb: {  	[smem:$0x3FA7] =	sst s3  }
0xc: {  	[smem:$0x3FA8] =	sst s4  }
0xd: {  	[smem:$0x3FA9] =	sst s5  }
0xe: {  	[smem:$0x3FAA] =	sst s6  }
0xf: {  	[smem:$0x3FAB] =	sst s7  }
0x10: {  	[smem:$0x3FAC] =	sst s8  }
0x11: {  	[smem:$0x3FAD] =	sst s9;
	s0 =	simm.s32 @!p0 $0x0  }
0x12: {  	s1 =	sld [smem:$0x3F93];
	s0 =	simm.s32 @p0 $0x1  }
0x13: {  	[smem:$0x3FAE] =	sst s0;
	s0 =	simm.s32 @!p1 $0x0  }
0x14: {  	s2 =	sld [smem:$0x3F92];
	s0 =	simm.s32 @p1 $0x1  }
0x15: {  	[smem:$0x3FAF] =	sst s0;
	s0 =	simm.s32 @!p2 $0x0  }
0x16: {  	s3 =	sld [smem:$0x3FDB];
	s0 =	simm.s32 @p2 $0x1  }
0x17: {  	s4 =	simm.s32 $0x1BF5;
	[smem:$0x3FB1] =	sst s0  }
0x18: {  	s0 =	sld [smem:$0x3F94];
	_ =	swait.ge [sflag:s4], $0x0  }
0x19: {  	s7 =	sld [smem:$0x3F95]  }
0x1a: {  	s8 =	sadd.s32 $0xFFFFE003, lr  }
0x1b: {  	s9 =	sadd.s32 $0xFFFFFEF7, lr;
	s5 =	simm.s32 $0xFFFFFFFF;
	p2 =	slt.u32 s8, $0xFFFFF086  }
0x1c: {  	p1 =	slt.u32 s9, $0xF7A;
	s5 =	simm.s32 @!p2 $0x0  }
0x1d: {  	s5 =	simm.s32 @p1 $0x1;
	p0 =	seq.s32 s7, s2  }
0x1e: {  	s7 =	smul.u32 @!p0 $0xF7A, s2;
	p2 =	seq.s32 @!p0 s5, $0x0  }
0x1f: {  	s9 =	smul.u32 $0xF7A, s1;
	s8 =	simm.s32 @!p0 $0x1BF5;
	p2 =	por !p2, p0  }
0x20: {  	[sflag:s8] =	ssyncset.s32 @!p0 $0xFFFFF086;
	s6 =	sadd.s32 @!p0 s3, s7;
	s7 =	simm.s32 @!p0 $0x108  }
0x21: {  	s3 =	sadd.s32 s3, s9;
	s6 =	sadd.s32 @!p0 $0x88, s6;
	s7 =	simm.s32 @p2 $0x1082  }
0x22: {  	[simem:s7], [sflag:s8] =	dma.local @!p0 [hbm:s6], $0xF7A  }
0x23: {  	s9 =	sor.u32 $0xD0000000, s2;
	s6 =	simm.s32 $0x108;
	_ =	swait.ge @!p0 [sflag:s8], $0x0  }
0x24: {  	s3 =	sadd.s32 $0x88, s3;
	s6 =	simm.s32 @!p1 $0x1082;
	[sflag:s4] =	ssyncset.s32 $0xFFFFF086  }
0x25: {  	[simem:s6], [sflag:s4] =	dma.local [hbm:s3], $0xF7A  }
0x26: {  	[smem:$0x3F95] =	sst s1;
	(tag) =	ssettag s2;
	_ =	strace s9  }
0x27: {  	s1 =	sld [smem:$0x3FA5]  }
0x28: {  	s2 =	sld [smem:$0x3FA6]  }
0x29: {  	s4 =	sld [smem:$0x3FA8]  }
0x2a: {  	p0 =	seq.s32 s5, $0x0;
	s5 =	sld [smem:$0x3FA9]  }
0x2b: {  	s6 =	sld [smem:$0x3FAA]  }
0x2c: {  	s7 =	sld [smem:$0x3FAB]  }
0x2d: {  	s3 =	simm.s32 $0x108;
	s8 =	sld [smem:$0x3FAC]  }
0x2e: {  	s3 =	simm.s32 @!p0 $0x1082;
	s9 =	sld [smem:$0x3FAD]  }
0x2f: {  	lr =	sadd.s32 s0, s3;
	s0 =	sld [smem:$0x3FA4]  }
0x30: {  	s3 =	sld [smem:$0x3FA7]  }
0x31: {  	[smem:$0x3FB0] =	sst s10  }
0x32: {  	s10 =	sld [smem:$0x3FAE];
	_ =	sdelay $0x3  }
0x33: {  	p0 =	seq.s32 s10, $0x1;
	s10 =	sld [smem:$0x3FB0];
	_ =	sdelay $0x3  }
0x34: {  	[smem:$0x3FB0] =	sst s10  }
0x35: {  	s10 =	sld [smem:$0x3FAF];
	_ =	sdelay $0x3  }
0x36: {  	p1 =	seq.s32 s10, $0x1;
	s10 =	sld [smem:$0x3FB0];
	_ =	sdelay $0x3  }
0x37: {  	[smem:$0x3FB0] =	sst s10  }
0x38: {  	s10 =	sld [smem:$0x3FB1]  }
0x39: {  	_ = 	snop;
	(pc) =	sbr.ind lr, $3  }
0x3a: {  	_ = 	snop  }
0x3b: {  	_ = 	snop  }
0x3c: {  	p2 =	seq.s32 s10, $0x1;
	s10 =	sld [smem:$0x3FB0]  }
0x3d: {  	_ =	shalt  }
0x3e: {  	_ =	shalt  }
0x3f: {  	_ =	shalt  }
0x40: {  	_ =	shalt  }
0x41: {  	_ =	shalt  }
0x42: {  	_ =	shalt  }
0x43: {  	_ =	shalt  }
0x44: {  	_ =	shalt  }
0x45: {  	_ =	shalt  }
0x46: {  	_ =	shalt  }
0x47: {  	_ =	shalt  }
0x48: {  	_ =	shalt  }
0x49: {  	_ =	shalt  }
0x4a: {  	_ =	shalt  }
0x4b: {  	_ =	shalt  }
0x4c: {  	_ =	shalt  }
0x4d: {  	_ =	shalt  }
0x4e: {  	_ =	shalt  }
0x4f: {  	_ =	shalt  }
0x50: {  	_ =	shalt  }
0x51: {  	_ =	shalt  }
0x52: {  	_ =	shalt  }
0x53: {  	_ =	shalt  }
0x54: {  	_ =	shalt  }
0x55: {  	_ =	shalt  }
0x56: {  	_ =	shalt  }
0x57: {  	_ =	shalt  }
0x58: {  	_ =	shalt  }
0x59: {  	_ =	shalt  }
0x5a: {  	_ =	shalt  }
0x5b: {  	_ =	shalt  }
0x5c: {  	_ =	shalt  }
0x5d: {  	_ =	shalt  }
0x5e: {  	_ =	shalt  }
0x5f: {  	_ =	shalt  }
0x60: {  	_ =	shalt  }
0x61: {  	_ =	shalt  }
0x62: {  	_ =	shalt  }
0x63: {  	_ =	shalt  }
0x64: {  	_ =	shalt  }
0x65: {  	_ =	shalt  }
0x66: {  	_ =	shalt  }
0x67: {  	_ =	shalt  }
0x68: {  	_ =	shalt  }
0x69: {  	_ =	shalt  }
0x6a: {  	_ =	shalt  }
0x6b: {  	_ =	shalt  }
0x6c: {  	_ =	shalt  }
0x6d: {  	_ =	shalt  }
0x6e: {  	_ =	shalt  }
0x6f: {  	_ =	shalt  }
0x70: {  	_ =	shalt  }
0x71: {  	_ =	shalt  }
0x72: {  	_ =	shalt  }
0x73: {  	_ =	shalt  }
0x74: {  	_ =	shalt  }
0x75: {  	_ =	shalt  }
0x76: {  	_ =	shalt  }
0x77: {  	_ =	shalt  }
0x78: {  	_ =	shalt  }
0x79: {  	_ =	shalt  }
0x7a: {  	_ =	shalt  }
0x7b: {  	_ =	shalt  }
0x7c: {  	_ =	shalt  }
0x7d: {  	_ =	shalt  }
0x7e: {  	_ =	shalt  }
0x7f: {  	_ =	shalt  }
0x80: {  	_ =	shalt  }
0x81: {  	_ =	shalt  }
0x82: {  	_ =	shalt  }
0x83: {  	_ =	shalt  }
0x84: {  	_ =	shalt  }
0x85: {  	_ =	shalt  }
0x86: {  	_ =	shalt  }
0x87: {  	_ =	shalt  }
.Lfunc_end0:
.L_simem_size_0:
called_computation.2_lowered:
.L_overlay_start_0:
0x88: {  	s2 =	sld [smem:$0x3FD9]  }
0x89: {  	s3 =	sld [smem:$0x3FFE];
	_ =	sdelay $0x1  }
0x8a: {  	s1 =	srdreg.scid  }
0x8b: {  	s0 =	sand.u32 $0x1, s1  }
0x8c: {  	s17 =	sshll.u32 s0, $0xA;
	s2 =	sadd.s32 s3, s2  }
0x8d: {  	s2 =	sadd.s32 s2, s17  }
0x8e: {  	[smem:$0x3FBC] =	sst s2  }
0x8f: {  	_ = 	snop  }
0x90: {  	s2 =	sld [smem:$0x3FD0];
	(tm) =	ssettm $0x1  }
0x91: {  	s18 =	sld [smem:$0x3FFB];
	_ =	sdelay $0x3  }
0x92: {  	_ =	strace s18  }
0x93: {  	s3 =	sld [smem:$0x3FFC];
	_ =	sdelay $0x3  }
0x94: {  	_ =	strace s3  }
0x95: {  	s3 =	sld [smem:$0x3FFD];
	_ =	sdelay $0x3  }
0x96: {  	_ =	strace s3  }
0x97: {  	_ =	strace $0x8FFFFFFF  }
0x98: {  	s19 =	sld [smem:$0x3FDB];
	_ =	sdelay $0x1  }
0x99: {  	s4 =	simm.s32 $_scs_section_size  }
0x9a: {  	s5 =	simm.s32 $_size__tile_overlayer_lowered;
	s6 =	simm.s32 $_tile_overlayer_lowered  }
0x9b: {  	s22 =	simm.s32 $0x1BFF;
	s21 =	sshll.u32 s6, $0x1;
	s3 =	sadd.s32 s4, s19  }
0x9c: {  	s7 =	simm.s32 $0x0;
	s20 =	sshll.u32 s5, $0x1;
	s5 =	sadd.s32 s21, s3  }
0x9d: {  	[timem:s7], [sflag:s22] =	dma.local [hbm:s5], s20  }
0x9e: {  	_ =	swait.ge [sflag:s22], s20  }
0x9f: {  	s4 =	ssub.s32 $0x0, s20;
	[sflag:s22] =	ssyncset.done $0x0  }
0xa0: {  	[sflag:s22] =	ssyncadd.s32 s4;
	_ =	sdelay $0x1  }
0xa1: {  	s23 =	simm.s32 $0x1B8B  }
0xa2: {  	_ =	swait.ge [sflag:s23], $0x1  }
0xa3: {  	[sflag:s23] =	ssyncset.done $0x0  }
0xa4: {  	s25 =	simm.s32 $0x1B8E;
	s24 =	sld [smem:$0x3FFE];
	[sflag:s23] =	ssyncadd.s32 $0xFFFFFFFF  }
0xa5: {  	s26 =	simm.s32 $execute0_lowered;
	[smem:$0x3FD2] =	sst s25  }
0xa6: {  	s5 =	sshll.u32 s26, $0x1;
	_ =	strace $0x8000004C;
	[dreg:$0x1] =	wrdreg $0xFFFFFFFF  }
0xa7: {  	s28 =	simm.s32 $_size_execute0_lowered;
	s3 =	sadd.s32 s3, s5;
	[dreg:$0x0] =	wrdreg $0x0  }
0xa8: {  	s5 =	sshll.u32 s28, $0x1;
	[dreg:$0x2] =	wrdreg s3  }
0xa9: {  	[dreg:$0x3] =	wrdreg s5  }
0xaa: {  	[dreg:$0x4] =	wrdreg $0xC0  }
0xab: {  	_ =	task [dreg:s7], $0x5FFFF  }
0xac: {  	[dreg:$0x1] =	wrdreg $0xFFFFFFFF  }
0xad: {  	[dreg:$0x0] =	wrdreg $0x60  }
0xae: {  	[dreg:$0x2] =	wrdreg s2  }
0xaf: {  	[dreg:$0x3] =	wrdreg s24  }
0xb0: {  	[dreg:$0x4] =	wrdreg $0x82000  }
0xb1: {  	[dreg:$0x5] =	wrdreg $0x9  }
0xb2: {  	_ =	task.clear_ibuf [dreg:s7], $0x6FFFF;
	_ =	strace $0x9000004C  }
0xb3: {  	s29 =	simm.s32 $0x9;
	_ =	strace $0x8000004E  }
0xb4: {  	_ =	swait.ge [sflag:s29], $0x1  }
0xb5: {  	[sflag:s29] =	ssyncadd.s32 $0xFFFFFFFF  }
0xb6: {  	_ =	strace $0x9000004E  }
0xb7: {  	_ =	sfence  }
0xb8: {  	s30 =	sld [smem:$0x0];
	_ =	sdelay $0x2  }
0xb9: {  	s31 =	sshll.u32 s1, $0xD;
	s1 =	sshrl.u32 s1, $0x2  }
0xba: {  	s3 =	sand.u32 $0x4000, s31;
	s1 =	sadd.s32 s1, s30  }
0xbb: {  	s0 =	sor.u32 s3, s0;
	s1 =	sshll.u32 s1, $0x11  }
0xbc: {  	s0 =	sor.u32 s1, s0  }
0xbd: {  	s0 =	sadd.s32 $0x8F2B, s0  }
0xbe: {  	[sflag:s0] =	ssyncadd.remote.s32 $0x1  }
0xbf: {  	_ =	sfence.sel $0xFFFF  }
0xc0: {  	[dreg:$0x0] =	wrdreg $0xFFFFFFFF;
	(pc) =	sbr.abs _section_cstart, $3  }
0xc1: {  	[dreg:$0x1] =	wrdreg $0xFFFFFFFF  }
0xc2: {  	_ =	task.clear_ibuf [dreg:s7], $0x2FFFF;
	_ =	strace $0x9FFFFFFF  }
0xc3: {  	(tm) =	ssettm $0x7FFFFFFF  }
tec
execute0_lowered:
.L_overlay_start_1:
0x0: {  	(tag) =	ssettag $0x1  }
0x1: {  	s1 =	rddreg [dreg:$0x0]  }
0x2: {  	s0 =	rddreg [dreg:$0x1]  }
0x3: {  	s2 =	rddreg [dreg:$0x2];
	s3 =	simm.s32 $0x0  }
0x4: {  	s18 =	srdreg.scid;
	s15 =	stileid.u32;
	s28 =	simm.s32 $0x100  }
0x5: {  	s29 =	simm.s32 $0x180;
	s30 =	simm.s32 $0x1;
	s31 =	simm.s32 $0x2  }
0x6: {  	[smem:$0x7FF] =	sst s3;
	s5 =	sadd.s32 $0x2E00, s0;
	s6 =	sadd.s32 $0xCE00, s0  }
0x7: {  	s7 =	sadd.s32 $0x16E00, s0;
	s8 =	sadd.s32 $0x20E00, s0;
	s3 =	sand.u32 $0x1, s18  }
0x8: {  	s4 =	sshll.u32 s15, $0x1;
	s10 =	smul.u32 $0x50000, s15;
	s0 =	sadd.s32 $0x23600, s0  }
0x9: {  	s19 =	sadd.s32 $0x12C000, s2;
	s23 =	smul.u32 $0x14000, s15;
	p0 =	seq.s32 s15, $0xF  }
0xa: {  	s9 =	ssub.s32 $0x2, s3;
	s4 =	sor.u32 s3, s4;
	s3 =	smul.u32 $0x138800, s3  }
0xb: {  	_ =	strace $0x8000004D;
	[dreg:$0x5] =	wrdreg s19;
	s12 =	smul.u32 $0x500, s4  }
0xc: {  	s11 =	sshrl.u32 s9, $0x1;
	s10 =	sshrl.u32 s10, $0x2;
	s13 =	smul.u32 $0x2800, s4  }
0xd: {  	s9 =	ssub.s32 s9, s11;
	s10 =	sadd.s32 s10, s2;
	s11 =	smul.u32 $0x50, s4  }
0xe: {  	s25 =	sadd.s32 s23, s3;
	s3 =	sshrl.u32 s3, $0x3;
	s21 =	sshrl.u32 s13, $0x3  }
0xf: {  	[dreg:$0x4] =	wrdreg s10;
	s20 =	sadd.s32 s5, s12;
	s22 =	sadd.s32 $0x4F0, s21  }
0x10: {  	[dreg:$0x6] =	wrdreg s20;
	s4 =	sadd.s32 $0x4E0, s21;
	s16 =	sadd.s32 s5, s22  }
0x11: {  	s23 =	simm.s32 $0x3;
	s24 =	sadd.s32 s6, s4;
	[dreg:$0x7] =	wrdreg s16  }
0x12: {  	s13 =	sor.u32 $0x1, s11;
	s4 =	sadd.s32 s7, s4;
	[dreg:$0x8] =	wrdreg s24  }
0x13: {  	s14 =	sor.u32 $0x2, s11;
	s26 =	sadd.s32 s6, s22;
	[dreg:$0x9] =	wrdreg s4  }
0x14: {  	s10 =	sadd.s32 s7, s22;
	s22 =	smax.u32 s9, $0x1;
	[dreg:$0xa] =	wrdreg s26  }
0x15: {  	s4 =	sshrl.u32 s25, $0x3;
	[dreg:$0xb] =	wrdreg s10;
	s24 =	simm.s32 $0x80  }
0x16: {  	s25 =	simm.s32 $0x200;
	s20 =	sadd.s32 s0, s4;
	s0 =	sadd.s32 s0, s3  }
0x17: {  	s26 =	simm.s32 $0x4200;
	s21 =	sadd.s32 $0x25800, s0;
	s0 =	simm.s32 $0x0  }
.LBB2_1:
0x18: {  	s3 =	rddreg [dreg:$0x5]  }
0x19: {  	s4 =	sshrl.u32 @p0 s3, $0x3;
	s3 =	simm.s32 @p0 $0x1FC3  }
0x1a: {  	[spmem:s4], [sflag:s3] =	dma.local @p0 [hbm:s8], $0x1900  }
0x1b: {  	s3 =	simm.s32 @p0 $0x3  }
0x1c: {  	s9 =	stileid.u32;
	_ =	swait.ge @p0 [sflag:s3], $0x1900  }
0x1d: {  	s9 =	sshll.u32 @!p0 s9, $0x6;
	[sflag:s3] =	ssyncset.done @p0 $0x0  }
0x1e: {  	[sflag:s3] =	ssyncadd.s32 @p0 $0xFFFFE700;
	s3 =	sor.u32 @!p0 $0x1C03, s9;
	s9 =	rddreg [dreg:$0x4]  }
0x1f: {  	s10 =	simm.s32 @!p0 $0x3;
	s9 =	sshrl.u32 @!p0 s9, $0x3  }
0x20: {  	[spmem:s9], [sflag:s3] =	dma.local @!p0 [hbm:s8], $0x2800  }
0x21: {  	_ =	swait.ge @!p0 [sflag:s10], $0x2800  }
0x22: {  	[sflag:s10] =	ssyncset.done @!p0 $0x0  }
0x23: {  	[sflag:s10] =	ssyncadd.s32 @!p0 $0xFFFFD800  }
0x24: {  	[bflag:$0x0] =	sbarrier.arrive $0xFFFF  }
0x25: {  	s19 =	simm.s32 $0x0;
	s12 =	rddreg [dreg:$0x6]  }
0x26: {  	[tilespmem:s19], [sflag:$0x3] =	stream.linear.gather [hbm4b:s12+s19], $0x80, $0x38;
	[tilespmem:$0x1BA80] =	vst v63  }
0x27: {  	_ =	swait.ge [sflag:s23], $0x80  }
0x28: {  	[sflag:s23] =	ssyncset.done $0x0  }
0x29: {  	s10 =	simm.s32 $0x0;
	[sflag:s23] =	ssyncadd.s32 $0xFFFFFF80  }
0x2a: {  	[tilespmem:s25], [sflag:$0x1] =	stream.indirect.gather [hbm4b:s1+s24], $0x80, s19, s24, $0xb8;
	[tilespmem:$0x1BA80] =	vst v63  }
.LBB2_2:
0x2b: {  	s15 =	sshll.u32 s10, $0x1  }
0x2c: {  	s12 =	sadd.s32 s13, s15  }
0x2d: {  	s12 =	sshll.u32 s12, $0x4  }
0x2e: {  	s12 =	sand.u32 $0x1FFFFFF0, s12  }
0x2f: {  	s17 =	simm.s32 $0x0;
	s16 =	sadd.s32 s5, s12  }
0x30: {  	[tilespmem:s24], [sflag:$0x3] =	stream.linear.gather [hbm4b:s16+s17], $0x80, $0x38;
	[tilespmem:$0x1BA80] =	vst v63  }
0x31: {  	_ =	swait.ge [sflag:s23], $0x80  }
0x32: {  	s19 =	sadd.s32 s11, s15;
	[sflag:s23] =	ssyncset.done $0x0  }
0x33: {  	s16 =	sshll.u32 s19, $0x4;
	[sflag:s23] =	ssyncadd.s32 $0xFFFFFF80  }
0x34: {  	[tilespmem:s26], [sflag:$0x2] =	stream.indirect.gather [hbm4b:s1+s24], $0x80, s24, s24, $0xb8;
	[tilespmem:$0x1BA80] =	vst v63  }
0x35: {  	s18 =	sadd.s32 s6, s16  }
0x36: {  	[tilespmem:s28], [sflag:$0x3] =	stream.linear.gather [hbm4b:s18+s17], $0x80, $0x38;
	[tilespmem:$0x1BA80] =	vst v63  }
0x37: {  	_ =	swait.ge [sflag:s23], $0x80  }
0x38: {  	[sflag:s23] =	ssyncset.done $0x0  }
0x39: {  	s16 =	sadd.s32 s7, s16;
	[sflag:s23] =	ssyncadd.s32 $0xFFFFFF80  }
0x3a: {  	[tilespmem:s29], [sflag:$0x3] =	stream.linear.gather [hbm4b:s16+s17], $0x80, $0x38;
	[tilespmem:$0x1BA80] =	vst v63  }
0x3b: {  	_ =	swait.ge [sflag:s23], $0x80  }
0x3c: {  	[sflag:s23] =	ssyncset.done $0x0  }
0x3d: {  	[sflag:s23] =	ssyncadd.s32 $0xFFFFFF80  }
0x3e: {  	_ =	swait.ge [sflag:s30], $0x4000  }
0x3f: {  	v0 =	vmov s17;
	[sflag:s30] =	ssyncset.done $0x0  }
0x40: {  	s16 =	simm.s32 $0x240;
	[sflag:s30] =	ssyncadd.s32 $0xFFFFC000  }
0x41: {  	v4 =	vld [tilespmem:s16+$0x30]  }
0x42: {  	v7 =	vld [tilespmem:s16+$0x10]  }
0x43: {  	v5 =	vld [tilespmem:s16+$0xFFFFFFC0]  }
0x44: {  	v1 =	vld.idx.msk [tilespmem:v0+s29+$0x0], $0xffff  }
0x45: {  	v9 =	vld [tilespmem:s16+$0xFFFFFFE0]  }
0x46: {  	v0 =	vld [tilespmem:s16+$0xFFFFFFF0]  }
0x47: {  	v2 =	vld [tilespmem:s16+$0x20]  }
0x48: {  	v3 =	vld [tilespmem:s16+$0xFFFFFFD0]  }
0x49: {  	v8 =	vmul.f32 v4, v1;
	v4 =	vld [tilespmem:s16+$0x0]  }
0x4a: {  	v6 =	vmul.f32 v5, v1  }
0x4b: {  	s18 =	simm.s32 $0x240;
	s17 =	simm.s32 $0x1;
	v5 =	vmul.f32 v9, v1;
	v7 =	vmul.f32 v7, v1  }
.LBB2_3:
0x4c: {  	p1 =	sne.s32 s17, $0x7F  }
0x4d: {  	v3 =	vmul.f32 v3, v1;
	v2 =	vmul.f32 v2, v1;
	[tilespmem:s16+$0x30] =	vst v8;
	s18 =	sadd.s32 $0x80, s18;
	s19 =	smov.u32 s17;
	s17 =	sadd.s32 $0x1, s17  }
0x4e: {  	[tilespmem:s16+$0xFFFFFFC0] =	vst v6;
	v6 =	vmul.f32 v0, v1;
	v1 =	vmul.f32 v4, v1  }
0x4f: {  	[tilespmem:s16+$0x10] =	vst v7  }
0x50: {  	v4 =	vmov s19;
	[tilespmem:s16+$0xFFFFFFE0] =	vst v5  }
0x51: {  	v0 =	vld [tilespmem:s18+$0xFFFFFFF0];
	[tilespmem:s16+$0xFFFFFFF0] =	vst v6  }
0x52: {  	v5 =	vld [tilespmem:s18+$0x30];
	[tilespmem:s16+$0x0] =	vst v1  }
0x53: {  	v7 =	vld [tilespmem:s18+$0x10];
	[tilespmem:s16+$0x20] =	vst v2  }
0x54: {  	v6 =	vld [tilespmem:s18+$0xFFFFFFC0];
	[tilespmem:s16+$0xFFFFFFD0] =	vst v3;
	s16 =	smov.u32 s18  }
0x55: {  	v1 =	vld.idx.msk [tilespmem:v4+s29+$0x0], $0xffff  }
0x56: {  	v9 =	vld [tilespmem:s18+$0xFFFFFFE0]  }
0x57: {  	v2 =	vld [tilespmem:s18+$0x20]  }
.Ltmp0:
0x58: {  	v3 =	vld [tilespmem:s18+$0xFFFFFFD0];
	(pc) =	sbr.rel @p1 .LBB2_3-.Ltmp0, $3  }
0x59: {  	v4 =	vld [tilespmem:s18+$0x0];
	_ =	sdelay $0x1  }
0x5a: {  	v6 =	vmul.f32 v6, v1;
	v8 =	vmul.f32 v5, v1  }
0x5b: {  	v7 =	vmul.f32 v7, v1;
	v5 =	vmul.f32 v9, v1  }
0x5c: {  	[tilespmem:s16+$0x30] =	vst v8  }
0x5d: {  	[tilespmem:s16+$0xFFFFFFC0] =	vst v6  }
0x5e: {  	v0 =	vmul.f32 v0, v1;
	[tilespmem:s16+$0x10] =	vst v7  }
0x5f: {  	v2 =	vmul.f32 v2, v1;
	[tilespmem:s16+$0xFFFFFFE0] =	vst v5  }
0x60: {  	v4 =	vmul.f32 v4, v1;
	[tilespmem:s16+$0xFFFFFFF0] =	vst v0  }
0x61: {  	v0 =	vmul.f32 v3, v1;
	[tilespmem:s16+$0x20] =	vst v2  }
0x62: {  	[tilespmem:s16+$0x0] =	vst v4  }
0x63: {  	s15 =	sadd.s32 s14, s15;
	[tilespmem:s16+$0xFFFFFFD0] =	vst v0  }
0x64: {  	[spmem:s2] =	stream.indirect.scatter.add.f32 [tilespmem:s25], [sflag:$0x3], $0x80, s28, s24, $0xb8;
	[tilespmem:$0x1BA80] =	vst v63  }
0x65: {  	s15 =	sshll.u32 s15, $0x4;
	_ =	swait.ge [sflag:s23], $0x4000  }
0x66: {  	s15 =	sand.u32 $0x1FFFFFE0, s15;
	[sflag:s23] =	ssyncset.done $0x0  }
0x67: {  	s17 =	simm.s32 $0x0;
	s15 =	sadd.s32 s5, s15;
	[sflag:s23] =	ssyncadd.s32 $0xFFFFC000  }
0x68: {  	[tilespmem:s17], [sflag:$0x3] =	stream.linear.gather [hbm4b:s15+s17], $0x80, $0x38;
	[tilespmem:$0x1BA80] =	vst v63  }
0x69: {  	_ =	swait.ge [sflag:s23], $0x80  }
0x6a: {  	[sflag:s23] =	ssyncset.done $0x0  }
0x6b: {  	[sflag:s23] =	ssyncadd.s32 $0xFFFFFF80  }
0x6c: {  	[tilespmem:s25], [sflag:$0x1] =	stream.indirect.gather [hbm4b:s1+s24], $0x80, s17, s24, $0xb8;
	[tilespmem:$0x1BA80] =	vst v63  }
0x6d: {  	s18 =	sadd.s32 s6, s12  }
0x6e: {  	[tilespmem:s28], [sflag:$0x3] =	stream.linear.gather [hbm4b:s18+s17], $0x80, $0x38;
	[tilespmem:$0x1BA80] =	vst v63  }
0x6f: {  	_ =	swait.ge [sflag:s23], $0x80  }
0x70: {  	[sflag:s23] =	ssyncset.done $0x0  }
0x71: {  	s19 =	sadd.s32 s7, s12;
	[sflag:s23] =	ssyncadd.s32 $0xFFFFFF80  }
0x72: {  	[tilespmem:s29], [sflag:$0x3] =	stream.linear.gather [hbm4b:s19+s17], $0x80, $0x38;
	[tilespmem:$0x1BA80] =	vst v63  }
0x73: {  	_ =	swait.ge [sflag:s23], $0x80  }
0x74: {  	[sflag:s23] =	ssyncset.done $0x0  }
0x75: {  	[sflag:s23] =	ssyncadd.s32 $0xFFFFFF80  }
0x76: {  	_ =	swait.ge [sflag:s31], $0x4000  }
0x77: {  	v0 =	vmov s17;
	[sflag:s31] =	ssyncset.done $0x0  }
0x78: {  	s12 =	simm.s32 $0x4240;
	[sflag:s31] =	ssyncadd.s32 $0xFFFFC000  }
0x79: {  	v4 =	vld [tilespmem:s12+$0x30]  }
0x7a: {  	v7 =	vld [tilespmem:s12+$0x10]  }
0x7b: {  	v5 =	vld [tilespmem:s12+$0xFFFFFFC0]  }
0x7c: {  	v1 =	vld.idx.msk [tilespmem:v0+s29+$0x0], $0xffff  }
0x7d: {  	v9 =	vld [tilespmem:s12+$0xFFFFFFE0]  }
0x7e: {  	v0 =	vld [tilespmem:s12+$0xFFFFFFF0]  }
0x7f: {  	v2 =	vld [tilespmem:s12+$0x20]  }
0x80: {  	v3 =	vld [tilespmem:s12+$0xFFFFFFD0]  }
0x81: {  	v8 =	vmul.f32 v4, v1;
	v4 =	vld [tilespmem:s12+$0x0]  }
0x82: {  	v6 =	vmul.f32 v5, v1  }
0x83: {  	s16 =	simm.s32 $0x4240;
	s15 =	simm.s32 $0x1;
	v5 =	vmul.f32 v9, v1;
	v7 =	vmul.f32 v7, v1  }
.LBB2_5:
0x84: {  	p1 =	sne.s32 s15, $0x7F  }
0x85: {  	v3 =	vmul.f32 v3, v1;
	v2 =	vmul.f32 v2, v1;
	[tilespmem:s12+$0x30] =	vst v8;
	s16 =	sadd.s32 $0x80, s16;
	s17 =	smov.u32 s15;
	s15 =	sadd.s32 $0x1, s15  }
0x86: {  	[tilespmem:s12+$0xFFFFFFC0] =	vst v6;
	v6 =	vmul.f32 v0, v1;
	v1 =	vmul.f32 v4, v1  }
0x87: {  	[tilespmem:s12+$0x10] =	vst v7  }
0x88: {  	v4 =	vmov s17;
	[tilespmem:s12+$0xFFFFFFE0] =	vst v5  }
0x89: {  	v0 =	vld [tilespmem:s16+$0xFFFFFFF0];
	[tilespmem:s12+$0xFFFFFFF0] =	vst v6  }
0x8a: {  	v5 =	vld [tilespmem:s16+$0x30];
	[tilespmem:s12+$0x0] =	vst v1  }
0x8b: {  	v7 =	vld [tilespmem:s16+$0x10];
	[tilespmem:s12+$0x20] =	vst v2  }
0x8c: {  	v6 =	vld [tilespmem:s16+$0xFFFFFFC0];
	[tilespmem:s12+$0xFFFFFFD0] =	vst v3;
	s12 =	smov.u32 s16  }
0x8d: {  	v1 =	vld.idx.msk [tilespmem:v4+s29+$0x0], $0xffff  }
0x8e: {  	v9 =	vld [tilespmem:s16+$0xFFFFFFE0]  }
0x8f: {  	v2 =	vld [tilespmem:s16+$0x20]  }
.Ltmp1:
0x90: {  	v3 =	vld [tilespmem:s16+$0xFFFFFFD0];
	(pc) =	sbr.rel @p1 .LBB2_5-.Ltmp1, $3  }
0x91: {  	v4 =	vld [tilespmem:s16+$0x0];
	_ =	sdelay $0x1  }
0x92: {  	v6 =	vmul.f32 v6, v1;
	v8 =	vmul.f32 v5, v1  }
0x93: {  	v7 =	vmul.f32 v7, v1;
	v5 =	vmul.f32 v9, v1  }
0x94: {  	[tilespmem:s12+$0x30] =	vst v8  }
0x95: {  	[tilespmem:s12+$0xFFFFFFC0] =	vst v6  }
0x96: {  	v0 =	vmul.f32 v0, v1;
	[tilespmem:s12+$0x10] =	vst v7  }
0x97: {  	v2 =	vmul.f32 v2, v1;
	[tilespmem:s12+$0xFFFFFFE0] =	vst v5  }
0x98: {  	v63 =	vmul.f32 v3, v1;
	[tilespmem:s12+$0xFFFFFFF0] =	vst v0  }
0x99: {  	s10 =	sadd.s32 $0x1, s10;
	v4 =	vmul.f32 v4, v1;
	[tilespmem:s12+$0x20] =	vst v2  }
0x9a: {  	p1 =	sne.s32 s10, $0x27;
	[tilespmem:s12+$0xFFFFFFD0] =	vst v63  }
.Ltmp2:
0x9b: {  	[tilespmem:s12+$0x0] =	vst v4;
	(pc) =	sbr.rel @p1 .LBB2_2-.Ltmp2, $4  }
0x9c: {  	[spmem:s2] =	stream.indirect.scatter.add.f32 [tilespmem:s26], [sflag:$0x3], $0x80, s28, s24, $0xb8;
	[tilespmem:$0x1BA80] =	vst v63  }
0x9d: {  	_ =	swait.ge [sflag:s23], $0x4000  }
0x9e: {  	[sflag:s23] =	ssyncset.done $0x0  }
0x9f: {  	[sflag:s23] =	ssyncadd.s32 $0xFFFFC000  }
0xa0: {  	s10 =	simm.s32 $0x0;
	s12 =	rddreg [dreg:$0x7]  }
0xa1: {  	[tilespmem:s24], [sflag:$0x3] =	stream.linear.gather [hbm4b:s12+s10], $0x80, $0x38;
	[tilespmem:$0x1BA80] =	vst v63  }
0xa2: {  	_ =	swait.ge [sflag:s23], $0x80  }
0xa3: {  	[sflag:s23] =	ssyncset.done $0x0  }
0xa4: {  	[sflag:s23] =	ssyncadd.s32 $0xFFFFFF80  }
0xa5: {  	[tilespmem:s26], [sflag:$0x2] =	stream.indirect.gather [hbm4b:s1+s24], $0x80, s24, s24, $0xb8;
	[tilespmem:$0x1BA80] =	vst v63  }
0xa6: {  	s18 =	rddreg [dreg:$0x8]  }
0xa7: {  	[tilespmem:s28], [sflag:$0x3] =	stream.linear.gather [hbm4b:s18+s10], $0x80, $0x38;
	[tilespmem:$0x1BA80] =	vst v63  }
0xa8: {  	_ =	swait.ge [sflag:s23], $0x80  }
0xa9: {  	[sflag:s23] =	ssyncset.done $0x0  }
0xaa: {  	s19 =	rddreg [dreg:$0x9];
	[sflag:s23] =	ssyncadd.s32 $0xFFFFFF80  }
0xab: {  	[tilespmem:s29], [sflag:$0x3] =	stream.linear.gather [hbm4b:s19+s10], $0x80, $0x38;
	[tilespmem:$0x1BA80] =	vst v63  }
0xac: {  	_ =	swait.ge [sflag:s23], $0x80  }
0xad: {  	[sflag:s23] =	ssyncset.done $0x0  }
0xae: {  	[sflag:s23] =	ssyncadd.s32 $0xFFFFFF80  }
0xaf: {  	_ =	swait.ge [sflag:s30], $0x4000  }
0xb0: {  	v0 =	vmov s10;
	[sflag:s30] =	ssyncset.done $0x0  }
0xb1: {  	s10 =	simm.s32 $0x240;
	[sflag:s30] =	ssyncadd.s32 $0xFFFFC000  }
0xb2: {  	v4 =	vld [tilespmem:s10+$0x30]  }
0xb3: {  	v7 =	vld [tilespmem:s10+$0x10]  }
0xb4: {  	v5 =	vld [tilespmem:s10+$0xFFFFFFC0]  }
0xb5: {  	v1 =	vld.idx.msk [tilespmem:v0+s29+$0x0], $0xffff  }
0xb6: {  	v9 =	vld [tilespmem:s10+$0xFFFFFFE0]  }
0xb7: {  	v0 =	vld [tilespmem:s10+$0xFFFFFFF0]  }
0xb8: {  	v2 =	vld [tilespmem:s10+$0x20]  }
0xb9: {  	v3 =	vld [tilespmem:s10+$0xFFFFFFD0]  }
0xba: {  	v8 =	vmul.f32 v4, v1;
	v4 =	vld [tilespmem:s10+$0x0]  }
0xbb: {  	v6 =	vmul.f32 v5, v1  }
0xbc: {  	s15 =	simm.s32 $0x240;
	s12 =	simm.s32 $0x1;
	v5 =	vmul.f32 v9, v1;
	v7 =	vmul.f32 v7, v1  }
.LBB2_8:
0xbd: {  	p1 =	sne.s32 s12, $0x7F  }
0xbe: {  	v3 =	vmul.f32 v3, v1;
	v2 =	vmul.f32 v2, v1;
	[tilespmem:s10+$0x30] =	vst v8;
	s15 =	sadd.s32 $0x80, s15;
	s16 =	smov.u32 s12;
	s12 =	sadd.s32 $0x1, s12  }
0xbf: {  	[tilespmem:s10+$0xFFFFFFC0] =	vst v6;
	v6 =	vmul.f32 v0, v1;
	v1 =	vmul.f32 v4, v1  }
0xc0: {  	[tilespmem:s10+$0x10] =	vst v7  }
0xc1: {  	v4 =	vmov s16;
	[tilespmem:s10+$0xFFFFFFE0] =	vst v5  }
0xc2: {  	v0 =	vld [tilespmem:s15+$0xFFFFFFF0];
	[tilespmem:s10+$0xFFFFFFF0] =	vst v6  }
0xc3: {  	v5 =	vld [tilespmem:s15+$0x30];
	[tilespmem:s10+$0x0] =	vst v1  }
0xc4: {  	v7 =	vld [tilespmem:s15+$0x10];
	[tilespmem:s10+$0x20] =	vst v2  }
0xc5: {  	v6 =	vld [tilespmem:s15+$0xFFFFFFC0];
	[tilespmem:s10+$0xFFFFFFD0] =	vst v3;
	s10 =	smov.u32 s15  }
0xc6: {  	v1 =	vld.idx.msk [tilespmem:v4+s29+$0x0], $0xffff  }
0xc7: {  	v9 =	vld [tilespmem:s15+$0xFFFFFFE0]  }
0xc8: {  	v2 =	vld [tilespmem:s15+$0x20]  }
.Ltmp3:
0xc9: {  	v3 =	vld [tilespmem:s15+$0xFFFFFFD0];
	(pc) =	sbr.rel @p1 .LBB2_8-.Ltmp3, $3  }
0xca: {  	v4 =	vld [tilespmem:s15+$0x0];
	_ =	sdelay $0x1  }
0xcb: {  	v6 =	vmul.f32 v6, v1;
	v8 =	vmul.f32 v5, v1  }
0xcc: {  	v7 =	vmul.f32 v7, v1;
	v5 =	vmul.f32 v9, v1  }
0xcd: {  	[tilespmem:s10+$0x30] =	vst v8  }
0xce: {  	[tilespmem:s10+$0xFFFFFFC0] =	vst v6  }
0xcf: {  	v0 =	vmul.f32 v0, v1;
	[tilespmem:s10+$0x10] =	vst v7  }
0xd0: {  	v2 =	vmul.f32 v2, v1;
	[tilespmem:s10+$0xFFFFFFE0] =	vst v5  }
0xd1: {  	v4 =	vmul.f32 v4, v1;
	[tilespmem:s10+$0xFFFFFFF0] =	vst v0  }
0xd2: {  	v0 =	vmul.f32 v3, v1;
	[tilespmem:s10+$0x20] =	vst v2  }
0xd3: {  	[tilespmem:s10+$0x0] =	vst v4  }
0xd4: {  	[tilespmem:s10+$0xFFFFFFD0] =	vst v0  }
0xd5: {  	[spmem:s2] =	stream.indirect.scatter.add.f32 [tilespmem:s25], [sflag:$0x3], $0x80, s28, s24, $0xb8;
	[tilespmem:$0x1BA80] =	vst v63  }
0xd6: {  	_ =	swait.ge [sflag:s23], $0x4000  }
0xd7: {  	[sflag:s23] =	ssyncset.done $0x0  }
0xd8: {  	s18 =	simm.s32 $0x0;
	s12 =	rddreg [dreg:$0xa];
	[sflag:s23] =	ssyncadd.s32 $0xFFFFC000  }
0xd9: {  	[tilespmem:s28], [sflag:$0x3] =	stream.linear.gather [hbm4b:s12+s18], $0x80, $0x38;
	[tilespmem:$0x1BA80] =	vst v63  }
0xda: {  	_ =	swait.ge [sflag:s23], $0x80  }
0xdb: {  	[sflag:s23] =	ssyncset.done $0x0  }
0xdc: {  	s19 =	rddreg [dreg:$0xb];
	[sflag:s23] =	ssyncadd.s32 $0xFFFFFF80  }
0xdd: {  	[tilespmem:s29], [sflag:$0x3] =	stream.linear.gather [hbm4b:s19+s18], $0x80, $0x38;
	[tilespmem:$0x1BA80] =	vst v63  }
0xde: {  	_ =	swait.ge [sflag:s23], $0x80  }
0xdf: {  	[sflag:s23] =	ssyncset.done $0x0  }
0xe0: {  	[sflag:s23] =	ssyncadd.s32 $0xFFFFFF80  }
0xe1: {  	_ =	swait.ge [sflag:s31], $0x4000  }
0xe2: {  	v0 =	vmov s18;
	[sflag:s31] =	ssyncset.done $0x0  }
0xe3: {  	s10 =	simm.s32 $0x4240;
	[sflag:s31] =	ssyncadd.s32 $0xFFFFC000  }
0xe4: {  	v4 =	vld [tilespmem:s10+$0x30]  }
0xe5: {  	v7 =	vld [tilespmem:s10+$0x10]  }
0xe6: {  	v5 =	vld [tilespmem:s10+$0xFFFFFFC0]  }
0xe7: {  	v1 =	vld.idx.msk [tilespmem:v0+s29+$0x0], $0xffff  }
0xe8: {  	v9 =	vld [tilespmem:s10+$0xFFFFFFE0]  }
0xe9: {  	v0 =	vld [tilespmem:s10+$0xFFFFFFF0]  }
0xea: {  	v2 =	vld [tilespmem:s10+$0x20]  }
0xeb: {  	v3 =	vld [tilespmem:s10+$0xFFFFFFD0]  }
0xec: {  	v8 =	vmul.f32 v4, v1;
	v4 =	vld [tilespmem:s10+$0x0]  }
0xed: {  	v6 =	vmul.f32 v5, v1  }
0xee: {  	s15 =	simm.s32 $0x4240;
	s12 =	simm.s32 $0x1;
	v5 =	vmul.f32 v9, v1;
	v7 =	vmul.f32 v7, v1  }
.LBB2_10:
0xef: {  	p1 =	sne.s32 s12, $0x7F  }
0xf0: {  	v3 =	vmul.f32 v3, v1;
	v2 =	vmul.f32 v2, v1;
	[tilespmem:s10+$0x30] =	vst v8;
	s15 =	sadd.s32 $0x80, s15;
	s16 =	smov.u32 s12;
	s12 =	sadd.s32 $0x1, s12  }
0xf1: {  	[tilespmem:s10+$0xFFFFFFC0] =	vst v6;
	v6 =	vmul.f32 v0, v1;
	v1 =	vmul.f32 v4, v1  }
0xf2: {  	[tilespmem:s10+$0x10] =	vst v7  }
0xf3: {  	v4 =	vmov s16;
	[tilespmem:s10+$0xFFFFFFE0] =	vst v5  }
0xf4: {  	v0 =	vld [tilespmem:s15+$0xFFFFFFF0];
	[tilespmem:s10+$0xFFFFFFF0] =	vst v6  }
0xf5: {  	v5 =	vld [tilespmem:s15+$0x30];
	[tilespmem:s10+$0x0] =	vst v1  }
0xf6: {  	v7 =	vld [tilespmem:s15+$0x10];
	[tilespmem:s10+$0x20] =	vst v2  }
0xf7: {  	v6 =	vld [tilespmem:s15+$0xFFFFFFC0];
	[tilespmem:s10+$0xFFFFFFD0] =	vst v3;
	s10 =	smov.u32 s15  }
0xf8: {  	v1 =	vld.idx.msk [tilespmem:v4+s29+$0x0], $0xffff  }
0xf9: {  	v9 =	vld [tilespmem:s15+$0xFFFFFFE0]  }
0xfa: {  	v2 =	vld [tilespmem:s15+$0x20]  }
.Ltmp4:
0xfb: {  	v3 =	vld [tilespmem:s15+$0xFFFFFFD0];
	(pc) =	sbr.rel @p1 .LBB2_10-.Ltmp4, $3  }
0xfc: {  	v4 =	vld [tilespmem:s15+$0x0];
	_ =	sdelay $0x1  }
0xfd: {  	v6 =	vmul.f32 v6, v1;
	v8 =	vmul.f32 v5, v1  }
0xfe: {  	v7 =	vmul.f32 v7, v1;
	v5 =	vmul.f32 v9, v1  }
0xff: {  	[tilespmem:s10+$0x30] =	vst v8  }
0x100: {  	[tilespmem:s10+$0xFFFFFFC0] =	vst v6  }
0x101: {  	v0 =	vmul.f32 v0, v1;
	[tilespmem:s10+$0x10] =	vst v7  }
0x102: {  	v2 =	vmul.f32 v2, v1;
	[tilespmem:s10+$0xFFFFFFE0] =	vst v5  }
0x103: {  	v63 =	vmul.f32 v3, v1;
	[tilespmem:s10+$0xFFFFFFF0] =	vst v0  }
0x104: {  	v4 =	vmul.f32 v4, v1;
	[tilespmem:s10+$0x20] =	vst v2  }
0x105: {  	[tilespmem:s10+$0xFFFFFFD0] =	vst v63  }
0x106: {  	[tilespmem:s10+$0x0] =	vst v4  }
0x107: {  	[spmem:s2] =	stream.indirect.scatter.add.f32 [tilespmem:s26], [sflag:$0x3], $0x80, s28, s24, $0xb8;
	[tilespmem:$0x1BA80] =	vst v63  }
0x108: {  	_ =	swait.ge [sflag:s23], $0x4000  }
0x109: {  	[sflag:s23] =	ssyncset.done $0x0  }
0x10a: {  	[sflag:s23] =	ssyncadd.s32 $0xFFFFC000  }
0x10b: {  	s10 =	simm.s32 @p0 $0x1FC3;
	[bflag:$0x0] =	sbarrier.arrive $0xFFFF  }
0x10c: {  	[hbm:s21], [sflag:s10] =	dma.local @p0 [spmem:s4], $0x1900  }
0x10d: {  	s4 =	simm.s32 @p0 $0x3  }
0x10e: {  	_ =	swait.ge @p0 [sflag:s4], $0x1900  }
0x10f: {  	s0 =	sadd.s32 $0x1, s0;
	[sflag:s4] =	ssyncset.done @p0 $0x0  }
0x110: {  	p1 =	sne.s32 s0, s22;
	[sflag:s4] =	ssyncadd.s32 @p0 $0xFFFFE700  }
0x111: {  	[hbm:s20], [sflag:s3] =	dma.local @!p0 [spmem:s9], $0x2800  }
.Ltmp5:
0x112: {  	_ = 	snop;
	(pc) =	sbr.rel @p1 .LBB2_1-.Ltmp5, $4  }
0x113: {  	s3 =	simm.s32 @!p0 $0x3  }
0x114: {  	_ =	swait.ge @!p0 [sflag:s3], $0x2800  }
0x115: {  	[sflag:s3] =	ssyncset.done @!p0 $0x0  }
0x116: {  	[sflag:s3] =	ssyncadd.s32 @!p0 $0xFFFFD800  }
0x117: {  	_ =	sfence.sel $0x180000  }
0x118: {  	[bflag:$0x0] =	sbarrier.arrive $0xFFFF  }
0x119: {  	_ =	strace $0x9000004D  }
0x11a: {  	s0 =	stileid.u32;
	[bflag:$0x2] =	sbarrier.arrive $0xFFFF  }
0x11b: {  	p0 =	sne.s32 s0, $0x0;
	s0 =	rddreg [dreg:$0x3]  }
0x11c: {  	s0 =	sadd.s32 @!p0 $0x100000, s0  }
0x11d: {  	[sflag:s0] =	ssyncadd.tile.s32 @!p0 $0x1;
	_ =	shalt  }
.Lfunc_end2:
_tile_overlayer_lowered:
.L_overlay_start_2:
0x11e: {  	(tag) =	ssettag $0x2  }
0x11f: {  	s0 =	rddreg [dreg:$0x0];
	s2 =	stileid.u32  }
0x120: {  	s1 =	rddreg [dreg:$0x1];
	p0 =	sne.s32 s2, $0x0  }
0x121: {  	s3 =	rddreg [dreg:$0x2];
	[bflag:$0x3] =	sbarrier.arrive $0xFFFF;
	s2 =	simm.s32 @!p0 $0x1C03  }
0x122: {  	[timem:s3], [sflag:s2] =	dma.local @!p0 [hbm:s0], s1  }
0x123: {  	s0 =	simm.s32 @!p0 $0x3  }
0x124: {  	_ =	swait.ge @!p0 [sflag:s0], s1  }
0x125: {  	s1 =	ssub.s32 @!p0 $0x0, s1;
	[sflag:s0] =	ssyncset.done @!p0 $0x0  }
0x126: {  	[sflag:s0] =	ssyncadd.s32 @!p0 s1  }
0x127: {  	[bflag:$0x3] =	sbarrier.arrive $0xFFFF  }
0x128: {  	_ =	shalt  }

// kernel: kernel.8.cloned.1.call-start
scs
__scs_entry_jumppad:
0x0: {  	(pc) =	sbr.rel $0x88, $3  }
0x1: {  	(tag) =	ssettag $0x0;
	lr =	simm.s32 $0x1  }
0x2: {  	[smem:$0x3F95] =	sst lr;
	_ =	strace $0xD0000000  }
0x3: {  	_ = 	snop  }
0x4: {  	_ = 	snop  }
0x5: {  	_ = 	snop  }
0x6: {  	_ = 	snop  }
0x7: {  	_ = 	snop  }
__scs_overlays_trampoline_lowered:
0x8: {  	[smem:$0x3FA4] =	sst s0  }
0x9: {  	[smem:$0x3FA5] =	sst s1  }
0xa: {  	[smem:$0x3FA6] =	sst s2  }
0xb: {  	[smem:$0x3FA7] =	sst s3  }
0xc: {  	[smem:$0x3FA8] =	sst s4  }
0xd: {  	[smem:$0x3FA9] =	sst s5  }
0xe: {  	[smem:$0x3FAA] =	sst s6  }
0xf: {  	[smem:$0x3FAB] =	sst s7  }
0x10: {  	[smem:$0x3FAC] =	sst s8  }
0x11: {  	[smem:$0x3FAD] =	sst s9;
	s0 =	simm.s32 @!p0 $0x0  }
0x12: {  	s1 =	sld [smem:$0x3F93];
	s0 =	simm.s32 @p0 $0x1  }
0x13: {  	[smem:$0x3FAE] =	sst s0;
	s0 =	simm.s32 @!p1 $0x0  }
0x14: {  	s2 =	sld [smem:$0x3F92];
	s0 =	simm.s32 @p1 $0x1  }
0x15: {  	[smem:$0x3FAF] =	sst s0;
	s0 =	simm.s32 @!p2 $0x0  }
0x16: {  	s3 =	sld [smem:$0x3FDB];
	s0 =	simm.s32 @p2 $0x1  }
0x17: {  	s4 =	simm.s32 $0x1BF5;
	[smem:$0x3FB1] =	sst s0  }
0x18: {  	s0 =	sld [smem:$0x3F94];
	_ =	swait.ge [sflag:s4], $0x0  }
0x19: {  	s7 =	sld [smem:$0x3F95]  }
0x1a: {  	s8 =	sadd.s32 $0xFFFFE003, lr  }
0x1b: {  	s9 =	sadd.s32 $0xFFFFFEF7, lr;
	s5 =	simm.s32 $0xFFFFFFFF;
	p2 =	slt.u32 s8, $0xFFFFF086  }
0x1c: {  	p1 =	slt.u32 s9, $0xF7A;
	s5 =	simm.s32 @!p2 $0x0  }
0x1d: {  	s5 =	simm.s32 @p1 $0x1;
	p0 =	seq.s32 s7, s2  }
0x1e: {  	s7 =	smul.u32 @!p0 $0xF7A, s2;
	p2 =	seq.s32 @!p0 s5, $0x0  }
0x1f: {  	s9 =	smul.u32 $0xF7A, s1;
	s8 =	simm.s32 @!p0 $0x1BF5;
	p2 =	por !p2, p0  }
0x20: {  	[sflag:s8] =	ssyncset.s32 @!p0 $0xFFFFF086;
	s6 =	sadd.s32 @!p0 s3, s7;
	s7 =	simm.s32 @!p0 $0x108  }
0x21: {  	s3 =	sadd.s32 s3, s9;
	s6 =	sadd.s32 @!p0 $0x88, s6;
	s7 =	simm.s32 @p2 $0x1082  }
0x22: {  	[simem:s7], [sflag:s8] =	dma.local @!p0 [hbm:s6], $0xF7A  }
0x23: {  	s9 =	sor.u32 $0xD0000000, s2;
	s6 =	simm.s32 $0x108;
	_ =	swait.ge @!p0 [sflag:s8], $0x0  }
0x24: {  	s3 =	sadd.s32 $0x88, s3;
	s6 =	simm.s32 @!p1 $0x1082;
	[sflag:s4] =	ssyncset.s32 $0xFFFFF086  }
0x25: {  	[simem:s6], [sflag:s4] =	dma.local [hbm:s3], $0xF7A  }
0x26: {  	[smem:$0x3F95] =	sst s1;
	(tag) =	ssettag s2;
	_ =	strace s9  }
0x27: {  	s1 =	sld [smem:$0x3FA5]  }
0x28: {  	s2 =	sld [smem:$0x3FA6]  }
0x29: {  	s4 =	sld [smem:$0x3FA8]  }
0x2a: {  	p0 =	seq.s32 s5, $0x0;
	s5 =	sld [smem:$0x3FA9]  }
0x2b: {  	s6 =	sld [smem:$0x3FAA]  }
0x2c: {  	s7 =	sld [smem:$0x3FAB]  }
0x2d: {  	s3 =	simm.s32 $0x108;
	s8 =	sld [smem:$0x3FAC]  }
0x2e: {  	s3 =	simm.s32 @!p0 $0x1082;
	s9 =	sld [smem:$0x3FAD]  }
0x2f: {  	lr =	sadd.s32 s0, s3;
	s0 =	sld [smem:$0x3FA4]  }
0x30: {  	s3 =	sld [smem:$0x3FA7]  }
0x31: {  	[smem:$0x3FB0] =	sst s10  }
0x32: {  	s10 =	sld [smem:$0x3FAE];
	_ =	sdelay $0x3  }
0x33: {  	p0 =	seq.s32 s10, $0x1;
	s10 =	sld [smem:$0x3FB0];
	_ =	sdelay $0x3  }
0x34: {  	[smem:$0x3FB0] =	sst s10  }
0x35: {  	s10 =	sld [smem:$0x3FAF];
	_ =	sdelay $0x3  }
0x36: {  	p1 =	seq.s32 s10, $0x1;
	s10 =	sld [smem:$0x3FB0];
	_ =	sdelay $0x3  }
0x37: {  	[smem:$0x3FB0] =	sst s10  }
0x38: {  	s10 =	sld [smem:$0x3FB1]  }
0x39: {  	_ = 	snop;
	(pc) =	sbr.ind lr, $3  }
0x3a: {  	_ = 	snop  }
0x3b: {  	_ = 	snop  }
0x3c: {  	p2 =	seq.s32 s10, $0x1;
	s10 =	sld [smem:$0x3FB0]  }
0x3d: {  	_ =	shalt  }
0x3e: {  	_ =	shalt  }
0x3f: {  	_ =	shalt  }
0x40: {  	_ =	shalt  }
0x41: {  	_ =	shalt  }
0x42: {  	_ =	shalt  }
0x43: {  	_ =	shalt  }
0x44: {  	_ =	shalt  }
0x45: {  	_ =	shalt  }
0x46: {  	_ =	shalt  }
0x47: {  	_ =	shalt  }
0x48: {  	_ =	shalt  }
0x49: {  	_ =	shalt  }
0x4a: {  	_ =	shalt  }
0x4b: {  	_ =	shalt  }
0x4c: {  	_ =	shalt  }
0x4d: {  	_ =	shalt  }
0x4e: {  	_ =	shalt  }
0x4f: {  	_ =	shalt  }
0x50: {  	_ =	shalt  }
0x51: {  	_ =	shalt  }
0x52: {  	_ =	shalt  }
0x53: {  	_ =	shalt  }
0x54: {  	_ =	shalt  }
0x55: {  	_ =	shalt  }
0x56: {  	_ =	shalt  }
0x57: {  	_ =	shalt  }
0x58: {  	_ =	shalt  }
0x59: {  	_ =	shalt  }
0x5a: {  	_ =	shalt  }
0x5b: {  	_ =	shalt  }
0x5c: {  	_ =	shalt  }
0x5d: {  	_ =	shalt  }
0x5e: {  	_ =	shalt  }
0x5f: {  	_ =	shalt  }
0x60: {  	_ =	shalt  }
0x61: {  	_ =	shalt  }
0x62: {  	_ =	shalt  }
0x63: {  	_ =	shalt  }
0x64: {  	_ =	shalt  }
0x65: {  	_ =	shalt  }
0x66: {  	_ =	shalt  }
0x67: {  	_ =	shalt  }
0x68: {  	_ =	shalt  }
0x69: {  	_ =	shalt  }
0x6a: {  	_ =	shalt  }
0x6b: {  	_ =	shalt  }
0x6c: {  	_ =	shalt  }
0x6d: {  	_ =	shalt  }
0x6e: {  	_ =	shalt  }
0x6f: {  	_ =	shalt  }
0x70: {  	_ =	shalt  }
0x71: {  	_ =	shalt  }
0x72: {  	_ =	shalt  }
0x73: {  	_ =	shalt  }
0x74: {  	_ =	shalt  }
0x75: {  	_ =	shalt  }
0x76: {  	_ =	shalt  }
0x77: {  	_ =	shalt  }
0x78: {  	_ =	shalt  }
0x79: {  	_ =	shalt  }
0x7a: {  	_ =	shalt  }
0x7b: {  	_ =	shalt  }
0x7c: {  	_ =	shalt  }
0x7d: {  	_ =	shalt  }
0x7e: {  	_ =	shalt  }
0x7f: {  	_ =	shalt  }
0x80: {  	_ =	shalt  }
0x81: {  	_ =	shalt  }
0x82: {  	_ =	shalt  }
0x83: {  	_ =	shalt  }
0x84: {  	_ =	shalt  }
0x85: {  	_ =	shalt  }
0x86: {  	_ =	shalt  }
0x87: {  	_ =	shalt  }
.Lfunc_end0:
.L_simem_size_0:
called_computation_lowered:
.L_overlay_start_0:
0x88: {  	s2 =	sld [smem:$0x3FD9]  }
0x89: {  	s3 =	sld [smem:$0x3FFE];
	_ =	sdelay $0x1  }
0x8a: {  	s1 =	srdreg.scid  }
0x8b: {  	s0 =	sand.u32 $0x1, s1  }
0x8c: {  	s17 =	sshll.u32 s0, $0xA;
	s2 =	sadd.s32 s3, s2  }
0x8d: {  	s2 =	sadd.s32 s2, s17  }
0x8e: {  	[smem:$0x3FBC] =	sst s2  }
0x8f: {  	_ = 	snop  }
0x90: {  	s2 =	sld [smem:$0x3FC9];
	(tm) =	ssettm $0x1  }
0x91: {  	s18 =	sld [smem:$0x3FFB];
	_ =	sdelay $0x3  }
0x92: {  	_ =	strace s18  }
0x93: {  	s3 =	sld [smem:$0x3FFC];
	_ =	sdelay $0x3  }
0x94: {  	_ =	strace s3  }
0x95: {  	s3 =	sld [smem:$0x3FFD];
	_ =	sdelay $0x3  }
0x96: {  	_ =	strace s3  }
0x97: {  	_ =	strace $0x8FFFFFFF  }
0x98: {  	s19 =	sld [smem:$0x3FDB];
	_ =	sdelay $0x1  }
0x99: {  	s4 =	simm.s32 $_scs_section_size  }
0x9a: {  	s5 =	simm.s32 $_size__tile_overlayer_lowered;
	s6 =	simm.s32 $_tile_overlayer_lowered  }
0x9b: {  	s22 =	simm.s32 $0x1BFF;
	s21 =	sshll.u32 s6, $0x1;
	s3 =	sadd.s32 s4, s19  }
0x9c: {  	s7 =	simm.s32 $0x0;
	s20 =	sshll.u32 s5, $0x1;
	s5 =	sadd.s32 s21, s3  }
0x9d: {  	[timem:s7], [sflag:s22] =	dma.local [hbm:s5], s20  }
0x9e: {  	_ =	swait.ge [sflag:s22], s20  }
0x9f: {  	s4 =	ssub.s32 $0x0, s20;
	[sflag:s22] =	ssyncset.done $0x0  }
0xa0: {  	[sflag:s22] =	ssyncadd.s32 s4;
	_ =	sdelay $0x1  }
0xa1: {  	s23 =	simm.s32 $0x1B8B  }
0xa2: {  	_ =	swait.ge [sflag:s23], $0x1  }
0xa3: {  	[sflag:s23] =	ssyncset.done $0x0  }
0xa4: {  	s25 =	simm.s32 $0x1B8E;
	s24 =	sld [smem:$0x3FFE];
	[sflag:s23] =	ssyncadd.s32 $0xFFFFFFFF  }
0xa5: {  	s26 =	simm.s32 $execute0_lowered;
	[smem:$0x3FD2] =	sst s25  }
0xa6: {  	s5 =	sshll.u32 s26, $0x1;
	_ =	strace $0x80000046;
	[dreg:$0x1] =	wrdreg $0xFFFFFFFF  }
0xa7: {  	s28 =	simm.s32 $_size_execute0_lowered;
	s3 =	sadd.s32 s3, s5;
	[dreg:$0x0] =	wrdreg $0x0  }
0xa8: {  	s5 =	sshll.u32 s28, $0x1;
	[dreg:$0x2] =	wrdreg s3  }
0xa9: {  	[dreg:$0x3] =	wrdreg s5  }
0xaa: {  	[dreg:$0x4] =	wrdreg $0xC0  }
0xab: {  	_ =	task [dreg:s7], $0x5FFFF  }
0xac: {  	[dreg:$0x1] =	wrdreg $0xFFFFFFFF  }
0xad: {  	[dreg:$0x0] =	wrdreg $0x60  }
0xae: {  	[dreg:$0x2] =	wrdreg s2  }
0xaf: {  	[dreg:$0x3] =	wrdreg s24  }
0xb0: {  	[dreg:$0x4] =	wrdreg $0x82000  }
0xb1: {  	[dreg:$0x5] =	wrdreg $0x9  }
0xb2: {  	_ =	task.clear_ibuf [dreg:s7], $0x6FFFF;
	_ =	strace $0x90000046  }
0xb3: {  	s29 =	simm.s32 $0x9;
	_ =	strace $0x80000048  }
0xb4: {  	_ =	swait.ge [sflag:s29], $0x1  }
0xb5: {  	[sflag:s29] =	ssyncadd.s32 $0xFFFFFFFF  }
0xb6: {  	_ =	strace $0x90000048  }
0xb7: {  	_ =	sfence  }
0xb8: {  	s30 =	sld [smem:$0x0];
	_ =	sdelay $0x2  }
0xb9: {  	s31 =	sshll.u32 s1, $0xD;
	s1 =	sshrl.u32 s1, $0x2  }
0xba: {  	s3 =	sand.u32 $0x4000, s31;
	s1 =	sadd.s32 s1, s30  }
0xbb: {  	s0 =	sor.u32 s3, s0;
	s1 =	sshll.u32 s1, $0x11  }
0xbc: {  	s0 =	sor.u32 s1, s0  }
0xbd: {  	s0 =	sadd.s32 $0x8F2B, s0  }
0xbe: {  	[sflag:s0] =	ssyncadd.remote.s32 $0x1  }
0xbf: {  	_ =	sfence.sel $0xFFFF  }
0xc0: {  	[dreg:$0x0] =	wrdreg $0xFFFFFFFF;
	(pc) =	sbr.abs _section_cstart, $3  }
0xc1: {  	[dreg:$0x1] =	wrdreg $0xFFFFFFFF  }
0xc2: {  	_ =	task.clear_ibuf [dreg:s7], $0x2FFFF;
	_ =	strace $0x9FFFFFFF  }
0xc3: {  	(tm) =	ssettm $0x7FFFFFFF  }
tec
execute0_lowered:
.L_overlay_start_1:
0x0: {  	(tag) =	ssettag $0x1  }
0x1: {  	s1 =	rddreg [dreg:$0x0]  }
0x2: {  	s0 =	rddreg [dreg:$0x1]  }
0x3: {  	s2 =	rddreg [dreg:$0x2];
	s3 =	simm.s32 $0x0  }
0x4: {  	s18 =	srdreg.scid;
	s15 =	stileid.u32;
	s28 =	simm.s32 $0x100  }
0x5: {  	s29 =	simm.s32 $0x180;
	s30 =	simm.s32 $0x1;
	s31 =	simm.s32 $0x2  }
0x6: {  	[smem:$0x7FF] =	sst s3;
	s5 =	sadd.s32 $0x2E00, s0;
	s6 =	sadd.s32 $0xCE00, s0  }
0x7: {  	s7 =	sadd.s32 $0x16E00, s0;
	s8 =	sadd.s32 $0x20E00, s0;
	s3 =	sand.u32 $0x1, s18  }
0x8: {  	s4 =	sshll.u32 s15, $0x1;
	s10 =	smul.u32 $0x50000, s15;
	s0 =	sadd.s32 $0x23600, s0  }
0x9: {  	s19 =	sadd.s32 $0x12C000, s2;
	s23 =	smul.u32 $0x14000, s15;
	p0 =	seq.s32 s15, $0xF  }
0xa: {  	s9 =	ssub.s32 $0x2, s3;
	s4 =	sor.u32 s3, s4;
	s3 =	smul.u32 $0x138800, s3  }
0xb: {  	_ =	strace $0x80000047;
	[dreg:$0x5] =	wrdreg s19;
	s12 =	smul.u32 $0x500, s4  }
0xc: {  	s11 =	sshrl.u32 s9, $0x1;
	s10 =	sshrl.u32 s10, $0x2;
	s13 =	smul.u32 $0x2800, s4  }
0xd: {  	s9 =	ssub.s32 s9, s11;
	s10 =	sadd.s32 s10, s2;
	s11 =	smul.u32 $0x50, s4  }
0xe: {  	s25 =	sadd.s32 s23, s3;
	s3 =	sshrl.u32 s3, $0x3;
	s21 =	sshrl.u32 s13, $0x3  }
0xf: {  	[dreg:$0x4] =	wrdreg s10;
	s20 =	sadd.s32 s5, s12;
	s22 =	sadd.s32 $0x4F0, s21  }
0x10: {  	[dreg:$0x6] =	wrdreg s20;
	s4 =	sadd.s32 $0x4E0, s21;
	s16 =	sadd.s32 s5, s22  }
0x11: {  	s23 =	simm.s32 $0x3;
	s24 =	sadd.s32 s6, s4;
	[dreg:$0x7] =	wrdreg s16  }
0x12: {  	s13 =	sor.u32 $0x1, s11;
	s4 =	sadd.s32 s7, s4;
	[dreg:$0x8] =	wrdreg s24  }
0x13: {  	s14 =	sor.u32 $0x2, s11;
	s26 =	sadd.s32 s6, s22;
	[dreg:$0x9] =	wrdreg s4  }
0x14: {  	s10 =	sadd.s32 s7, s22;
	s22 =	smax.u32 s9, $0x1;
	[dreg:$0xa] =	wrdreg s26  }
0x15: {  	s4 =	sshrl.u32 s25, $0x3;
	[dreg:$0xb] =	wrdreg s10;
	s24 =	simm.s32 $0x80  }
0x16: {  	s25 =	simm.s32 $0x200;
	s20 =	sadd.s32 s0, s4;
	s0 =	sadd.s32 s0, s3  }
0x17: {  	s26 =	simm.s32 $0x4200;
	s21 =	sadd.s32 $0x25800, s0;
	s0 =	simm.s32 $0x0  }
.LBB2_1:
0x18: {  	s3 =	rddreg [dreg:$0x5]  }
0x19: {  	s4 =	sshrl.u32 @p0 s3, $0x3;
	s3 =	simm.s32 @p0 $0x1FC3  }
0x1a: {  	[spmem:s4], [sflag:s3] =	dma.local @p0 [hbm:s8], $0x1900  }
0x1b: {  	s3 =	simm.s32 @p0 $0x3  }
0x1c: {  	s9 =	stileid.u32;
	_ =	swait.ge @p0 [sflag:s3], $0x1900  }
0x1d: {  	s9 =	sshll.u32 @!p0 s9, $0x6;
	[sflag:s3] =	ssyncset.done @p0 $0x0  }
0x1e: {  	[sflag:s3] =	ssyncadd.s32 @p0 $0xFFFFE700;
	s3 =	sor.u32 @!p0 $0x1C03, s9;
	s9 =	rddreg [dreg:$0x4]  }
0x1f: {  	s10 =	simm.s32 @!p0 $0x3;
	s9 =	sshrl.u32 @!p0 s9, $0x3  }
0x20: {  	[spmem:s9], [sflag:s3] =	dma.local @!p0 [hbm:s8], $0x2800  }
0x21: {  	_ =	swait.ge @!p0 [sflag:s10], $0x2800  }
0x22: {  	[sflag:s10] =	ssyncset.done @!p0 $0x0  }
0x23: {  	[sflag:s10] =	ssyncadd.s32 @!p0 $0xFFFFD800  }
0x24: {  	[bflag:$0x0] =	sbarrier.arrive $0xFFFF  }
0x25: {  	s19 =	simm.s32 $0x0;
	s12 =	rddreg [dreg:$0x6]  }
0x26: {  	[tilespmem:s19], [sflag:$0x3] =	stream.linear.gather [hbm4b:s12+s19], $0x80, $0x38;
	[tilespmem:$0x1BA80] =	vst v63  }
0x27: {  	_ =	swait.ge [sflag:s23], $0x80  }
0x28: {  	[sflag:s23] =	ssyncset.done $0x0  }
0x29: {  	s10 =	simm.s32 $0x0;
	[sflag:s23] =	ssyncadd.s32 $0xFFFFFF80  }
0x2a: {  	[tilespmem:s25], [sflag:$0x1] =	stream.indirect.gather [hbm4b:s1+s24], $0x80, s19, s24, $0xb8;
	[tilespmem:$0x1BA80] =	vst v63  }
.LBB2_2:
0x2b: {  	s15 =	sshll.u32 s10, $0x1  }
0x2c: {  	s12 =	sadd.s32 s13, s15  }
0x2d: {  	s12 =	sshll.u32 s12, $0x4  }
0x2e: {  	s12 =	sand.u32 $0x1FFFFFF0, s12  }
0x2f: {  	s17 =	simm.s32 $0x0;
	s16 =	sadd.s32 s5, s12  }
0x30: {  	[tilespmem:s24], [sflag:$0x3] =	stream.linear.gather [hbm4b:s16+s17], $0x80, $0x38;
	[tilespmem:$0x1BA80] =	vst v63  }
0x31: {  	_ =	swait.ge [sflag:s23], $0x80  }
0x32: {  	s19 =	sadd.s32 s11, s15;
	[sflag:s23] =	ssyncset.done $0x0  }
0x33: {  	s16 =	sshll.u32 s19, $0x4;
	[sflag:s23] =	ssyncadd.s32 $0xFFFFFF80  }
0x34: {  	[tilespmem:s26], [sflag:$0x2] =	stream.indirect.gather [hbm4b:s1+s24], $0x80, s24, s24, $0xb8;
	[tilespmem:$0x1BA80] =	vst v63  }
0x35: {  	s18 =	sadd.s32 s6, s16  }
0x36: {  	[tilespmem:s28], [sflag:$0x3] =	stream.linear.gather [hbm4b:s18+s17], $0x80, $0x38;
	[tilespmem:$0x1BA80] =	vst v63  }
0x37: {  	_ =	swait.ge [sflag:s23], $0x80  }
0x38: {  	[sflag:s23] =	ssyncset.done $0x0  }
0x39: {  	s16 =	sadd.s32 s7, s16;
	[sflag:s23] =	ssyncadd.s32 $0xFFFFFF80  }
0x3a: {  	[tilespmem:s29], [sflag:$0x3] =	stream.linear.gather [hbm4b:s16+s17], $0x80, $0x38;
	[tilespmem:$0x1BA80] =	vst v63  }
0x3b: {  	_ =	swait.ge [sflag:s23], $0x80  }
0x3c: {  	[sflag:s23] =	ssyncset.done $0x0  }
0x3d: {  	[sflag:s23] =	ssyncadd.s32 $0xFFFFFF80  }
0x3e: {  	_ =	swait.ge [sflag:s30], $0x4000  }
0x3f: {  	v0 =	vmov s17;
	[sflag:s30] =	ssyncset.done $0x0  }
0x40: {  	s16 =	simm.s32 $0x240;
	[sflag:s30] =	ssyncadd.s32 $0xFFFFC000  }
0x41: {  	v4 =	vld [tilespmem:s16+$0x30]  }
0x42: {  	v7 =	vld [tilespmem:s16+$0x10]  }
0x43: {  	v5 =	vld [tilespmem:s16+$0xFFFFFFC0]  }
0x44: {  	v1 =	vld.idx.msk [tilespmem:v0+s29+$0x0], $0xffff  }
0x45: {  	v9 =	vld [tilespmem:s16+$0xFFFFFFE0]  }
0x46: {  	v0 =	vld [tilespmem:s16+$0xFFFFFFF0]  }
0x47: {  	v2 =	vld [tilespmem:s16+$0x20]  }
0x48: {  	v3 =	vld [tilespmem:s16+$0xFFFFFFD0]  }
0x49: {  	v8 =	vmul.f32 v4, v1;
	v4 =	vld [tilespmem:s16+$0x0]  }
0x4a: {  	v6 =	vmul.f32 v5, v1  }
0x4b: {  	s18 =	simm.s32 $0x240;
	s17 =	simm.s32 $0x1;
	v5 =	vmul.f32 v9, v1;
	v7 =	vmul.f32 v7, v1  }
.LBB2_3:
0x4c: {  	p1 =	sne.s32 s17, $0x7F  }
0x4d: {  	v3 =	vmul.f32 v3, v1;
	v2 =	vmul.f32 v2, v1;
	[tilespmem:s16+$0x30] =	vst v8;
	s18 =	sadd.s32 $0x80, s18;
	s19 =	smov.u32 s17;
	s17 =	sadd.s32 $0x1, s17  }
0x4e: {  	[tilespmem:s16+$0xFFFFFFC0] =	vst v6;
	v6 =	vmul.f32 v0, v1;
	v1 =	vmul.f32 v4, v1  }
0x4f: {  	[tilespmem:s16+$0x10] =	vst v7  }
0x50: {  	v4 =	vmov s19;
	[tilespmem:s16+$0xFFFFFFE0] =	vst v5  }
0x51: {  	v0 =	vld [tilespmem:s18+$0xFFFFFFF0];
	[tilespmem:s16+$0xFFFFFFF0] =	vst v6  }
0x52: {  	v5 =	vld [tilespmem:s18+$0x30];
	[tilespmem:s16+$0x0] =	vst v1  }
0x53: {  	v7 =	vld [tilespmem:s18+$0x10];
	[tilespmem:s16+$0x20] =	vst v2  }
0x54: {  	v6 =	vld [tilespmem:s18+$0xFFFFFFC0];
	[tilespmem:s16+$0xFFFFFFD0] =	vst v3;
	s16 =	smov.u32 s18  }
0x55: {  	v1 =	vld.idx.msk [tilespmem:v4+s29+$0x0], $0xffff  }
0x56: {  	v9 =	vld [tilespmem:s18+$0xFFFFFFE0]  }
0x57: {  	v2 =	vld [tilespmem:s18+$0x20]  }
.Ltmp0:
0x58: {  	v3 =	vld [tilespmem:s18+$0xFFFFFFD0];
	(pc) =	sbr.rel @p1 .LBB2_3-.Ltmp0, $3  }
0x59: {  	v4 =	vld [tilespmem:s18+$0x0];
	_ =	sdelay $0x1  }
0x5a: {  	v6 =	vmul.f32 v6, v1;
	v8 =	vmul.f32 v5, v1  }
0x5b: {  	v7 =	vmul.f32 v7, v1;
	v5 =	vmul.f32 v9, v1  }
0x5c: {  	[tilespmem:s16+$0x30] =	vst v8  }
0x5d: {  	[tilespmem:s16+$0xFFFFFFC0] =	vst v6  }
0x5e: {  	v0 =	vmul.f32 v0, v1;
	[tilespmem:s16+$0x10] =	vst v7  }
0x5f: {  	v2 =	vmul.f32 v2, v1;
	[tilespmem:s16+$0xFFFFFFE0] =	vst v5  }
0x60: {  	v4 =	vmul.f32 v4, v1;
	[tilespmem:s16+$0xFFFFFFF0] =	vst v0  }
0x61: {  	v0 =	vmul.f32 v3, v1;
	[tilespmem:s16+$0x20] =	vst v2  }
0x62: {  	[tilespmem:s16+$0x0] =	vst v4  }
0x63: {  	s15 =	sadd.s32 s14, s15;
	[tilespmem:s16+$0xFFFFFFD0] =	vst v0  }
0x64: {  	[spmem:s2] =	stream.indirect.scatter.add.f32 [tilespmem:s25], [sflag:$0x3], $0x80, s28, s24, $0xb8;
	[tilespmem:$0x1BA80] =	vst v63  }
0x65: {  	s15 =	sshll.u32 s15, $0x4;
	_ =	swait.ge [sflag:s23], $0x4000  }
0x66: {  	s15 =	sand.u32 $0x1FFFFFE0, s15;
	[sflag:s23] =	ssyncset.done $0x0  }
0x67: {  	s17 =	simm.s32 $0x0;
	s15 =	sadd.s32 s5, s15;
	[sflag:s23] =	ssyncadd.s32 $0xFFFFC000  }
0x68: {  	[tilespmem:s17], [sflag:$0x3] =	stream.linear.gather [hbm4b:s15+s17], $0x80, $0x38;
	[tilespmem:$0x1BA80] =	vst v63  }
0x69: {  	_ =	swait.ge [sflag:s23], $0x80  }
0x6a: {  	[sflag:s23] =	ssyncset.done $0x0  }
0x6b: {  	[sflag:s23] =	ssyncadd.s32 $0xFFFFFF80  }
0x6c: {  	[tilespmem:s25], [sflag:$0x1] =	stream.indirect.gather [hbm4b:s1+s24], $0x80, s17, s24, $0xb8;
	[tilespmem:$0x1BA80] =	vst v63  }
0x6d: {  	s18 =	sadd.s32 s6, s12  }
0x6e: {  	[tilespmem:s28], [sflag:$0x3] =	stream.linear.gather [hbm4b:s18+s17], $0x80, $0x38;
	[tilespmem:$0x1BA80] =	vst v63  }
0x6f: {  	_ =	swait.ge [sflag:s23], $0x80  }
0x70: {  	[sflag:s23] =	ssyncset.done $0x0  }
0x71: {  	s19 =	sadd.s32 s7, s12;
	[sflag:s23] =	ssyncadd.s32 $0xFFFFFF80  }
0x72: {  	[tilespmem:s29], [sflag:$0x3] =	stream.linear.gather [hbm4b:s19+s17], $0x80, $0x38;
	[tilespmem:$0x1BA80] =	vst v63  }
0x73: {  	_ =	swait.ge [sflag:s23], $0x80  }
0x74: {  	[sflag:s23] =	ssyncset.done $0x0  }
0x75: {  	[sflag:s23] =	ssyncadd.s32 $0xFFFFFF80  }
0x76: {  	_ =	swait.ge [sflag:s31], $0x4000  }
0x77: {  	v0 =	vmov s17;
	[sflag:s31] =	ssyncset.done $0x0  }
0x78: {  	s12 =	simm.s32 $0x4240;
	[sflag:s31] =	ssyncadd.s32 $0xFFFFC000  }
0x79: {  	v4 =	vld [tilespmem:s12+$0x30]  }
0x7a: {  	v7 =	vld [tilespmem:s12+$0x10]  }
0x7b: {  	v5 =	vld [tilespmem:s12+$0xFFFFFFC0]  }
0x7c: {  	v1 =	vld.idx.msk [tilespmem:v0+s29+$0x0], $0xffff  }
0x7d: {  	v9 =	vld [tilespmem:s12+$0xFFFFFFE0]  }
0x7e: {  	v0 =	vld [tilespmem:s12+$0xFFFFFFF0]  }
0x7f: {  	v2 =	vld [tilespmem:s12+$0x20]  }
0x80: {  	v3 =	vld [tilespmem:s12+$0xFFFFFFD0]  }
0x81: {  	v8 =	vmul.f32 v4, v1;
	v4 =	vld [tilespmem:s12+$0x0]  }
0x82: {  	v6 =	vmul.f32 v5, v1  }
0x83: {  	s16 =	simm.s32 $0x4240;
	s15 =	simm.s32 $0x1;
	v5 =	vmul.f32 v9, v1;
	v7 =	vmul.f32 v7, v1  }
.LBB2_5:
0x84: {  	p1 =	sne.s32 s15, $0x7F  }
0x85: {  	v3 =	vmul.f32 v3, v1;
	v2 =	vmul.f32 v2, v1;
	[tilespmem:s12+$0x30] =	vst v8;
	s16 =	sadd.s32 $0x80, s16;
	s17 =	smov.u32 s15;
	s15 =	sadd.s32 $0x1, s15  }
0x86: {  	[tilespmem:s12+$0xFFFFFFC0] =	vst v6;
	v6 =	vmul.f32 v0, v1;
	v1 =	vmul.f32 v4, v1  }
0x87: {  	[tilespmem:s12+$0x10] =	vst v7  }
0x88: {  	v4 =	vmov s17;
	[tilespmem:s12+$0xFFFFFFE0] =	vst v5  }
0x89: {  	v0 =	vld [tilespmem:s16+$0xFFFFFFF0];
	[tilespmem:s12+$0xFFFFFFF0] =	vst v6  }
0x8a: {  	v5 =	vld [tilespmem:s16+$0x30];
	[tilespmem:s12+$0x0] =	vst v1  }
0x8b: {  	v7 =	vld [tilespmem:s16+$0x10];
	[tilespmem:s12+$0x20] =	vst v2  }
0x8c: {  	v6 =	vld [tilespmem:s16+$0xFFFFFFC0];
	[tilespmem:s12+$0xFFFFFFD0] =	vst v3;
	s12 =	smov.u32 s16  }
0x8d: {  	v1 =	vld.idx.msk [tilespmem:v4+s29+$0x0], $0xffff  }
0x8e: {  	v9 =	vld [tilespmem:s16+$0xFFFFFFE0]  }
0x8f: {  	v2 =	vld [tilespmem:s16+$0x20]  }
.Ltmp1:
0x90: {  	v3 =	vld [tilespmem:s16+$0xFFFFFFD0];
	(pc) =	sbr.rel @p1 .LBB2_5-.Ltmp1, $3  }
0x91: {  	v4 =	vld [tilespmem:s16+$0x0];
	_ =	sdelay $0x1  }
0x92: {  	v6 =	vmul.f32 v6, v1;
	v8 =	vmul.f32 v5, v1  }
0x93: {  	v7 =	vmul.f32 v7, v1;
	v5 =	vmul.f32 v9, v1  }
0x94: {  	[tilespmem:s12+$0x30] =	vst v8  }
0x95: {  	[tilespmem:s12+$0xFFFFFFC0] =	vst v6  }
0x96: {  	v0 =	vmul.f32 v0, v1;
	[tilespmem:s12+$0x10] =	vst v7  }
0x97: {  	v2 =	vmul.f32 v2, v1;
	[tilespmem:s12+$0xFFFFFFE0] =	vst v5  }
0x98: {  	v63 =	vmul.f32 v3, v1;
	[tilespmem:s12+$0xFFFFFFF0] =	vst v0  }
0x99: {  	s10 =	sadd.s32 $0x1, s10;
	v4 =	vmul.f32 v4, v1;
	[tilespmem:s12+$0x20] =	vst v2  }
0x9a: {  	p1 =	sne.s32 s10, $0x27;
	[tilespmem:s12+$0xFFFFFFD0] =	vst v63  }
.Ltmp2:
0x9b: {  	[tilespmem:s12+$0x0] =	vst v4;
	(pc) =	sbr.rel @p1 .LBB2_2-.Ltmp2, $4  }
0x9c: {  	[spmem:s2] =	stream.indirect.scatter.add.f32 [tilespmem:s26], [sflag:$0x3], $0x80, s28, s24, $0xb8;
	[tilespmem:$0x1BA80] =	vst v63  }
0x9d: {  	_ =	swait.ge [sflag:s23], $0x4000  }
0x9e: {  	[sflag:s23] =	ssyncset.done $0x0  }
0x9f: {  	[sflag:s23] =	ssyncadd.s32 $0xFFFFC000  }
0xa0: {  	s10 =	simm.s32 $0x0;
	s12 =	rddreg [dreg:$0x7]  }
0xa1: {  	[tilespmem:s24], [sflag:$0x3] =	stream.linear.gather [hbm4b:s12+s10], $0x80, $0x38;
	[tilespmem:$0x1BA80] =	vst v63  }
0xa2: {  	_ =	swait.ge [sflag:s23], $0x80  }
0xa3: {  	[sflag:s23] =	ssyncset.done $0x0  }
0xa4: {  	[sflag:s23] =	ssyncadd.s32 $0xFFFFFF80  }
0xa5: {  	[tilespmem:s26], [sflag:$0x2] =	stream.indirect.gather [hbm4b:s1+s24], $0x80, s24, s24, $0xb8;
	[tilespmem:$0x1BA80] =	vst v63  }
0xa6: {  	s18 =	rddreg [dreg:$0x8]  }
0xa7: {  	[tilespmem:s28], [sflag:$0x3] =	stream.linear.gather [hbm4b:s18+s10], $0x80, $0x38;
	[tilespmem:$0x1BA80] =	vst v63  }
0xa8: {  	_ =	swait.ge [sflag:s23], $0x80  }
0xa9: {  	[sflag:s23] =	ssyncset.done $0x0  }
0xaa: {  	s19 =	rddreg [dreg:$0x9];
	[sflag:s23] =	ssyncadd.s32 $0xFFFFFF80  }
0xab: {  	[tilespmem:s29], [sflag:$0x3] =	stream.linear.gather [hbm4b:s19+s10], $0x80, $0x38;
	[tilespmem:$0x1BA80] =	vst v63  }
0xac: {  	_ =	swait.ge [sflag:s23], $0x80  }
0xad: {  	[sflag:s23] =	ssyncset.done $0x0  }
0xae: {  	[sflag:s23] =	ssyncadd.s32 $0xFFFFFF80  }
0xaf: {  	_ =	swait.ge [sflag:s30], $0x4000  }
0xb0: {  	v0 =	vmov s10;
	[sflag:s30] =	ssyncset.done $0x0  }
0xb1: {  	s10 =	simm.s32 $0x240;
	[sflag:s30] =	ssyncadd.s32 $0xFFFFC000  }
0xb2: {  	v4 =	vld [tilespmem:s10+$0x30]  }
0xb3: {  	v7 =	vld [tilespmem:s10+$0x10]  }
0xb4: {  	v5 =	vld [tilespmem:s10+$0xFFFFFFC0]  }
0xb5: {  	v1 =	vld.idx.msk [tilespmem:v0+s29+$0x0], $0xffff  }
0xb6: {  	v9 =	vld [tilespmem:s10+$0xFFFFFFE0]  }
0xb7: {  	v0 =	vld [tilespmem:s10+$0xFFFFFFF0]  }
0xb8: {  	v2 =	vld [tilespmem:s10+$0x20]  }
0xb9: {  	v3 =	vld [tilespmem:s10+$0xFFFFFFD0]  }
0xba: {  	v8 =	vmul.f32 v4, v1;
	v4 =	vld [tilespmem:s10+$0x0]  }
0xbb: {  	v6 =	vmul.f32 v5, v1  }
0xbc: {  	s15 =	simm.s32 $0x240;
	s12 =	simm.s32 $0x1;
	v5 =	vmul.f32 v9, v1;
	v7 =	vmul.f32 v7, v1  }
.LBB2_8:
0xbd: {  	p1 =	sne.s32 s12, $0x7F  }
0xbe: {  	v3 =	vmul.f32 v3, v1;
	v2 =	vmul.f32 v2, v1;
	[tilespmem:s10+$0x30] =	vst v8;
	s15 =	sadd.s32 $0x80, s15;
	s16 =	smov.u32 s12;
	s12 =	sadd.s32 $0x1, s12  }
0xbf: {  	[tilespmem:s10+$0xFFFFFFC0] =	vst v6;
	v6 =	vmul.f32 v0, v1;
	v1 =	vmul.f32 v4, v1  }
0xc0: {  	[tilespmem:s10+$0x10] =	vst v7  }
0xc1: {  	v4 =	vmov s16;
	[tilespmem:s10+$0xFFFFFFE0] =	vst v5  }
0xc2: {  	v0 =	vld [tilespmem:s15+$0xFFFFFFF0];
	[tilespmem:s10+$0xFFFFFFF0] =	vst v6  }
0xc3: {  	v5 =	vld [tilespmem:s15+$0x30];
	[tilespmem:s10+$0x0] =	vst v1  }
0xc4: {  	v7 =	vld [tilespmem:s15+$0x10];
	[tilespmem:s10+$0x20] =	vst v2  }
0xc5: {  	v6 =	vld [tilespmem:s15+$0xFFFFFFC0];
	[tilespmem:s10+$0xFFFFFFD0] =	vst v3;
	s10 =	smov.u32 s15  }
0xc6: {  	v1 =	vld.idx.msk [tilespmem:v4+s29+$0x0], $0xffff  }
0xc7: {  	v9 =	vld [tilespmem:s15+$0xFFFFFFE0]  }
0xc8: {  	v2 =	vld [tilespmem:s15+$0x20]  }
.Ltmp3:
0xc9: {  	v3 =	vld [tilespmem:s15+$0xFFFFFFD0];
	(pc) =	sbr.rel @p1 .LBB2_8-.Ltmp3, $3  }
0xca: {  	v4 =	vld [tilespmem:s15+$0x0];
	_ =	sdelay $0x1  }
0xcb: {  	v6 =	vmul.f32 v6, v1;
	v8 =	vmul.f32 v5, v1  }
0xcc: {  	v7 =	vmul.f32 v7, v1;
	v5 =	vmul.f32 v9, v1  }
0xcd: {  	[tilespmem:s10+$0x30] =	vst v8  }
0xce: {  	[tilespmem:s10+$0xFFFFFFC0] =	vst v6  }
0xcf: {  	v0 =	vmul.f32 v0, v1;
	[tilespmem:s10+$0x10] =	vst v7  }
0xd0: {  	v2 =	vmul.f32 v2, v1;
	[tilespmem:s10+$0xFFFFFFE0] =	vst v5  }
0xd1: {  	v4 =	vmul.f32 v4, v1;
	[tilespmem:s10+$0xFFFFFFF0] =	vst v0  }
0xd2: {  	v0 =	vmul.f32 v3, v1;
	[tilespmem:s10+$0x20] =	vst v2  }
0xd3: {  	[tilespmem:s10+$0x0] =	vst v4  }
0xd4: {  	[tilespmem:s10+$0xFFFFFFD0] =	vst v0  }
0xd5: {  	[spmem:s2] =	stream.indirect.scatter.add.f32 [tilespmem:s25], [sflag:$0x3], $0x80, s28, s24, $0xb8;
	[tilespmem:$0x1BA80] =	vst v63  }
0xd6: {  	_ =	swait.ge [sflag:s23], $0x4000  }
0xd7: {  	[sflag:s23] =	ssyncset.done $0x0  }
0xd8: {  	s18 =	simm.s32 $0x0;
	s12 =	rddreg [dreg:$0xa];
	[sflag:s23] =	ssyncadd.s32 $0xFFFFC000  }
0xd9: {  	[tilespmem:s28], [sflag:$0x3] =	stream.linear.gather [hbm4b:s12+s18], $0x80, $0x38;
	[tilespmem:$0x1BA80] =	vst v63  }
0xda: {  	_ =	swait.ge [sflag:s23], $0x80  }
0xdb: {  	[sflag:s23] =	ssyncset.done $0x0  }
0xdc: {  	s19 =	rddreg [dreg:$0xb];
	[sflag:s23] =	ssyncadd.s32 $0xFFFFFF80  }
0xdd: {  	[tilespmem:s29], [sflag:$0x3] =	stream.linear.gather [hbm4b:s19+s18], $0x80, $0x38;
	[tilespmem:$0x1BA80] =	vst v63  }
0xde: {  	_ =	swait.ge [sflag:s23], $0x80  }
0xdf: {  	[sflag:s23] =	ssyncset.done $0x0  }
0xe0: {  	[sflag:s23] =	ssyncadd.s32 $0xFFFFFF80  }
0xe1: {  	_ =	swait.ge [sflag:s31], $0x4000  }
0xe2: {  	v0 =	vmov s18;
	[sflag:s31] =	ssyncset.done $0x0  }
0xe3: {  	s10 =	simm.s32 $0x4240;
	[sflag:s31] =	ssyncadd.s32 $0xFFFFC000  }
0xe4: {  	v4 =	vld [tilespmem:s10+$0x30]  }
0xe5: {  	v7 =	vld [tilespmem:s10+$0x10]  }
0xe6: {  	v5 =	vld [tilespmem:s10+$0xFFFFFFC0]  }
0xe7: {  	v1 =	vld.idx.msk [tilespmem:v0+s29+$0x0], $0xffff  }
0xe8: {  	v9 =	vld [tilespmem:s10+$0xFFFFFFE0]  }
0xe9: {  	v0 =	vld [tilespmem:s10+$0xFFFFFFF0]  }
0xea: {  	v2 =	vld [tilespmem:s10+$0x20]  }
0xeb: {  	v3 =	vld [tilespmem:s10+$0xFFFFFFD0]  }
0xec: {  	v8 =	vmul.f32 v4, v1;
	v4 =	vld [tilespmem:s10+$0x0]  }
0xed: {  	v6 =	vmul.f32 v5, v1  }
0xee: {  	s15 =	simm.s32 $0x4240;
	s12 =	simm.s32 $0x1;
	v5 =	vmul.f32 v9, v1;
	v7 =	vmul.f32 v7, v1  }
.LBB2_10:
0xef: {  	p1 =	sne.s32 s12, $0x7F  }
0xf0: {  	v3 =	vmul.f32 v3, v1;
	v2 =	vmul.f32 v2, v1;
	[tilespmem:s10+$0x30] =	vst v8;
	s15 =	sadd.s32 $0x80, s15;
	s16 =	smov.u32 s12;
	s12 =	sadd.s32 $0x1, s12  }
0xf1: {  	[tilespmem:s10+$0xFFFFFFC0] =	vst v6;
	v6 =	vmul.f32 v0, v1;
	v1 =	vmul.f32 v4, v1  }
0xf2: {  	[tilespmem:s10+$0x10] =	vst v7  }
0xf3: {  	v4 =	vmov s16;
	[tilespmem:s10+$0xFFFFFFE0] =	vst v5  }
0xf4: {  	v0 =	vld [tilespmem:s15+$0xFFFFFFF0];
	[tilespmem:s10+$0xFFFFFFF0] =	vst v6  }
0xf5: {  	v5 =	vld [tilespmem:s15+$0x30];
	[tilespmem:s10+$0x0] =	vst v1  }
0xf6: {  	v7 =	vld [tilespmem:s15+$0x10];
	[tilespmem:s10+$0x20] =	vst v2  }
0xf7: {  	v6 =	vld [tilespmem:s15+$0xFFFFFFC0];
	[tilespmem:s10+$0xFFFFFFD0] =	vst v3;
	s10 =	smov.u32 s15  }
0xf8: {  	v1 =	vld.idx.msk [tilespmem:v4+s29+$0x0], $0xffff  }
0xf9: {  	v9 =	vld [tilespmem:s15+$0xFFFFFFE0]  }
0xfa: {  	v2 =	vld [tilespmem:s15+$0x20]  }
.Ltmp4:
0xfb: {  	v3 =	vld [tilespmem:s15+$0xFFFFFFD0];
	(pc) =	sbr.rel @p1 .LBB2_10-.Ltmp4, $3  }
0xfc: {  	v4 =	vld [tilespmem:s15+$0x0];
	_ =	sdelay $0x1  }
0xfd: {  	v6 =	vmul.f32 v6, v1;
	v8 =	vmul.f32 v5, v1  }
0xfe: {  	v7 =	vmul.f32 v7, v1;
	v5 =	vmul.f32 v9, v1  }
0xff: {  	[tilespmem:s10+$0x30] =	vst v8  }
0x100: {  	[tilespmem:s10+$0xFFFFFFC0] =	vst v6  }
0x101: {  	v0 =	vmul.f32 v0, v1;
	[tilespmem:s10+$0x10] =	vst v7  }
0x102: {  	v2 =	vmul.f32 v2, v1;
	[tilespmem:s10+$0xFFFFFFE0] =	vst v5  }
0x103: {  	v63 =	vmul.f32 v3, v1;
	[tilespmem:s10+$0xFFFFFFF0] =	vst v0  }
0x104: {  	v4 =	vmul.f32 v4, v1;
	[tilespmem:s10+$0x20] =	vst v2  }
0x105: {  	[tilespmem:s10+$0xFFFFFFD0] =	vst v63  }
0x106: {  	[tilespmem:s10+$0x0] =	vst v4  }
0x107: {  	[spmem:s2] =	stream.indirect.scatter.add.f32 [tilespmem:s26], [sflag:$0x3], $0x80, s28, s24, $0xb8;
	[tilespmem:$0x1BA80] =	vst v63  }
0x108: {  	_ =	swait.ge [sflag:s23], $0x4000  }
0x109: {  	[sflag:s23] =	ssyncset.done $0x0  }
0x10a: {  	[sflag:s23] =	ssyncadd.s32 $0xFFFFC000  }
0x10b: {  	s10 =	simm.s32 @p0 $0x1FC3;
	[bflag:$0x0] =	sbarrier.arrive $0xFFFF  }
0x10c: {  	[hbm:s21], [sflag:s10] =	dma.local @p0 [spmem:s4], $0x1900  }
0x10d: {  	s4 =	simm.s32 @p0 $0x3  }
0x10e: {  	_ =	swait.ge @p0 [sflag:s4], $0x1900  }
0x10f: {  	s0 =	sadd.s32 $0x1, s0;
	[sflag:s4] =	ssyncset.done @p0 $0x0  }
0x110: {  	p1 =	sne.s32 s0, s22;
	[sflag:s4] =	ssyncadd.s32 @p0 $0xFFFFE700  }
0x111: {  	[hbm:s20], [sflag:s3] =	dma.local @!p0 [spmem:s9], $0x2800  }
.Ltmp5:
0x112: {  	_ = 	snop;
	(pc) =	sbr.rel @p1 .LBB2_1-.Ltmp5, $4  }
0x113: {  	s3 =	simm.s32 @!p0 $0x3  }
0x114: {  	_ =	swait.ge @!p0 [sflag:s3], $0x2800  }
0x115: {  	[sflag:s3] =	ssyncset.done @!p0 $0x0  }
0x116: {  	[sflag:s3] =	ssyncadd.s32 @!p0 $0xFFFFD800  }
0x117: {  	_ =	sfence.sel $0x180000  }
0x118: {  	[bflag:$0x0] =	sbarrier.arrive $0xFFFF  }
0x119: {  	_ =	strace $0x90000047  }
0x11a: {  	s0 =	stileid.u32;
	[bflag:$0x2] =	sbarrier.arrive $0xFFFF  }
0x11b: {  	p0 =	sne.s32 s0, $0x0;
	s0 =	rddreg [dreg:$0x3]  }
0x11c: {  	s0 =	sadd.s32 @!p0 $0x100000, s0  }
0x11d: {  	[sflag:s0] =	ssyncadd.tile.s32 @!p0 $0x1;
	_ =	shalt  }
.Lfunc_end2:
_tile_overlayer_lowered:
.L_overlay_start_2:
0x11e: {  	(tag) =	ssettag $0x2  }
0x11f: {  	s0 =	rddreg [dreg:$0x0];
	s2 =	stileid.u32  }
0x120: {  	s1 =	rddreg [dreg:$0x1];
	p0 =	sne.s32 s2, $0x0  }
0x121: {  	s3 =	rddreg [dreg:$0x2];
	[bflag:$0x3] =	sbarrier.arrive $0xFFFF;
	s2 =	simm.s32 @!p0 $0x1C03  }
0x122: {  	[timem:s3], [sflag:s2] =	dma.local @!p0 [hbm:s0], s1  }
0x123: {  	s0 =	simm.s32 @!p0 $0x3  }
0x124: {  	_ =	swait.ge @!p0 [sflag:s0], s1  }
0x125: {  	s1 =	ssub.s32 @!p0 $0x0, s1;
	[sflag:s0] =	ssyncset.done @!p0 $0x0  }
0x126: {  	[sflag:s0] =	ssyncadd.s32 @!p0 s1  }
0x127: {  	[bflag:$0x3] =	sbarrier.arrive $0xFFFF  }
0x128: {  	_ =	shalt  }

</sc_bundles>
